<compile_context>
chip_gen: v7x
topology: tpu7x:2x2x1
jax: 0.10.2.dev20260603
libtpu: 0.0.44.dev20260713+nightly
codegen_flags: <defaults>
</compile_context>

<pallas_src>
import functools

import jax
import jax.numpy as jnp
from jax import lax
from jax.experimental import pallas as pl
from jax.experimental.pallas import tpu as pltpu
from jax.experimental.pallas import tpu_sc as plsc

_F32 = jnp.float32
_N_L, _N_M, _N = 4000, 6000, 10000
_E, _B, _D = 320000, 16384, 128
_FT = ["ctd", "kmer", "doc2vec", "role2vec"]
_FD = {"ctd": 30, "kmer": 256, "doc2vec": 128, "role2vec": 128}
_KP = 640
_HP = 160
_LB = 32
_NC, _NS, _L = 2, 16, 16
_NW = _NC * _NS
_EPW = _E // _NW
_CQ = 80
_CR = 80
_NQ = _EPW // _CR
_RPT = _N // _NS
_PPW = 2 * _B // _NW
_PQ = _PPW // 128

_sc_mesh = plsc.VectorSubcoreMesh(
    core_axis_name="c", subcore_axis_name="s", num_cores=_NC, num_subcores=_NS
)



def _pre_body(x_ref, w_ref, b_ref, aw_ref, ab_ref, o_ref):
    h = jnp.dot(x_ref[...], w_ref[...], preferred_element_type=_F32) + b_ref[...]
    s = jnp.dot(h, aw_ref[...], preferred_element_type=_F32) + ab_ref[...]
    w = jax.nn.sigmoid(s)
    o = w[:, 0:1] * h[:, 0:_D]
    for f in range(1, 4):
        o = o + w[:, f : f + 1] * h[:, f * _D : (f + 1) * _D]
    o_ref[...] = o


def _pre_call(x, w, b, aw, ab, rows):
    return pl.pallas_call(
        _pre_body,
        out_shape=jax.ShapeDtypeStruct((rows, _D), _F32),
    )(x, w, b, aw, ab)


def _headify(h):
    ones = jnp.ones((h.shape[0], 1), _F32)
    zer = jnp.zeros((h.shape[0], _HP - _D - 1), _F32)
    return jnp.concatenate([h, ones, zer], axis=1).astype(jnp.bfloat16)


def _head_body(x_ref, w_ref, asrc_ref, adst_ref, hp_ref, ss_ref, sd_ref):
    h = jnp.dot(x_ref[...], w_ref[...], preferred_element_type=_F32)
    hp_ref[...] = _headify(h)
    ss_ref[...] = jnp.dot(h, asrc_ref[...], preferred_element_type=_F32)
    sd_ref[...] = jnp.dot(h, adst_ref[...], preferred_element_type=_F32)


def _head_call(x, w, asrc, adst):
    return pl.pallas_call(
        _head_body,
        out_shape=[
            jax.ShapeDtypeStruct((_N, _HP), jnp.bfloat16),
            jax.ShapeDtypeStruct((_N, 1), _F32),
            jax.ShapeDtypeStruct((_N, 1), _F32),
        ],
    )(x, w, asrc, adst)


def _bn_relu(x, g, b):
    mu = jnp.mean(x, axis=0, keepdims=True)
    var = jnp.mean((x - mu) ** 2, axis=0, keepdims=True)
    t = (x - mu) / jnp.sqrt(var + 1e-5) * g + b
    return jnp.maximum(t, 0.0)


def _comb_body(acc_ref, bias_ref, g_ref, b_ref, w_ref, asrc_ref, adst_ref,
               x_ref, hp_ref, ss_ref, sd_ref):
    s = acc_ref[0].astype(_F32) + acc_ref[1].astype(_F32)
    x = s[:, 0:_D] / (s[:, _D : _D + 1] + 1e-16) + bias_ref[...]
    x_ref[...] = x
    t = _bn_relu(x, g_ref[...], b_ref[...])
    h = jnp.dot(t, w_ref[...], preferred_element_type=_F32)
    hp_ref[...] = _headify(h)
    ss_ref[...] = jnp.dot(h, asrc_ref[...], preferred_element_type=_F32)
    sd_ref[...] = jnp.dot(h, adst_ref[...], preferred_element_type=_F32)


def _comb_call(acc, bias, g, b, w, asrc, adst):
    return pl.pallas_call(
        _comb_body,
        out_shape=[
            jax.ShapeDtypeStruct((_N, _D), _F32),
            jax.ShapeDtypeStruct((_N, _HP), jnp.bfloat16),
            jax.ShapeDtypeStruct((_N, 1), _F32),
            jax.ShapeDtypeStruct((_N, 1), _F32),
        ],
    )(acc, bias, g, b, w, asrc, adst)


def _comb_last_body(acc_ref, bias_ref, x_ref):
    s = acc_ref[0].astype(_F32) + acc_ref[1].astype(_F32)
    x_ref[...] = s[:, 0:_D] / (s[:, _D : _D + 1] + 1e-16) + bias_ref[...]


def _comb_last_call(acc, bias):
    return pl.pallas_call(
        _comb_last_body,
        out_shape=jax.ShapeDtypeStruct((_N, _D), _F32),
    )(acc, bias)


def _final_body(x0_ref, x1_ref, x2_ref, x3_ref, law_ref, lab_ref, z_ref):
    z = jnp.zeros((_N, _D), _F32)
    for xr in (x0_ref, x1_ref, x2_ref, x3_ref):
        xf = xr[...]
        s = jnp.dot(xf, law_ref[...], preferred_element_type=_F32) + lab_ref[...]
        z = z + jax.nn.sigmoid(s) * xf
    z_ref[...] = z


def _final_call(x0, x1, x2, x3, law, lab):
    return pl.pallas_call(
        _final_body,
        out_shape=jax.ShapeDtypeStruct((_N, _D), _F32),
    )(x0, x1, x2, x3, law, lab)


def _mlp_body(u_ref, v_ref, g0_ref, b0_ref, w1_ref, b1_ref, g1_ref, bn1_ref,
              w2_ref, b2_ref, o_ref):
    uv = jnp.concatenate([u_ref[...], v_ref[...]], axis=1)
    mu = jnp.mean(uv, axis=0, keepdims=True)
    var = jnp.mean((uv - mu) ** 2, axis=0, keepdims=True)
    h = (uv - mu) / jnp.sqrt(var + 1e-5) * g0_ref[...] + b0_ref[...]
    h = jnp.dot(h, w1_ref[...], preferred_element_type=_F32) + b1_ref[...]
    h = jnp.where(h >= 0.0, h, 0.01 * h)
    mu = jnp.mean(h, axis=0, keepdims=True)
    var = jnp.mean((h - mu) ** 2, axis=0, keepdims=True)
    h = (h - mu) / jnp.sqrt(var + 1e-5) * g1_ref[...] + bn1_ref[...]
    h = jnp.dot(h, w2_ref[...], preferred_element_type=_F32) + b2_ref[...]
    o_ref[...] = jax.nn.sigmoid(h)


def _mlp_call(u, v, g0, b0, w1, b1, g1, bn1, w2, b2):
    return pl.pallas_call(
        _mlp_body,
        out_shape=jax.ShapeDtypeStruct((_B, 1), _F32),
    )(u, v, g0, b0, w1, b1, g1, bn1, w2, b2)



@functools.partial(
    pl.kernel,
    out_type=jax.ShapeDtypeStruct((_NC, _N, _HP), jnp.bfloat16),
    mesh=_sc_mesh,
    compiler_params=pltpu.CompilerParams(use_tc_tiling_on_sc=False, needs_layout_passes=False),
    scratch_types=[
        pltpu.VMEM((_NQ, _CQ), jnp.int32),
        pltpu.VMEM((_NQ, _CQ), jnp.int32),
        pltpu.VMEM((_N,), _F32),
        pltpu.VMEM((_N,), _F32),
        pltpu.VMEM((_CQ,), _F32),
        pltpu.VMEM((3, _CQ, _HP), jnp.bfloat16),
        pltpu.VMEM_SHARED((_N, _HP), jnp.bfloat16),
        pltpu.SemaphoreType.DMA,
        pltpu.SemaphoreType.DMA,
    ],
)
def _gat_agg(hp, ssrc, sdst, srcg, dstg, zer, out,
             srcc, dstc, ssrc_v, sdst_v, w_c, rows, acc_s, sem_g, sem_s):
    cid = lax.axis_index("c")
    sid = lax.axis_index("s")
    wid = sid * _NC + cid
    pltpu.sync_copy(zer.at[pl.ds(sid * _RPT, _RPT)],
                    acc_s.at[pl.ds(sid * _RPT, _RPT)])
    pltpu.sync_copy(srcg.at[wid], srcc)
    pltpu.sync_copy(dstg.at[wid], dstc)
    pltpu.sync_copy(ssrc, ssrc_v)
    pltpu.sync_copy(sdst, sdst_v)

    _GS = 1

    def issue_gather(q):
        s = lax.rem(q, 3)
        for i in range(_GS):
            d = pl.ds(i * (_CQ // _GS), _CQ // _GS)
            pltpu.async_copy(hp.at[srcc.at[q, d]], rows.at[s, d], sem_g)

    def wait_gather(q):
        s = lax.rem(q, 3)
        for i in range(_GS):
            d = pl.ds(i * (_CQ // _GS), _CQ // _GS)
            pltpu.make_async_copy(hp.at[srcc.at[q, d]], rows.at[s, d],
                                  sem_g).wait()

    def issue_scatter(q):
        s = lax.rem(q, 3)
        pltpu.async_copy(rows.at[s], acc_s.at[dstc.at[q]], sem_s, add=True)

    def wait_scatter(q):
        s = lax.rem(q, 3)
        pltpu.make_async_copy(rows.at[s], acc_s.at[dstc.at[q]], sem_s).wait()

    issue_gather(jnp.int32(0))
    plsc.subcore_barrier()

    def chunk(q, carry):
        s = lax.rem(q, 3)

        @pl.when(q >= 2)
        def _():
            wait_scatter(q - 2)

        @pl.when(q + 1 < _NQ)
        def _():
            issue_gather(q + 1)

        wait_gather(q)

        for g in range(_CQ // _L):
            sv = srcc[q, pl.ds(g * _L, _L)]
            dv = dstc[q, pl.ds(g * _L, _L)]
            e = plsc.load_gather(ssrc_v, [sv]) + plsc.load_gather(sdst_v, [dv])
            e = jnp.where(e >= 0.0, e, 0.2 * e)
            w_c[pl.ds(g * _L, _L)] = jnp.exp(e)

        _U = 4

        def edge(j4, c2):
            jb = j4 * _U
            for l in range(_U):
                wl = plsc.load_gather(
                    w_c, [jnp.full((_L,), jb + l, jnp.int32)])
                wlb = plsc.pack(wl, wl, format=plsc.PackFormat.INTERLEAVED)
                for k in range(_HP // _LB):
                    rows[s, jb + l, pl.ds(k * _LB, _LB)] = (
                        rows[s, jb + l, pl.ds(k * _LB, _LB)] * wlb)
            return c2

        lax.fori_loop(0, _CQ // _U, edge, 0)
        issue_scatter(q)
        return carry

    lax.fori_loop(0, _NQ, chunk, 0)
    wait_scatter(jnp.int32(_NQ - 2))
    wait_scatter(jnp.int32(_NQ - 1))
    plsc.subcore_barrier()
    pltpu.sync_copy(acc_s.at[pl.ds(sid * _RPT, _RPT)],
                    out.at[cid, pl.ds(sid * _RPT, _RPT)])


@functools.partial(
    pl.kernel,
    out_type=jax.ShapeDtypeStruct((2 * _B, _D), _F32),
    mesh=_sc_mesh,
    compiler_params=pltpu.CompilerParams(use_tc_tiling_on_sc=False, needs_layout_passes=False),
    scratch_types=[
        pltpu.VMEM((_PQ, 128), jnp.int32),
        pltpu.VMEM((128, _D), _F32),
    ],
)
def _pair_gather(z, idxg, out, idxv, rows):
    cid = lax.axis_index("c")
    sid = lax.axis_index("s")
    wid = sid * _NC + cid
    pltpu.sync_copy(idxg.at[wid], idxv)

    def qloop(q, carry):
        pltpu.sync_copy(z.at[idxv.at[q]], rows)
        pltpu.sync_copy(rows, out.at[pl.ds(wid * _PPW + q * 128, 128)])
        return carry

    lax.fori_loop(0, _PQ, qloop, 0)



def _build_side(raw_side, p, prefix):
    X = jnp.concatenate([raw_side[f] for f in _FT], axis=1)
    X = jnp.pad(X, ((0, 0), (0, _KP - X.shape[1])))
    W = jnp.zeros((_KP, 4 * _D), _F32)
    off = 0
    for i, f in enumerate(_FT):
        W = W.at[off : off + _FD[f], i * _D : (i + 1) * _D].set(
            p[prefix + "_proj_W_" + f])
        off += _FD[f]
    b = jnp.concatenate([p[prefix + "_proj_b_" + f] for f in _FT])[None]
    AW = jnp.zeros((4 * _D, 4), _F32)
    for i in range(4):
        AW = AW.at[i * _D : (i + 1) * _D, i].set(p[prefix + "_att_W"][:, 0])
    ab = p[prefix + "_att_b"][None]
    return X, W, b, AW, ab


def kernel(params, raw, edge_index, idx):
    p = params
    Xl, Wl, bl, AWl, abl = _build_side(raw["lncRNA"], p, "lnc")
    Xm, Wm, bm, AWm, abm = _build_side(raw["miRNA"], p, "mi")
    lfeat = _pre_call(Xl, Wl, bl, AWl, abl, _N_L)
    mfeat = _pre_call(Xm, Wm, bm, AWm, abm, _N_M)
    x0 = jnp.concatenate([lfeat, mfeat], axis=0)

    srcg = edge_index[0].reshape(_NW, _NQ, _CQ)
    dstg = edge_index[1].reshape(_NW, _NQ, _CQ)
    zer = jnp.zeros((_N, _HP), jnp.bfloat16)

    def r2(a):
        return a[:, None]

    hp, ss, sd = _head_call(x0, p["conv1_W"], r2(p["conv1_asrc"]), r2(p["conv1_adst"]))
    acc = _gat_agg(hp, ss.reshape(_N), sd.reshape(_N), srcg, dstg, zer)
    x1, hp, ss, sd = _comb_call(acc, p["conv1_b"][None], p["norm1_g"][None],
                                p["norm1_b"][None], p["conv2_W"],
                                r2(p["conv2_asrc"]), r2(p["conv2_adst"]))
    acc = _gat_agg(hp, ss.reshape(_N), sd.reshape(_N), srcg, dstg, zer)
    x2, hp, ss, sd = _comb_call(acc, p["conv2_b"][None], p["norm2_g"][None],
                                p["norm2_b"][None], p["conv3_W"],
                                r2(p["conv3_asrc"]), r2(p["conv3_adst"]))
    acc = _gat_agg(hp, ss.reshape(_N), sd.reshape(_N), srcg, dstg, zer)
    x3 = _comb_last_call(acc, p["conv3_b"][None])

    z = _final_call(x0, x1, x2, x3, p["layer_att_W"], p["layer_att_b"][None])

    idxg = idx.reshape(_NW, _PQ, 128)
    uv = _pair_gather(z, idxg)

    out = _mlp_call(uv[:_B], uv[_B:],
                    p["mlp_bn0_g"][None], p["mlp_bn0_b"][None],
                    p["mlp_lin1_W"], p["mlp_lin1_b"][None],
                    p["mlp_bn1_g"][None], p["mlp_bn1_b"][None],
                    p["mlp_lin2_W"], p["mlp_lin2_b"][None])
    return out.reshape(_B)

# --- scband reference (transcript-rebuilt; emitter-appended) ---
"""Pipeline reference for scband-mgcat-model-57277683859887 (READ-ONLY COPY).

The authoritative reference and input builder live on the scoring server;
editing this copy changes nothing except your own understanding.
"""

import jax, jax.numpy as jnp
import numpy as np

N_L = 4000
N_M = 6000
N = 10000
E = 320000
B = 16384
D = 128
FEATURE_TYPES = ['ctd', 'kmer', 'doc2vec', 'role2vec']
FEAT_DIMS = {'ctd': 30, 'kmer': 256, 'doc2vec': 128, 'role2vec': 128}


def batchnorm(x, g, b, eps=1e-5):
    mu = jnp.mean(x, axis=0)
    var = jnp.var(x, axis=0)
    return (x - mu) / jnp.sqrt(var + eps) * g + b


def gat_layer(x, edge_index, W, a_src, a_dst, bias):
    h = x @ W
    src = edge_index[0]
    dst = edge_index[1]
    s_src = h @ a_src
    s_dst = h @ a_dst
    e = jax.nn.leaky_relu(s_src[src] + s_dst[dst], negative_slope=0.2)
    m = jax.ops.segment_max(e, dst, num_segments=N)
    m = jnp.where(jnp.isfinite(m), m, 0.0)
    ex = jnp.exp(e - m[dst])
    denom = jax.ops.segment_sum(ex, dst, num_segments=N)
    alpha = ex / (denom[dst] + 1e-16)
    out = jax.ops.segment_sum(h[src] * alpha[:, None], dst, num_segments=N)
    return out + bias


def setup_inputs(seed: int = 0):
    key = jax.random.key(seed)
    keys = iter(jax.random.split(key, 96))
    raw = {'lncRNA': {}, 'miRNA': {}}
    for f in FEATURE_TYPES:
        raw['lncRNA'][f] = jax.random.normal(next(keys), (N_L, FEAT_DIMS[f]), dtype=jnp.float32)
        raw['miRNA'][f] = jax.random.normal(next(keys), (N_M, FEAT_DIMS[f]), dtype=jnp.float32)
    p = {}
    for f in FEATURE_TYPES:
        p['lnc_proj_W_' + f] = jax.random.normal(next(keys), (FEAT_DIMS[f], D), dtype=jnp.float32) * 0.02
        p['lnc_proj_b_' + f] = jnp.zeros((D,), dtype=jnp.float32)
        p['mi_proj_W_' + f] = jax.random.normal(next(keys), (FEAT_DIMS[f], D), dtype=jnp.float32) * 0.02
        p['mi_proj_b_' + f] = jnp.zeros((D,), dtype=jnp.float32)
    p['lnc_att_W'] = jax.random.normal(next(keys), (D, 1), dtype=jnp.float32) * 0.02
    p['lnc_att_b'] = jnp.zeros((1,), dtype=jnp.float32)
    p['mi_att_W'] = jax.random.normal(next(keys), (D, 1), dtype=jnp.float32) * 0.02
    p['mi_att_b'] = jnp.zeros((1,), dtype=jnp.float32)
    p['layer_att_W'] = jax.random.normal(next(keys), (D, 1), dtype=jnp.float32) * 0.02
    p['layer_att_b'] = jnp.zeros((1,), dtype=jnp.float32)
    for i in (1, 2, 3):
        p['conv%d_W' % i] = jax.random.normal(next(keys), (D, D), dtype=jnp.float32) * 0.02
        p['conv%d_asrc' % i] = jax.random.normal(next(keys), (D,), dtype=jnp.float32) * 0.02
        p['conv%d_adst' % i] = jax.random.normal(next(keys), (D,), dtype=jnp.float32) * 0.02
        p['conv%d_b' % i] = jnp.zeros((D,), dtype=jnp.float32)
    p['norm1_g'] = jnp.ones((D,), dtype=jnp.float32)
    p['norm1_b'] = jnp.zeros((D,), dtype=jnp.float32)
    p['norm2_g'] = jnp.ones((D,), dtype=jnp.float32)
    p['norm2_b'] = jnp.zeros((D,), dtype=jnp.float32)
    p['mlp_bn0_g'] = jnp.ones((2 * D,), dtype=jnp.float32)
    p['mlp_bn0_b'] = jnp.zeros((2 * D,), dtype=jnp.float32)
    p['mlp_lin1_W'] = jax.random.normal(next(keys), (2 * D, D), dtype=jnp.float32) * 0.02
    p['mlp_lin1_b'] = jnp.zeros((D,), dtype=jnp.float32)
    p['mlp_bn1_g'] = jnp.ones((D,), dtype=jnp.float32)
    p['mlp_bn1_b'] = jnp.zeros((D,), dtype=jnp.float32)
    p['mlp_lin2_W'] = jax.random.normal(next(keys), (D, 1), dtype=jnp.float32) * 0.02
    p['mlp_lin2_b'] = jnp.zeros((1,), dtype=jnp.float32)
    edge_index = jax.random.randint(next(keys), (2, E), 0, N, dtype=jnp.int32)
    idx = jax.random.randint(next(keys), (2, B), 0, N, dtype=jnp.int32)
    return {'params': p, 'raw': raw, 'edge_index': edge_index, 'idx': idx}


def _forward(params, raw, edge_index, idx):
    p = params
    lnc = [raw['lncRNA'][f] @ p['lnc_proj_W_' + f] + p['lnc_proj_b_' + f] for f in FEATURE_TYPES]
    mi = [raw['miRNA'][f] @ p['mi_proj_W_' + f] + p['mi_proj_b_' + f] for f in FEATURE_TYPES]
    lf = jnp.stack(lnc, axis=1)
    lw = jax.nn.sigmoid(jnp.squeeze(lf @ p['lnc_att_W'] + p['lnc_att_b'], -1))
    lfeat = jnp.einsum('nf,nfd->nd', lw, lf)
    mf = jnp.stack(mi, axis=1)
    mw = jax.nn.sigmoid(jnp.squeeze(mf @ p['mi_att_W'] + p['mi_att_b'], -1))
    mfeat = jnp.einsum('nf,nfd->nd', mw, mf)
    x0 = jnp.concatenate([lfeat, mfeat], axis=0)
    x_list = [x0]
    # dropout is identity in deterministic reference
    x1 = gat_layer(x0, edge_index, p['conv1_W'], p['conv1_asrc'], p['conv1_adst'], p['conv1_b'])
    x_list.append(x1)
    x1 = jax.nn.relu(batchnorm(x1, p['norm1_g'], p['norm1_b']))
    x2 = gat_layer(x1, edge_index, p['conv2_W'], p['conv2_asrc'], p['conv2_adst'], p['conv2_b'])
    x_list.append(x2)
    x2 = jax.nn.relu(batchnorm(x2, p['norm2_g'], p['norm2_b']))
    x3 = gat_layer(x2, edge_index, p['conv3_W'], p['conv3_asrc'], p['conv3_adst'], p['conv3_b'])
    x_list.append(x3)
    xf = jnp.stack(x_list, axis=1)
    xw = jax.nn.sigmoid(jnp.squeeze(xf @ p['layer_att_W'] + p['layer_att_b'], -1))
    z = jnp.einsum('nf,nfd->nd', xw, xf)
    u = z[idx[0]]
    v = z[idx[1]]
    uv = jnp.concatenate([u, v], axis=1)
    h = batchnorm(uv, p['mlp_bn0_g'], p['mlp_bn0_b'])
    h = h @ p['mlp_lin1_W'] + p['mlp_lin1_b']
    h = jax.nn.leaky_relu(h, negative_slope=0.01)
    h = batchnorm(h, p['mlp_bn1_g'], p['mlp_bn1_b'])
    h = h @ p['mlp_lin2_W'] + p['mlp_lin2_b']
    out = jax.nn.sigmoid(jnp.squeeze(h, -1))
    return out


def reference(params, raw, edge_index, idx):
    return _forward(params, raw, edge_index, idx)

if __name__ == "__main__":
    import jax
    _d = setup_inputs()
    print(jax.jit(kernel)(*tuple(_d.values())))

</pallas_src>

<mosaic_0001>
#map = affine_map<(d0, d1) -> (0, 0)>
#map1 = affine_map<(d0, d1) -> (0)>
#map2 = affine_map<(d0, d1) -> (0, 0, 0)>
module attributes {stable_mosaic.version = 14 : i64} {
  func.func @_gat_agg(%arg0: i32, %arg1: i32, %arg2: memref<10000x160xbf16, #tpu.memory_space<hbm>>, %arg3: memref<10000xf32, #tpu.memory_space<hbm>>, %arg4: memref<10000xf32, #tpu.memory_space<hbm>>, %arg5: memref<32x125x80xi32, #tpu.memory_space<hbm>>, %arg6: memref<32x125x80xi32, #tpu.memory_space<hbm>>, %arg7: memref<10000x160xbf16, #tpu.memory_space<hbm>>, %arg8: memref<2x10000x160xbf16, #tpu.memory_space<hbm>>, %arg9: memref<125x80xi32, #tpu.memory_space<vmem>>, %arg10: memref<125x80xi32, #tpu.memory_space<vmem>>, %arg11: memref<10000xf32, #tpu.memory_space<vmem>>, %arg12: memref<10000xf32, #tpu.memory_space<vmem>>, %arg13: memref<80xf32, #tpu.memory_space<vmem>>, %arg14: memref<3x80x160xbf16, #tpu.memory_space<vmem>>, %arg15: memref<10000x160xbf16, #tpu.memory_space<vmem_shared>>, %arg16: memref<!tpu.dma_semaphore, #tpu.memory_space<semaphore_mem>>, %arg17: memref<!tpu.dma_semaphore, #tpu.memory_space<semaphore_mem>>) attributes {dimension_semantics = [#tpu.dimension_semantics<core_parallel>, #tpu.dimension_semantics<subcore_parallel>], iteration_bounds = array<i64: 2, 16>, scalar_prefetch = 0 : i64, scratch_operands = 9 : i64, tpu.core_type = #tpu.core_type<sc_vector_subcore>, window_params = [{transform_indices = #map}, {transform_indices = #map1}, {transform_indices = #map1}, {transform_indices = #map2}, {transform_indices = #map2}, {transform_indices = #map}, {transform_indices = #map2}]} {
    %mul3A = arith.constant 2 : i32
    %mul3A_0 = arith.muli %arg1, %mul3A : i32
    %add3A = arith.addi %mul3A_0, %arg0 : i32
    %mul3A_1 = arith.constant 625 : i32
    %mul3A_2 = arith.muli %arg1, %mul3A_1 : i32
    %mul3A_3 = arith.constant 625 : i32
    %mul3A_4 = arith.muli %arg1, %mul3A_3 : i32
    "tpu.region"() ({
      %run_scoped3A = tpu.sem_alloc : memref<!tpu.dma_semaphore, #tpu.memory_space<semaphore_mem>>
      %dma_start3A_54 = arith.constant 0 : i32
      %dma_start3A_55 = tpu.memref_slice %arg15[%mul3A_4, %dma_start3A_54] : memref<10000x160xbf16, #tpu.memory_space<vmem_shared>> -> memref<625x160xbf16, #tpu.memory_space<vmem_shared>>
      %dma_start3A_56 = arith.constant 0 : i32
      %dma_start3A_57 = tpu.memref_slice %arg7[%mul3A_2, %dma_start3A_56] : memref<10000x160xbf16, #tpu.memory_space<hbm>> -> memref<625x160xbf16, #tpu.memory_space<hbm>>
      tpu.enqueue_dma source(%dma_start3A_57 : memref<625x160xbf16, #tpu.memory_space<hbm>>) target(%dma_start3A_55 : memref<625x160xbf16, #tpu.memory_space<vmem_shared>>) target_semaphore(%run_scoped3A : memref<!tpu.dma_semaphore, #tpu.memory_space<semaphore_mem>>)
      %dma_wait3A_58 = arith.constant 0 : i32
      %dma_wait3A_59 = tpu.memref_slice %arg15[%mul3A_4, %dma_wait3A_58] : memref<10000x160xbf16, #tpu.memory_space<vmem_shared>> -> memref<625x160xbf16, #tpu.memory_space<vmem_shared>>
      %dma_wait3A_60 = arith.constant 0 : i32
      %dma_wait3A_61 = tpu.memref_slice %arg7[%mul3A_2, %dma_wait3A_60] : memref<10000x160xbf16, #tpu.memory_space<hbm>> -> memref<625x160xbf16, #tpu.memory_space<hbm>>
      tpu.wait_dma2 semaphore(%run_scoped3A : memref<!tpu.dma_semaphore, #tpu.memory_space<semaphore_mem>>) src(%dma_wait3A_61 : memref<625x160xbf16, #tpu.memory_space<hbm>>) dst(%dma_wait3A_59 : memref<625x160xbf16, #tpu.memory_space<vmem_shared>>)
      tpu.yield
    }) : () -> ()
    "tpu.region"() ({
      %run_scoped3A = tpu.sem_alloc : memref<!tpu.dma_semaphore, #tpu.memory_space<semaphore_mem>>
      %dma_start3A_54 = arith.constant 0 : i32
      %dma_start3A_55 = arith.constant 0 : i32
      %dma_start3A_56 = tpu.memref_slice %arg5[%add3A, %dma_start3A_54, %dma_start3A_55] : memref<32x125x80xi32, #tpu.memory_space<hbm>> -> memref<1x125x80xi32, #tpu.memory_space<hbm>>
      %dma_start3A_57 = tpu.memref_squeeze %dma_start3A_56 : memref<1x125x80xi32, #tpu.memory_space<hbm>> -> memref<125x80xi32, #tpu.memory_space<hbm>>
      %dma_start3A_58 = arith.constant 0 : i32
      %dma_start3A_59 = arith.constant 0 : i32
      %dma_start3A_60 = tpu.memref_slice %arg5[%add3A, %dma_start3A_58, %dma_start3A_59] : memref<32x125x80xi32, #tpu.memory_space<hbm>> -> memref<1x125x80xi32, #tpu.memory_space<hbm>>
      %dma_start3A_61 = tpu.memref_squeeze %dma_start3A_60 : memref<1x125x80xi32, #tpu.memory_space<hbm>> -> memref<125x80xi32, #tpu.memory_space<hbm>>
      tpu.enqueue_dma source(%dma_start3A_61 : memref<125x80xi32, #tpu.memory_space<hbm>>) target(%arg9 : memref<125x80xi32, #tpu.memory_space<vmem>>) target_semaphore(%run_scoped3A : memref<!tpu.dma_semaphore, #tpu.memory_space<semaphore_mem>>)
      %dma_wait3A_62 = arith.constant 0 : i32
      %dma_wait3A_63 = arith.constant 0 : i32
      %dma_wait3A_64 = tpu.memref_slice %arg5[%add3A, %dma_wait3A_62, %dma_wait3A_63] : memref<32x125x80xi32, #tpu.memory_space<hbm>> -> memref<1x125x80xi32, #tpu.memory_space<hbm>>
      %dma_wait3A_65 = tpu.memref_squeeze %dma_wait3A_64 : memref<1x125x80xi32, #tpu.memory_space<hbm>> -> memref<125x80xi32, #tpu.memory_space<hbm>>
      %dma_wait3A_66 = arith.constant 0 : i32
      %dma_wait3A_67 = arith.constant 0 : i32
      %dma_wait3A_68 = tpu.memref_slice %arg5[%add3A, %dma_wait3A_66, %dma_wait3A_67] : memref<32x125x80xi32, #tpu.memory_space<hbm>> -> memref<1x125x80xi32, #tpu.memory_space<hbm>>
      %dma_wait3A_69 = tpu.memref_squeeze %dma_wait3A_68 : memref<1x125x80xi32, #tpu.memory_space<hbm>> -> memref<125x80xi32, #tpu.memory_space<hbm>>
      tpu.wait_dma2 semaphore(%run_scoped3A : memref<!tpu.dma_semaphore, #tpu.memory_space<semaphore_mem>>) src(%dma_wait3A_69 : memref<125x80xi32, #tpu.memory_space<hbm>>) dst(%arg9 : memref<125x80xi32, #tpu.memory_space<vmem>>)
      tpu.yield
    }) : () -> ()
    "tpu.region"() ({
      %run_scoped3A = tpu.sem_alloc : memref<!tpu.dma_semaphore, #tpu.memory_space<semaphore_mem>>
      %dma_start3A_54 = arith.constant 0 : i32
      %dma_start3A_55 = arith.constant 0 : i32
      %dma_start3A_56 = tpu.memref_slice %arg6[%add3A, %dma_start3A_54, %dma_start3A_55] : memref<32x125x80xi32, #tpu.memory_space<hbm>> -> memref<1x125x80xi32, #tpu.memory_space<hbm>>
      %dma_start3A_57 = tpu.memref_squeeze %dma_start3A_56 : memref<1x125x80xi32, #tpu.memory_space<hbm>> -> memref<125x80xi32, #tpu.memory_space<hbm>>
      %dma_start3A_58 = arith.constant 0 : i32
      %dma_start3A_59 = arith.constant 0 : i32
      %dma_start3A_60 = tpu.memref_slice %arg6[%add3A, %dma_start3A_58, %dma_start3A_59] : memref<32x125x80xi32, #tpu.memory_space<hbm>> -> memref<1x125x80xi32, #tpu.memory_space<hbm>>
      %dma_start3A_61 = tpu.memref_squeeze %dma_start3A_60 : memref<1x125x80xi32, #tpu.memory_space<hbm>> -> memref<125x80xi32, #tpu.memory_space<hbm>>
      tpu.enqueue_dma source(%dma_start3A_61 : memref<125x80xi32, #tpu.memory_space<hbm>>) target(%arg10 : memref<125x80xi32, #tpu.memory_space<vmem>>) target_semaphore(%run_scoped3A : memref<!tpu.dma_semaphore, #tpu.memory_space<semaphore_mem>>)
      %dma_wait3A_62 = arith.constant 0 : i32
      %dma_wait3A_63 = arith.constant 0 : i32
      %dma_wait3A_64 = tpu.memref_slice %arg6[%add3A, %dma_wait3A_62, %dma_wait3A_63] : memref<32x125x80xi32, #tpu.memory_space<hbm>> -> memref<1x125x80xi32, #tpu.memory_space<hbm>>
      %dma_wait3A_65 = tpu.memref_squeeze %dma_wait3A_64 : memref<1x125x80xi32, #tpu.memory_space<hbm>> -> memref<125x80xi32, #tpu.memory_space<hbm>>
      %dma_wait3A_66 = arith.constant 0 : i32
      %dma_wait3A_67 = arith.constant 0 : i32
      %dma_wait3A_68 = tpu.memref_slice %arg6[%add3A, %dma_wait3A_66, %dma_wait3A_67] : memref<32x125x80xi32, #tpu.memory_space<hbm>> -> memref<1x125x80xi32, #tpu.memory_space<hbm>>
      %dma_wait3A_69 = tpu.memref_squeeze %dma_wait3A_68 : memref<1x125x80xi32, #tpu.memory_space<hbm>> -> memref<125x80xi32, #tpu.memory_space<hbm>>
      tpu.wait_dma2 semaphore(%run_scoped3A : memref<!tpu.dma_semaphore, #tpu.memory_space<semaphore_mem>>) src(%dma_wait3A_69 : memref<125x80xi32, #tpu.memory_space<hbm>>) dst(%arg10 : memref<125x80xi32, #tpu.memory_space<vmem>>)
      tpu.yield
    }) : () -> ()
    "tpu.region"() ({
      %run_scoped3A = tpu.sem_alloc : memref<!tpu.dma_semaphore, #tpu.memory_space<semaphore_mem>>
      tpu.enqueue_dma source(%arg3 : memref<10000xf32, #tpu.memory_space<hbm>>) target(%arg11 : memref<10000xf32, #tpu.memory_space<vmem>>) target_semaphore(%run_scoped3A : memref<!tpu.dma_semaphore, #tpu.memory_space<semaphore_mem>>)
      tpu.wait_dma2 semaphore(%run_scoped3A : memref<!tpu.dma_semaphore, #tpu.memory_space<semaphore_mem>>) src(%arg3 : memref<10000xf32, #tpu.memory_space<hbm>>) dst(%arg11 : memref<10000xf32, #tpu.memory_space<vmem>>)
      tpu.yield
    }) : () -> ()
    "tpu.region"() ({
      %run_scoped3A = tpu.sem_alloc : memref<!tpu.dma_semaphore, #tpu.memory_space<semaphore_mem>>
      tpu.enqueue_dma source(%arg4 : memref<10000xf32, #tpu.memory_space<hbm>>) target(%arg12 : memref<10000xf32, #tpu.memory_space<vmem>>) target_semaphore(%run_scoped3A : memref<!tpu.dma_semaphore, #tpu.memory_space<semaphore_mem>>)
      tpu.wait_dma2 semaphore(%run_scoped3A : memref<!tpu.dma_semaphore, #tpu.memory_space<semaphore_mem>>) src(%arg4 : memref<10000xf32, #tpu.memory_space<hbm>>) dst(%arg12 : memref<10000xf32, #tpu.memory_space<vmem>>)
      tpu.yield
    }) : () -> ()
    %rem3A = arith.constant 0 : i32
    %rem3A_5 = arith.constant 3 : i32
    %rem3A_6 = arith.remsi %rem3A, %rem3A_5 : i32
    %dma_start3A = arith.constant 0 : i32
    %dma_start3A_7 = arith.constant 0 : i32
    %dma_start3A_8 = arith.constant 0 : i32
    %dma_start3A_9 = tpu.memref_slice %arg14[%rem3A_6, %dma_start3A_7, %dma_start3A_8] : memref<3x80x160xbf16, #tpu.memory_space<vmem>> -> memref<1x80x160xbf16, #tpu.memory_space<vmem>>
    %dma_start3A_10 = tpu.memref_squeeze %dma_start3A_9 : memref<1x80x160xbf16, #tpu.memory_space<vmem>> -> memref<80x160xbf16, #tpu.memory_space<vmem>>
    %dma_start3A_11 = arith.constant 0 : i32
    %dma_start3A_12 = tpu.memref_slice %arg9[%dma_start3A, %dma_start3A_11] : memref<125x80xi32, #tpu.memory_space<vmem>> -> memref<1x80xi32, #tpu.memory_space<vmem>>
    %dma_start3A_13 = tpu.memref_squeeze %dma_start3A_12 : memref<1x80xi32, #tpu.memory_space<vmem>> -> memref<80xi32, #tpu.memory_space<vmem>>
    %dma_start3A_14 = arith.constant 0 : i32
    %dma_start3A_15 = arith.constant 0 : i32
    %dma_start3A_16 = tpu.memref_slice %arg2[%dma_start3A_14, %dma_start3A_15] : memref<10000x160xbf16, #tpu.memory_space<hbm>> -> memref<10000x160xbf16, #tpu.memory_space<hbm>>
    tpu.enqueue_indirect_dma source(%dma_start3A_16 : memref<10000x160xbf16, #tpu.memory_space<hbm>>) target(%dma_start3A_10 : memref<80x160xbf16, #tpu.memory_space<vmem>>) offsets(%dma_start3A_13 : memref<80xi32, #tpu.memory_space<vmem>>) semaphore(%arg16 : memref<!tpu.dma_semaphore, #tpu.memory_space<semaphore_mem>>)
    %barrier3A = arith.constant 0 : index
    tpu.barrier barrier_id(%barrier3A)
    %scan3A = arith.constant 0 : i32
    %scan3A_17 = arith.constant 0 : i32
    %scan3A_18 = arith.constant 125 : i32
    %scan3A_19 = arith.addi %scan3A_17, %scan3A_18 : i32
    %scan3A_20 = arith.constant 1 : i32
    scf.for %scan3A_54 = %scan3A_17 to %scan3A_19 step %scan3A_20  : i32 {
      %rem3A_55 = arith.constant 3 : i32
      %rem3A_56 = arith.remsi %scan3A_54, %rem3A_55 : i32
      %ge3A = arith.constant 2 : i32
      %ge3A_57 = arith.cmpi sge, %scan3A_54, %ge3A : i32
      %convert_element_type3A = arith.extui %ge3A_57 : i1 to i32
      %cond3A = arith.constant 0 : i32
      %cond3A_58 = arith.cmpi ne, %convert_element_type3A, %cond3A : i32
      scf.if %cond3A_58 {
        %sub3A = arith.constant 2 : i32
        %sub3A_185 = arith.subi %scan3A_54, %sub3A : i32
        %rem3A_186 = arith.constant 3 : i32
        %rem3A_187 = arith.remsi %sub3A_185, %rem3A_186 : i32
        %dma_wait3A_188 = arith.constant 0 : i32
        %dma_wait3A_189 = arith.constant 0 : i32
        %dma_wait3A_190 = tpu.memref_slice %arg14[%rem3A_187, %dma_wait3A_188, %dma_wait3A_189] : memref<3x80x160xbf16, #tpu.memory_space<vmem>> -> memref<1x80x160xbf16, #tpu.memory_space<vmem>>
        %dma_wait3A_191 = tpu.memref_squeeze %dma_wait3A_190 : memref<1x80x160xbf16, #tpu.memory_space<vmem>> -> memref<80x160xbf16, #tpu.memory_space<vmem>>
        %dma_wait3A_192 = arith.constant 0 : i32
        %dma_wait3A_193 = tpu.memref_slice %arg10[%sub3A_185, %dma_wait3A_192] : memref<125x80xi32, #tpu.memory_space<vmem>> -> memref<1x80xi32, #tpu.memory_space<vmem>>
        %dma_wait3A_194 = tpu.memref_squeeze %dma_wait3A_193 : memref<1x80xi32, #tpu.memory_space<vmem>> -> memref<80xi32, #tpu.memory_space<vmem>>
        %dma_wait3A_195 = arith.constant 0 : i32
        %dma_wait3A_196 = arith.constant 0 : i32
        %dma_wait3A_197 = tpu.memref_slice %arg15[%dma_wait3A_195, %dma_wait3A_196] : memref<10000x160xbf16, #tpu.memory_space<vmem_shared>> -> memref<10000x160xbf16, #tpu.memory_space<vmem_shared>>
        tpu.wait_indirect_dma semaphore(%arg17 : memref<!tpu.dma_semaphore, #tpu.memory_space<semaphore_mem>>) src(%dma_wait3A_191 : memref<80x160xbf16, #tpu.memory_space<vmem>>) dst(%dma_wait3A_197 : memref<10000x160xbf16, #tpu.memory_space<vmem_shared>>)
      } else {
      }
      %add3A_59 = arith.constant 1 : i32
      %add3A_60 = arith.addi %scan3A_54, %add3A_59 : i32
      %lt3A = arith.constant 125 : i32
      %lt3A_61 = arith.cmpi slt, %add3A_60, %lt3A : i32
      %convert_element_type3A_62 = arith.extui %lt3A_61 : i1 to i32
      %cond3A_63 = arith.constant 0 : i32
      %cond3A_64 = arith.cmpi ne, %convert_element_type3A_62, %cond3A_63 : i32
      scf.if %cond3A_64 {
        %add3A_185 = arith.constant 1 : i32
        %add3A_186 = arith.addi %scan3A_54, %add3A_185 : i32
        %rem3A_187 = arith.constant 3 : i32
        %rem3A_188 = arith.remsi %add3A_186, %rem3A_187 : i32
        %dma_start3A_189 = arith.constant 0 : i32
        %dma_start3A_190 = arith.constant 0 : i32
        %dma_start3A_191 = tpu.memref_slice %arg14[%rem3A_188, %dma_start3A_189, %dma_start3A_190] : memref<3x80x160xbf16, #tpu.memory_space<vmem>> -> memref<1x80x160xbf16, #tpu.memory_space<vmem>>
        %dma_start3A_192 = tpu.memref_squeeze %dma_start3A_191 : memref<1x80x160xbf16, #tpu.memory_space<vmem>> -> memref<80x160xbf16, #tpu.memory_space<vmem>>
        %dma_start3A_193 = arith.constant 0 : i32
        %dma_start3A_194 = tpu.memref_slice %arg9[%add3A_186, %dma_start3A_193] : memref<125x80xi32, #tpu.memory_space<vmem>> -> memref<1x80xi32, #tpu.memory_space<vmem>>
        %dma_start3A_195 = tpu.memref_squeeze %dma_start3A_194 : memref<1x80xi32, #tpu.memory_space<vmem>> -> memref<80xi32, #tpu.memory_space<vmem>>
        %dma_start3A_196 = arith.constant 0 : i32
        %dma_start3A_197 = arith.constant 0 : i32
        %dma_start3A_198 = tpu.memref_slice %arg2[%dma_start3A_196, %dma_start3A_197] : memref<10000x160xbf16, #tpu.memory_space<hbm>> -> memref<10000x160xbf16, #tpu.memory_space<hbm>>
        tpu.enqueue_indirect_dma source(%dma_start3A_198 : memref<10000x160xbf16, #tpu.memory_space<hbm>>) target(%dma_start3A_192 : memref<80x160xbf16, #tpu.memory_space<vmem>>) offsets(%dma_start3A_195 : memref<80xi32, #tpu.memory_space<vmem>>) semaphore(%arg16 : memref<!tpu.dma_semaphore, #tpu.memory_space<semaphore_mem>>)
      } else {
      }
      %rem3A_65 = arith.constant 3 : i32
      %rem3A_66 = arith.remsi %scan3A_54, %rem3A_65 : i32
      %dma_wait3A_67 = arith.constant 0 : i32
      %dma_wait3A_68 = arith.constant 0 : i32
      %dma_wait3A_69 = tpu.memref_slice %arg14[%rem3A_66, %dma_wait3A_67, %dma_wait3A_68] : memref<3x80x160xbf16, #tpu.memory_space<vmem>> -> memref<1x80x160xbf16, #tpu.memory_space<vmem>>
      %dma_wait3A_70 = tpu.memref_squeeze %dma_wait3A_69 : memref<1x80x160xbf16, #tpu.memory_space<vmem>> -> memref<80x160xbf16, #tpu.memory_space<vmem>>
      %dma_wait3A_71 = arith.constant 0 : i32
      %dma_wait3A_72 = tpu.memref_slice %arg9[%scan3A_54, %dma_wait3A_71] : memref<125x80xi32, #tpu.memory_space<vmem>> -> memref<1x80xi32, #tpu.memory_space<vmem>>
      %dma_wait3A_73 = tpu.memref_squeeze %dma_wait3A_72 : memref<1x80xi32, #tpu.memory_space<vmem>> -> memref<80xi32, #tpu.memory_space<vmem>>
      %dma_wait3A_74 = arith.constant 0 : i32
      %dma_wait3A_75 = arith.constant 0 : i32
      %dma_wait3A_76 = tpu.memref_slice %arg2[%dma_wait3A_74, %dma_wait3A_75] : memref<10000x160xbf16, #tpu.memory_space<hbm>> -> memref<10000x160xbf16, #tpu.memory_space<hbm>>
      tpu.wait_indirect_dma semaphore(%arg16 : memref<!tpu.dma_semaphore, #tpu.memory_space<semaphore_mem>>) src(%dma_wait3A_76 : memref<10000x160xbf16, #tpu.memory_space<hbm>>) dst(%dma_wait3A_70 : memref<80x160xbf16, #tpu.memory_space<vmem>>)
      %get3A = arith.index_cast %scan3A_54 : i32 to index
      %get3A_77 = arith.constant 0 : index
      %get3A_78 = tpu.vector_load %arg9[%get3A, %get3A_77] {strides = array<i32>} : memref<125x80xi32, #tpu.memory_space<vmem>>, vector<16xi32>,
      %get3A_79 = arith.index_cast %scan3A_54 : i32 to index
      %get3A_80 = arith.constant 0 : index
      %get3A_81 = tpu.vector_load %arg10[%get3A_79, %get3A_80] {strides = array<i32>} : memref<125x80xi32, #tpu.memory_space<vmem>>, vector<16xi32>,
      %gather3A = tpu.vector_load_idx %arg11[%get3A_78] : memref<10000xf32, #tpu.memory_space<vmem>>[vector<16xi32>], vector<16xf32>,
      %gather3A_82 = tpu.vector_load_idx %arg12[%get3A_81] : memref<10000xf32, #tpu.memory_space<vmem>>[vector<16xi32>], vector<16xf32>,
      %add3A_83 = arith.addf %gather3A, %gather3A_82 : vector<16xf32>
      %ge3A_84 = arith.constant 0.000000e+00 : f32
      %ge3A_85 = vector.broadcast %ge3A_84 : f32 to vector<16xf32>
      %ge3A_86 = arith.cmpf oge, %add3A_83, %ge3A_85 : vector<16xf32>
      %mul3A_87 = arith.constant 2.000000e-01 : f32
      %mul3A_88 = vector.broadcast %mul3A_87 : f32 to vector<16xf32>
      %mul3A_89 = arith.mulf %mul3A_88, %add3A_83 : vector<16xf32>
      %select_n3A = arith.select %ge3A_86, %add3A_83, %mul3A_89 : vector<16xi1>, vector<16xf32>
      %exp3A = math.exp %select_n3A : vector<16xf32>
      %swap3A = arith.constant 0 : index
      %swap3A_90 = tpu.vector_load %arg13[%swap3A] {strides = array<i32>} : memref<80xf32, #tpu.memory_space<vmem>>, vector<16xf32>,
      tpu.vector_store %arg13[%swap3A], %exp3A {strides = array<i32>} : memref<80xf32, #tpu.memory_space<vmem>>, vector<16xf32>,
      %get3A_91 = arith.index_cast %scan3A_54 : i32 to index
      %get3A_92 = arith.constant 16 : index
      %get3A_93 = tpu.vector_load %arg9[%get3A_91, %get3A_92] {strides = array<i32>} : memref<125x80xi32, #tpu.memory_space<vmem>>, vector<16xi32>,
      %get3A_94 = arith.index_cast %scan3A_54 : i32 to index
      %get3A_95 = arith.constant 16 : index
      %get3A_96 = tpu.vector_load %arg10[%get3A_94, %get3A_95] {strides = array<i32>} : memref<125x80xi32, #tpu.memory_space<vmem>>, vector<16xi32>,
      %gather3A_97 = tpu.vector_load_idx %arg11[%get3A_93] : memref<10000xf32, #tpu.memory_space<vmem>>[vector<16xi32>], vector<16xf32>,
      %gather3A_98 = tpu.vector_load_idx %arg12[%get3A_96] : memref<10000xf32, #tpu.memory_space<vmem>>[vector<16xi32>], vector<16xf32>,
      %add3A_99 = arith.addf %gather3A_97, %gather3A_98 : vector<16xf32>
      %ge3A_100 = arith.constant 0.000000e+00 : f32
      %ge3A_101 = vector.broadcast %ge3A_100 : f32 to vector<16xf32>
      %ge3A_102 = arith.cmpf oge, %add3A_99, %ge3A_101 : vector<16xf32>
      %mul3A_103 = arith.constant 2.000000e-01 : f32
      %mul3A_104 = vector.broadcast %mul3A_103 : f32 to vector<16xf32>
      %mul3A_105 = arith.mulf %mul3A_104, %add3A_99 : vector<16xf32>
      %select_n3A_106 = arith.select %ge3A_102, %add3A_99, %mul3A_105 : vector<16xi1>, vector<16xf32>
      %exp3A_107 = math.exp %select_n3A_106 : vector<16xf32>
      %swap3A_108 = arith.constant 16 : index
      %swap3A_109 = tpu.vector_load %arg13[%swap3A_108] {strides = array<i32>} : memref<80xf32, #tpu.memory_space<vmem>>, vector<16xf32>,
      tpu.vector_store %arg13[%swap3A_108], %exp3A_107 {strides = array<i32>} : memref<80xf32, #tpu.memory_space<vmem>>, vector<16xf32>,
      %get3A_110 = arith.index_cast %scan3A_54 : i32 to index
      %get3A_111 = arith.constant 32 : index
      %get3A_112 = tpu.vector_load %arg9[%get3A_110, %get3A_111] {strides = array<i32>} : memref<125x80xi32, #tpu.memory_space<vmem>>, vector<16xi32>,
      %get3A_113 = arith.index_cast %scan3A_54 : i32 to index
      %get3A_114 = arith.constant 32 : index
      %get3A_115 = tpu.vector_load %arg10[%get3A_113, %get3A_114] {strides = array<i32>} : memref<125x80xi32, #tpu.memory_space<vmem>>, vector<16xi32>,
      %gather3A_116 = tpu.vector_load_idx %arg11[%get3A_112] : memref<10000xf32, #tpu.memory_space<vmem>>[vector<16xi32>], vector<16xf32>,
      %gather3A_117 = tpu.vector_load_idx %arg12[%get3A_115] : memref<10000xf32, #tpu.memory_space<vmem>>[vector<16xi32>], vector<16xf32>,
      %add3A_118 = arith.addf %gather3A_116, %gather3A_117 : vector<16xf32>
      %ge3A_119 = arith.constant 0.000000e+00 : f32
      %ge3A_120 = vector.broadcast %ge3A_119 : f32 to vector<16xf32>
      %ge3A_121 = arith.cmpf oge, %add3A_118, %ge3A_120 : vector<16xf32>
      %mul3A_122 = arith.constant 2.000000e-01 : f32
      %mul3A_123 = vector.broadcast %mul3A_122 : f32 to vector<16xf32>
      %mul3A_124 = arith.mulf %mul3A_123, %add3A_118 : vector<16xf32>
      %select_n3A_125 = arith.select %ge3A_121, %add3A_118, %mul3A_124 : vector<16xi1>, vector<16xf32>
      %exp3A_126 = math.exp %select_n3A_125 : vector<16xf32>
      %swap3A_127 = arith.constant 32 : index
      %swap3A_128 = tpu.vector_load %arg13[%swap3A_127] {strides = array<i32>} : memref<80xf32, #tpu.memory_space<vmem>>, vector<16xf32>,
      tpu.vector_store %arg13[%swap3A_127], %exp3A_126 {strides = array<i32>} : memref<80xf32, #tpu.memory_space<vmem>>, vector<16xf32>,
      %get3A_129 = arith.index_cast %scan3A_54 : i32 to index
      %get3A_130 = arith.constant 48 : index
      %get3A_131 = tpu.vector_load %arg9[%get3A_129, %get3A_130] {strides = array<i32>} : memref<125x80xi32, #tpu.memory_space<vmem>>, vector<16xi32>,
      %get3A_132 = arith.index_cast %scan3A_54 : i32 to index
      %get3A_133 = arith.constant 48 : index
      %get3A_134 = tpu.vector_load %arg10[%get3A_132, %get3A_133] {strides = array<i32>} : memref<125x80xi32, #tpu.memory_space<vmem>>, vector<16xi32>,
      %gather3A_135 = tpu.vector_load_idx %arg11[%get3A_131] : memref<10000xf32, #tpu.memory_space<vmem>>[vector<16xi32>], vector<16xf32>,
      %gather3A_136 = tpu.vector_load_idx %arg12[%get3A_134] : memref<10000xf32, #tpu.memory_space<vmem>>[vector<16xi32>], vector<16xf32>,
      %add3A_137 = arith.addf %gather3A_135, %gather3A_136 : vector<16xf32>
      %ge3A_138 = arith.constant 0.000000e+00 : f32
      %ge3A_139 = vector.broadcast %ge3A_138 : f32 to vector<16xf32>
      %ge3A_140 = arith.cmpf oge, %add3A_137, %ge3A_139 : vector<16xf32>
      %mul3A_141 = arith.constant 2.000000e-01 : f32
      %mul3A_142 = vector.broadcast %mul3A_141 : f32 to vector<16xf32>
      %mul3A_143 = arith.mulf %mul3A_142, %add3A_137 : vector<16xf32>
      %select_n3A_144 = arith.select %ge3A_140, %add3A_137, %mul3A_143 : vector<16xi1>, vector<16xf32>
      %exp3A_145 = math.exp %select_n3A_144 : vector<16xf32>
      %swap3A_146 = arith.constant 48 : index
      %swap3A_147 = tpu.vector_load %arg13[%swap3A_146] {strides = array<i32>} : memref<80xf32, #tpu.memory_space<vmem>>, vector<16xf32>,
      tpu.vector_store %arg13[%swap3A_146], %exp3A_145 {strides = array<i32>} : memref<80xf32, #tpu.memory_space<vmem>>, vector<16xf32>,
      %get3A_148 = arith.index_cast %scan3A_54 : i32 to index
      %get3A_149 = arith.constant 64 : index
      %get3A_150 = tpu.vector_load %arg9[%get3A_148, %get3A_149] {strides = array<i32>} : memref<125x80xi32, #tpu.memory_space<vmem>>, vector<16xi32>,
      %get3A_151 = arith.index_cast %scan3A_54 : i32 to index
      %get3A_152 = arith.constant 64 : index
      %get3A_153 = tpu.vector_load %arg10[%get3A_151, %get3A_152] {strides = array<i32>} : memref<125x80xi32, #tpu.memory_space<vmem>>, vector<16xi32>,
      %gather3A_154 = tpu.vector_load_idx %arg11[%get3A_150] : memref<10000xf32, #tpu.memory_space<vmem>>[vector<16xi32>], vector<16xf32>,
      %gather3A_155 = tpu.vector_load_idx %arg12[%get3A_153] : memref<10000xf32, #tpu.memory_space<vmem>>[vector<16xi32>], vector<16xf32>,
      %add3A_156 = arith.addf %gather3A_154, %gather3A_155 : vector<16xf32>
      %ge3A_157 = arith.constant 0.000000e+00 : f32
      %ge3A_158 = vector.broadcast %ge3A_157 : f32 to vector<16xf32>
      %ge3A_159 = arith.cmpf oge, %add3A_156, %ge3A_158 : vector<16xf32>
      %mul3A_160 = arith.constant 2.000000e-01 : f32
      %mul3A_161 = vector.broadcast %mul3A_160 : f32 to vector<16xf32>
      %mul3A_162 = arith.mulf %mul3A_161, %add3A_156 : vector<16xf32>
      %select_n3A_163 = arith.select %ge3A_159, %add3A_156, %mul3A_162 : vector<16xi1>, vector<16xf32>
      %exp3A_164 = math.exp %select_n3A_163 : vector<16xf32>
      %swap3A_165 = arith.constant 64 : index
      %swap3A_166 = tpu.vector_load %arg13[%swap3A_165] {strides = array<i32>} : memref<80xf32, #tpu.memory_space<vmem>>, vector<16xf32>,
      tpu.vector_store %arg13[%swap3A_165], %exp3A_164 {strides = array<i32>} : memref<80xf32, #tpu.memory_space<vmem>>, vector<16xf32>,
      %scan3A_167 = arith.constant 0 : i32
      %scan3A_168 = arith.constant 0 : i32
      %scan3A_169 = arith.constant 20 : i32
      %scan3A_170 = arith.addi %scan3A_168, %scan3A_169 : i32
      %scan3A_171 = arith.constant 1 : i32
      scf.for %scan3A_185 = %scan3A_168 to %scan3A_170 step %scan3A_171  : i32 {
        %mul3A_186 = arith.constant 4 : i32
        %mul3A_187 = arith.muli %scan3A_185, %mul3A_186 : i32
        %add3A_188 = arith.constant 0 : i32
        %add3A_189 = arith.addi %mul3A_187, %add3A_188 : i32
        %broadcast_in_dim3A = vector.broadcast %add3A_189 : i32 to vector<16xi32>
        %gather3A_190 = tpu.vector_load_idx %arg13[%broadcast_in_dim3A] : memref<80xf32, #tpu.memory_space<vmem>>[vector<16xi32>], vector<16xf32>,
        %pack3A = tpu.pack_subelements %gather3A_190, %gather3A_190 {pack_format = #tpu.pack_format<interleaved>, positions = array<i32: 0, 1>} : vector<16xf32>, vector<16xf32> -> vector<32xbf16>
        %add3A_191 = arith.constant 0 : i32
        %add3A_192 = arith.addi %mul3A_187, %add3A_191 : i32
        %get3A_193 = arith.index_cast %rem3A_56 : i32 to index
        %get3A_194 = arith.index_cast %add3A_192 : i32 to index
        %get3A_195 = arith.constant 0 : index
        %get3A_196 = tpu.vector_load %arg14[%get3A_193, %get3A_194, %get3A_195] {strides = array<i32>} : memref<3x80x160xbf16, #tpu.memory_space<vmem>>, vector<32xbf16>,
        %mul3A_197 = arith.mulf %get3A_196, %pack3A : vector<32xbf16>
        %add3A_198 = arith.constant 0 : i32
        %add3A_199 = arith.addi %mul3A_187, %add3A_198 : i32
        %swap3A_200 = arith.index_cast %rem3A_56 : i32 to index
        %swap3A_201 = arith.index_cast %add3A_199 : i32 to index
        %swap3A_202 = arith.constant 0 : index
        %swap3A_203 = tpu.vector_load %arg14[%swap3A_200, %swap3A_201, %swap3A_202] {strides = array<i32>} : memref<3x80x160xbf16, #tpu.memory_space<vmem>>, vector<32xbf16>,
        tpu.vector_store %arg14[%swap3A_200, %swap3A_201, %swap3A_202], %mul3A_197 {strides = array<i32>} : memref<3x80x160xbf16, #tpu.memory_space<vmem>>, vector<32xbf16>,
        %add3A_204 = arith.constant 0 : i32
        %add3A_205 = arith.addi %mul3A_187, %add3A_204 : i32
        %get3A_206 = arith.index_cast %rem3A_56 : i32 to index
        %get3A_207 = arith.index_cast %add3A_205 : i32 to index
        %get3A_208 = arith.constant 32 : index
        %get3A_209 = tpu.vector_load %arg14[%get3A_206, %get3A_207, %get3A_208] {strides = array<i32>} : memref<3x80x160xbf16, #tpu.memory_space<vmem>>, vector<32xbf16>,
        %mul3A_210 = arith.mulf %get3A_209, %pack3A : vector<32xbf16>
        %add3A_211 = arith.constant 0 : i32
        %add3A_212 = arith.addi %mul3A_187, %add3A_211 : i32
        %swap3A_213 = arith.index_cast %rem3A_56 : i32 to index
        %swap3A_214 = arith.index_cast %add3A_212 : i32 to index
        %swap3A_215 = arith.constant 32 : index
        %swap3A_216 = tpu.vector_load %arg14[%swap3A_213, %swap3A_214, %swap3A_215] {strides = array<i32>} : memref<3x80x160xbf16, #tpu.memory_space<vmem>>, vector<32xbf16>,
        tpu.vector_store %arg14[%swap3A_213, %swap3A_214, %swap3A_215], %mul3A_210 {strides = array<i32>} : memref<3x80x160xbf16, #tpu.memory_space<vmem>>, vector<32xbf16>,
        %add3A_217 = arith.constant 0 : i32
        %add3A_218 = arith.addi %mul3A_187, %add3A_217 : i32
        %get3A_219 = arith.index_cast %rem3A_56 : i32 to index
        %get3A_220 = arith.index_cast %add3A_218 : i32 to index
        %get3A_221 = arith.constant 64 : index
        %get3A_222 = tpu.vector_load %arg14[%get3A_219, %get3A_220, %get3A_221] {strides = array<i32>} : memref<3x80x160xbf16, #tpu.memory_space<vmem>>, vector<32xbf16>,
        %mul3A_223 = arith.mulf %get3A_222, %pack3A : vector<32xbf16>
        %add3A_224 = arith.constant 0 : i32
        %add3A_225 = arith.addi %mul3A_187, %add3A_224 : i32
        %swap3A_226 = arith.index_cast %rem3A_56 : i32 to index
        %swap3A_227 = arith.index_cast %add3A_225 : i32 to index
        %swap3A_228 = arith.constant 64 : index
        %swap3A_229 = tpu.vector_load %arg14[%swap3A_226, %swap3A_227, %swap3A_228] {strides = array<i32>} : memref<3x80x160xbf16, #tpu.memory_space<vmem>>, vector<32xbf16>,
        tpu.vector_store %arg14[%swap3A_226, %swap3A_227, %swap3A_228], %mul3A_223 {strides = array<i32>} : memref<3x80x160xbf16, #tpu.memory_space<vmem>>, vector<32xbf16>,
        %add3A_230 = arith.constant 0 : i32
        %add3A_231 = arith.addi %mul3A_187, %add3A_230 : i32
        %get3A_232 = arith.index_cast %rem3A_56 : i32 to index
        %get3A_233 = arith.index_cast %add3A_231 : i32 to index
        %get3A_234 = arith.constant 96 : index
        %get3A_235 = tpu.vector_load %arg14[%get3A_232, %get3A_233, %get3A_234] {strides = array<i32>} : memref<3x80x160xbf16, #tpu.memory_space<vmem>>, vector<32xbf16>,
        %mul3A_236 = arith.mulf %get3A_235, %pack3A : vector<32xbf16>
        %add3A_237 = arith.constant 0 : i32
        %add3A_238 = arith.addi %mul3A_187, %add3A_237 : i32
        %swap3A_239 = arith.index_cast %rem3A_56 : i32 to index
        %swap3A_240 = arith.index_cast %add3A_238 : i32 to index
        %swap3A_241 = arith.constant 96 : index
        %swap3A_242 = tpu.vector_load %arg14[%swap3A_239, %swap3A_240, %swap3A_241] {strides = array<i32>} : memref<3x80x160xbf16, #tpu.memory_space<vmem>>, vector<32xbf16>,
        tpu.vector_store %arg14[%swap3A_239, %swap3A_240, %swap3A_241], %mul3A_236 {strides = array<i32>} : memref<3x80x160xbf16, #tpu.memory_space<vmem>>, vector<32xbf16>,
        %add3A_243 = arith.constant 0 : i32
        %add3A_244 = arith.addi %mul3A_187, %add3A_243 : i32
        %get3A_245 = arith.index_cast %rem3A_56 : i32 to index
        %get3A_246 = arith.index_cast %add3A_244 : i32 to index
        %get3A_247 = arith.constant 128 : index
        %get3A_248 = tpu.vector_load %arg14[%get3A_245, %get3A_246, %get3A_247] {strides = array<i32>} : memref<3x80x160xbf16, #tpu.memory_space<vmem>>, vector<32xbf16>,
        %mul3A_249 = arith.mulf %get3A_248, %pack3A : vector<32xbf16>
        %add3A_250 = arith.constant 0 : i32
        %add3A_251 = arith.addi %mul3A_187, %add3A_250 : i32
        %swap3A_252 = arith.index_cast %rem3A_56 : i32 to index
        %swap3A_253 = arith.index_cast %add3A_251 : i32 to index
        %swap3A_254 = arith.constant 128 : index
        %swap3A_255 = tpu.vector_load %arg14[%swap3A_252, %swap3A_253, %swap3A_254] {strides = array<i32>} : memref<3x80x160xbf16, #tpu.memory_space<vmem>>, vector<32xbf16>,
        tpu.vector_store %arg14[%swap3A_252, %swap3A_253, %swap3A_254], %mul3A_249 {strides = array<i32>} : memref<3x80x160xbf16, #tpu.memory_space<vmem>>, vector<32xbf16>,
        %add3A_256 = arith.constant 1 : i32
        %add3A_257 = arith.addi %mul3A_187, %add3A_256 : i32
        %broadcast_in_dim3A_258 = vector.broadcast %add3A_257 : i32 to vector<16xi32>
        %gather3A_259 = tpu.vector_load_idx %arg13[%broadcast_in_dim3A_258] : memref<80xf32, #tpu.memory_space<vmem>>[vector<16xi32>], vector<16xf32>,
        %pack3A_260 = tpu.pack_subelements %gather3A_259, %gather3A_259 {pack_format = #tpu.pack_format<interleaved>, positions = array<i32: 0, 1>} : vector<16xf32>, vector<16xf32> -> vector<32xbf16>
        %add3A_261 = arith.constant 1 : i32
        %add3A_262 = arith.addi %mul3A_187, %add3A_261 : i32
        %get3A_263 = arith.index_cast %rem3A_56 : i32 to index
        %get3A_264 = arith.index_cast %add3A_262 : i32 to index
        %get3A_265 = arith.constant 0 : index
        %get3A_266 = tpu.vector_load %arg14[%get3A_263, %get3A_264, %get3A_265] {strides = array<i32>} : memref<3x80x160xbf16, #tpu.memory_space<vmem>>, vector<32xbf16>,
        %mul3A_267 = arith.mulf %get3A_266, %pack3A_260 : vector<32xbf16>
        %add3A_268 = arith.constant 1 : i32
        %add3A_269 = arith.addi %mul3A_187, %add3A_268 : i32
        %swap3A_270 = arith.index_cast %rem3A_56 : i32 to index
        %swap3A_271 = arith.index_cast %add3A_269 : i32 to index
        %swap3A_272 = arith.constant 0 : index
        %swap3A_273 = tpu.vector_load %arg14[%swap3A_270, %swap3A_271, %swap3A_272] {strides = array<i32>} : memref<3x80x160xbf16, #tpu.memory_space<vmem>>, vector<32xbf16>,
        tpu.vector_store %arg14[%swap3A_270, %swap3A_271, %swap3A_272], %mul3A_267 {strides = array<i32>} : memref<3x80x160xbf16, #tpu.memory_space<vmem>>, vector<32xbf16>,
        %add3A_274 = arith.constant 1 : i32
        %add3A_275 = arith.addi %mul3A_187, %add3A_274 : i32
        %get3A_276 = arith.index_cast %rem3A_56 : i32 to index
        %get3A_277 = arith.index_cast %add3A_275 : i32 to index
        %get3A_278 = arith.constant 32 : index
        %get3A_279 = tpu.vector_load %arg14[%get3A_276, %get3A_277, %get3A_278] {strides = array<i32>} : memref<3x80x160xbf16, #tpu.memory_space<vmem>>, vector<32xbf16>,
        %mul3A_280 = arith.mulf %get3A_279, %pack3A_260 : vector<32xbf16>
        %add3A_281 = arith.constant 1 : i32
        %add3A_282 = arith.addi %mul3A_187, %add3A_281 : i32
        %swap3A_283 = arith.index_cast %rem3A_56 : i32 to index
        %swap3A_284 = arith.index_cast %add3A_282 : i32 to index
        %swap3A_285 = arith.constant 32 : index
        %swap3A_286 = tpu.vector_load %arg14[%swap3A_283, %swap3A_284, %swap3A_285] {strides = array<i32>} : memref<3x80x160xbf16, #tpu.memory_space<vmem>>, vector<32xbf16>,
        tpu.vector_store %arg14[%swap3A_283, %swap3A_284, %swap3A_285], %mul3A_280 {strides = array<i32>} : memref<3x80x160xbf16, #tpu.memory_space<vmem>>, vector<32xbf16>,
        %add3A_287 = arith.constant 1 : i32
        %add3A_288 = arith.addi %mul3A_187, %add3A_287 : i32
        %get3A_289 = arith.index_cast %rem3A_56 : i32 to index
        %get3A_290 = arith.index_cast %add3A_288 : i32 to index
        %get3A_291 = arith.constant 64 : index
        %get3A_292 = tpu.vector_load %arg14[%get3A_289, %get3A_290, %get3A_291] {strides = array<i32>} : memref<3x80x160xbf16, #tpu.memory_space<vmem>>, vector<32xbf16>,
        %mul3A_293 = arith.mulf %get3A_292, %pack3A_260 : vector<32xbf16>
        %add3A_294 = arith.constant 1 : i32
        %add3A_295 = arith.addi %mul3A_187, %add3A_294 : i32
        %swap3A_296 = arith.index_cast %rem3A_56 : i32 to index
        %swap3A_297 = arith.index_cast %add3A_295 : i32 to index
        %swap3A_298 = arith.constant 64 : index
        %swap3A_299 = tpu.vector_load %arg14[%swap3A_296, %swap3A_297, %swap3A_298] {strides = array<i32>} : memref<3x80x160xbf16, #tpu.memory_space<vmem>>, vector<32xbf16>,
        tpu.vector_store %arg14[%swap3A_296, %swap3A_297, %swap3A_298], %mul3A_293 {strides = array<i32>} : memref<3x80x160xbf16, #tpu.memory_space<vmem>>, vector<32xbf16>,
        %add3A_300 = arith.constant 1 : i32
        %add3A_301 = arith.addi %mul3A_187, %add3A_300 : i32
        %get3A_302 = arith.index_cast %rem3A_56 : i32 to index
        %get3A_303 = arith.index_cast %add3A_301 : i32 to index
        %get3A_304 = arith.constant 96 : index
        %get3A_305 = tpu.vector_load %arg14[%get3A_302, %get3A_303, %get3A_304] {strides = array<i32>} : memref<3x80x160xbf16, #tpu.memory_space<vmem>>, vector<32xbf16>,
        %mul3A_306 = arith.mulf %get3A_305, %pack3A_260 : vector<32xbf16>
        %add3A_307 = arith.constant 1 : i32
        %add3A_308 = arith.addi %mul3A_187, %add3A_307 : i32
        %swap3A_309 = arith.index_cast %rem3A_56 : i32 to index
        %swap3A_310 = arith.index_cast %add3A_308 : i32 to index
        %swap3A_311 = arith.constant 96 : index
        %swap3A_312 = tpu.vector_load %arg14[%swap3A_309, %swap3A_310, %swap3A_311] {strides = array<i32>} : memref<3x80x160xbf16, #tpu.memory_space<vmem>>, vector<32xbf16>,
        tpu.vector_store %arg14[%swap3A_309, %swap3A_310, %swap3A_311], %mul3A_306 {strides = array<i32>} : memref<3x80x160xbf16, #tpu.memory_space<vmem>>, vector<32xbf16>,
        %add3A_313 = arith.constant 1 : i32
        %add3A_314 = arith.addi %mul3A_187, %add3A_313 : i32
        %get3A_315 = arith.index_cast %rem3A_56 : i32 to index
        %get3A_316 = arith.index_cast %add3A_314 : i32 to index
        %get3A_317 = arith.constant 128 : index
        %get3A_318 = tpu.vector_load %arg14[%get3A_315, %get3A_316, %get3A_317] {strides = array<i32>} : memref<3x80x160xbf16, #tpu.memory_space<vmem>>, vector<32xbf16>,
        %mul3A_319 = arith.mulf %get3A_318, %pack3A_260 : vector<32xbf16>
        %add3A_320 = arith.constant 1 : i32
        %add3A_321 = arith.addi %mul3A_187, %add3A_320 : i32
        %swap3A_322 = arith.index_cast %rem3A_56 : i32 to index
        %swap3A_323 = arith.index_cast %add3A_321 : i32 to index
        %swap3A_324 = arith.constant 128 : index
        %swap3A_325 = tpu.vector_load %arg14[%swap3A_322, %swap3A_323, %swap3A_324] {strides = array<i32>} : memref<3x80x160xbf16, #tpu.memory_space<vmem>>, vector<32xbf16>,
        tpu.vector_store %arg14[%swap3A_322, %swap3A_323, %swap3A_324], %mul3A_319 {strides = array<i32>} : memref<3x80x160xbf16, #tpu.memory_space<vmem>>, vector<32xbf16>,
        %add3A_326 = arith.constant 2 : i32
        %add3A_327 = arith.addi %mul3A_187, %add3A_326 : i32
        %broadcast_in_dim3A_328 = vector.broadcast %add3A_327 : i32 to vector<16xi32>
        %gather3A_329 = tpu.vector_load_idx %arg13[%broadcast_in_dim3A_328] : memref<80xf32, #tpu.memory_space<vmem>>[vector<16xi32>], vector<16xf32>,
        %pack3A_330 = tpu.pack_subelements %gather3A_329, %gather3A_329 {pack_format = #tpu.pack_format<interleaved>, positions = array<i32: 0, 1>} : vector<16xf32>, vector<16xf32> -> vector<32xbf16>
        %add3A_331 = arith.constant 2 : i32
        %add3A_332 = arith.addi %mul3A_187, %add3A_331 : i32
        %get3A_333 = arith.index_cast %rem3A_56 : i32 to index
        %get3A_334 = arith.index_cast %add3A_332 : i32 to index
        %get3A_335 = arith.constant 0 : index
        %get3A_336 = tpu.vector_load %arg14[%get3A_333, %get3A_334, %get3A_335] {strides = array<i32>} : memref<3x80x160xbf16, #tpu.memory_space<vmem>>, vector<32xbf16>,
        %mul3A_337 = arith.mulf %get3A_336, %pack3A_330 : vector<32xbf16>
        %add3A_338 = arith.constant 2 : i32
        %add3A_339 = arith.addi %mul3A_187, %add3A_338 : i32
        %swap3A_340 = arith.index_cast %rem3A_56 : i32 to index
        %swap3A_341 = arith.index_cast %add3A_339 : i32 to index
        %swap3A_342 = arith.constant 0 : index
        %swap3A_343 = tpu.vector_load %arg14[%swap3A_340, %swap3A_341, %swap3A_342] {strides = array<i32>} : memref<3x80x160xbf16, #tpu.memory_space<vmem>>, vector<32xbf16>,
        tpu.vector_store %arg14[%swap3A_340, %swap3A_341, %swap3A_342], %mul3A_337 {strides = array<i32>} : memref<3x80x160xbf16, #tpu.memory_space<vmem>>, vector<32xbf16>,
        %add3A_344 = arith.constant 2 : i32
        %add3A_345 = arith.addi %mul3A_187, %add3A_344 : i32
        %get3A_346 = arith.index_cast %rem3A_56 : i32 to index
        %get3A_347 = arith.index_cast %add3A_345 : i32 to index
        %get3A_348 = arith.constant 32 : index
        %get3A_349 = tpu.vector_load %arg14[%get3A_346, %get3A_347, %get3A_348] {strides = array<i32>} : memref<3x80x160xbf16, #tpu.memory_space<vmem>>, vector<32xbf16>,
        %mul3A_350 = arith.mulf %get3A_349, %pack3A_330 : vector<32xbf16>
        %add3A_351 = arith.constant 2 : i32
        %add3A_352 = arith.addi %mul3A_187, %add3A_351 : i32
        %swap3A_353 = arith.index_cast %rem3A_56 : i32 to index
        %swap3A_354 = arith.index_cast %add3A_352 : i32 to index
        %swap3A_355 = arith.constant 32 : index
        %swap3A_356 = tpu.vector_load %arg14[%swap3A_353, %swap3A_354, %swap3A_355] {strides = array<i32>} : memref<3x80x160xbf16, #tpu.memory_space<vmem>>, vector<32xbf16>,
        tpu.vector_store %arg14[%swap3A_353, %swap3A_354, %swap3A_355], %mul3A_350 {strides = array<i32>} : memref<3x80x160xbf16, #tpu.memory_space<vmem>>, vector<32xbf16>,
        %add3A_357 = arith.constant 2 : i32
        %add3A_358 = arith.addi %mul3A_187, %add3A_357 : i32
        %get3A_359 = arith.index_cast %rem3A_56 : i32 to index
        %get3A_360 = arith.index_cast %add3A_358 : i32 to index
        %get3A_361 = arith.constant 64 : index
        %get3A_362 = tpu.vector_load %arg14[%get3A_359, %get3A_360, %get3A_361] {strides = array<i32>} : memref<3x80x160xbf16, #tpu.memory_space<vmem>>, vector<32xbf16>,
        %mul3A_363 = arith.mulf %get3A_362, %pack3A_330 : vector<32xbf16>
        %add3A_364 = arith.constant 2 : i32
        %add3A_365 = arith.addi %mul3A_187, %add3A_364 : i32
        %swap3A_366 = arith.index_cast %rem3A_56 : i32 to index
        %swap3A_367 = arith.index_cast %add3A_365 : i32 to index
        %swap3A_368 = arith.constant 64 : index
        %swap3A_369 = tpu.vector_load %arg14[%swap3A_366, %swap3A_367, %swap3A_368] {strides = array<i32>} : memref<3x80x160xbf16, #tpu.memory_space<vmem>>, vector<32xbf16>,
        tpu.vector_store %arg14[%swap3A_366, %swap3A_367, %swap3A_368], %mul3A_363 {strides = array<i32>} : memref<3x80x160xbf16, #tpu.memory_space<vmem>>, vector<32xbf16>,
        %add3A_370 = arith.constant 2 : i32
        %add3A_371 = arith.addi %mul3A_187, %add3A_370 : i32
        %get3A_372 = arith.index_cast %rem3A_56 : i32 to index
        %get3A_373 = arith.index_cast %add3A_371 : i32 to index
        %get3A_374 = arith.constant 96 : index
        %get3A_375 = tpu.vector_load %arg14[%get3A_372, %get3A_373, %get3A_374] {strides = array<i32>} : memref<3x80x160xbf16, #tpu.memory_space<vmem>>, vector<32xbf16>,
        %mul3A_376 = arith.mulf %get3A_375, %pack3A_330 : vector<32xbf16>
        %add3A_377 = arith.constant 2 : i32
        %add3A_378 = arith.addi %mul3A_187, %add3A_377 : i32
        %swap3A_379 = arith.index_cast %rem3A_56 : i32 to index
        %swap3A_380 = arith.index_cast %add3A_378 : i32 to index
        %swap3A_381 = arith.constant 96 : index
        %swap3A_382 = tpu.vector_load %arg14[%swap3A_379, %swap3A_380, %swap3A_381] {strides = array<i32>} : memref<3x80x160xbf16, #tpu.memory_space<vmem>>, vector<32xbf16>,
        tpu.vector_store %arg14[%swap3A_379, %swap3A_380, %swap3A_381], %mul3A_376 {strides = array<i32>} : memref<3x80x160xbf16, #tpu.memory_space<vmem>>, vector<32xbf16>,
        %add3A_383 = arith.constant 2 : i32
        %add3A_384 = arith.addi %mul3A_187, %add3A_383 : i32
        %get3A_385 = arith.index_cast %rem3A_56 : i32 to index
        %get3A_386 = arith.index_cast %add3A_384 : i32 to index
        %get3A_387 = arith.constant 128 : index
        %get3A_388 = tpu.vector_load %arg14[%get3A_385, %get3A_386, %get3A_387] {strides = array<i32>} : memref<3x80x160xbf16, #tpu.memory_space<vmem>>, vector<32xbf16>,
        %mul3A_389 = arith.mulf %get3A_388, %pack3A_330 : vector<32xbf16>
        %add3A_390 = arith.constant 2 : i32
        %add3A_391 = arith.addi %mul3A_187, %add3A_390 : i32
        %swap3A_392 = arith.index_cast %rem3A_56 : i32 to index
        %swap3A_393 = arith.index_cast %add3A_391 : i32 to index
        %swap3A_394 = arith.constant 128 : index
        %swap3A_395 = tpu.vector_load %arg14[%swap3A_392, %swap3A_393, %swap3A_394] {strides = array<i32>} : memref<3x80x160xbf16, #tpu.memory_space<vmem>>, vector<32xbf16>,
        tpu.vector_store %arg14[%swap3A_392, %swap3A_393, %swap3A_394], %mul3A_389 {strides = array<i32>} : memref<3x80x160xbf16, #tpu.memory_space<vmem>>, vector<32xbf16>,
        %add3A_396 = arith.constant 3 : i32
        %add3A_397 = arith.addi %mul3A_187, %add3A_396 : i32
        %broadcast_in_dim3A_398 = vector.broadcast %add3A_397 : i32 to vector<16xi32>
        %gather3A_399 = tpu.vector_load_idx %arg13[%broadcast_in_dim3A_398] : memref<80xf32, #tpu.memory_space<vmem>>[vector<16xi32>], vector<16xf32>,
        %pack3A_400 = tpu.pack_subelements %gather3A_399, %gather3A_399 {pack_format = #tpu.pack_format<interleaved>, positions = array<i32: 0, 1>} : vector<16xf32>, vector<16xf32> -> vector<32xbf16>
        %add3A_401 = arith.constant 3 : i32
        %add3A_402 = arith.addi %mul3A_187, %add3A_401 : i32
        %get3A_403 = arith.index_cast %rem3A_56 : i32 to index
        %get3A_404 = arith.index_cast %add3A_402 : i32 to index
        %get3A_405 = arith.constant 0 : index
        %get3A_406 = tpu.vector_load %arg14[%get3A_403, %get3A_404, %get3A_405] {strides = array<i32>} : memref<3x80x160xbf16, #tpu.memory_space<vmem>>, vector<32xbf16>,
        %mul3A_407 = arith.mulf %get3A_406, %pack3A_400 : vector<32xbf16>
        %add3A_408 = arith.constant 3 : i32
        %add3A_409 = arith.addi %mul3A_187, %add3A_408 : i32
        %swap3A_410 = arith.index_cast %rem3A_56 : i32 to index
        %swap3A_411 = arith.index_cast %add3A_409 : i32 to index
        %swap3A_412 = arith.constant 0 : index
        %swap3A_413 = tpu.vector_load %arg14[%swap3A_410, %swap3A_411, %swap3A_412] {strides = array<i32>} : memref<3x80x160xbf16, #tpu.memory_space<vmem>>, vector<32xbf16>,
        tpu.vector_store %arg14[%swap3A_410, %swap3A_411, %swap3A_412], %mul3A_407 {strides = array<i32>} : memref<3x80x160xbf16, #tpu.memory_space<vmem>>, vector<32xbf16>,
        %add3A_414 = arith.constant 3 : i32
        %add3A_415 = arith.addi %mul3A_187, %add3A_414 : i32
        %get3A_416 = arith.index_cast %rem3A_56 : i32 to index
        %get3A_417 = arith.index_cast %add3A_415 : i32 to index
        %get3A_418 = arith.constant 32 : index
        %get3A_419 = tpu.vector_load %arg14[%get3A_416, %get3A_417, %get3A_418] {strides = array<i32>} : memref<3x80x160xbf16, #tpu.memory_space<vmem>>, vector<32xbf16>,
        %mul3A_420 = arith.mulf %get3A_419, %pack3A_400 : vector<32xbf16>
        %add3A_421 = arith.constant 3 : i32
        %add3A_422 = arith.addi %mul3A_187, %add3A_421 : i32
        %swap3A_423 = arith.index_cast %rem3A_56 : i32 to index
        %swap3A_424 = arith.index_cast %add3A_422 : i32 to index
        %swap3A_425 = arith.constant 32 : index
        %swap3A_426 = tpu.vector_load %arg14[%swap3A_423, %swap3A_424, %swap3A_425] {strides = array<i32>} : memref<3x80x160xbf16, #tpu.memory_space<vmem>>, vector<32xbf16>,
        tpu.vector_store %arg14[%swap3A_423, %swap3A_424, %swap3A_425], %mul3A_420 {strides = array<i32>} : memref<3x80x160xbf16, #tpu.memory_space<vmem>>, vector<32xbf16>,
        %add3A_427 = arith.constant 3 : i32
        %add3A_428 = arith.addi %mul3A_187, %add3A_427 : i32
        %get3A_429 = arith.index_cast %rem3A_56 : i32 to index
        %get3A_430 = arith.index_cast %add3A_428 : i32 to index
        %get3A_431 = arith.constant 64 : index
        %get3A_432 = tpu.vector_load %arg14[%get3A_429, %get3A_430, %get3A_431] {strides = array<i32>} : memref<3x80x160xbf16, #tpu.memory_space<vmem>>, vector<32xbf16>,
        %mul3A_433 = arith.mulf %get3A_432, %pack3A_400 : vector<32xbf16>
        %add3A_434 = arith.constant 3 : i32
        %add3A_435 = arith.addi %mul3A_187, %add3A_434 : i32
        %swap3A_436 = arith.index_cast %rem3A_56 : i32 to index
        %swap3A_437 = arith.index_cast %add3A_435 : i32 to index
        %swap3A_438 = arith.constant 64 : index
        %swap3A_439 = tpu.vector_load %arg14[%swap3A_436, %swap3A_437, %swap3A_438] {strides = array<i32>} : memref<3x80x160xbf16, #tpu.memory_space<vmem>>, vector<32xbf16>,
        tpu.vector_store %arg14[%swap3A_436, %swap3A_437, %swap3A_438], %mul3A_433 {strides = array<i32>} : memref<3x80x160xbf16, #tpu.memory_space<vmem>>, vector<32xbf16>,
        %add3A_440 = arith.constant 3 : i32
        %add3A_441 = arith.addi %mul3A_187, %add3A_440 : i32
        %get3A_442 = arith.index_cast %rem3A_56 : i32 to index
        %get3A_443 = arith.index_cast %add3A_441 : i32 to index
        %get3A_444 = arith.constant 96 : index
        %get3A_445 = tpu.vector_load %arg14[%get3A_442, %get3A_443, %get3A_444] {strides = array<i32>} : memref<3x80x160xbf16, #tpu.memory_space<vmem>>, vector<32xbf16>,
        %mul3A_446 = arith.mulf %get3A_445, %pack3A_400 : vector<32xbf16>
        %add3A_447 = arith.constant 3 : i32
        %add3A_448 = arith.addi %mul3A_187, %add3A_447 : i32
        %swap3A_449 = arith.index_cast %rem3A_56 : i32 to index
        %swap3A_450 = arith.index_cast %add3A_448 : i32 to index
        %swap3A_451 = arith.constant 96 : index
        %swap3A_452 = tpu.vector_load %arg14[%swap3A_449, %swap3A_450, %swap3A_451] {strides = array<i32>} : memref<3x80x160xbf16, #tpu.memory_space<vmem>>, vector<32xbf16>,
        tpu.vector_store %arg14[%swap3A_449, %swap3A_450, %swap3A_451], %mul3A_446 {strides = array<i32>} : memref<3x80x160xbf16, #tpu.memory_space<vmem>>, vector<32xbf16>,
        %add3A_453 = arith.constant 3 : i32
        %add3A_454 = arith.addi %mul3A_187, %add3A_453 : i32
        %get3A_455 = arith.index_cast %rem3A_56 : i32 to index
        %get3A_456 = arith.index_cast %add3A_454 : i32 to index
        %get3A_457 = arith.constant 128 : index
        %get3A_458 = tpu.vector_load %arg14[%get3A_455, %get3A_456, %get3A_457] {strides = array<i32>} : memref<3x80x160xbf16, #tpu.memory_space<vmem>>, vector<32xbf16>,
        %mul3A_459 = arith.mulf %get3A_458, %pack3A_400 : vector<32xbf16>
        %add3A_460 = arith.constant 3 : i32
        %add3A_461 = arith.addi %mul3A_187, %add3A_460 : i32
        %swap3A_462 = arith.index_cast %rem3A_56 : i32 to index
        %swap3A_463 = arith.index_cast %add3A_461 : i32 to index
        %swap3A_464 = arith.constant 128 : index
        %swap3A_465 = tpu.vector_load %arg14[%swap3A_462, %swap3A_463, %swap3A_464] {strides = array<i32>} : memref<3x80x160xbf16, #tpu.memory_space<vmem>>, vector<32xbf16>,
        tpu.vector_store %arg14[%swap3A_462, %swap3A_463, %swap3A_464], %mul3A_459 {strides = array<i32>} : memref<3x80x160xbf16, #tpu.memory_space<vmem>>, vector<32xbf16>,
      }
      %scan3A_172 = arith.constant 20 : i32
      %rem3A_173 = arith.constant 3 : i32
      %rem3A_174 = arith.remsi %scan3A_54, %rem3A_173 : i32
      %dma_start3A_175 = arith.constant 0 : i32
      %dma_start3A_176 = arith.constant 0 : i32
      %dma_start3A_177 = tpu.memref_slice %arg14[%rem3A_174, %dma_start3A_175, %dma_start3A_176] : memref<3x80x160xbf16, #tpu.memory_space<vmem>> -> memref<1x80x160xbf16, #tpu.memory_space<vmem>>
      %dma_start3A_178 = tpu.memref_squeeze %dma_start3A_177 : memref<1x80x160xbf16, #tpu.memory_space<vmem>> -> memref<80x160xbf16, #tpu.memory_space<vmem>>
      %dma_start3A_179 = arith.constant 0 : i32
      %dma_start3A_180 = tpu.memref_slice %arg10[%scan3A_54, %dma_start3A_179] : memref<125x80xi32, #tpu.memory_space<vmem>> -> memref<1x80xi32, #tpu.memory_space<vmem>>
      %dma_start3A_181 = tpu.memref_squeeze %dma_start3A_180 : memref<1x80xi32, #tpu.memory_space<vmem>> -> memref<80xi32, #tpu.memory_space<vmem>>
      %dma_start3A_182 = arith.constant 0 : i32
      %dma_start3A_183 = arith.constant 0 : i32
      %dma_start3A_184 = tpu.memref_slice %arg15[%dma_start3A_182, %dma_start3A_183] : memref<10000x160xbf16, #tpu.memory_space<vmem_shared>> -> memref<10000x160xbf16, #tpu.memory_space<vmem_shared>>
      tpu.enqueue_indirect_dma source(%dma_start3A_178 : memref<80x160xbf16, #tpu.memory_space<vmem>>) target(%dma_start3A_184 : memref<10000x160xbf16, #tpu.memory_space<vmem_shared>>) offsets(%dma_start3A_181 : memref<80xi32, #tpu.memory_space<vmem>>) semaphore(%arg17 : memref<!tpu.dma_semaphore, #tpu.memory_space<semaphore_mem>>) {add = true}
    }
    %scan3A_21 = arith.constant 125 : i32
    %rem3A_22 = arith.constant 123 : i32
    %rem3A_23 = arith.constant 3 : i32
    %rem3A_24 = arith.remsi %rem3A_22, %rem3A_23 : i32
    %dma_wait3A = arith.constant 123 : i32
    %dma_wait3A_25 = arith.constant 0 : i32
    %dma_wait3A_26 = arith.constant 0 : i32
    %dma_wait3A_27 = tpu.memref_slice %arg14[%rem3A_24, %dma_wait3A_25, %dma_wait3A_26] : memref<3x80x160xbf16, #tpu.memory_space<vmem>> -> memref<1x80x160xbf16, #tpu.memory_space<vmem>>
    %dma_wait3A_28 = tpu.memref_squeeze %dma_wait3A_27 : memref<1x80x160xbf16, #tpu.memory_space<vmem>> -> memref<80x160xbf16, #tpu.memory_space<vmem>>
    %dma_wait3A_29 = arith.constant 0 : i32
    %dma_wait3A_30 = tpu.memref_slice %arg10[%dma_wait3A, %dma_wait3A_29] : memref<125x80xi32, #tpu.memory_space<vmem>> -> memref<1x80xi32, #tpu.memory_space<vmem>>
    %dma_wait3A_31 = tpu.memref_squeeze %dma_wait3A_30 : memref<1x80xi32, #tpu.memory_space<vmem>> -> memref<80xi32, #tpu.memory_space<vmem>>
    %dma_wait3A_32 = arith.constant 0 : i32
    %dma_wait3A_33 = arith.constant 0 : i32
    %dma_wait3A_34 = tpu.memref_slice %arg15[%dma_wait3A_32, %dma_wait3A_33] : memref<10000x160xbf16, #tpu.memory_space<vmem_shared>> -> memref<10000x160xbf16, #tpu.memory_space<vmem_shared>>
    tpu.wait_indirect_dma semaphore(%arg17 : memref<!tpu.dma_semaphore, #tpu.memory_space<semaphore_mem>>) src(%dma_wait3A_28 : memref<80x160xbf16, #tpu.memory_space<vmem>>) dst(%dma_wait3A_34 : memref<10000x160xbf16, #tpu.memory_space<vmem_shared>>)
    %rem3A_35 = arith.constant 124 : i32
    %rem3A_36 = arith.constant 3 : i32
    %rem3A_37 = arith.remsi %rem3A_35, %rem3A_36 : i32
    %dma_wait3A_38 = arith.constant 124 : i32
    %dma_wait3A_39 = arith.constant 0 : i32
    %dma_wait3A_40 = arith.constant 0 : i32
    %dma_wait3A_41 = tpu.memref_slice %arg14[%rem3A_37, %dma_wait3A_39, %dma_wait3A_40] : memref<3x80x160xbf16, #tpu.memory_space<vmem>> -> memref<1x80x160xbf16, #tpu.memory_space<vmem>>
    %dma_wait3A_42 = tpu.memref_squeeze %dma_wait3A_41 : memref<1x80x160xbf16, #tpu.memory_space<vmem>> -> memref<80x160xbf16, #tpu.memory_space<vmem>>
    %dma_wait3A_43 = arith.constant 0 : i32
    %dma_wait3A_44 = tpu.memref_slice %arg10[%dma_wait3A_38, %dma_wait3A_43] : memref<125x80xi32, #tpu.memory_space<vmem>> -> memref<1x80xi32, #tpu.memory_space<vmem>>
    %dma_wait3A_45 = tpu.memref_squeeze %dma_wait3A_44 : memref<1x80xi32, #tpu.memory_space<vmem>> -> memref<80xi32, #tpu.memory_space<vmem>>
    %dma_wait3A_46 = arith.constant 0 : i32
    %dma_wait3A_47 = arith.constant 0 : i32
    %dma_wait3A_48 = tpu.memref_slice %arg15[%dma_wait3A_46, %dma_wait3A_47] : memref<10000x160xbf16, #tpu.memory_space<vmem_shared>> -> memref<10000x160xbf16, #tpu.memory_space<vmem_shared>>
    tpu.wait_indirect_dma semaphore(%arg17 : memref<!tpu.dma_semaphore, #tpu.memory_space<semaphore_mem>>) src(%dma_wait3A_42 : memref<80x160xbf16, #tpu.memory_space<vmem>>) dst(%dma_wait3A_48 : memref<10000x160xbf16, #tpu.memory_space<vmem_shared>>)
    %barrier3A_49 = arith.constant 0 : index
    tpu.barrier barrier_id(%barrier3A_49)
    %mul3A_50 = arith.constant 625 : i32
    %mul3A_51 = arith.muli %arg1, %mul3A_50 : i32
    %mul3A_52 = arith.constant 625 : i32
    %mul3A_53 = arith.muli %arg1, %mul3A_52 : i32
    "tpu.region"() ({
      %run_scoped3A = tpu.sem_alloc : memref<!tpu.dma_semaphore, #tpu.memory_space<semaphore_mem>>
      %dma_start3A_54 = arith.constant 0 : i32
      %dma_start3A_55 = tpu.memref_slice %arg8[%arg0, %mul3A_53, %dma_start3A_54] : memref<2x10000x160xbf16, #tpu.memory_space<hbm>> -> memref<1x625x160xbf16, #tpu.memory_space<hbm>>
      %dma_start3A_56 = tpu.memref_squeeze %dma_start3A_55 : memref<1x625x160xbf16, #tpu.memory_space<hbm>> -> memref<625x160xbf16, #tpu.memory_space<hbm>>
      %dma_start3A_57 = arith.constant 0 : i32
      %dma_start3A_58 = tpu.memref_slice %arg15[%mul3A_51, %dma_start3A_57] : memref<10000x160xbf16, #tpu.memory_space<vmem_shared>> -> memref<625x160xbf16, #tpu.memory_space<vmem_shared>>
      tpu.enqueue_dma source(%dma_start3A_58 : memref<625x160xbf16, #tpu.memory_space<vmem_shared>>) target(%dma_start3A_56 : memref<625x160xbf16, #tpu.memory_space<hbm>>) target_semaphore(%run_scoped3A : memref<!tpu.dma_semaphore, #tpu.memory_space<semaphore_mem>>)
      %dma_wait3A_59 = arith.constant 0 : i32
      %dma_wait3A_60 = tpu.memref_slice %arg8[%arg0, %mul3A_53, %dma_wait3A_59] : memref<2x10000x160xbf16, #tpu.memory_space<hbm>> -> memref<1x625x160xbf16, #tpu.memory_space<hbm>>
      %dma_wait3A_61 = tpu.memref_squeeze %dma_wait3A_60 : memref<1x625x160xbf16, #tpu.memory_space<hbm>> -> memref<625x160xbf16, #tpu.memory_space<hbm>>
      %dma_wait3A_62 = arith.constant 0 : i32
      %dma_wait3A_63 = tpu.memref_slice %arg15[%mul3A_51, %dma_wait3A_62] : memref<10000x160xbf16, #tpu.memory_space<vmem_shared>> -> memref<625x160xbf16, #tpu.memory_space<vmem_shared>>
      tpu.wait_dma2 semaphore(%run_scoped3A : memref<!tpu.dma_semaphore, #tpu.memory_space<semaphore_mem>>) src(%dma_wait3A_63 : memref<625x160xbf16, #tpu.memory_space<vmem_shared>>) dst(%dma_wait3A_61 : memref<625x160xbf16, #tpu.memory_space<hbm>>)
      tpu.yield
    }) : () -> ()
    return
  }
}

#map = affine_map<(d0, d1) -> (0, 0)>
#map1 = affine_map<(d0, d1) -> (0)>
#map2 = affine_map<(d0, d1) -> (0, 0, 0)>
module attributes {stable_mosaic.version = 14 : i64} {
  func.func @_gat_agg(%arg0: i32, %arg1: i32, %arg2: memref<10000x160xbf16, #tpu.memory_space<hbm>>, %arg3: memref<10000xf32, #tpu.memory_space<hbm>>, %arg4: memref<10000xf32, #tpu.memory_space<hbm>>, %arg5: memref<32x125x80xi32, #tpu.memory_space<hbm>>, %arg6: memref<32x125x80xi32, #tpu.memory_space<hbm>>, %arg7: memref<10000x160xbf16, #tpu.memory_space<hbm>>, %arg8: memref<2x10000x160xbf16, #tpu.memory_space<hbm>>, %arg9: memref<125x80xi32, #tpu.memory_space<vmem>>, %arg10: memref<125x80xi32, #tpu.memory_space<vmem>>, %arg11: memref<10000xf32, #tpu.memory_space<vmem>>, %arg12: memref<10000xf32, #tpu.memory_space<vmem>>, %arg13: memref<80xf32, #tpu.memory_space<vmem>>, %arg14: memref<3x80x160xbf16, #tpu.memory_space<vmem>>, %arg15: memref<10000x160xbf16, #tpu.memory_space<vmem_shared>>, %arg16: memref<!tpu.dma_semaphore, #tpu.memory_space<semaphore_mem>>, %arg17: memref<!tpu.dma_semaphore, #tpu.memory_space<semaphore_mem>>) attributes {dimension_semantics = [#tpu.dimension_semantics<core_parallel>, #tpu.dimension_semantics<subcore_parallel>], iteration_bounds = array<i64: 2, 16>, scalar_prefetch = 0 : i64, scratch_operands = 9 : i64, tpu.core_type = #tpu.core_type<sc_vector_subcore>, window_params = [{transform_indices = #map}, {transform_indices = #map1}, {transform_indices = #map1}, {transform_indices = #map2}, {transform_indices = #map2}, {transform_indices = #map}, {transform_indices = #map2}]} {
    %mul3A = arith.constant 2 : i32
    %mul3A_0 = arith.muli %arg1, %mul3A : i32
    %add3A = arith.addi %mul3A_0, %arg0 : i32
    %mul3A_1 = arith.constant 625 : i32
    %mul3A_2 = arith.muli %arg1, %mul3A_1 : i32
    %mul3A_3 = arith.constant 625 : i32
    %mul3A_4 = arith.muli %arg1, %mul3A_3 : i32
    "tpu.region"() ({
      %run_scoped3A = tpu.sem_alloc : memref<!tpu.dma_semaphore, #tpu.memory_space<semaphore_mem>>
      %dma_start3A_54 = arith.constant 0 : i32
      %dma_start3A_55 = tpu.memref_slice %arg15[%mul3A_4, %dma_start3A_54] : memref<10000x160xbf16, #tpu.memory_space<vmem_shared>> -> memref<625x160xbf16, #tpu.memory_space<vmem_shared>>
      %dma_start3A_56 = arith.constant 0 : i32
      %dma_start3A_57 = tpu.memref_slice %arg7[%mul3A_2, %dma_start3A_56] : memref<10000x160xbf16, #tpu.memory_space<hbm>> -> memref<625x160xbf16, #tpu.memory_space<hbm>>
      tpu.enqueue_dma source(%dma_start3A_57 : memref<625x160xbf16, #tpu.memory_space<hbm>>) target(%dma_start3A_55 : memref<625x160xbf16, #tpu.memory_space<vmem_shared>>) target_semaphore(%run_scoped3A : memref<!tpu.dma_semaphore, #tpu.memory_space<semaphore_mem>>)
      %dma_wait3A_58 = arith.constant 0 : i32
      %dma_wait3A_59 = tpu.memref_slice %arg15[%mul3A_4, %dma_wait3A_58] : memref<10000x160xbf16, #tpu.memory_space<vmem_shared>> -> memref<625x160xbf16, #tpu.memory_space<vmem_shared>>
      %dma_wait3A_60 = arith.constant 0 : i32
      %dma_wait3A_61 = tpu.memref_slice %arg7[%mul3A_2, %dma_wait3A_60] : memref<10000x160xbf16, #tpu.memory_space<hbm>> -> memref<625x160xbf16, #tpu.memory_space<hbm>>
      tpu.wait_dma2 semaphore(%run_scoped3A : memref<!tpu.dma_semaphore, #tpu.memory_space<semaphore_mem>>) src(%dma_wait3A_61 : memref<625x160xbf16, #tpu.memory_space<hbm>>) dst(%dma_wait3A_59 : memref<625x160xbf16, #tpu.memory_space<vmem_shared>>)
      tpu.yield
    }) : () -> ()
    "tpu.region"() ({
      %run_scoped3A = tpu.sem_alloc : memref<!tpu.dma_semaphore, #tpu.memory_space<semaphore_mem>>
      %dma_start3A_54 = arith.constant 0 : i32
      %dma_start3A_55 = arith.constant 0 : i32
      %dma_start3A_56 = tpu.memref_slice %arg5[%add3A, %dma_start3A_54, %dma_start3A_55] : memref<32x125x80xi32, #tpu.memory_space<hbm>> -> memref<1x125x80xi32, #tpu.memory_space<hbm>>
      %dma_start3A_57 = tpu.memref_squeeze %dma_start3A_56 : memref<1x125x80xi32, #tpu.memory_space<hbm>> -> memref<125x80xi32, #tpu.memory_space<hbm>>
      %dma_start3A_58 = arith.constant 0 : i32
      %dma_start3A_59 = arith.constant 0 : i32
      %dma_start3A_60 = tpu.memref_slice %arg5[%add3A, %dma_start3A_58, %dma_start3A_59] : memref<32x125x80xi32, #tpu.memory_space<hbm>> -> memref<1x125x80xi32, #tpu.memory_space<hbm>>
      %dma_start3A_61 = tpu.memref_squeeze %dma_start3A_60 : memref<1x125x80xi32, #tpu.memory_space<hbm>> -> memref<125x80xi32, #tpu.memory_space<hbm>>
      tpu.enqueue_dma source(%dma_start3A_61 : memref<125x80xi32, #tpu.memory_space<hbm>>) target(%arg9 : memref<125x80xi32, #tpu.memory_space<vmem>>) target_semaphore(%run_scoped3A : memref<!tpu.dma_semaphore, #tpu.memory_space<semaphore_mem>>)
      %dma_wait3A_62 = arith.constant 0 : i32
      %dma_wait3A_63 = arith.constant 0 : i32
      %dma_wait3A_64 = tpu.memref_slice %arg5[%add3A, %dma_wait3A_62, %dma_wait3A_63] : memref<32x125x80xi32, #tpu.memory_space<hbm>> -> memref<1x125x80xi32, #tpu.memory_space<hbm>>
      %dma_wait3A_65 = tpu.memref_squeeze %dma_wait3A_64 : memref<1x125x80xi32, #tpu.memory_space<hbm>> -> memref<125x80xi32, #tpu.memory_space<hbm>>
      %dma_wait3A_66 = arith.constant 0 : i32
      %dma_wait3A_67 = arith.constant 0 : i32
      %dma_wait3A_68 = tpu.memref_slice %arg5[%add3A, %dma_wait3A_66, %dma_wait3A_67] : memref<32x125x80xi32, #tpu.memory_space<hbm>> -> memref<1x125x80xi32, #tpu.memory_space<hbm>>
      %dma_wait3A_69 = tpu.memref_squeeze %dma_wait3A_68 : memref<1x125x80xi32, #tpu.memory_space<hbm>> -> memref<125x80xi32, #tpu.memory_space<hbm>>
      tpu.wait_dma2 semaphore(%run_scoped3A : memref<!tpu.dma_semaphore, #tpu.memory_space<semaphore_mem>>) src(%dma_wait3A_69 : memref<125x80xi32, #tpu.memory_space<hbm>>) dst(%arg9 : memref<125x80xi32, #tpu.memory_space<vmem>>)
      tpu.yield
    }) : () -> ()
    "tpu.region"() ({
      %run_scoped3A = tpu.sem_alloc : memref<!tpu.dma_semaphore, #tpu.memory_space<semaphore_mem>>
      %dma_start3A_54 = arith.constant 0 : i32
      %dma_start3A_55 = arith.constant 0 : i32
      %dma_start3A_56 = tpu.memref_slice %arg6[%add3A, %dma_start3A_54, %dma_start3A_55] : memref<32x125x80xi32, #tpu.memory_space<hbm>> -> memref<1x125x80xi32, #tpu.memory_space<hbm>>
      %dma_start3A_57 = tpu.memref_squeeze %dma_start3A_56 : memref<1x125x80xi32, #tpu.memory_space<hbm>> -> memref<125x80xi32, #tpu.memory_space<hbm>>
      %dma_start3A_58 = arith.constant 0 : i32
      %dma_start3A_59 = arith.constant 0 : i32
      %dma_start3A_60 = tpu.memref_slice %arg6[%add3A, %dma_start3A_58, %dma_start3A_59] : memref<32x125x80xi32, #tpu.memory_space<hbm>> -> memref<1x125x80xi32, #tpu.memory_space<hbm>>
      %dma_start3A_61 = tpu.memref_squeeze %dma_start3A_60 : memref<1x125x80xi32, #tpu.memory_space<hbm>> -> memref<125x80xi32, #tpu.memory_space<hbm>>
      tpu.enqueue_dma source(%dma_start3A_61 : memref<125x80xi32, #tpu.memory_space<hbm>>) target(%arg10 : memref<125x80xi32, #tpu.memory_space<vmem>>) target_semaphore(%run_scoped3A : memref<!tpu.dma_semaphore, #tpu.memory_space<semaphore_mem>>)
      %dma_wait3A_62 = arith.constant 0 : i32
      %dma_wait3A_63 = arith.constant 0 : i32
      %dma_wait3A_64 = tpu.memref_slice %arg6[%add3A, %dma_wait3A_62, %dma_wait3A_63] : memref<32x125x80xi32, #tpu.memory_space<hbm>> -> memref<1x125x80xi32, #tpu.memory_space<hbm>>
      %dma_wait3A_65 = tpu.memref_squeeze %dma_wait3A_64 : memref<1x125x80xi32, #tpu.memory_space<hbm>> -> memref<125x80xi32, #tpu.memory_space<hbm>>
      %dma_wait3A_66 = arith.constant 0 : i32
      %dma_wait3A_67 = arith.constant 0 : i32
      %dma_wait3A_68 = tpu.memref_slice %arg6[%add3A, %dma_wait3A_66, %dma_wait3A_67] : memref<32x125x80xi32, #tpu.memory_space<hbm>> -> memref<1x125x80xi32, #tpu.memory_space<hbm>>
      %dma_wait3A_69 = tpu.memref_squeeze %dma_wait3A_68 : memref<1x125x80xi32, #tpu.memory_space<hbm>> -> memref<125x80xi32, #tpu.memory_space<hbm>>
      tpu.wait_dma2 semaphore(%run_scoped3A : memref<!tpu.dma_semaphore, #tpu.memory_space<semaphore_mem>>) src(%dma_wait3A_69 : memref<125x80xi32, #tpu.memory_space<hbm>>) dst(%arg10 : memref<125x80xi32, #tpu.memory_space<vmem>>)
      tpu.yield
    }) : () -> ()
    "tpu.region"() ({
      %run_scoped3A = tpu.sem_alloc : memref<!tpu.dma_semaphore, #tpu.memory_space<semaphore_mem>>
      tpu.enqueue_dma source(%arg3 : memref<10000xf32, #tpu.memory_space<hbm>>) target(%arg11 : memref<10000xf32, #tpu.memory_space<vmem>>) target_semaphore(%run_scoped3A : memref<!tpu.dma_semaphore, #tpu.memory_space<semaphore_mem>>)
      tpu.wait_dma2 semaphore(%run_scoped3A : memref<!tpu.dma_semaphore, #tpu.memory_space<semaphore_mem>>) src(%arg3 : memref<10000xf32, #tpu.memory_space<hbm>>) dst(%arg11 : memref<10000xf32, #tpu.memory_space<vmem>>)
      tpu.yield
    }) : () -> ()
    "tpu.region"() ({
      %run_scoped3A = tpu.sem_alloc : memref<!tpu.dma_semaphore, #tpu.memory_space<semaphore_mem>>
      tpu.enqueue_dma source(%arg4 : memref<10000xf32, #tpu.memory_space<hbm>>) target(%arg12 : memref<10000xf32, #tpu.memory_space<vmem>>) target_semaphore(%run_scoped3A : memref<!tpu.dma_semaphore, #tpu.memory_space<semaphore_mem>>)
      tpu.wait_dma2 semaphore(%run_scoped3A : memref<!tpu.dma_semaphore, #tpu.memory_space<semaphore_mem>>) src(%arg4 : memref<10000xf32, #tpu.memory_space<hbm>>) dst(%arg12 : memref<10000xf32, #tpu.memory_space<vmem>>)
      tpu.yield
    }) : () -> ()
    %rem3A = arith.constant 0 : i32
    %rem3A_5 = arith.constant 3 : i32
    %rem3A_6 = arith.remsi %rem3A, %rem3A_5 : i32
    %dma_start3A = arith.constant 0 : i32
    %dma_start3A_7 = arith.constant 0 : i32
    %dma_start3A_8 = arith.constant 0 : i32
    %dma_start3A_9 = tpu.memref_slice %arg14[%rem3A_6, %dma_start3A_7, %dma_start3A_8] : memref<3x80x160xbf16, #tpu.memory_space<vmem>> -> memref<1x80x160xbf16, #tpu.memory_space<vmem>>
    %dma_start3A_10 = tpu.memref_squeeze %dma_start3A_9 : memref<1x80x160xbf16, #tpu.memory_space<vmem>> -> memref<80x160xbf16, #tpu.memory_space<vmem>>
    %dma_start3A_11 = arith.constant 0 : i32
    %dma_start3A_12 = tpu.memref_slice %arg9[%dma_start3A, %dma_start3A_11] : memref<125x80xi32, #tpu.memory_space<vmem>> -> memref<1x80xi32, #tpu.memory_space<vmem>>
    %dma_start3A_13 = tpu.memref_squeeze %dma_start3A_12 : memref<1x80xi32, #tpu.memory_space<vmem>> -> memref<80xi32, #tpu.memory_space<vmem>>
    %dma_start3A_14 = arith.constant 0 : i32
    %dma_start3A_15 = arith.constant 0 : i32
    %dma_start3A_16 = tpu.memref_slice %arg2[%dma_start3A_14, %dma_start3A_15] : memref<10000x160xbf16, #tpu.memory_space<hbm>> -> memref<10000x160xbf16, #tpu.memory_space<hbm>>
    tpu.enqueue_indirect_dma source(%dma_start3A_16 : memref<10000x160xbf16, #tpu.memory_space<hbm>>) target(%dma_start3A_10 : memref<80x160xbf16, #tpu.memory_space<vmem>>) offsets(%dma_start3A_13 : memref<80xi32, #tpu.memory_space<vmem>>) semaphore(%arg16 : memref<!tpu.dma_semaphore, #tpu.memory_space<semaphore_mem>>)
    %barrier3A = arith.constant 0 : index
    tpu.barrier barrier_id(%barrier3A)
    %scan3A = arith.constant 0 : i32
    %scan3A_17 = arith.constant 0 : i32
    %scan3A_18 = arith.constant 125 : i32
    %scan3A_19 = arith.addi %scan3A_17, %scan3A_18 : i32
    %scan3A_20 = arith.constant 1 : i32
    scf.for %scan3A_54 = %scan3A_17 to %scan3A_19 step %scan3A_20  : i32 {
      %rem3A_55 = arith.constant 3 : i32
      %rem3A_56 = arith.remsi %scan3A_54, %rem3A_55 : i32
      %ge3A = arith.constant 2 : i32
      %ge3A_57 = arith.cmpi sge, %scan3A_54, %ge3A : i32
      %convert_element_type3A = arith.extui %ge3A_57 : i1 to i32
      %cond3A = arith.constant 0 : i32
      %cond3A_58 = arith.cmpi ne, %convert_element_type3A, %cond3A : i32
      scf.if %cond3A_58 {
        %sub3A = arith.constant 2 : i32
        %sub3A_185 = arith.subi %scan3A_54, %sub3A : i32
        %rem3A_186 = arith.constant 3 : i32
        %rem3A_187 = arith.remsi %sub3A_185, %rem3A_186 : i32
        %dma_wait3A_188 = arith.constant 0 : i32
        %dma_wait3A_189 = arith.constant 0 : i32
        %dma_wait3A_190 = tpu.memref_slice %arg14[%rem3A_187, %dma_wait3A_188, %dma_wait3A_189] : memref<3x80x160xbf16, #tpu.memory_space<vmem>> -> memref<1x80x160xbf16, #tpu.memory_space<vmem>>
        %dma_wait3A_191 = tpu.memref_squeeze %dma_wait3A_190 : memref<1x80x160xbf16, #tpu.memory_space<vmem>> -> memref<80x160xbf16, #tpu.memory_space<vmem>>
        %dma_wait3A_192 = arith.constant 0 : i32
        %dma_wait3A_193 = tpu.memref_slice %arg10[%sub3A_185, %dma_wait3A_192] : memref<125x80xi32, #tpu.memory_space<vmem>> -> memref<1x80xi32, #tpu.memory_space<vmem>>
        %dma_wait3A_194 = tpu.memref_squeeze %dma_wait3A_193 : memref<1x80xi32, #tpu.memory_space<vmem>> -> memref<80xi32, #tpu.memory_space<vmem>>
        %dma_wait3A_195 = arith.constant 0 : i32
        %dma_wait3A_196 = arith.constant 0 : i32
        %dma_wait3A_197 = tpu.memref_slice %arg15[%dma_wait3A_195, %dma_wait3A_196] : memref<10000x160xbf16, #tpu.memory_space<vmem_shared>> -> memref<10000x160xbf16, #tpu.memory_space<vmem_shared>>
        tpu.wait_indirect_dma semaphore(%arg17 : memref<!tpu.dma_semaphore, #tpu.memory_space<semaphore_mem>>) src(%dma_wait3A_191 : memref<80x160xbf16, #tpu.memory_space<vmem>>) dst(%dma_wait3A_197 : memref<10000x160xbf16, #tpu.memory_space<vmem_shared>>)
      } else {
      }
      %add3A_59 = arith.constant 1 : i32
      %add3A_60 = arith.addi %scan3A_54, %add3A_59 : i32
      %lt3A = arith.constant 125 : i32
      %lt3A_61 = arith.cmpi slt, %add3A_60, %lt3A : i32
      %convert_element_type3A_62 = arith.extui %lt3A_61 : i1 to i32
      %cond3A_63 = arith.constant 0 : i32
      %cond3A_64 = arith.cmpi ne, %convert_element_type3A_62, %cond3A_63 : i32
      scf.if %cond3A_64 {
        %add3A_185 = arith.constant 1 : i32
        %add3A_186 = arith.addi %scan3A_54, %add3A_185 : i32
        %rem3A_187 = arith.constant 3 : i32
        %rem3A_188 = arith.remsi %add3A_186, %rem3A_187 : i32
        %dma_start3A_189 = arith.constant 0 : i32
        %dma_start3A_190 = arith.constant 0 : i32
        %dma_start3A_191 = tpu.memref_slice %arg14[%rem3A_188, %dma_start3A_189, %dma_start3A_190] : memref<3x80x160xbf16, #tpu.memory_space<vmem>> -> memref<1x80x160xbf16, #tpu.memory_space<vmem>>
        %dma_start3A_192 = tpu.memref_squeeze %dma_start3A_191 : memref<1x80x160xbf16, #tpu.memory_space<vmem>> -> memref<80x160xbf16, #tpu.memory_space<vmem>>
        %dma_start3A_193 = arith.constant 0 : i32
        %dma_start3A_194 = tpu.memref_slice %arg9[%add3A_186, %dma_start3A_193] : memref<125x80xi32, #tpu.memory_space<vmem>> -> memref<1x80xi32, #tpu.memory_space<vmem>>
        %dma_start3A_195 = tpu.memref_squeeze %dma_start3A_194 : memref<1x80xi32, #tpu.memory_space<vmem>> -> memref<80xi32, #tpu.memory_space<vmem>>
        %dma_start3A_196 = arith.constant 0 : i32
        %dma_start3A_197 = arith.constant 0 : i32
        %dma_start3A_198 = tpu.memref_slice %arg2[%dma_start3A_196, %dma_start3A_197] : memref<10000x160xbf16, #tpu.memory_space<hbm>> -> memref<10000x160xbf16, #tpu.memory_space<hbm>>
        tpu.enqueue_indirect_dma source(%dma_start3A_198 : memref<10000x160xbf16, #tpu.memory_space<hbm>>) target(%dma_start3A_192 : memref<80x160xbf16, #tpu.memory_space<vmem>>) offsets(%dma_start3A_195 : memref<80xi32, #tpu.memory_space<vmem>>) semaphore(%arg16 : memref<!tpu.dma_semaphore, #tpu.memory_space<semaphore_mem>>)
      } else {
      }
      %rem3A_65 = arith.constant 3 : i32
      %rem3A_66 = arith.remsi %scan3A_54, %rem3A_65 : i32
      %dma_wait3A_67 = arith.constant 0 : i32
      %dma_wait3A_68 = arith.constant 0 : i32
      %dma_wait3A_69 = tpu.memref_slice %arg14[%rem3A_66, %dma_wait3A_67, %dma_wait3A_68] : memref<3x80x160xbf16, #tpu.memory_space<vmem>> -> memref<1x80x160xbf16, #tpu.memory_space<vmem>>
      %dma_wait3A_70 = tpu.memref_squeeze %dma_wait3A_69 : memref<1x80x160xbf16, #tpu.memory_space<vmem>> -> memref<80x160xbf16, #tpu.memory_space<vmem>>
      %dma_wait3A_71 = arith.constant 0 : i32
      %dma_wait3A_72 = tpu.memref_slice %arg9[%scan3A_54, %dma_wait3A_71] : memref<125x80xi32, #tpu.memory_space<vmem>> -> memref<1x80xi32, #tpu.memory_space<vmem>>
      %dma_wait3A_73 = tpu.memref_squeeze %dma_wait3A_72 : memref<1x80xi32, #tpu.memory_space<vmem>> -> memref<80xi32, #tpu.memory_space<vmem>>
      %dma_wait3A_74 = arith.constant 0 : i32
      %dma_wait3A_75 = arith.constant 0 : i32
      %dma_wait3A_76 = tpu.memref_slice %arg2[%dma_wait3A_74, %dma_wait3A_75] : memref<10000x160xbf16, #tpu.memory_space<hbm>> -> memref<10000x160xbf16, #tpu.memory_space<hbm>>
      tpu.wait_indirect_dma semaphore(%arg16 : memref<!tpu.dma_semaphore, #tpu.memory_space<semaphore_mem>>) src(%dma_wait3A_76 : memref<10000x160xbf16, #tpu.memory_space<hbm>>) dst(%dma_wait3A_70 : memref<80x160xbf16, #tpu.memory_space<vmem>>)
      %get3A = arith.index_cast %scan3A_54 : i32 to index
      %get3A_77 = arith.constant 0 : index
      %get3A_78 = tpu.vector_load %arg9[%get3A, %get3A_77] {strides = array<i32>} : memref<125x80xi32, #tpu.memory_space<vmem>>, vector<16xi32>,
      %get3A_79 = arith.index_cast %scan3A_54 : i32 to index
      %get3A_80 = arith.constant 0 : index
      %get3A_81 = tpu.vector_load %arg10[%get3A_79, %get3A_80] {strides = array<i32>} : memref<125x80xi32, #tpu.memory_space<vmem>>, vector<16xi32>,
      %gather3A = tpu.vector_load_idx %arg11[%get3A_78] : memref<10000xf32, #tpu.memory_space<vmem>>[vector<16xi32>], vector<16xf32>,
      %gather3A_82 = tpu.vector_load_idx %arg12[%get3A_81] : memref<10000xf32, #tpu.memory_space<vmem>>[vector<16xi32>], vector<16xf32>,
      %add3A_83 = arith.addf %gather3A, %gather3A_82 : vector<16xf32>
      %ge3A_84 = arith.constant 0.000000e+00 : f32
      %ge3A_85 = vector.broadcast %ge3A_84 : f32 to vector<16xf32>
      %ge3A_86 = arith.cmpf oge, %add3A_83, %ge3A_85 : vector<16xf32>
      %mul3A_87 = arith.constant 2.000000e-01 : f32
      %mul3A_88 = vector.broadcast %mul3A_87 : f32 to vector<16xf32>
      %mul3A_89 = arith.mulf %mul3A_88, %add3A_83 : vector<16xf32>
      %select_n3A = arith.select %ge3A_86, %add3A_83, %mul3A_89 : vector<16xi1>, vector<16xf32>
      %exp3A = math.exp %select_n3A : vector<16xf32>
      %swap3A = arith.constant 0 : index
      %swap3A_90 = tpu.vector_load %arg13[%swap3A] {strides = array<i32>} : memref<80xf32, #tpu.memory_space<vmem>>, vector<16xf32>,
      tpu.vector_store %arg13[%swap3A], %exp3A {strides = array<i32>} : memref<80xf32, #tpu.memory_space<vmem>>, vector<16xf32>,
      %get3A_91 = arith.index_cast %scan3A_54 : i32 to index
      %get3A_92 = arith.constant 16 : index
      %get3A_93 = tpu.vector_load %arg9[%get3A_91, %get3A_92] {strides = array<i32>} : memref<125x80xi32, #tpu.memory_space<vmem>>, vector<16xi32>,
      %get3A_94 = arith.index_cast %scan3A_54 : i32 to index
      %get3A_95 = arith.constant 16 : index
      %get3A_96 = tpu.vector_load %arg10[%get3A_94, %get3A_95] {strides = array<i32>} : memref<125x80xi32, #tpu.memory_space<vmem>>, vector<16xi32>,
      %gather3A_97 = tpu.vector_load_idx %arg11[%get3A_93] : memref<10000xf32, #tpu.memory_space<vmem>>[vector<16xi32>], vector<16xf32>,
      %gather3A_98 = tpu.vector_load_idx %arg12[%get3A_96] : memref<10000xf32, #tpu.memory_space<vmem>>[vector<16xi32>], vector<16xf32>,
      %add3A_99 = arith.addf %gather3A_97, %gather3A_98 : vector<16xf32>
      %ge3A_100 = arith.constant 0.000000e+00 : f32
      %ge3A_101 = vector.broadcast %ge3A_100 : f32 to vector<16xf32>
      %ge3A_102 = arith.cmpf oge, %add3A_99, %ge3A_101 : vector<16xf32>
      %mul3A_103 = arith.constant 2.000000e-01 : f32
      %mul3A_104 = vector.broadcast %mul3A_103 : f32 to vector<16xf32>
      %mul3A_105 = arith.mulf %mul3A_104, %add3A_99 : vector<16xf32>
      %select_n3A_106 = arith.select %ge3A_102, %add3A_99, %mul3A_105 : vector<16xi1>, vector<16xf32>
      %exp3A_107 = math.exp %select_n3A_106 : vector<16xf32>
      %swap3A_108 = arith.constant 16 : index
      %swap3A_109 = tpu.vector_load %arg13[%swap3A_108] {strides = array<i32>} : memref<80xf32, #tpu.memory_space<vmem>>, vector<16xf32>,
      tpu.vector_store %arg13[%swap3A_108], %exp3A_107 {strides = array<i32>} : memref<80xf32, #tpu.memory_space<vmem>>, vector<16xf32>,
      %get3A_110 = arith.index_cast %scan3A_54 : i32 to index
      %get3A_111 = arith.constant 32 : index
      %get3A_112 = tpu.vector_load %arg9[%get3A_110, %get3A_111] {strides = array<i32>} : memref<125x80xi32, #tpu.memory_space<vmem>>, vector<16xi32>,
      %get3A_113 = arith.index_cast %scan3A_54 : i32 to index
      %get3A_114 = arith.constant 32 : index
      %get3A_115 = tpu.vector_load %arg10[%get3A_113, %get3A_114] {strides = array<i32>} : memref<125x80xi32, #tpu.memory_space<vmem>>, vector<16xi32>,
      %gather3A_116 = tpu.vector_load_idx %arg11[%get3A_112] : memref<10000xf32, #tpu.memory_space<vmem>>[vector<16xi32>], vector<16xf32>,
      %gather3A_117 = tpu.vector_load_idx %arg12[%get3A_115] : memref<10000xf32, #tpu.memory_space<vmem>>[vector<16xi32>], vector<16xf32>,
      %add3A_118 = arith.addf %gather3A_116, %gather3A_117 : vector<16xf32>
      %ge3A_119 = arith.constant 0.000000e+00 : f32
      %ge3A_120 = vector.broadcast %ge3A_119 : f32 to vector<16xf32>
      %ge3A_121 = arith.cmpf oge, %add3A_118, %ge3A_120 : vector<16xf32>
      %mul3A_122 = arith.constant 2.000000e-01 : f32
      %mul3A_123 = vector.broadcast %mul3A_122 : f32 to vector<16xf32>
      %mul3A_124 = arith.mulf %mul3A_123, %add3A_118 : vector<16xf32>
      %select_n3A_125 = arith.select %ge3A_121, %add3A_118, %mul3A_124 : vector<16xi1>, vector<16xf32>
      %exp3A_126 = math.exp %select_n3A_125 : vector<16xf32>
      %swap3A_127 = arith.constant 32 : index
      %swap3A_128 = tpu.vector_load %arg13[%swap3A_127] {strides = array<i32>} : memref<80xf32, #tpu.memory_space<vmem>>, vector<16xf32>,
      tpu.vector_store %arg13[%swap3A_127], %exp3A_126 {strides = array<i32>} : memref<80xf32, #tpu.memory_space<vmem>>, vector<16xf32>,
      %get3A_129 = arith.index_cast %scan3A_54 : i32 to index
      %get3A_130 = arith.constant 48 : index
      %get3A_131 = tpu.vector_load %arg9[%get3A_129, %get3A_130] {strides = array<i32>} : memref<125x80xi32, #tpu.memory_space<vmem>>, vector<16xi32>,
      %get3A_132 = arith.index_cast %scan3A_54 : i32 to index
      %get3A_133 = arith.constant 48 : index
      %get3A_134 = tpu.vector_load %arg10[%get3A_132, %get3A_133] {strides = array<i32>} : memref<125x80xi32, #tpu.memory_space<vmem>>, vector<16xi32>,
      %gather3A_135 = tpu.vector_load_idx %arg11[%get3A_131] : memref<10000xf32, #tpu.memory_space<vmem>>[vector<16xi32>], vector<16xf32>,
      %gather3A_136 = tpu.vector_load_idx %arg12[%get3A_134] : memref<10000xf32, #tpu.memory_space<vmem>>[vector<16xi32>], vector<16xf32>,
      %add3A_137 = arith.addf %gather3A_135, %gather3A_136 : vector<16xf32>
      %ge3A_138 = arith.constant 0.000000e+00 : f32
      %ge3A_139 = vector.broadcast %ge3A_138 : f32 to vector<16xf32>
      %ge3A_140 = arith.cmpf oge, %add3A_137, %ge3A_139 : vector<16xf32>
      %mul3A_141 = arith.constant 2.000000e-01 : f32
      %mul3A_142 = vector.broadcast %mul3A_141 : f32 to vector<16xf32>
      %mul3A_143 = arith.mulf %mul3A_142, %add3A_137 : vector<16xf32>
      %select_n3A_144 = arith.select %ge3A_140, %add3A_137, %mul3A_143 : vector<16xi1>, vector<16xf32>
      %exp3A_145 = math.exp %select_n3A_144 : vector<16xf32>
      %swap3A_146 = arith.constant 48 : index
      %swap3A_147 = tpu.vector_load %arg13[%swap3A_146] {strides = array<i32>} : memref<80xf32, #tpu.memory_space<vmem>>, vector<16xf32>,
      tpu.vector_store %arg13[%swap3A_146], %exp3A_145 {strides = array<i32>} : memref<80xf32, #tpu.memory_space<vmem>>, vector<16xf32>,
      %get3A_148 = arith.index_cast %scan3A_54 : i32 to index
      %get3A_149 = arith.constant 64 : index
      %get3A_150 = tpu.vector_load %arg9[%get3A_148, %get3A_149] {strides = array<i32>} : memref<125x80xi32, #tpu.memory_space<vmem>>, vector<16xi32>,
      %get3A_151 = arith.index_cast %scan3A_54 : i32 to index
      %get3A_152 = arith.constant 64 : index
      %get3A_153 = tpu.vector_load %arg10[%get3A_151, %get3A_152] {strides = array<i32>} : memref<125x80xi32, #tpu.memory_space<vmem>>, vector<16xi32>,
      %gather3A_154 = tpu.vector_load_idx %arg11[%get3A_150] : memref<10000xf32, #tpu.memory_space<vmem>>[vector<16xi32>], vector<16xf32>,
      %gather3A_155 = tpu.vector_load_idx %arg12[%get3A_153] : memref<10000xf32, #tpu.memory_space<vmem>>[vector<16xi32>], vector<16xf32>,
      %add3A_156 = arith.addf %gather3A_154, %gather3A_155 : vector<16xf32>
      %ge3A_157 = arith.constant 0.000000e+00 : f32
      %ge3A_158 = vector.broadcast %ge3A_157 : f32 to vector<16xf32>
      %ge3A_159 = arith.cmpf oge, %add3A_156, %ge3A_158 : vector<16xf32>
      %mul3A_160 = arith.constant 2.000000e-01 : f32
      %mul3A_161 = vector.broadcast %mul3A_160 : f32 to vector<16xf32>
      %mul3A_162 = arith.mulf %mul3A_161, %add3A_156 : vector<16xf32>
      %select_n3A_163 = arith.select %ge3A_159, %add3A_156, %mul3A_162 : vector<16xi1>, vector<16xf32>
      %exp3A_164 = math.exp %select_n3A_163 : vector<16xf32>
      %swap3A_165 = arith.constant 64 : index
      %swap3A_166 = tpu.vector_load %arg13[%swap3A_165] {strides = array<i32>} : memref<80xf32, #tpu.memory_space<vmem>>, vector<16xf32>,
      tpu.vector_store %arg13[%swap3A_165], %exp3A_164 {strides = array<i32>} : memref<80xf32, #tpu.memory_space<vmem>>, vector<16xf32>,
      %scan3A_167 = arith.constant 0 : i32
      %scan3A_168 = arith.constant 0 : i32
      %scan3A_169 = arith.constant 20 : i32
      %scan3A_170 = arith.addi %scan3A_168, %scan3A_169 : i32
      %scan3A_171 = arith.constant 1 : i32
      scf.for %scan3A_185 = %scan3A_168 to %scan3A_170 step %scan3A_171  : i32 {
        %mul3A_186 = arith.constant 4 : i32
        %mul3A_187 = arith.muli %scan3A_185, %mul3A_186 : i32
        %add3A_188 = arith.constant 0 : i32
        %add3A_189 = arith.addi %mul3A_187, %add3A_188 : i32
        %broadcast_in_dim3A = vector.broadcast %add3A_189 : i32 to vector<16xi32>
        %gather3A_190 = tpu.vector_load_idx %arg13[%broadcast_in_dim3A] : memref<80xf32, #tpu.memory_space<vmem>>[vector<16xi32>], vector<16xf32>,
        %pack3A = tpu.pack_subelements %gather3A_190, %gather3A_190 {pack_format = #tpu.pack_format<interleaved>, positions = array<i32: 0, 1>} : vector<16xf32>, vector<16xf32> -> vector<32xbf16>
        %add3A_191 = arith.constant 0 : i32
        %add3A_192 = arith.addi %mul3A_187, %add3A_191 : i32
        %get3A_193 = arith.index_cast %rem3A_56 : i32 to index
        %get3A_194 = arith.index_cast %add3A_192 : i32 to index
        %get3A_195 = arith.constant 0 : index
        %get3A_196 = tpu.vector_load %arg14[%get3A_193, %get3A_194, %get3A_195] {strides = array<i32>} : memref<3x80x160xbf16, #tpu.memory_space<vmem>>, vector<32xbf16>,
        %mul3A_197 = arith.mulf %get3A_196, %pack3A : vector<32xbf16>
        %add3A_198 = arith.constant 0 : i32
        %add3A_199 = arith.addi %mul3A_187, %add3A_198 : i32
        %swap3A_200 = arith.index_cast %rem3A_56 : i32 to index
        %swap3A_201 = arith.index_cast %add3A_199 : i32 to index
        %swap3A_202 = arith.constant 0 : index
        %swap3A_203 = tpu.vector_load %arg14[%swap3A_200, %swap3A_201, %swap3A_202] {strides = array<i32>} : memref<3x80x160xbf16, #tpu.memory_space<vmem>>, vector<32xbf16>,
        tpu.vector_store %arg14[%swap3A_200, %swap3A_201, %swap3A_202], %mul3A_197 {strides = array<i32>} : memref<3x80x160xbf16, #tpu.memory_space<vmem>>, vector<32xbf16>,
        %add3A_204 = arith.constant 0 : i32
        %add3A_205 = arith.addi %mul3A_187, %add3A_204 : i32
        %get3A_206 = arith.index_cast %rem3A_56 : i32 to index
        %get3A_207 = arith.index_cast %add3A_205 : i32 to index
        %get3A_208 = arith.constant 32 : index
        %get3A_209 = tpu.vector_load %arg14[%get3A_206, %get3A_207, %get3A_208] {strides = array<i32>} : memref<3x80x160xbf16, #tpu.memory_space<vmem>>, vector<32xbf16>,
        %mul3A_210 = arith.mulf %get3A_209, %pack3A : vector<32xbf16>
        %add3A_211 = arith.constant 0 : i32
        %add3A_212 = arith.addi %mul3A_187, %add3A_211 : i32
        %swap3A_213 = arith.index_cast %rem3A_56 : i32 to index
        %swap3A_214 = arith.index_cast %add3A_212 : i32 to index
        %swap3A_215 = arith.constant 32 : index
        %swap3A_216 = tpu.vector_load %arg14[%swap3A_213, %swap3A_214, %swap3A_215] {strides = array<i32>} : memref<3x80x160xbf16, #tpu.memory_space<vmem>>, vector<32xbf16>,
        tpu.vector_store %arg14[%swap3A_213, %swap3A_214, %swap3A_215], %mul3A_210 {strides = array<i32>} : memref<3x80x160xbf16, #tpu.memory_space<vmem>>, vector<32xbf16>,
        %add3A_217 = arith.constant 0 : i32
        %add3A_218 = arith.addi %mul3A_187, %add3A_217 : i32
        %get3A_219 = arith.index_cast %rem3A_56 : i32 to index
        %get3A_220 = arith.index_cast %add3A_218 : i32 to index
        %get3A_221 = arith.constant 64 : index
        %get3A_222 = tpu.vector_load %arg14[%get3A_219, %get3A_220, %get3A_221] {strides = array<i32>} : memref<3x80x160xbf16, #tpu.memory_space<vmem>>, vector<32xbf16>,
        %mul3A_223 = arith.mulf %get3A_222, %pack3A : vector<32xbf16>
        %add3A_224 = arith.constant 0 : i32
        %add3A_225 = arith.addi %mul3A_187, %add3A_224 : i32
        %swap3A_226 = arith.index_cast %rem3A_56 : i32 to index
        %swap3A_227 = arith.index_cast %add3A_225 : i32 to index
        %swap3A_228 = arith.constant 64 : index
        %swap3A_229 = tpu.vector_load %arg14[%swap3A_226, %swap3A_227, %swap3A_228] {strides = array<i32>} : memref<3x80x160xbf16, #tpu.memory_space<vmem>>, vector<32xbf16>,
        tpu.vector_store %arg14[%swap3A_226, %swap3A_227, %swap3A_228], %mul3A_223 {strides = array<i32>} : memref<3x80x160xbf16, #tpu.memory_space<vmem>>, vector<32xbf16>,
        %add3A_230 = arith.constant 0 : i32
        %add3A_231 = arith.addi %mul3A_187, %add3A_230 : i32
        %get3A_232 = arith.index_cast %rem3A_56 : i32 to index
        %get3A_233 = arith.index_cast %add3A_231 : i32 to index
        %get3A_234 = arith.constant 96 : index
        %get3A_235 = tpu.vector_load %arg14[%get3A_232, %get3A_233, %get3A_234] {strides = array<i32>} : memref<3x80x160xbf16, #tpu.memory_space<vmem>>, vector<32xbf16>,
        %mul3A_236 = arith.mulf %get3A_235, %pack3A : vector<32xbf16>
        %add3A_237 = arith.constant 0 : i32
        %add3A_238 = arith.addi %mul3A_187, %add3A_237 : i32
        %swap3A_239 = arith.index_cast %rem3A_56 : i32 to index
        %swap3A_240 = arith.index_cast %add3A_238 : i32 to index
        %swap3A_241 = arith.constant 96 : index
        %swap3A_242 = tpu.vector_load %arg14[%swap3A_239, %swap3A_240, %swap3A_241] {strides = array<i32>} : memref<3x80x160xbf16, #tpu.memory_space<vmem>>, vector<32xbf16>,
        tpu.vector_store %arg14[%swap3A_239, %swap3A_240, %swap3A_241], %mul3A_236 {strides = array<i32>} : memref<3x80x160xbf16, #tpu.memory_space<vmem>>, vector<32xbf16>,
        %add3A_243 = arith.constant 0 : i32
        %add3A_244 = arith.addi %mul3A_187, %add3A_243 : i32
        %get3A_245 = arith.index_cast %rem3A_56 : i32 to index
        %get3A_246 = arith.index_cast %add3A_244 : i32 to index
        %get3A_247 = arith.constant 128 : index
        %get3A_248 = tpu.vector_load %arg14[%get3A_245, %get3A_246, %get3A_247] {strides = array<i32>} : memref<3x80x160xbf16, #tpu.memory_space<vmem>>, vector<32xbf16>,
        %mul3A_249 = arith.mulf %get3A_248, %pack3A : vector<32xbf16>
        %add3A_250 = arith.constant 0 : i32
        %add3A_251 = arith.addi %mul3A_187, %add3A_250 : i32
        %swap3A_252 = arith.index_cast %rem3A_56 : i32 to index
        %swap3A_253 = arith.index_cast %add3A_251 : i32 to index
        %swap3A_254 = arith.constant 128 : index
        %swap3A_255 = tpu.vector_load %arg14[%swap3A_252, %swap3A_253, %swap3A_254] {strides = array<i32>} : memref<3x80x160xbf16, #tpu.memory_space<vmem>>, vector<32xbf16>,
        tpu.vector_store %arg14[%swap3A_252, %swap3A_253, %swap3A_254], %mul3A_249 {strides = array<i32>} : memref<3x80x160xbf16, #tpu.memory_space<vmem>>, vector<32xbf16>,
        %add3A_256 = arith.constant 1 : i32
        %add3A_257 = arith.addi %mul3A_187, %add3A_256 : i32
        %broadcast_in_dim3A_258 = vector.broadcast %add3A_257 : i32 to vector<16xi32>
        %gather3A_259 = tpu.vector_load_idx %arg13[%broadcast_in_dim3A_258] : memref<80xf32, #tpu.memory_space<vmem>>[vector<16xi32>], vector<16xf32>,
        %pack3A_260 = tpu.pack_subelements %gather3A_259, %gather3A_259 {pack_format = #tpu.pack_format<interleaved>, positions = array<i32: 0, 1>} : vector<16xf32>, vector<16xf32> -> vector<32xbf16>
        %add3A_261 = arith.constant 1 : i32
        %add3A_262 = arith.addi %mul3A_187, %add3A_261 : i32
        %get3A_263 = arith.index_cast %rem3A_56 : i32 to index
        %get3A_264 = arith.index_cast %add3A_262 : i32 to index
        %get3A_265 = arith.constant 0 : index
        %get3A_266 = tpu.vector_load %arg14[%get3A_263, %get3A_264, %get3A_265] {strides = array<i32>} : memref<3x80x160xbf16, #tpu.memory_space<vmem>>, vector<32xbf16>,
        %mul3A_267 = arith.mulf %get3A_266, %pack3A_260 : vector<32xbf16>
        %add3A_268 = arith.constant 1 : i32
        %add3A_269 = arith.addi %mul3A_187, %add3A_268 : i32
        %swap3A_270 = arith.index_cast %rem3A_56 : i32 to index
        %swap3A_271 = arith.index_cast %add3A_269 : i32 to index
        %swap3A_272 = arith.constant 0 : index
        %swap3A_273 = tpu.vector_load %arg14[%swap3A_270, %swap3A_271, %swap3A_272] {strides = array<i32>} : memref<3x80x160xbf16, #tpu.memory_space<vmem>>, vector<32xbf16>,
        tpu.vector_store %arg14[%swap3A_270, %swap3A_271, %swap3A_272], %mul3A_267 {strides = array<i32>} : memref<3x80x160xbf16, #tpu.memory_space<vmem>>, vector<32xbf16>,
        %add3A_274 = arith.constant 1 : i32
        %add3A_275 = arith.addi %mul3A_187, %add3A_274 : i32
        %get3A_276 = arith.index_cast %rem3A_56 : i32 to index
        %get3A_277 = arith.index_cast %add3A_275 : i32 to index
        %get3A_278 = arith.constant 32 : index
        %get3A_279 = tpu.vector_load %arg14[%get3A_276, %get3A_277, %get3A_278] {strides = array<i32>} : memref<3x80x160xbf16, #tpu.memory_space<vmem>>, vector<32xbf16>,
        %mul3A_280 = arith.mulf %get3A_279, %pack3A_260 : vector<32xbf16>
        %add3A_281 = arith.constant 1 : i32
        %add3A_282 = arith.addi %mul3A_187, %add3A_281 : i32
        %swap3A_283 = arith.index_cast %rem3A_56 : i32 to index
        %swap3A_284 = arith.index_cast %add3A_282 : i32 to index
        %swap3A_285 = arith.constant 32 : index
        %swap3A_286 = tpu.vector_load %arg14[%swap3A_283, %swap3A_284, %swap3A_285] {strides = array<i32>} : memref<3x80x160xbf16, #tpu.memory_space<vmem>>, vector<32xbf16>,
        tpu.vector_store %arg14[%swap3A_283, %swap3A_284, %swap3A_285], %mul3A_280 {strides = array<i32>} : memref<3x80x160xbf16, #tpu.memory_space<vmem>>, vector<32xbf16>,
        %add3A_287 = arith.constant 1 : i32
        %add3A_288 = arith.addi %mul3A_187, %add3A_287 : i32
        %get3A_289 = arith.index_cast %rem3A_56 : i32 to index
        %get3A_290 = arith.index_cast %add3A_288 : i32 to index
        %get3A_291 = arith.constant 64 : index
        %get3A_292 = tpu.vector_load %arg14[%get3A_289, %get3A_290, %get3A_291] {strides = array<i32>} : memref<3x80x160xbf16, #tpu.memory_space<vmem>>, vector<32xbf16>,
        %mul3A_293 = arith.mulf %get3A_292, %pack3A_260 : vector<32xbf16>
        %add3A_294 = arith.constant 1 : i32
        %add3A_295 = arith.addi %mul3A_187, %add3A_294 : i32
        %swap3A_296 = arith.index_cast %rem3A_56 : i32 to index
        %swap3A_297 = arith.index_cast %add3A_295 : i32 to index
        %swap3A_298 = arith.constant 64 : index
        %swap3A_299 = tpu.vector_load %arg14[%swap3A_296, %swap3A_297, %swap3A_298] {strides = array<i32>} : memref<3x80x160xbf16, #tpu.memory_space<vmem>>, vector<32xbf16>,
        tpu.vector_store %arg14[%swap3A_296, %swap3A_297, %swap3A_298], %mul3A_293 {strides = array<i32>} : memref<3x80x160xbf16, #tpu.memory_space<vmem>>, vector<32xbf16>,
        %add3A_300 = arith.constant 1 : i32
        %add3A_301 = arith.addi %mul3A_187, %add3A_300 : i32
        %get3A_302 = arith.index_cast %rem3A_56 : i32 to index
        %get3A_303 = arith.index_cast %add3A_301 : i32 to index
        %get3A_304 = arith.constant 96 : index
        %get3A_305 = tpu.vector_load %arg14[%get3A_302, %get3A_303, %get3A_304] {strides = array<i32>} : memref<3x80x160xbf16, #tpu.memory_space<vmem>>, vector<32xbf16>,
        %mul3A_306 = arith.mulf %get3A_305, %pack3A_260 : vector<32xbf16>
        %add3A_307 = arith.constant 1 : i32
        %add3A_308 = arith.addi %mul3A_187, %add3A_307 : i32
        %swap3A_309 = arith.index_cast %rem3A_56 : i32 to index
        %swap3A_310 = arith.index_cast %add3A_308 : i32 to index
        %swap3A_311 = arith.constant 96 : index
        %swap3A_312 = tpu.vector_load %arg14[%swap3A_309, %swap3A_310, %swap3A_311] {strides = array<i32>} : memref<3x80x160xbf16, #tpu.memory_space<vmem>>, vector<32xbf16>,
        tpu.vector_store %arg14[%swap3A_309, %swap3A_310, %swap3A_311], %mul3A_306 {strides = array<i32>} : memref<3x80x160xbf16, #tpu.memory_space<vmem>>, vector<32xbf16>,
        %add3A_313 = arith.constant 1 : i32
        %add3A_314 = arith.addi %mul3A_187, %add3A_313 : i32
        %get3A_315 = arith.index_cast %rem3A_56 : i32 to index
        %get3A_316 = arith.index_cast %add3A_314 : i32 to index
        %get3A_317 = arith.constant 128 : index
        %get3A_318 = tpu.vector_load %arg14[%get3A_315, %get3A_316, %get3A_317] {strides = array<i32>} : memref<3x80x160xbf16, #tpu.memory_space<vmem>>, vector<32xbf16>,
        %mul3A_319 = arith.mulf %get3A_318, %pack3A_260 : vector<32xbf16>
        %add3A_320 = arith.constant 1 : i32
        %add3A_321 = arith.addi %mul3A_187, %add3A_320 : i32
        %swap3A_322 = arith.index_cast %rem3A_56 : i32 to index
        %swap3A_323 = arith.index_cast %add3A_321 : i32 to index
        %swap3A_324 = arith.constant 128 : index
        %swap3A_325 = tpu.vector_load %arg14[%swap3A_322, %swap3A_323, %swap3A_324] {strides = array<i32>} : memref<3x80x160xbf16, #tpu.memory_space<vmem>>, vector<32xbf16>,
        tpu.vector_store %arg14[%swap3A_322, %swap3A_323, %swap3A_324], %mul3A_319 {strides = array<i32>} : memref<3x80x160xbf16, #tpu.memory_space<vmem>>, vector<32xbf16>,
        %add3A_326 = arith.constant 2 : i32
        %add3A_327 = arith.addi %mul3A_187, %add3A_326 : i32
        %broadcast_in_dim3A_328 = vector.broadcast %add3A_327 : i32 to vector<16xi32>
        %gather3A_329 = tpu.vector_load_idx %arg13[%broadcast_in_dim3A_328] : memref<80xf32, #tpu.memory_space<vmem>>[vector<16xi32>], vector<16xf32>,
        %pack3A_330 = tpu.pack_subelements %gather3A_329, %gather3A_329 {pack_format = #tpu.pack_format<interleaved>, positions = array<i32: 0, 1>} : vector<16xf32>, vector<16xf32> -> vector<32xbf16>
        %add3A_331 = arith.constant 2 : i32
        %add3A_332 = arith.addi %mul3A_187, %add3A_331 : i32
        %get3A_333 = arith.index_cast %rem3A_56 : i32 to index
        %get3A_334 = arith.index_cast %add3A_332 : i32 to index
        %get3A_335 = arith.constant 0 : index
        %get3A_336 = tpu.vector_load %arg14[%get3A_333, %get3A_334, %get3A_335] {strides = array<i32>} : memref<3x80x160xbf16, #tpu.memory_space<vmem>>, vector<32xbf16>,
        %mul3A_337 = arith.mulf %get3A_336, %pack3A_330 : vector<32xbf16>
        %add3A_338 = arith.constant 2 : i32
        %add3A_339 = arith.addi %mul3A_187, %add3A_338 : i32
        %swap3A_340 = arith.index_cast %rem3A_56 : i32 to index
        %swap3A_341 = arith.index_cast %add3A_339 : i32 to index
        %swap3A_342 = arith.constant 0 : index
        %swap3A_343 = tpu.vector_load %arg14[%swap3A_340, %swap3A_341, %swap3A_342] {strides = array<i32>} : memref<3x80x160xbf16, #tpu.memory_space<vmem>>, vector<32xbf16>,
        tpu.vector_store %arg14[%swap3A_340, %swap3A_341, %swap3A_342], %mul3A_337 {strides = array<i32>} : memref<3x80x160xbf16, #tpu.memory_space<vmem>>, vector<32xbf16>,
        %add3A_344 = arith.constant 2 : i32
        %add3A_345 = arith.addi %mul3A_187, %add3A_344 : i32
        %get3A_346 = arith.index_cast %rem3A_56 : i32 to index
        %get3A_347 = arith.index_cast %add3A_345 : i32 to index
        %get3A_348 = arith.constant 32 : index
        %get3A_349 = tpu.vector_load %arg14[%get3A_346, %get3A_347, %get3A_348] {strides = array<i32>} : memref<3x80x160xbf16, #tpu.memory_space<vmem>>, vector<32xbf16>,
        %mul3A_350 = arith.mulf %get3A_349, %pack3A_330 : vector<32xbf16>
        %add3A_351 = arith.constant 2 : i32
        %add3A_352 = arith.addi %mul3A_187, %add3A_351 : i32
        %swap3A_353 = arith.index_cast %rem3A_56 : i32 to index
        %swap3A_354 = arith.index_cast %add3A_352 : i32 to index
        %swap3A_355 = arith.constant 32 : index
        %swap3A_356 = tpu.vector_load %arg14[%swap3A_353, %swap3A_354, %swap3A_355] {strides = array<i32>} : memref<3x80x160xbf16, #tpu.memory_space<vmem>>, vector<32xbf16>,
        tpu.vector_store %arg14[%swap3A_353, %swap3A_354, %swap3A_355], %mul3A_350 {strides = array<i32>} : memref<3x80x160xbf16, #tpu.memory_space<vmem>>, vector<32xbf16>,
        %add3A_357 = arith.constant 2 : i32
        %add3A_358 = arith.addi %mul3A_187, %add3A_357 : i32
        %get3A_359 = arith.index_cast %rem3A_56 : i32 to index
        %get3A_360 = arith.index_cast %add3A_358 : i32 to index
        %get3A_361 = arith.constant 64 : index
        %get3A_362 = tpu.vector_load %arg14[%get3A_359, %get3A_360, %get3A_361] {strides = array<i32>} : memref<3x80x160xbf16, #tpu.memory_space<vmem>>, vector<32xbf16>,
        %mul3A_363 = arith.mulf %get3A_362, %pack3A_330 : vector<32xbf16>
        %add3A_364 = arith.constant 2 : i32
        %add3A_365 = arith.addi %mul3A_187, %add3A_364 : i32
        %swap3A_366 = arith.index_cast %rem3A_56 : i32 to index
        %swap3A_367 = arith.index_cast %add3A_365 : i32 to index
        %swap3A_368 = arith.constant 64 : index
        %swap3A_369 = tpu.vector_load %arg14[%swap3A_366, %swap3A_367, %swap3A_368] {strides = array<i32>} : memref<3x80x160xbf16, #tpu.memory_space<vmem>>, vector<32xbf16>,
        tpu.vector_store %arg14[%swap3A_366, %swap3A_367, %swap3A_368], %mul3A_363 {strides = array<i32>} : memref<3x80x160xbf16, #tpu.memory_space<vmem>>, vector<32xbf16>,
        %add3A_370 = arith.constant 2 : i32
        %add3A_371 = arith.addi %mul3A_187, %add3A_370 : i32
        %get3A_372 = arith.index_cast %rem3A_56 : i32 to index
        %get3A_373 = arith.index_cast %add3A_371 : i32 to index
        %get3A_374 = arith.constant 96 : index
        %get3A_375 = tpu.vector_load %arg14[%get3A_372, %get3A_373, %get3A_374] {strides = array<i32>} : memref<3x80x160xbf16, #tpu.memory_space<vmem>>, vector<32xbf16>,
        %mul3A_376 = arith.mulf %get3A_375, %pack3A_330 : vector<32xbf16>
        %add3A_377 = arith.constant 2 : i32
        %add3A_378 = arith.addi %mul3A_187, %add3A_377 : i32
        %swap3A_379 = arith.index_cast %rem3A_56 : i32 to index
        %swap3A_380 = arith.index_cast %add3A_378 : i32 to index
        %swap3A_381 = arith.constant 96 : index
        %swap3A_382 = tpu.vector_load %arg14[%swap3A_379, %swap3A_380, %swap3A_381] {strides = array<i32>} : memref<3x80x160xbf16, #tpu.memory_space<vmem>>, vector<32xbf16>,
        tpu.vector_store %arg14[%swap3A_379, %swap3A_380, %swap3A_381], %mul3A_376 {strides = array<i32>} : memref<3x80x160xbf16, #tpu.memory_space<vmem>>, vector<32xbf16>,
        %add3A_383 = arith.constant 2 : i32
        %add3A_384 = arith.addi %mul3A_187, %add3A_383 : i32
        %get3A_385 = arith.index_cast %rem3A_56 : i32 to index
        %get3A_386 = arith.index_cast %add3A_384 : i32 to index
        %get3A_387 = arith.constant 128 : index
        %get3A_388 = tpu.vector_load %arg14[%get3A_385, %get3A_386, %get3A_387] {strides = array<i32>} : memref<3x80x160xbf16, #tpu.memory_space<vmem>>, vector<32xbf16>,
        %mul3A_389 = arith.mulf %get3A_388, %pack3A_330 : vector<32xbf16>
        %add3A_390 = arith.constant 2 : i32
        %add3A_391 = arith.addi %mul3A_187, %add3A_390 : i32
        %swap3A_392 = arith.index_cast %rem3A_56 : i32 to index
        %swap3A_393 = arith.index_cast %add3A_391 : i32 to index
        %swap3A_394 = arith.constant 128 : index
        %swap3A_395 = tpu.vector_load %arg14[%swap3A_392, %swap3A_393, %swap3A_394] {strides = array<i32>} : memref<3x80x160xbf16, #tpu.memory_space<vmem>>, vector<32xbf16>,
        tpu.vector_store %arg14[%swap3A_392, %swap3A_393, %swap3A_394], %mul3A_389 {strides = array<i32>} : memref<3x80x160xbf16, #tpu.memory_space<vmem>>, vector<32xbf16>,
        %add3A_396 = arith.constant 3 : i32
        %add3A_397 = arith.addi %mul3A_187, %add3A_396 : i32
        %broadcast_in_dim3A_398 = vector.broadcast %add3A_397 : i32 to vector<16xi32>
        %gather3A_399 = tpu.vector_load_idx %arg13[%broadcast_in_dim3A_398] : memref<80xf32, #tpu.memory_space<vmem>>[vector<16xi32>], vector<16xf32>,
        %pack3A_400 = tpu.pack_subelements %gather3A_399, %gather3A_399 {pack_format = #tpu.pack_format<interleaved>, positions = array<i32: 0, 1>} : vector<16xf32>, vector<16xf32> -> vector<32xbf16>
        %add3A_401 = arith.constant 3 : i32
        %add3A_402 = arith.addi %mul3A_187, %add3A_401 : i32
        %get3A_403 = arith.index_cast %rem3A_56 : i32 to index
        %get3A_404 = arith.index_cast %add3A_402 : i32 to index
        %get3A_405 = arith.constant 0 : index
        %get3A_406 = tpu.vector_load %arg14[%get3A_403, %get3A_404, %get3A_405] {strides = array<i32>} : memref<3x80x160xbf16, #tpu.memory_space<vmem>>, vector<32xbf16>,
        %mul3A_407 = arith.mulf %get3A_406, %pack3A_400 : vector<32xbf16>
        %add3A_408 = arith.constant 3 : i32
        %add3A_409 = arith.addi %mul3A_187, %add3A_408 : i32
        %swap3A_410 = arith.index_cast %rem3A_56 : i32 to index
        %swap3A_411 = arith.index_cast %add3A_409 : i32 to index
        %swap3A_412 = arith.constant 0 : index
        %swap3A_413 = tpu.vector_load %arg14[%swap3A_410, %swap3A_411, %swap3A_412] {strides = array<i32>} : memref<3x80x160xbf16, #tpu.memory_space<vmem>>, vector<32xbf16>,
        tpu.vector_store %arg14[%swap3A_410, %swap3A_411, %swap3A_412], %mul3A_407 {strides = array<i32>} : memref<3x80x160xbf16, #tpu.memory_space<vmem>>, vector<32xbf16>,
        %add3A_414 = arith.constant 3 : i32
        %add3A_415 = arith.addi %mul3A_187, %add3A_414 : i32
        %get3A_416 = arith.index_cast %rem3A_56 : i32 to index
        %get3A_417 = arith.index_cast %add3A_415 : i32 to index
        %get3A_418 = arith.constant 32 : index
        %get3A_419 = tpu.vector_load %arg14[%get3A_416, %get3A_417, %get3A_418] {strides = array<i32>} : memref<3x80x160xbf16, #tpu.memory_space<vmem>>, vector<32xbf16>,
        %mul3A_420 = arith.mulf %get3A_419, %pack3A_400 : vector<32xbf16>
        %add3A_421 = arith.constant 3 : i32
        %add3A_422 = arith.addi %mul3A_187, %add3A_421 : i32
        %swap3A_423 = arith.index_cast %rem3A_56 : i32 to index
        %swap3A_424 = arith.index_cast %add3A_422 : i32 to index
        %swap3A_425 = arith.constant 32 : index
        %swap3A_426 = tpu.vector_load %arg14[%swap3A_423, %swap3A_424, %swap3A_425] {strides = array<i32>} : memref<3x80x160xbf16, #tpu.memory_space<vmem>>, vector<32xbf16>,
        tpu.vector_store %arg14[%swap3A_423, %swap3A_424, %swap3A_425], %mul3A_420 {strides = array<i32>} : memref<3x80x160xbf16, #tpu.memory_space<vmem>>, vector<32xbf16>,
        %add3A_427 = arith.constant 3 : i32
        %add3A_428 = arith.addi %mul3A_187, %add3A_427 : i32
        %get3A_429 = arith.index_cast %rem3A_56 : i32 to index
        %get3A_430 = arith.index_cast %add3A_428 : i32 to index
        %get3A_431 = arith.constant 64 : index
        %get3A_432 = tpu.vector_load %arg14[%get3A_429, %get3A_430, %get3A_431] {strides = array<i32>} : memref<3x80x160xbf16, #tpu.memory_space<vmem>>, vector<32xbf16>,
        %mul3A_433 = arith.mulf %get3A_432, %pack3A_400 : vector<32xbf16>
        %add3A_434 = arith.constant 3 : i32
        %add3A_435 = arith.addi %mul3A_187, %add3A_434 : i32
        %swap3A_436 = arith.index_cast %rem3A_56 : i32 to index
        %swap3A_437 = arith.index_cast %add3A_435 : i32 to index
        %swap3A_438 = arith.constant 64 : index
        %swap3A_439 = tpu.vector_load %arg14[%swap3A_436, %swap3A_437, %swap3A_438] {strides = array<i32>} : memref<3x80x160xbf16, #tpu.memory_space<vmem>>, vector<32xbf16>,
        tpu.vector_store %arg14[%swap3A_436, %swap3A_437, %swap3A_438], %mul3A_433 {strides = array<i32>} : memref<3x80x160xbf16, #tpu.memory_space<vmem>>, vector<32xbf16>,
        %add3A_440 = arith.constant 3 : i32
        %add3A_441 = arith.addi %mul3A_187, %add3A_440 : i32
        %get3A_442 = arith.index_cast %rem3A_56 : i32 to index
        %get3A_443 = arith.index_cast %add3A_441 : i32 to index
        %get3A_444 = arith.constant 96 : index
        %get3A_445 = tpu.vector_load %arg14[%get3A_442, %get3A_443, %get3A_444] {strides = array<i32>} : memref<3x80x160xbf16, #tpu.memory_space<vmem>>, vector<32xbf16>,
        %mul3A_446 = arith.mulf %get3A_445, %pack3A_400 : vector<32xbf16>
        %add3A_447 = arith.constant 3 : i32
        %add3A_448 = arith.addi %mul3A_187, %add3A_447 : i32
        %swap3A_449 = arith.index_cast %rem3A_56 : i32 to index
        %swap3A_450 = arith.index_cast %add3A_448 : i32 to index
        %swap3A_451 = arith.constant 96 : index
        %swap3A_452 = tpu.vector_load %arg14[%swap3A_449, %swap3A_450, %swap3A_451] {strides = array<i32>} : memref<3x80x160xbf16, #tpu.memory_space<vmem>>, vector<32xbf16>,
        tpu.vector_store %arg14[%swap3A_449, %swap3A_450, %swap3A_451], %mul3A_446 {strides = array<i32>} : memref<3x80x160xbf16, #tpu.memory_space<vmem>>, vector<32xbf16>,
        %add3A_453 = arith.constant 3 : i32
        %add3A_454 = arith.addi %mul3A_187, %add3A_453 : i32
        %get3A_455 = arith.index_cast %rem3A_56 : i32 to index
        %get3A_456 = arith.index_cast %add3A_454 : i32 to index
        %get3A_457 = arith.constant 128 : index
        %get3A_458 = tpu.vector_load %arg14[%get3A_455, %get3A_456, %get3A_457] {strides = array<i32>} : memref<3x80x160xbf16, #tpu.memory_space<vmem>>, vector<32xbf16>,
        %mul3A_459 = arith.mulf %get3A_458, %pack3A_400 : vector<32xbf16>
        %add3A_460 = arith.constant 3 : i32
        %add3A_461 = arith.addi %mul3A_187, %add3A_460 : i32
        %swap3A_462 = arith.index_cast %rem3A_56 : i32 to index
        %swap3A_463 = arith.index_cast %add3A_461 : i32 to index
        %swap3A_464 = arith.constant 128 : index
        %swap3A_465 = tpu.vector_load %arg14[%swap3A_462, %swap3A_463, %swap3A_464] {strides = array<i32>} : memref<3x80x160xbf16, #tpu.memory_space<vmem>>, vector<32xbf16>,
        tpu.vector_store %arg14[%swap3A_462, %swap3A_463, %swap3A_464], %mul3A_459 {strides = array<i32>} : memref<3x80x160xbf16, #tpu.memory_space<vmem>>, vector<32xbf16>,
      }
      %scan3A_172 = arith.constant 20 : i32
      %rem3A_173 = arith.constant 3 : i32
      %rem3A_174 = arith.remsi %scan3A_54, %rem3A_173 : i32
      %dma_start3A_175 = arith.constant 0 : i32
      %dma_start3A_176 = arith.constant 0 : i32
      %dma_start3A_177 = tpu.memref_slice %arg14[%rem3A_174, %dma_start3A_175, %dma_start3A_176] : memref<3x80x160xbf16, #tpu.memory_space<vmem>> -> memref<1x80x160xbf16, #tpu.memory_space<vmem>>
      %dma_start3A_178 = tpu.memref_squeeze %dma_start3A_177 : memref<1x80x160xbf16, #tpu.memory_space<vmem>> -> memref<80x160xbf16, #tpu.memory_space<vmem>>
      %dma_start3A_179 = arith.constant 0 : i32
      %dma_start3A_180 = tpu.memref_slice %arg10[%scan3A_54, %dma_start3A_179] : memref<125x80xi32, #tpu.memory_space<vmem>> -> memref<1x80xi32, #tpu.memory_space<vmem>>
      %dma_start3A_181 = tpu.memref_squeeze %dma_start3A_180 : memref<1x80xi32, #tpu.memory_space<vmem>> -> memref<80xi32, #tpu.memory_space<vmem>>
      %dma_start3A_182 = arith.constant 0 : i32
      %dma_start3A_183 = arith.constant 0 : i32
      %dma_start3A_184 = tpu.memref_slice %arg15[%dma_start3A_182, %dma_start3A_183] : memref<10000x160xbf16, #tpu.memory_space<vmem_shared>> -> memref<10000x160xbf16, #tpu.memory_space<vmem_shared>>
      tpu.enqueue_indirect_dma source(%dma_start3A_178 : memref<80x160xbf16, #tpu.memory_space<vmem>>) target(%dma_start3A_184 : memref<10000x160xbf16, #tpu.memory_space<vmem_shared>>) offsets(%dma_start3A_181 : memref<80xi32, #tpu.memory_space<vmem>>) semaphore(%arg17 : memref<!tpu.dma_semaphore, #tpu.memory_space<semaphore_mem>>) {add = true}
    }
    %scan3A_21 = arith.constant 125 : i32
    %rem3A_22 = arith.constant 123 : i32
    %rem3A_23 = arith.constant 3 : i32
    %rem3A_24 = arith.remsi %rem3A_22, %rem3A_23 : i32
    %dma_wait3A = arith.constant 123 : i32
    %dma_wait3A_25 = arith.constant 0 : i32
    %dma_wait3A_26 = arith.constant 0 : i32
    %dma_wait3A_27 = tpu.memref_slice %arg14[%rem3A_24, %dma_wait3A_25, %dma_wait3A_26] : memref<3x80x160xbf16, #tpu.memory_space<vmem>> -> memref<1x80x160xbf16, #tpu.memory_space<vmem>>
    %dma_wait3A_28 = tpu.memref_squeeze %dma_wait3A_27 : memref<1x80x160xbf16, #tpu.memory_space<vmem>> -> memref<80x160xbf16, #tpu.memory_space<vmem>>
    %dma_wait3A_29 = arith.constant 0 : i32
    %dma_wait3A_30 = tpu.memref_slice %arg10[%dma_wait3A, %dma_wait3A_29] : memref<125x80xi32, #tpu.memory_space<vmem>> -> memref<1x80xi32, #tpu.memory_space<vmem>>
    %dma_wait3A_31 = tpu.memref_squeeze %dma_wait3A_30 : memref<1x80xi32, #tpu.memory_space<vmem>> -> memref<80xi32, #tpu.memory_space<vmem>>
    %dma_wait3A_32 = arith.constant 0 : i32
    %dma_wait3A_33 = arith.constant 0 : i32
    %dma_wait3A_34 = tpu.memref_slice %arg15[%dma_wait3A_32, %dma_wait3A_33] : memref<10000x160xbf16, #tpu.memory_space<vmem_shared>> -> memref<10000x160xbf16, #tpu.memory_space<vmem_shared>>
    tpu.wait_indirect_dma semaphore(%arg17 : memref<!tpu.dma_semaphore, #tpu.memory_space<semaphore_mem>>) src(%dma_wait3A_28 : memref<80x160xbf16, #tpu.memory_space<vmem>>) dst(%dma_wait3A_34 : memref<10000x160xbf16, #tpu.memory_space<vmem_shared>>)
    %rem3A_35 = arith.constant 124 : i32
    %rem3A_36 = arith.constant 3 : i32
    %rem3A_37 = arith.remsi %rem3A_35, %rem3A_36 : i32
    %dma_wait3A_38 = arith.constant 124 : i32
    %dma_wait3A_39 = arith.constant 0 : i32
    %dma_wait3A_40 = arith.constant 0 : i32
    %dma_wait3A_41 = tpu.memref_slice %arg14[%rem3A_37, %dma_wait3A_39, %dma_wait3A_40] : memref<3x80x160xbf16, #tpu.memory_space<vmem>> -> memref<1x80x160xbf16, #tpu.memory_space<vmem>>
    %dma_wait3A_42 = tpu.memref_squeeze %dma_wait3A_41 : memref<1x80x160xbf16, #tpu.memory_space<vmem>> -> memref<80x160xbf16, #tpu.memory_space<vmem>>
    %dma_wait3A_43 = arith.constant 0 : i32
    %dma_wait3A_44 = tpu.memref_slice %arg10[%dma_wait3A_38, %dma_wait3A_43] : memref<125x80xi32, #tpu.memory_space<vmem>> -> memref<1x80xi32, #tpu.memory_space<vmem>>
    %dma_wait3A_45 = tpu.memref_squeeze %dma_wait3A_44 : memref<1x80xi32, #tpu.memory_space<vmem>> -> memref<80xi32, #tpu.memory_space<vmem>>
    %dma_wait3A_46 = arith.constant 0 : i32
    %dma_wait3A_47 = arith.constant 0 : i32
    %dma_wait3A_48 = tpu.memref_slice %arg15[%dma_wait3A_46, %dma_wait3A_47] : memref<10000x160xbf16, #tpu.memory_space<vmem_shared>> -> memref<10000x160xbf16, #tpu.memory_space<vmem_shared>>
    tpu.wait_indirect_dma semaphore(%arg17 : memref<!tpu.dma_semaphore, #tpu.memory_space<semaphore_mem>>) src(%dma_wait3A_42 : memref<80x160xbf16, #tpu.memory_space<vmem>>) dst(%dma_wait3A_48 : memref<10000x160xbf16, #tpu.memory_space<vmem_shared>>)
    %barrier3A_49 = arith.constant 0 : index
    tpu.barrier barrier_id(%barrier3A_49)
    %mul3A_50 = arith.constant 625 : i32
    %mul3A_51 = arith.muli %arg1, %mul3A_50 : i32
    %mul3A_52 = arith.constant 625 : i32
    %mul3A_53 = arith.muli %arg1, %mul3A_52 : i32
    "tpu.region"() ({
      %run_scoped3A = tpu.sem_alloc : memref<!tpu.dma_semaphore, #tpu.memory_space<semaphore_mem>>
      %dma_start3A_54 = arith.constant 0 : i32
      %dma_start3A_55 = tpu.memref_slice %arg8[%arg0, %mul3A_53, %dma_start3A_54] : memref<2x10000x160xbf16, #tpu.memory_space<hbm>> -> memref<1x625x160xbf16, #tpu.memory_space<hbm>>
      %dma_start3A_56 = tpu.memref_squeeze %dma_start3A_55 : memref<1x625x160xbf16, #tpu.memory_space<hbm>> -> memref<625x160xbf16, #tpu.memory_space<hbm>>
      %dma_start3A_57 = arith.constant 0 : i32
      %dma_start3A_58 = tpu.memref_slice %arg15[%mul3A_51, %dma_start3A_57] : memref<10000x160xbf16, #tpu.memory_space<vmem_shared>> -> memref<625x160xbf16, #tpu.memory_space<vmem_shared>>
      tpu.enqueue_dma source(%dma_start3A_58 : memref<625x160xbf16, #tpu.memory_space<vmem_shared>>) target(%dma_start3A_56 : memref<625x160xbf16, #tpu.memory_space<hbm>>) target_semaphore(%run_scoped3A : memref<!tpu.dma_semaphore, #tpu.memory_space<semaphore_mem>>)
      %dma_wait3A_59 = arith.constant 0 : i32
      %dma_wait3A_60 = tpu.memref_slice %arg8[%arg0, %mul3A_53, %dma_wait3A_59] : memref<2x10000x160xbf16, #tpu.memory_space<hbm>> -> memref<1x625x160xbf16, #tpu.memory_space<hbm>>
      %dma_wait3A_61 = tpu.memref_squeeze %dma_wait3A_60 : memref<1x625x160xbf16, #tpu.memory_space<hbm>> -> memref<625x160xbf16, #tpu.memory_space<hbm>>
      %dma_wait3A_62 = arith.constant 0 : i32
      %dma_wait3A_63 = tpu.memref_slice %arg15[%mul3A_51, %dma_wait3A_62] : memref<10000x160xbf16, #tpu.memory_space<vmem_shared>> -> memref<625x160xbf16, #tpu.memory_space<vmem_shared>>
      tpu.wait_dma2 semaphore(%run_scoped3A : memref<!tpu.dma_semaphore, #tpu.memory_space<semaphore_mem>>) src(%dma_wait3A_63 : memref<625x160xbf16, #tpu.memory_space<vmem_shared>>) dst(%dma_wait3A_61 : memref<625x160xbf16, #tpu.memory_space<hbm>>)
      tpu.yield
    }) : () -> ()
    return
  }
}

#map = affine_map<(d0, d1) -> (0, 0)>
#map1 = affine_map<(d0, d1) -> (0)>
#map2 = affine_map<(d0, d1) -> (0, 0, 0)>
module attributes {stable_mosaic.version = 14 : i64} {
  func.func @_gat_agg(%arg0: i32, %arg1: i32, %arg2: memref<10000x160xbf16, #tpu.memory_space<hbm>>, %arg3: memref<10000xf32, #tpu.memory_space<hbm>>, %arg4: memref<10000xf32, #tpu.memory_space<hbm>>, %arg5: memref<32x125x80xi32, #tpu.memory_space<hbm>>, %arg6: memref<32x125x80xi32, #tpu.memory_space<hbm>>, %arg7: memref<10000x160xbf16, #tpu.memory_space<hbm>>, %arg8: memref<2x10000x160xbf16, #tpu.memory_space<hbm>>, %arg9: memref<125x80xi32, #tpu.memory_space<vmem>>, %arg10: memref<125x80xi32, #tpu.memory_space<vmem>>, %arg11: memref<10000xf32, #tpu.memory_space<vmem>>, %arg12: memref<10000xf32, #tpu.memory_space<vmem>>, %arg13: memref<80xf32, #tpu.memory_space<vmem>>, %arg14: memref<3x80x160xbf16, #tpu.memory_space<vmem>>, %arg15: memref<10000x160xbf16, #tpu.memory_space<vmem_shared>>, %arg16: memref<!tpu.dma_semaphore, #tpu.memory_space<semaphore_mem>>, %arg17: memref<!tpu.dma_semaphore, #tpu.memory_space<semaphore_mem>>) attributes {dimension_semantics = [#tpu.dimension_semantics<core_parallel>, #tpu.dimension_semantics<subcore_parallel>], iteration_bounds = array<i64: 2, 16>, scalar_prefetch = 0 : i64, scratch_operands = 9 : i64, tpu.core_type = #tpu.core_type<sc_vector_subcore>, window_params = [{transform_indices = #map}, {transform_indices = #map1}, {transform_indices = #map1}, {transform_indices = #map2}, {transform_indices = #map2}, {transform_indices = #map}, {transform_indices = #map2}]} {
    %mul3A = arith.constant 2 : i32
    %mul3A_0 = arith.muli %arg1, %mul3A : i32
    %add3A = arith.addi %mul3A_0, %arg0 : i32
    %mul3A_1 = arith.constant 625 : i32
    %mul3A_2 = arith.muli %arg1, %mul3A_1 : i32
    %mul3A_3 = arith.constant 625 : i32
    %mul3A_4 = arith.muli %arg1, %mul3A_3 : i32
    "tpu.region"() ({
      %run_scoped3A = tpu.sem_alloc : memref<!tpu.dma_semaphore, #tpu.memory_space<semaphore_mem>>
      %dma_start3A_54 = arith.constant 0 : i32
      %dma_start3A_55 = tpu.memref_slice %arg15[%mul3A_4, %dma_start3A_54] : memref<10000x160xbf16, #tpu.memory_space<vmem_shared>> -> memref<625x160xbf16, #tpu.memory_space<vmem_shared>>
      %dma_start3A_56 = arith.constant 0 : i32
      %dma_start3A_57 = tpu.memref_slice %arg7[%mul3A_2, %dma_start3A_56] : memref<10000x160xbf16, #tpu.memory_space<hbm>> -> memref<625x160xbf16, #tpu.memory_space<hbm>>
      tpu.enqueue_dma source(%dma_start3A_57 : memref<625x160xbf16, #tpu.memory_space<hbm>>) target(%dma_start3A_55 : memref<625x160xbf16, #tpu.memory_space<vmem_shared>>) target_semaphore(%run_scoped3A : memref<!tpu.dma_semaphore, #tpu.memory_space<semaphore_mem>>)
      %dma_wait3A_58 = arith.constant 0 : i32
      %dma_wait3A_59 = tpu.memref_slice %arg15[%mul3A_4, %dma_wait3A_58] : memref<10000x160xbf16, #tpu.memory_space<vmem_shared>> -> memref<625x160xbf16, #tpu.memory_space<vmem_shared>>
      %dma_wait3A_60 = arith.constant 0 : i32
      %dma_wait3A_61 = tpu.memref_slice %arg7[%mul3A_2, %dma_wait3A_60] : memref<10000x160xbf16, #tpu.memory_space<hbm>> -> memref<625x160xbf16, #tpu.memory_space<hbm>>
      tpu.wait_dma2 semaphore(%run_scoped3A : memref<!tpu.dma_semaphore, #tpu.memory_space<semaphore_mem>>) src(%dma_wait3A_61 : memref<625x160xbf16, #tpu.memory_space<hbm>>) dst(%dma_wait3A_59 : memref<625x160xbf16, #tpu.memory_space<vmem_shared>>)
      tpu.yield
    }) : () -> ()
    "tpu.region"() ({
      %run_scoped3A = tpu.sem_alloc : memref<!tpu.dma_semaphore, #tpu.memory_space<semaphore_mem>>
      %dma_start3A_54 = arith.constant 0 : i32
      %dma_start3A_55 = arith.constant 0 : i32
      %dma_start3A_56 = tpu.memref_slice %arg5[%add3A, %dma_start3A_54, %dma_start3A_55] : memref<32x125x80xi32, #tpu.memory_space<hbm>> -> memref<1x125x80xi32, #tpu.memory_space<hbm>>
      %dma_start3A_57 = tpu.memref_squeeze %dma_start3A_56 : memref<1x125x80xi32, #tpu.memory_space<hbm>> -> memref<125x80xi32, #tpu.memory_space<hbm>>
      %dma_start3A_58 = arith.constant 0 : i32
      %dma_start3A_59 = arith.constant 0 : i32
      %dma_start3A_60 = tpu.memref_slice %arg5[%add3A, %dma_start3A_58, %dma_start3A_59] : memref<32x125x80xi32, #tpu.memory_space<hbm>> -> memref<1x125x80xi32, #tpu.memory_space<hbm>>
      %dma_start3A_61 = tpu.memref_squeeze %dma_start3A_60 : memref<1x125x80xi32, #tpu.memory_space<hbm>> -> memref<125x80xi32, #tpu.memory_space<hbm>>
      tpu.enqueue_dma source(%dma_start3A_61 : memref<125x80xi32, #tpu.memory_space<hbm>>) target(%arg9 : memref<125x80xi32, #tpu.memory_space<vmem>>) target_semaphore(%run_scoped3A : memref<!tpu.dma_semaphore, #tpu.memory_space<semaphore_mem>>)
      %dma_wait3A_62 = arith.constant 0 : i32
      %dma_wait3A_63 = arith.constant 0 : i32
      %dma_wait3A_64 = tpu.memref_slice %arg5[%add3A, %dma_wait3A_62, %dma_wait3A_63] : memref<32x125x80xi32, #tpu.memory_space<hbm>> -> memref<1x125x80xi32, #tpu.memory_space<hbm>>
      %dma_wait3A_65 = tpu.memref_squeeze %dma_wait3A_64 : memref<1x125x80xi32, #tpu.memory_space<hbm>> -> memref<125x80xi32, #tpu.memory_space<hbm>>
      %dma_wait3A_66 = arith.constant 0 : i32
      %dma_wait3A_67 = arith.constant 0 : i32
      %dma_wait3A_68 = tpu.memref_slice %arg5[%add3A, %dma_wait3A_66, %dma_wait3A_67] : memref<32x125x80xi32, #tpu.memory_space<hbm>> -> memref<1x125x80xi32, #tpu.memory_space<hbm>>
      %dma_wait3A_69 = tpu.memref_squeeze %dma_wait3A_68 : memref<1x125x80xi32, #tpu.memory_space<hbm>> -> memref<125x80xi32, #tpu.memory_space<hbm>>
      tpu.wait_dma2 semaphore(%run_scoped3A : memref<!tpu.dma_semaphore, #tpu.memory_space<semaphore_mem>>) src(%dma_wait3A_69 : memref<125x80xi32, #tpu.memory_space<hbm>>) dst(%arg9 : memref<125x80xi32, #tpu.memory_space<vmem>>)
      tpu.yield
    }) : () -> ()
    "tpu.region"() ({
      %run_scoped3A = tpu.sem_alloc : memref<!tpu.dma_semaphore, #tpu.memory_space<semaphore_mem>>
      %dma_start3A_54 = arith.constant 0 : i32
      %dma_start3A_55 = arith.constant 0 : i32
      %dma_start3A_56 = tpu.memref_slice %arg6[%add3A, %dma_start3A_54, %dma_start3A_55] : memref<32x125x80xi32, #tpu.memory_space<hbm>> -> memref<1x125x80xi32, #tpu.memory_space<hbm>>
      %dma_start3A_57 = tpu.memref_squeeze %dma_start3A_56 : memref<1x125x80xi32, #tpu.memory_space<hbm>> -> memref<125x80xi32, #tpu.memory_space<hbm>>
      %dma_start3A_58 = arith.constant 0 : i32
      %dma_start3A_59 = arith.constant 0 : i32
      %dma_start3A_60 = tpu.memref_slice %arg6[%add3A, %dma_start3A_58, %dma_start3A_59] : memref<32x125x80xi32, #tpu.memory_space<hbm>> -> memref<1x125x80xi32, #tpu.memory_space<hbm>>
      %dma_start3A_61 = tpu.memref_squeeze %dma_start3A_60 : memref<1x125x80xi32, #tpu.memory_space<hbm>> -> memref<125x80xi32, #tpu.memory_space<hbm>>
      tpu.enqueue_dma source(%dma_start3A_61 : memref<125x80xi32, #tpu.memory_space<hbm>>) target(%arg10 : memref<125x80xi32, #tpu.memory_space<vmem>>) target_semaphore(%run_scoped3A : memref<!tpu.dma_semaphore, #tpu.memory_space<semaphore_mem>>)
      %dma_wait3A_62 = arith.constant 0 : i32
      %dma_wait3A_63 = arith.constant 0 : i32
      %dma_wait3A_64 = tpu.memref_slice %arg6[%add3A, %dma_wait3A_62, %dma_wait3A_63] : memref<32x125x80xi32, #tpu.memory_space<hbm>> -> memref<1x125x80xi32, #tpu.memory_space<hbm>>
      %dma_wait3A_65 = tpu.memref_squeeze %dma_wait3A_64 : memref<1x125x80xi32, #tpu.memory_space<hbm>> -> memref<125x80xi32, #tpu.memory_space<hbm>>
      %dma_wait3A_66 = arith.constant 0 : i32
      %dma_wait3A_67 = arith.constant 0 : i32
      %dma_wait3A_68 = tpu.memref_slice %arg6[%add3A, %dma_wait3A_66, %dma_wait3A_67] : memref<32x125x80xi32, #tpu.memory_space<hbm>> -> memref<1x125x80xi32, #tpu.memory_space<hbm>>
      %dma_wait3A_69 = tpu.memref_squeeze %dma_wait3A_68 : memref<1x125x80xi32, #tpu.memory_space<hbm>> -> memref<125x80xi32, #tpu.memory_space<hbm>>
      tpu.wait_dma2 semaphore(%run_scoped3A : memref<!tpu.dma_semaphore, #tpu.memory_space<semaphore_mem>>) src(%dma_wait3A_69 : memref<125x80xi32, #tpu.memory_space<hbm>>) dst(%arg10 : memref<125x80xi32, #tpu.memory_space<vmem>>)
      tpu.yield
    }) : () -> ()
    "tpu.region"() ({
      %run_scoped3A = tpu.sem_alloc : memref<!tpu.dma_semaphore, #tpu.memory_space<semaphore_mem>>
      tpu.enqueue_dma source(%arg3 : memref<10000xf32, #tpu.memory_space<hbm>>) target(%arg11 : memref<10000xf32, #tpu.memory_space<vmem>>) target_semaphore(%run_scoped3A : memref<!tpu.dma_semaphore, #tpu.memory_space<semaphore_mem>>)
      tpu.wait_dma2 semaphore(%run_scoped3A : memref<!tpu.dma_semaphore, #tpu.memory_space<semaphore_mem>>) src(%arg3 : memref<10000xf32, #tpu.memory_space<hbm>>) dst(%arg11 : memref<10000xf32, #tpu.memory_space<vmem>>)
      tpu.yield
    }) : () -> ()
    "tpu.region"() ({
      %run_scoped3A = tpu.sem_alloc : memref<!tpu.dma_semaphore, #tpu.memory_space<semaphore_mem>>
      tpu.enqueue_dma source(%arg4 : memref<10000xf32, #tpu.memory_space<hbm>>) target(%arg12 : memref<10000xf32, #tpu.memory_space<vmem>>) target_semaphore(%run_scoped3A : memref<!tpu.dma_semaphore, #tpu.memory_space<semaphore_mem>>)
      tpu.wait_dma2 semaphore(%run_scoped3A : memref<!tpu.dma_semaphore, #tpu.memory_space<semaphore_mem>>) src(%arg4 : memref<10000xf32, #tpu.memory_space<hbm>>) dst(%arg12 : memref<10000xf32, #tpu.memory_space<vmem>>)
      tpu.yield
    }) : () -> ()
    %rem3A = arith.constant 0 : i32
    %rem3A_5 = arith.constant 3 : i32
    %rem3A_6 = arith.remsi %rem3A, %rem3A_5 : i32
    %dma_start3A = arith.constant 0 : i32
    %dma_start3A_7 = arith.constant 0 : i32
    %dma_start3A_8 = arith.constant 0 : i32
    %dma_start3A_9 = tpu.memref_slice %arg14[%rem3A_6, %dma_start3A_7, %dma_start3A_8] : memref<3x80x160xbf16, #tpu.memory_space<vmem>> -> memref<1x80x160xbf16, #tpu.memory_space<vmem>>
    %dma_start3A_10 = tpu.memref_squeeze %dma_start3A_9 : memref<1x80x160xbf16, #tpu.memory_space<vmem>> -> memref<80x160xbf16, #tpu.memory_space<vmem>>
    %dma_start3A_11 = arith.constant 0 : i32
    %dma_start3A_12 = tpu.memref_slice %arg9[%dma_start3A, %dma_start3A_11] : memref<125x80xi32, #tpu.memory_space<vmem>> -> memref<1x80xi32, #tpu.memory_space<vmem>>
    %dma_start3A_13 = tpu.memref_squeeze %dma_start3A_12 : memref<1x80xi32, #tpu.memory_space<vmem>> -> memref<80xi32, #tpu.memory_space<vmem>>
    %dma_start3A_14 = arith.constant 0 : i32
    %dma_start3A_15 = arith.constant 0 : i32
    %dma_start3A_16 = tpu.memref_slice %arg2[%dma_start3A_14, %dma_start3A_15] : memref<10000x160xbf16, #tpu.memory_space<hbm>> -> memref<10000x160xbf16, #tpu.memory_space<hbm>>
    tpu.enqueue_indirect_dma source(%dma_start3A_16 : memref<10000x160xbf16, #tpu.memory_space<hbm>>) target(%dma_start3A_10 : memref<80x160xbf16, #tpu.memory_space<vmem>>) offsets(%dma_start3A_13 : memref<80xi32, #tpu.memory_space<vmem>>) semaphore(%arg16 : memref<!tpu.dma_semaphore, #tpu.memory_space<semaphore_mem>>)
    %barrier3A = arith.constant 0 : index
    tpu.barrier barrier_id(%barrier3A)
    %scan3A = arith.constant 0 : i32
    %scan3A_17 = arith.constant 0 : i32
    %scan3A_18 = arith.constant 125 : i32
    %scan3A_19 = arith.addi %scan3A_17, %scan3A_18 : i32
    %scan3A_20 = arith.constant 1 : i32
    scf.for %scan3A_54 = %scan3A_17 to %scan3A_19 step %scan3A_20  : i32 {
      %rem3A_55 = arith.constant 3 : i32
      %rem3A_56 = arith.remsi %scan3A_54, %rem3A_55 : i32
      %ge3A = arith.constant 2 : i32
      %ge3A_57 = arith.cmpi sge, %scan3A_54, %ge3A : i32
      %convert_element_type3A = arith.extui %ge3A_57 : i1 to i32
      %cond3A = arith.constant 0 : i32
      %cond3A_58 = arith.cmpi ne, %convert_element_type3A, %cond3A : i32
      scf.if %cond3A_58 {
        %sub3A = arith.constant 2 : i32
        %sub3A_185 = arith.subi %scan3A_54, %sub3A : i32
        %rem3A_186 = arith.constant 3 : i32
        %rem3A_187 = arith.remsi %sub3A_185, %rem3A_186 : i32
        %dma_wait3A_188 = arith.constant 0 : i32
        %dma_wait3A_189 = arith.constant 0 : i32
        %dma_wait3A_190 = tpu.memref_slice %arg14[%rem3A_187, %dma_wait3A_188, %dma_wait3A_189] : memref<3x80x160xbf16, #tpu.memory_space<vmem>> -> memref<1x80x160xbf16, #tpu.memory_space<vmem>>
        %dma_wait3A_191 = tpu.memref_squeeze %dma_wait3A_190 : memref<1x80x160xbf16, #tpu.memory_space<vmem>> -> memref<80x160xbf16, #tpu.memory_space<vmem>>
        %dma_wait3A_192 = arith.constant 0 : i32
        %dma_wait3A_193 = tpu.memref_slice %arg10[%sub3A_185, %dma_wait3A_192] : memref<125x80xi32, #tpu.memory_space<vmem>> -> memref<1x80xi32, #tpu.memory_space<vmem>>
        %dma_wait3A_194 = tpu.memref_squeeze %dma_wait3A_193 : memref<1x80xi32, #tpu.memory_space<vmem>> -> memref<80xi32, #tpu.memory_space<vmem>>
        %dma_wait3A_195 = arith.constant 0 : i32
        %dma_wait3A_196 = arith.constant 0 : i32
        %dma_wait3A_197 = tpu.memref_slice %arg15[%dma_wait3A_195, %dma_wait3A_196] : memref<10000x160xbf16, #tpu.memory_space<vmem_shared>> -> memref<10000x160xbf16, #tpu.memory_space<vmem_shared>>
        tpu.wait_indirect_dma semaphore(%arg17 : memref<!tpu.dma_semaphore, #tpu.memory_space<semaphore_mem>>) src(%dma_wait3A_191 : memref<80x160xbf16, #tpu.memory_space<vmem>>) dst(%dma_wait3A_197 : memref<10000x160xbf16, #tpu.memory_space<vmem_shared>>)
      } else {
      }
      %add3A_59 = arith.constant 1 : i32
      %add3A_60 = arith.addi %scan3A_54, %add3A_59 : i32
      %lt3A = arith.constant 125 : i32
      %lt3A_61 = arith.cmpi slt, %add3A_60, %lt3A : i32
      %convert_element_type3A_62 = arith.extui %lt3A_61 : i1 to i32
      %cond3A_63 = arith.constant 0 : i32
      %cond3A_64 = arith.cmpi ne, %convert_element_type3A_62, %cond3A_63 : i32
      scf.if %cond3A_64 {
        %add3A_185 = arith.constant 1 : i32
        %add3A_186 = arith.addi %scan3A_54, %add3A_185 : i32
        %rem3A_187 = arith.constant 3 : i32
        %rem3A_188 = arith.remsi %add3A_186, %rem3A_187 : i32
        %dma_start3A_189 = arith.constant 0 : i32
        %dma_start3A_190 = arith.constant 0 : i32
        %dma_start3A_191 = tpu.memref_slice %arg14[%rem3A_188, %dma_start3A_189, %dma_start3A_190] : memref<3x80x160xbf16, #tpu.memory_space<vmem>> -> memref<1x80x160xbf16, #tpu.memory_space<vmem>>
        %dma_start3A_192 = tpu.memref_squeeze %dma_start3A_191 : memref<1x80x160xbf16, #tpu.memory_space<vmem>> -> memref<80x160xbf16, #tpu.memory_space<vmem>>
        %dma_start3A_193 = arith.constant 0 : i32
        %dma_start3A_194 = tpu.memref_slice %arg9[%add3A_186, %dma_start3A_193] : memref<125x80xi32, #tpu.memory_space<vmem>> -> memref<1x80xi32, #tpu.memory_space<vmem>>
        %dma_start3A_195 = tpu.memref_squeeze %dma_start3A_194 : memref<1x80xi32, #tpu.memory_space<vmem>> -> memref<80xi32, #tpu.memory_space<vmem>>
        %dma_start3A_196 = arith.constant 0 : i32
        %dma_start3A_197 = arith.constant 0 : i32
        %dma_start3A_198 = tpu.memref_slice %arg2[%dma_start3A_196, %dma_start3A_197] : memref<10000x160xbf16, #tpu.memory_space<hbm>> -> memref<10000x160xbf16, #tpu.memory_space<hbm>>
        tpu.enqueue_indirect_dma source(%dma_start3A_198 : memref<10000x160xbf16, #tpu.memory_space<hbm>>) target(%dma_start3A_192 : memref<80x160xbf16, #tpu.memory_space<vmem>>) offsets(%dma_start3A_195 : memref<80xi32, #tpu.memory_space<vmem>>) semaphore(%arg16 : memref<!tpu.dma_semaphore, #tpu.memory_space<semaphore_mem>>)
      } else {
      }
      %rem3A_65 = arith.constant 3 : i32
      %rem3A_66 = arith.remsi %scan3A_54, %rem3A_65 : i32
      %dma_wait3A_67 = arith.constant 0 : i32
      %dma_wait3A_68 = arith.constant 0 : i32
      %dma_wait3A_69 = tpu.memref_slice %arg14[%rem3A_66, %dma_wait3A_67, %dma_wait3A_68] : memref<3x80x160xbf16, #tpu.memory_space<vmem>> -> memref<1x80x160xbf16, #tpu.memory_space<vmem>>
      %dma_wait3A_70 = tpu.memref_squeeze %dma_wait3A_69 : memref<1x80x160xbf16, #tpu.memory_space<vmem>> -> memref<80x160xbf16, #tpu.memory_space<vmem>>
      %dma_wait3A_71 = arith.constant 0 : i32
      %dma_wait3A_72 = tpu.memref_slice %arg9[%scan3A_54, %dma_wait3A_71] : memref<125x80xi32, #tpu.memory_space<vmem>> -> memref<1x80xi32, #tpu.memory_space<vmem>>
      %dma_wait3A_73 = tpu.memref_squeeze %dma_wait3A_72 : memref<1x80xi32, #tpu.memory_space<vmem>> -> memref<80xi32, #tpu.memory_space<vmem>>
      %dma_wait3A_74 = arith.constant 0 : i32
      %dma_wait3A_75 = arith.constant 0 : i32
      %dma_wait3A_76 = tpu.memref_slice %arg2[%dma_wait3A_74, %dma_wait3A_75] : memref<10000x160xbf16, #tpu.memory_space<hbm>> -> memref<10000x160xbf16, #tpu.memory_space<hbm>>
      tpu.wait_indirect_dma semaphore(%arg16 : memref<!tpu.dma_semaphore, #tpu.memory_space<semaphore_mem>>) src(%dma_wait3A_76 : memref<10000x160xbf16, #tpu.memory_space<hbm>>) dst(%dma_wait3A_70 : memref<80x160xbf16, #tpu.memory_space<vmem>>)
      %get3A = arith.index_cast %scan3A_54 : i32 to index
      %get3A_77 = arith.constant 0 : index
      %get3A_78 = tpu.vector_load %arg9[%get3A, %get3A_77] {strides = array<i32>} : memref<125x80xi32, #tpu.memory_space<vmem>>, vector<16xi32>,
      %get3A_79 = arith.index_cast %scan3A_54 : i32 to index
      %get3A_80 = arith.constant 0 : index
      %get3A_81 = tpu.vector_load %arg10[%get3A_79, %get3A_80] {strides = array<i32>} : memref<125x80xi32, #tpu.memory_space<vmem>>, vector<16xi32>,
      %gather3A = tpu.vector_load_idx %arg11[%get3A_78] : memref<10000xf32, #tpu.memory_space<vmem>>[vector<16xi32>], vector<16xf32>,
      %gather3A_82 = tpu.vector_load_idx %arg12[%get3A_81] : memref<10000xf32, #tpu.memory_space<vmem>>[vector<16xi32>], vector<16xf32>,
      %add3A_83 = arith.addf %gather3A, %gather3A_82 : vector<16xf32>
      %ge3A_84 = arith.constant 0.000000e+00 : f32
      %ge3A_85 = vector.broadcast %ge3A_84 : f32 to vector<16xf32>
      %ge3A_86 = arith.cmpf oge, %add3A_83, %ge3A_85 : vector<16xf32>
      %mul3A_87 = arith.constant 2.000000e-01 : f32
      %mul3A_88 = vector.broadcast %mul3A_87 : f32 to vector<16xf32>
      %mul3A_89 = arith.mulf %mul3A_88, %add3A_83 : vector<16xf32>
      %select_n3A = arith.select %ge3A_86, %add3A_83, %mul3A_89 : vector<16xi1>, vector<16xf32>
      %exp3A = math.exp %select_n3A : vector<16xf32>
      %swap3A = arith.constant 0 : index
      %swap3A_90 = tpu.vector_load %arg13[%swap3A] {strides = array<i32>} : memref<80xf32, #tpu.memory_space<vmem>>, vector<16xf32>,
      tpu.vector_store %arg13[%swap3A], %exp3A {strides = array<i32>} : memref<80xf32, #tpu.memory_space<vmem>>, vector<16xf32>,
      %get3A_91 = arith.index_cast %scan3A_54 : i32 to index
      %get3A_92 = arith.constant 16 : index
      %get3A_93 = tpu.vector_load %arg9[%get3A_91, %get3A_92] {strides = array<i32>} : memref<125x80xi32, #tpu.memory_space<vmem>>, vector<16xi32>,
      %get3A_94 = arith.index_cast %scan3A_54 : i32 to index
      %get3A_95 = arith.constant 16 : index
      %get3A_96 = tpu.vector_load %arg10[%get3A_94, %get3A_95] {strides = array<i32>} : memref<125x80xi32, #tpu.memory_space<vmem>>, vector<16xi32>,
      %gather3A_97 = tpu.vector_load_idx %arg11[%get3A_93] : memref<10000xf32, #tpu.memory_space<vmem>>[vector<16xi32>], vector<16xf32>,
      %gather3A_98 = tpu.vector_load_idx %arg12[%get3A_96] : memref<10000xf32, #tpu.memory_space<vmem>>[vector<16xi32>], vector<16xf32>,
      %add3A_99 = arith.addf %gather3A_97, %gather3A_98 : vector<16xf32>
      %ge3A_100 = arith.constant 0.000000e+00 : f32
      %ge3A_101 = vector.broadcast %ge3A_100 : f32 to vector<16xf32>
      %ge3A_102 = arith.cmpf oge, %add3A_99, %ge3A_101 : vector<16xf32>
      %mul3A_103 = arith.constant 2.000000e-01 : f32
      %mul3A_104 = vector.broadcast %mul3A_103 : f32 to vector<16xf32>
      %mul3A_105 = arith.mulf %mul3A_104, %add3A_99 : vector<16xf32>
      %select_n3A_106 = arith.select %ge3A_102, %add3A_99, %mul3A_105 : vector<16xi1>, vector<16xf32>
      %exp3A_107 = math.exp %select_n3A_106 : vector<16xf32>
      %swap3A_108 = arith.constant 16 : index
      %swap3A_109 = tpu.vector_load %arg13[%swap3A_108] {strides = array<i32>} : memref<80xf32, #tpu.memory_space<vmem>>, vector<16xf32>,
      tpu.vector_store %arg13[%swap3A_108], %exp3A_107 {strides = array<i32>} : memref<80xf32, #tpu.memory_space<vmem>>, vector<16xf32>,
      %get3A_110 = arith.index_cast %scan3A_54 : i32 to index
      %get3A_111 = arith.constant 32 : index
      %get3A_112 = tpu.vector_load %arg9[%get3A_110, %get3A_111] {strides = array<i32>} : memref<125x80xi32, #tpu.memory_space<vmem>>, vector<16xi32>,
      %get3A_113 = arith.index_cast %scan3A_54 : i32 to index
      %get3A_114 = arith.constant 32 : index
      %get3A_115 = tpu.vector_load %arg10[%get3A_113, %get3A_114] {strides = array<i32>} : memref<125x80xi32, #tpu.memory_space<vmem>>, vector<16xi32>,
      %gather3A_116 = tpu.vector_load_idx %arg11[%get3A_112] : memref<10000xf32, #tpu.memory_space<vmem>>[vector<16xi32>], vector<16xf32>,
      %gather3A_117 = tpu.vector_load_idx %arg12[%get3A_115] : memref<10000xf32, #tpu.memory_space<vmem>>[vector<16xi32>], vector<16xf32>,
      %add3A_118 = arith.addf %gather3A_116, %gather3A_117 : vector<16xf32>
      %ge3A_119 = arith.constant 0.000000e+00 : f32
      %ge3A_120 = vector.broadcast %ge3A_119 : f32 to vector<16xf32>
      %ge3A_121 = arith.cmpf oge, %add3A_118, %ge3A_120 : vector<16xf32>
      %mul3A_122 = arith.constant 2.000000e-01 : f32
      %mul3A_123 = vector.broadcast %mul3A_122 : f32 to vector<16xf32>
      %mul3A_124 = arith.mulf %mul3A_123, %add3A_118 : vector<16xf32>
      %select_n3A_125 = arith.select %ge3A_121, %add3A_118, %mul3A_124 : vector<16xi1>, vector<16xf32>
      %exp3A_126 = math.exp %select_n3A_125 : vector<16xf32>
      %swap3A_127 = arith.constant 32 : index
      %swap3A_128 = tpu.vector_load %arg13[%swap3A_127] {strides = array<i32>} : memref<80xf32, #tpu.memory_space<vmem>>, vector<16xf32>,
      tpu.vector_store %arg13[%swap3A_127], %exp3A_126 {strides = array<i32>} : memref<80xf32, #tpu.memory_space<vmem>>, vector<16xf32>,
      %get3A_129 = arith.index_cast %scan3A_54 : i32 to index
      %get3A_130 = arith.constant 48 : index
      %get3A_131 = tpu.vector_load %arg9[%get3A_129, %get3A_130] {strides = array<i32>} : memref<125x80xi32, #tpu.memory_space<vmem>>, vector<16xi32>,
      %get3A_132 = arith.index_cast %scan3A_54 : i32 to index
      %get3A_133 = arith.constant 48 : index
      %get3A_134 = tpu.vector_load %arg10[%get3A_132, %get3A_133] {strides = array<i32>} : memref<125x80xi32, #tpu.memory_space<vmem>>, vector<16xi32>,
      %gather3A_135 = tpu.vector_load_idx %arg11[%get3A_131] : memref<10000xf32, #tpu.memory_space<vmem>>[vector<16xi32>], vector<16xf32>,
      %gather3A_136 = tpu.vector_load_idx %arg12[%get3A_134] : memref<10000xf32, #tpu.memory_space<vmem>>[vector<16xi32>], vector<16xf32>,
      %add3A_137 = arith.addf %gather3A_135, %gather3A_136 : vector<16xf32>
      %ge3A_138 = arith.constant 0.000000e+00 : f32
      %ge3A_139 = vector.broadcast %ge3A_138 : f32 to vector<16xf32>
      %ge3A_140 = arith.cmpf oge, %add3A_137, %ge3A_139 : vector<16xf32>
      %mul3A_141 = arith.constant 2.000000e-01 : f32
      %mul3A_142 = vector.broadcast %mul3A_141 : f32 to vector<16xf32>
      %mul3A_143 = arith.mulf %mul3A_142, %add3A_137 : vector<16xf32>
      %select_n3A_144 = arith.select %ge3A_140, %add3A_137, %mul3A_143 : vector<16xi1>, vector<16xf32>
      %exp3A_145 = math.exp %select_n3A_144 : vector<16xf32>
      %swap3A_146 = arith.constant 48 : index
      %swap3A_147 = tpu.vector_load %arg13[%swap3A_146] {strides = array<i32>} : memref<80xf32, #tpu.memory_space<vmem>>, vector<16xf32>,
      tpu.vector_store %arg13[%swap3A_146], %exp3A_145 {strides = array<i32>} : memref<80xf32, #tpu.memory_space<vmem>>, vector<16xf32>,
      %get3A_148 = arith.index_cast %scan3A_54 : i32 to index
      %get3A_149 = arith.constant 64 : index
      %get3A_150 = tpu.vector_load %arg9[%get3A_148, %get3A_149] {strides = array<i32>} : memref<125x80xi32, #tpu.memory_space<vmem>>, vector<16xi32>,
      %get3A_151 = arith.index_cast %scan3A_54 : i32 to index
      %get3A_152 = arith.constant 64 : index
      %get3A_153 = tpu.vector_load %arg10[%get3A_151, %get3A_152] {strides = array<i32>} : memref<125x80xi32, #tpu.memory_space<vmem>>, vector<16xi32>,
      %gather3A_154 = tpu.vector_load_idx %arg11[%get3A_150] : memref<10000xf32, #tpu.memory_space<vmem>>[vector<16xi32>], vector<16xf32>,
      %gather3A_155 = tpu.vector_load_idx %arg12[%get3A_153] : memref<10000xf32, #tpu.memory_space<vmem>>[vector<16xi32>], vector<16xf32>,
      %add3A_156 = arith.addf %gather3A_154, %gather3A_155 : vector<16xf32>
      %ge3A_157 = arith.constant 0.000000e+00 : f32
      %ge3A_158 = vector.broadcast %ge3A_157 : f32 to vector<16xf32>
      %ge3A_159 = arith.cmpf oge, %add3A_156, %ge3A_158 : vector<16xf32>
      %mul3A_160 = arith.constant 2.000000e-01 : f32
      %mul3A_161 = vector.broadcast %mul3A_160 : f32 to vector<16xf32>
      %mul3A_162 = arith.mulf %mul3A_161, %add3A_156 : vector<16xf32>
      %select_n3A_163 = arith.select %ge3A_159, %add3A_156, %mul3A_162 : vector<16xi1>, vector<16xf32>
      %exp3A_164 = math.exp %select_n3A_163 : vector<16xf32>
      %swap3A_165 = arith.constant 64 : index
      %swap3A_166 = tpu.vector_load %arg13[%swap3A_165] {strides = array<i32>} : memref<80xf32, #tpu.memory_space<vmem>>, vector<16xf32>,
      tpu.vector_store %arg13[%swap3A_165], %exp3A_164 {strides = array<i32>} : memref<80xf32, #tpu.memory_space<vmem>>, vector<16xf32>,
      %scan3A_167 = arith.constant 0 : i32
      %scan3A_168 = arith.constant 0 : i32
      %scan3A_169 = arith.constant 20 : i32
      %scan3A_170 = arith.addi %scan3A_168, %scan3A_169 : i32
      %scan3A_171 = arith.constant 1 : i32
      scf.for %scan3A_185 = %scan3A_168 to %scan3A_170 step %scan3A_171  : i32 {
        %mul3A_186 = arith.constant 4 : i32
        %mul3A_187 = arith.muli %scan3A_185, %mul3A_186 : i32
        %add3A_188 = arith.constant 0 : i32
        %add3A_189 = arith.addi %mul3A_187, %add3A_188 : i32
        %broadcast_in_dim3A = vector.broadcast %add3A_189 : i32 to vector<16xi32>
        %gather3A_190 = tpu.vector_load_idx %arg13[%broadcast_in_dim3A] : memref<80xf32, #tpu.memory_space<vmem>>[vector<16xi32>], vector<16xf32>,
        %pack3A = tpu.pack_subelements %gather3A_190, %gather3A_190 {pack_format = #tpu.pack_format<interleaved>, positions = array<i32: 0, 1>} : vector<16xf32>, vector<16xf32> -> vector<32xbf16>
        %add3A_191 = arith.constant 0 : i32
        %add3A_192 = arith.addi %mul3A_187, %add3A_191 : i32
        %get3A_193 = arith.index_cast %rem3A_56 : i32 to index
        %get3A_194 = arith.index_cast %add3A_192 : i32 to index
        %get3A_195 = arith.constant 0 : index
        %get3A_196 = tpu.vector_load %arg14[%get3A_193, %get3A_194, %get3A_195] {strides = array<i32>} : memref<3x80x160xbf16, #tpu.memory_space<vmem>>, vector<32xbf16>,
        %mul3A_197 = arith.mulf %get3A_196, %pack3A : vector<32xbf16>
        %add3A_198 = arith.constant 0 : i32
        %add3A_199 = arith.addi %mul3A_187, %add3A_198 : i32
        %swap3A_200 = arith.index_cast %rem3A_56 : i32 to index
        %swap3A_201 = arith.index_cast %add3A_199 : i32 to index
        %swap3A_202 = arith.constant 0 : index
        %swap3A_203 = tpu.vector_load %arg14[%swap3A_200, %swap3A_201, %swap3A_202] {strides = array<i32>} : memref<3x80x160xbf16, #tpu.memory_space<vmem>>, vector<32xbf16>,
        tpu.vector_store %arg14[%swap3A_200, %swap3A_201, %swap3A_202], %mul3A_197 {strides = array<i32>} : memref<3x80x160xbf16, #tpu.memory_space<vmem>>, vector<32xbf16>,
        %add3A_204 = arith.constant 0 : i32
        %add3A_205 = arith.addi %mul3A_187, %add3A_204 : i32
        %get3A_206 = arith.index_cast %rem3A_56 : i32 to index
        %get3A_207 = arith.index_cast %add3A_205 : i32 to index
        %get3A_208 = arith.constant 32 : index
        %get3A_209 = tpu.vector_load %arg14[%get3A_206, %get3A_207, %get3A_208] {strides = array<i32>} : memref<3x80x160xbf16, #tpu.memory_space<vmem>>, vector<32xbf16>,
        %mul3A_210 = arith.mulf %get3A_209, %pack3A : vector<32xbf16>
        %add3A_211 = arith.constant 0 : i32
        %add3A_212 = arith.addi %mul3A_187, %add3A_211 : i32
        %swap3A_213 = arith.index_cast %rem3A_56 : i32 to index
        %swap3A_214 = arith.index_cast %add3A_212 : i32 to index
        %swap3A_215 = arith.constant 32 : index
        %swap3A_216 = tpu.vector_load %arg14[%swap3A_213, %swap3A_214, %swap3A_215] {strides = array<i32>} : memref<3x80x160xbf16, #tpu.memory_space<vmem>>, vector<32xbf16>,
        tpu.vector_store %arg14[%swap3A_213, %swap3A_214, %swap3A_215], %mul3A_210 {strides = array<i32>} : memref<3x80x160xbf16, #tpu.memory_space<vmem>>, vector<32xbf16>,
        %add3A_217 = arith.constant 0 : i32
        %add3A_218 = arith.addi %mul3A_187, %add3A_217 : i32
        %get3A_219 = arith.index_cast %rem3A_56 : i32 to index
        %get3A_220 = arith.index_cast %add3A_218 : i32 to index
        %get3A_221 = arith.constant 64 : index
        %get3A_222 = tpu.vector_load %arg14[%get3A_219, %get3A_220, %get3A_221] {strides = array<i32>} : memref<3x80x160xbf16, #tpu.memory_space<vmem>>, vector<32xbf16>,
        %mul3A_223 = arith.mulf %get3A_222, %pack3A : vector<32xbf16>
        %add3A_224 = arith.constant 0 : i32
        %add3A_225 = arith.addi %mul3A_187, %add3A_224 : i32
        %swap3A_226 = arith.index_cast %rem3A_56 : i32 to index
        %swap3A_227 = arith.index_cast %add3A_225 : i32 to index
        %swap3A_228 = arith.constant 64 : index
        %swap3A_229 = tpu.vector_load %arg14[%swap3A_226, %swap3A_227, %swap3A_228] {strides = array<i32>} : memref<3x80x160xbf16, #tpu.memory_space<vmem>>, vector<32xbf16>,
        tpu.vector_store %arg14[%swap3A_226, %swap3A_227, %swap3A_228], %mul3A_223 {strides = array<i32>} : memref<3x80x160xbf16, #tpu.memory_space<vmem>>, vector<32xbf16>,
        %add3A_230 = arith.constant 0 : i32
        %add3A_231 = arith.addi %mul3A_187, %add3A_230 : i32
        %get3A_232 = arith.index_cast %rem3A_56 : i32 to index
        %get3A_233 = arith.index_cast %add3A_231 : i32 to index
        %get3A_234 = arith.constant 96 : index
        %get3A_235 = tpu.vector_load %arg14[%get3A_232, %get3A_233, %get3A_234] {strides = array<i32>} : memref<3x80x160xbf16, #tpu.memory_space<vmem>>, vector<32xbf16>,
        %mul3A_236 = arith.mulf %get3A_235, %pack3A : vector<32xbf16>
        %add3A_237 = arith.constant 0 : i32
        %add3A_238 = arith.addi %mul3A_187, %add3A_237 : i32
        %swap3A_239 = arith.index_cast %rem3A_56 : i32 to index
        %swap3A_240 = arith.index_cast %add3A_238 : i32 to index
        %swap3A_241 = arith.constant 96 : index
        %swap3A_242 = tpu.vector_load %arg14[%swap3A_239, %swap3A_240, %swap3A_241] {strides = array<i32>} : memref<3x80x160xbf16, #tpu.memory_space<vmem>>, vector<32xbf16>,
        tpu.vector_store %arg14[%swap3A_239, %swap3A_240, %swap3A_241], %mul3A_236 {strides = array<i32>} : memref<3x80x160xbf16, #tpu.memory_space<vmem>>, vector<32xbf16>,
        %add3A_243 = arith.constant 0 : i32
        %add3A_244 = arith.addi %mul3A_187, %add3A_243 : i32
        %get3A_245 = arith.index_cast %rem3A_56 : i32 to index
        %get3A_246 = arith.index_cast %add3A_244 : i32 to index
        %get3A_247 = arith.constant 128 : index
        %get3A_248 = tpu.vector_load %arg14[%get3A_245, %get3A_246, %get3A_247] {strides = array<i32>} : memref<3x80x160xbf16, #tpu.memory_space<vmem>>, vector<32xbf16>,
        %mul3A_249 = arith.mulf %get3A_248, %pack3A : vector<32xbf16>
        %add3A_250 = arith.constant 0 : i32
        %add3A_251 = arith.addi %mul3A_187, %add3A_250 : i32
        %swap3A_252 = arith.index_cast %rem3A_56 : i32 to index
        %swap3A_253 = arith.index_cast %add3A_251 : i32 to index
        %swap3A_254 = arith.constant 128 : index
        %swap3A_255 = tpu.vector_load %arg14[%swap3A_252, %swap3A_253, %swap3A_254] {strides = array<i32>} : memref<3x80x160xbf16, #tpu.memory_space<vmem>>, vector<32xbf16>,
        tpu.vector_store %arg14[%swap3A_252, %swap3A_253, %swap3A_254], %mul3A_249 {strides = array<i32>} : memref<3x80x160xbf16, #tpu.memory_space<vmem>>, vector<32xbf16>,
        %add3A_256 = arith.constant 1 : i32
        %add3A_257 = arith.addi %mul3A_187, %add3A_256 : i32
        %broadcast_in_dim3A_258 = vector.broadcast %add3A_257 : i32 to vector<16xi32>
        %gather3A_259 = tpu.vector_load_idx %arg13[%broadcast_in_dim3A_258] : memref<80xf32, #tpu.memory_space<vmem>>[vector<16xi32>], vector<16xf32>,
        %pack3A_260 = tpu.pack_subelements %gather3A_259, %gather3A_259 {pack_format = #tpu.pack_format<interleaved>, positions = array<i32: 0, 1>} : vector<16xf32>, vector<16xf32> -> vector<32xbf16>
        %add3A_261 = arith.constant 1 : i32
        %add3A_262 = arith.addi %mul3A_187, %add3A_261 : i32
        %get3A_263 = arith.index_cast %rem3A_56 : i32 to index
        %get3A_264 = arith.index_cast %add3A_262 : i32 to index
        %get3A_265 = arith.constant 0 : index
        %get3A_266 = tpu.vector_load %arg14[%get3A_263, %get3A_264, %get3A_265] {strides = array<i32>} : memref<3x80x160xbf16, #tpu.memory_space<vmem>>, vector<32xbf16>,
        %mul3A_267 = arith.mulf %get3A_266, %pack3A_260 : vector<32xbf16>
        %add3A_268 = arith.constant 1 : i32
        %add3A_269 = arith.addi %mul3A_187, %add3A_268 : i32
        %swap3A_270 = arith.index_cast %rem3A_56 : i32 to index
        %swap3A_271 = arith.index_cast %add3A_269 : i32 to index
        %swap3A_272 = arith.constant 0 : index
        %swap3A_273 = tpu.vector_load %arg14[%swap3A_270, %swap3A_271, %swap3A_272] {strides = array<i32>} : memref<3x80x160xbf16, #tpu.memory_space<vmem>>, vector<32xbf16>,
        tpu.vector_store %arg14[%swap3A_270, %swap3A_271, %swap3A_272], %mul3A_267 {strides = array<i32>} : memref<3x80x160xbf16, #tpu.memory_space<vmem>>, vector<32xbf16>,
        %add3A_274 = arith.constant 1 : i32
        %add3A_275 = arith.addi %mul3A_187, %add3A_274 : i32
        %get3A_276 = arith.index_cast %rem3A_56 : i32 to index
        %get3A_277 = arith.index_cast %add3A_275 : i32 to index
        %get3A_278 = arith.constant 32 : index
        %get3A_279 = tpu.vector_load %arg14[%get3A_276, %get3A_277, %get3A_278] {strides = array<i32>} : memref<3x80x160xbf16, #tpu.memory_space<vmem>>, vector<32xbf16>,
        %mul3A_280 = arith.mulf %get3A_279, %pack3A_260 : vector<32xbf16>
        %add3A_281 = arith.constant 1 : i32
        %add3A_282 = arith.addi %mul3A_187, %add3A_281 : i32
        %swap3A_283 = arith.index_cast %rem3A_56 : i32 to index
        %swap3A_284 = arith.index_cast %add3A_282 : i32 to index
        %swap3A_285 = arith.constant 32 : index
        %swap3A_286 = tpu.vector_load %arg14[%swap3A_283, %swap3A_284, %swap3A_285] {strides = array<i32>} : memref<3x80x160xbf16, #tpu.memory_space<vmem>>, vector<32xbf16>,
        tpu.vector_store %arg14[%swap3A_283, %swap3A_284, %swap3A_285], %mul3A_280 {strides = array<i32>} : memref<3x80x160xbf16, #tpu.memory_space<vmem>>, vector<32xbf16>,
        %add3A_287 = arith.constant 1 : i32
        %add3A_288 = arith.addi %mul3A_187, %add3A_287 : i32
        %get3A_289 = arith.index_cast %rem3A_56 : i32 to index
        %get3A_290 = arith.index_cast %add3A_288 : i32 to index
        %get3A_291 = arith.constant 64 : index
        %get3A_292 = tpu.vector_load %arg14[%get3A_289, %get3A_290, %get3A_291] {strides = array<i32>} : memref<3x80x160xbf16, #tpu.memory_space<vmem>>, vector<32xbf16>,
        %mul3A_293 = arith.mulf %get3A_292, %pack3A_260 : vector<32xbf16>
        %add3A_294 = arith.constant 1 : i32
        %add3A_295 = arith.addi %mul3A_187, %add3A_294 : i32
        %swap3A_296 = arith.index_cast %rem3A_56 : i32 to index
        %swap3A_297 = arith.index_cast %add3A_295 : i32 to index
        %swap3A_298 = arith.constant 64 : index
        %swap3A_299 = tpu.vector_load %arg14[%swap3A_296, %swap3A_297, %swap3A_298] {strides = array<i32>} : memref<3x80x160xbf16, #tpu.memory_space<vmem>>, vector<32xbf16>,
        tpu.vector_store %arg14[%swap3A_296, %swap3A_297, %swap3A_298], %mul3A_293 {strides = array<i32>} : memref<3x80x160xbf16, #tpu.memory_space<vmem>>, vector<32xbf16>,
        %add3A_300 = arith.constant 1 : i32
        %add3A_301 = arith.addi %mul3A_187, %add3A_300 : i32
        %get3A_302 = arith.index_cast %rem3A_56 : i32 to index
        %get3A_303 = arith.index_cast %add3A_301 : i32 to index
        %get3A_304 = arith.constant 96 : index
        %get3A_305 = tpu.vector_load %arg14[%get3A_302, %get3A_303, %get3A_304] {strides = array<i32>} : memref<3x80x160xbf16, #tpu.memory_space<vmem>>, vector<32xbf16>,
        %mul3A_306 = arith.mulf %get3A_305, %pack3A_260 : vector<32xbf16>
        %add3A_307 = arith.constant 1 : i32
        %add3A_308 = arith.addi %mul3A_187, %add3A_307 : i32
        %swap3A_309 = arith.index_cast %rem3A_56 : i32 to index
        %swap3A_310 = arith.index_cast %add3A_308 : i32 to index
        %swap3A_311 = arith.constant 96 : index
        %swap3A_312 = tpu.vector_load %arg14[%swap3A_309, %swap3A_310, %swap3A_311] {strides = array<i32>} : memref<3x80x160xbf16, #tpu.memory_space<vmem>>, vector<32xbf16>,
        tpu.vector_store %arg14[%swap3A_309, %swap3A_310, %swap3A_311], %mul3A_306 {strides = array<i32>} : memref<3x80x160xbf16, #tpu.memory_space<vmem>>, vector<32xbf16>,
        %add3A_313 = arith.constant 1 : i32
        %add3A_314 = arith.addi %mul3A_187, %add3A_313 : i32
        %get3A_315 = arith.index_cast %rem3A_56 : i32 to index
        %get3A_316 = arith.index_cast %add3A_314 : i32 to index
        %get3A_317 = arith.constant 128 : index
        %get3A_318 = tpu.vector_load %arg14[%get3A_315, %get3A_316, %get3A_317] {strides = array<i32>} : memref<3x80x160xbf16, #tpu.memory_space<vmem>>, vector<32xbf16>,
        %mul3A_319 = arith.mulf %get3A_318, %pack3A_260 : vector<32xbf16>
        %add3A_320 = arith.constant 1 : i32
        %add3A_321 = arith.addi %mul3A_187, %add3A_320 : i32
        %swap3A_322 = arith.index_cast %rem3A_56 : i32 to index
        %swap3A_323 = arith.index_cast %add3A_321 : i32 to index
        %swap3A_324 = arith.constant 128 : index
        %swap3A_325 = tpu.vector_load %arg14[%swap3A_322, %swap3A_323, %swap3A_324] {strides = array<i32>} : memref<3x80x160xbf16, #tpu.memory_space<vmem>>, vector<32xbf16>,
        tpu.vector_store %arg14[%swap3A_322, %swap3A_323, %swap3A_324], %mul3A_319 {strides = array<i32>} : memref<3x80x160xbf16, #tpu.memory_space<vmem>>, vector<32xbf16>,
        %add3A_326 = arith.constant 2 : i32
        %add3A_327 = arith.addi %mul3A_187, %add3A_326 : i32
        %broadcast_in_dim3A_328 = vector.broadcast %add3A_327 : i32 to vector<16xi32>
        %gather3A_329 = tpu.vector_load_idx %arg13[%broadcast_in_dim3A_328] : memref<80xf32, #tpu.memory_space<vmem>>[vector<16xi32>], vector<16xf32>,
        %pack3A_330 = tpu.pack_subelements %gather3A_329, %gather3A_329 {pack_format = #tpu.pack_format<interleaved>, positions = array<i32: 0, 1>} : vector<16xf32>, vector<16xf32> -> vector<32xbf16>
        %add3A_331 = arith.constant 2 : i32
        %add3A_332 = arith.addi %mul3A_187, %add3A_331 : i32
        %get3A_333 = arith.index_cast %rem3A_56 : i32 to index
        %get3A_334 = arith.index_cast %add3A_332 : i32 to index
        %get3A_335 = arith.constant 0 : index
        %get3A_336 = tpu.vector_load %arg14[%get3A_333, %get3A_334, %get3A_335] {strides = array<i32>} : memref<3x80x160xbf16, #tpu.memory_space<vmem>>, vector<32xbf16>,
        %mul3A_337 = arith.mulf %get3A_336, %pack3A_330 : vector<32xbf16>
        %add3A_338 = arith.constant 2 : i32
        %add3A_339 = arith.addi %mul3A_187, %add3A_338 : i32
        %swap3A_340 = arith.index_cast %rem3A_56 : i32 to index
        %swap3A_341 = arith.index_cast %add3A_339 : i32 to index
        %swap3A_342 = arith.constant 0 : index
        %swap3A_343 = tpu.vector_load %arg14[%swap3A_340, %swap3A_341, %swap3A_342] {strides = array<i32>} : memref<3x80x160xbf16, #tpu.memory_space<vmem>>, vector<32xbf16>,
        tpu.vector_store %arg14[%swap3A_340, %swap3A_341, %swap3A_342], %mul3A_337 {strides = array<i32>} : memref<3x80x160xbf16, #tpu.memory_space<vmem>>, vector<32xbf16>,
        %add3A_344 = arith.constant 2 : i32
        %add3A_345 = arith.addi %mul3A_187, %add3A_344 : i32
        %get3A_346 = arith.index_cast %rem3A_56 : i32 to index
        %get3A_347 = arith.index_cast %add3A_345 : i32 to index
        %get3A_348 = arith.constant 32 : index
        %get3A_349 = tpu.vector_load %arg14[%get3A_346, %get3A_347, %get3A_348] {strides = array<i32>} : memref<3x80x160xbf16, #tpu.memory_space<vmem>>, vector<32xbf16>,
        %mul3A_350 = arith.mulf %get3A_349, %pack3A_330 : vector<32xbf16>
        %add3A_351 = arith.constant 2 : i32
        %add3A_352 = arith.addi %mul3A_187, %add3A_351 : i32
        %swap3A_353 = arith.index_cast %rem3A_56 : i32 to index
        %swap3A_354 = arith.index_cast %add3A_352 : i32 to index
        %swap3A_355 = arith.constant 32 : index
        %swap3A_356 = tpu.vector_load %arg14[%swap3A_353, %swap3A_354, %swap3A_355] {strides = array<i32>} : memref<3x80x160xbf16, #tpu.memory_space<vmem>>, vector<32xbf16>,
        tpu.vector_store %arg14[%swap3A_353, %swap3A_354, %swap3A_355], %mul3A_350 {strides = array<i32>} : memref<3x80x160xbf16, #tpu.memory_space<vmem>>, vector<32xbf16>,
        %add3A_357 = arith.constant 2 : i32
        %add3A_358 = arith.addi %mul3A_187, %add3A_357 : i32
        %get3A_359 = arith.index_cast %rem3A_56 : i32 to index
        %get3A_360 = arith.index_cast %add3A_358 : i32 to index
        %get3A_361 = arith.constant 64 : index
        %get3A_362 = tpu.vector_load %arg14[%get3A_359, %get3A_360, %get3A_361] {strides = array<i32>} : memref<3x80x160xbf16, #tpu.memory_space<vmem>>, vector<32xbf16>,
        %mul3A_363 = arith.mulf %get3A_362, %pack3A_330 : vector<32xbf16>
        %add3A_364 = arith.constant 2 : i32
        %add3A_365 = arith.addi %mul3A_187, %add3A_364 : i32
        %swap3A_366 = arith.index_cast %rem3A_56 : i32 to index
        %swap3A_367 = arith.index_cast %add3A_365 : i32 to index
        %swap3A_368 = arith.constant 64 : index
        %swap3A_369 = tpu.vector_load %arg14[%swap3A_366, %swap3A_367, %swap3A_368] {strides = array<i32>} : memref<3x80x160xbf16, #tpu.memory_space<vmem>>, vector<32xbf16>,
        tpu.vector_store %arg14[%swap3A_366, %swap3A_367, %swap3A_368], %mul3A_363 {strides = array<i32>} : memref<3x80x160xbf16, #tpu.memory_space<vmem>>, vector<32xbf16>,
        %add3A_370 = arith.constant 2 : i32
        %add3A_371 = arith.addi %mul3A_187, %add3A_370 : i32
        %get3A_372 = arith.index_cast %rem3A_56 : i32 to index
        %get3A_373 = arith.index_cast %add3A_371 : i32 to index
        %get3A_374 = arith.constant 96 : index
        %get3A_375 = tpu.vector_load %arg14[%get3A_372, %get3A_373, %get3A_374] {strides = array<i32>} : memref<3x80x160xbf16, #tpu.memory_space<vmem>>, vector<32xbf16>,
        %mul3A_376 = arith.mulf %get3A_375, %pack3A_330 : vector<32xbf16>
        %add3A_377 = arith.constant 2 : i32
        %add3A_378 = arith.addi %mul3A_187, %add3A_377 : i32
        %swap3A_379 = arith.index_cast %rem3A_56 : i32 to index
        %swap3A_380 = arith.index_cast %add3A_378 : i32 to index
        %swap3A_381 = arith.constant 96 : index
        %swap3A_382 = tpu.vector_load %arg14[%swap3A_379, %swap3A_380, %swap3A_381] {strides = array<i32>} : memref<3x80x160xbf16, #tpu.memory_space<vmem>>, vector<32xbf16>,
        tpu.vector_store %arg14[%swap3A_379, %swap3A_380, %swap3A_381], %mul3A_376 {strides = array<i32>} : memref<3x80x160xbf16, #tpu.memory_space<vmem>>, vector<32xbf16>,
        %add3A_383 = arith.constant 2 : i32
        %add3A_384 = arith.addi %mul3A_187, %add3A_383 : i32
        %get3A_385 = arith.index_cast %rem3A_56 : i32 to index
        %get3A_386 = arith.index_cast %add3A_384 : i32 to index
        %get3A_387 = arith.constant 128 : index
        %get3A_388 = tpu.vector_load %arg14[%get3A_385, %get3A_386, %get3A_387] {strides = array<i32>} : memref<3x80x160xbf16, #tpu.memory_space<vmem>>, vector<32xbf16>,
        %mul3A_389 = arith.mulf %get3A_388, %pack3A_330 : vector<32xbf16>
        %add3A_390 = arith.constant 2 : i32
        %add3A_391 = arith.addi %mul3A_187, %add3A_390 : i32
        %swap3A_392 = arith.index_cast %rem3A_56 : i32 to index
        %swap3A_393 = arith.index_cast %add3A_391 : i32 to index
        %swap3A_394 = arith.constant 128 : index
        %swap3A_395 = tpu.vector_load %arg14[%swap3A_392, %swap3A_393, %swap3A_394] {strides = array<i32>} : memref<3x80x160xbf16, #tpu.memory_space<vmem>>, vector<32xbf16>,
        tpu.vector_store %arg14[%swap3A_392, %swap3A_393, %swap3A_394], %mul3A_389 {strides = array<i32>} : memref<3x80x160xbf16, #tpu.memory_space<vmem>>, vector<32xbf16>,
        %add3A_396 = arith.constant 3 : i32
        %add3A_397 = arith.addi %mul3A_187, %add3A_396 : i32
        %broadcast_in_dim3A_398 = vector.broadcast %add3A_397 : i32 to vector<16xi32>
        %gather3A_399 = tpu.vector_load_idx %arg13[%broadcast_in_dim3A_398] : memref<80xf32, #tpu.memory_space<vmem>>[vector<16xi32>], vector<16xf32>,
        %pack3A_400 = tpu.pack_subelements %gather3A_399, %gather3A_399 {pack_format = #tpu.pack_format<interleaved>, positions = array<i32: 0, 1>} : vector<16xf32>, vector<16xf32> -> vector<32xbf16>
        %add3A_401 = arith.constant 3 : i32
        %add3A_402 = arith.addi %mul3A_187, %add3A_401 : i32
        %get3A_403 = arith.index_cast %rem3A_56 : i32 to index
        %get3A_404 = arith.index_cast %add3A_402 : i32 to index
        %get3A_405 = arith.constant 0 : index
        %get3A_406 = tpu.vector_load %arg14[%get3A_403, %get3A_404, %get3A_405] {strides = array<i32>} : memref<3x80x160xbf16, #tpu.memory_space<vmem>>, vector<32xbf16>,
        %mul3A_407 = arith.mulf %get3A_406, %pack3A_400 : vector<32xbf16>
        %add3A_408 = arith.constant 3 : i32
        %add3A_409 = arith.addi %mul3A_187, %add3A_408 : i32
        %swap3A_410 = arith.index_cast %rem3A_56 : i32 to index
        %swap3A_411 = arith.index_cast %add3A_409 : i32 to index
        %swap3A_412 = arith.constant 0 : index
        %swap3A_413 = tpu.vector_load %arg14[%swap3A_410, %swap3A_411, %swap3A_412] {strides = array<i32>} : memref<3x80x160xbf16, #tpu.memory_space<vmem>>, vector<32xbf16>,
        tpu.vector_store %arg14[%swap3A_410, %swap3A_411, %swap3A_412], %mul3A_407 {strides = array<i32>} : memref<3x80x160xbf16, #tpu.memory_space<vmem>>, vector<32xbf16>,
        %add3A_414 = arith.constant 3 : i32
        %add3A_415 = arith.addi %mul3A_187, %add3A_414 : i32
        %get3A_416 = arith.index_cast %rem3A_56 : i32 to index
        %get3A_417 = arith.index_cast %add3A_415 : i32 to index
        %get3A_418 = arith.constant 32 : index
        %get3A_419 = tpu.vector_load %arg14[%get3A_416, %get3A_417, %get3A_418] {strides = array<i32>} : memref<3x80x160xbf16, #tpu.memory_space<vmem>>, vector<32xbf16>,
        %mul3A_420 = arith.mulf %get3A_419, %pack3A_400 : vector<32xbf16>
        %add3A_421 = arith.constant 3 : i32
        %add3A_422 = arith.addi %mul3A_187, %add3A_421 : i32
        %swap3A_423 = arith.index_cast %rem3A_56 : i32 to index
        %swap3A_424 = arith.index_cast %add3A_422 : i32 to index
        %swap3A_425 = arith.constant 32 : index
        %swap3A_426 = tpu.vector_load %arg14[%swap3A_423, %swap3A_424, %swap3A_425] {strides = array<i32>} : memref<3x80x160xbf16, #tpu.memory_space<vmem>>, vector<32xbf16>,
        tpu.vector_store %arg14[%swap3A_423, %swap3A_424, %swap3A_425], %mul3A_420 {strides = array<i32>} : memref<3x80x160xbf16, #tpu.memory_space<vmem>>, vector<32xbf16>,
        %add3A_427 = arith.constant 3 : i32
        %add3A_428 = arith.addi %mul3A_187, %add3A_427 : i32
        %get3A_429 = arith.index_cast %rem3A_56 : i32 to index
        %get3A_430 = arith.index_cast %add3A_428 : i32 to index
        %get3A_431 = arith.constant 64 : index
        %get3A_432 = tpu.vector_load %arg14[%get3A_429, %get3A_430, %get3A_431] {strides = array<i32>} : memref<3x80x160xbf16, #tpu.memory_space<vmem>>, vector<32xbf16>,
        %mul3A_433 = arith.mulf %get3A_432, %pack3A_400 : vector<32xbf16>
        %add3A_434 = arith.constant 3 : i32
        %add3A_435 = arith.addi %mul3A_187, %add3A_434 : i32
        %swap3A_436 = arith.index_cast %rem3A_56 : i32 to index
        %swap3A_437 = arith.index_cast %add3A_435 : i32 to index
        %swap3A_438 = arith.constant 64 : index
        %swap3A_439 = tpu.vector_load %arg14[%swap3A_436, %swap3A_437, %swap3A_438] {strides = array<i32>} : memref<3x80x160xbf16, #tpu.memory_space<vmem>>, vector<32xbf16>,
        tpu.vector_store %arg14[%swap3A_436, %swap3A_437, %swap3A_438], %mul3A_433 {strides = array<i32>} : memref<3x80x160xbf16, #tpu.memory_space<vmem>>, vector<32xbf16>,
        %add3A_440 = arith.constant 3 : i32
        %add3A_441 = arith.addi %mul3A_187, %add3A_440 : i32
        %get3A_442 = arith.index_cast %rem3A_56 : i32 to index
        %get3A_443 = arith.index_cast %add3A_441 : i32 to index
        %get3A_444 = arith.constant 96 : index
        %get3A_445 = tpu.vector_load %arg14[%get3A_442, %get3A_443, %get3A_444] {strides = array<i32>} : memref<3x80x160xbf16, #tpu.memory_space<vmem>>, vector<32xbf16>,
        %mul3A_446 = arith.mulf %get3A_445, %pack3A_400 : vector<32xbf16>
        %add3A_447 = arith.constant 3 : i32
        %add3A_448 = arith.addi %mul3A_187, %add3A_447 : i32
        %swap3A_449 = arith.index_cast %rem3A_56 : i32 to index
        %swap3A_450 = arith.index_cast %add3A_448 : i32 to index
        %swap3A_451 = arith.constant 96 : index
        %swap3A_452 = tpu.vector_load %arg14[%swap3A_449, %swap3A_450, %swap3A_451] {strides = array<i32>} : memref<3x80x160xbf16, #tpu.memory_space<vmem>>, vector<32xbf16>,
        tpu.vector_store %arg14[%swap3A_449, %swap3A_450, %swap3A_451], %mul3A_446 {strides = array<i32>} : memref<3x80x160xbf16, #tpu.memory_space<vmem>>, vector<32xbf16>,
        %add3A_453 = arith.constant 3 : i32
        %add3A_454 = arith.addi %mul3A_187, %add3A_453 : i32
        %get3A_455 = arith.index_cast %rem3A_56 : i32 to index
        %get3A_456 = arith.index_cast %add3A_454 : i32 to index
        %get3A_457 = arith.constant 128 : index
        %get3A_458 = tpu.vector_load %arg14[%get3A_455, %get3A_456, %get3A_457] {strides = array<i32>} : memref<3x80x160xbf16, #tpu.memory_space<vmem>>, vector<32xbf16>,
        %mul3A_459 = arith.mulf %get3A_458, %pack3A_400 : vector<32xbf16>
        %add3A_460 = arith.constant 3 : i32
        %add3A_461 = arith.addi %mul3A_187, %add3A_460 : i32
        %swap3A_462 = arith.index_cast %rem3A_56 : i32 to index
        %swap3A_463 = arith.index_cast %add3A_461 : i32 to index
        %swap3A_464 = arith.constant 128 : index
        %swap3A_465 = tpu.vector_load %arg14[%swap3A_462, %swap3A_463, %swap3A_464] {strides = array<i32>} : memref<3x80x160xbf16, #tpu.memory_space<vmem>>, vector<32xbf16>,
        tpu.vector_store %arg14[%swap3A_462, %swap3A_463, %swap3A_464], %mul3A_459 {strides = array<i32>} : memref<3x80x160xbf16, #tpu.memory_space<vmem>>, vector<32xbf16>,
      }
      %scan3A_172 = arith.constant 20 : i32
      %rem3A_173 = arith.constant 3 : i32
      %rem3A_174 = arith.remsi %scan3A_54, %rem3A_173 : i32
      %dma_start3A_175 = arith.constant 0 : i32
      %dma_start3A_176 = arith.constant 0 : i32
      %dma_start3A_177 = tpu.memref_slice %arg14[%rem3A_174, %dma_start3A_175, %dma_start3A_176] : memref<3x80x160xbf16, #tpu.memory_space<vmem>> -> memref<1x80x160xbf16, #tpu.memory_space<vmem>>
      %dma_start3A_178 = tpu.memref_squeeze %dma_start3A_177 : memref<1x80x160xbf16, #tpu.memory_space<vmem>> -> memref<80x160xbf16, #tpu.memory_space<vmem>>
      %dma_start3A_179 = arith.constant 0 : i32
      %dma_start3A_180 = tpu.memref_slice %arg10[%scan3A_54, %dma_start3A_179] : memref<125x80xi32, #tpu.memory_space<vmem>> -> memref<1x80xi32, #tpu.memory_space<vmem>>
      %dma_start3A_181 = tpu.memref_squeeze %dma_start3A_180 : memref<1x80xi32, #tpu.memory_space<vmem>> -> memref<80xi32, #tpu.memory_space<vmem>>
      %dma_start3A_182 = arith.constant 0 : i32
      %dma_start3A_183 = arith.constant 0 : i32
      %dma_start3A_184 = tpu.memref_slice %arg15[%dma_start3A_182, %dma_start3A_183] : memref<10000x160xbf16, #tpu.memory_space<vmem_shared>> -> memref<10000x160xbf16, #tpu.memory_space<vmem_shared>>
      tpu.enqueue_indirect_dma source(%dma_start3A_178 : memref<80x160xbf16, #tpu.memory_space<vmem>>) target(%dma_start3A_184 : memref<10000x160xbf16, #tpu.memory_space<vmem_shared>>) offsets(%dma_start3A_181 : memref<80xi32, #tpu.memory_space<vmem>>) semaphore(%arg17 : memref<!tpu.dma_semaphore, #tpu.memory_space<semaphore_mem>>) {add = true}
    }
    %scan3A_21 = arith.constant 125 : i32
    %rem3A_22 = arith.constant 123 : i32
    %rem3A_23 = arith.constant 3 : i32
    %rem3A_24 = arith.remsi %rem3A_22, %rem3A_23 : i32
    %dma_wait3A = arith.constant 123 : i32
    %dma_wait3A_25 = arith.constant 0 : i32
    %dma_wait3A_26 = arith.constant 0 : i32
    %dma_wait3A_27 = tpu.memref_slice %arg14[%rem3A_24, %dma_wait3A_25, %dma_wait3A_26] : memref<3x80x160xbf16, #tpu.memory_space<vmem>> -> memref<1x80x160xbf16, #tpu.memory_space<vmem>>
    %dma_wait3A_28 = tpu.memref_squeeze %dma_wait3A_27 : memref<1x80x160xbf16, #tpu.memory_space<vmem>> -> memref<80x160xbf16, #tpu.memory_space<vmem>>
    %dma_wait3A_29 = arith.constant 0 : i32
    %dma_wait3A_30 = tpu.memref_slice %arg10[%dma_wait3A, %dma_wait3A_29] : memref<125x80xi32, #tpu.memory_space<vmem>> -> memref<1x80xi32, #tpu.memory_space<vmem>>
    %dma_wait3A_31 = tpu.memref_squeeze %dma_wait3A_30 : memref<1x80xi32, #tpu.memory_space<vmem>> -> memref<80xi32, #tpu.memory_space<vmem>>
    %dma_wait3A_32 = arith.constant 0 : i32
    %dma_wait3A_33 = arith.constant 0 : i32
    %dma_wait3A_34 = tpu.memref_slice %arg15[%dma_wait3A_32, %dma_wait3A_33] : memref<10000x160xbf16, #tpu.memory_space<vmem_shared>> -> memref<10000x160xbf16, #tpu.memory_space<vmem_shared>>
    tpu.wait_indirect_dma semaphore(%arg17 : memref<!tpu.dma_semaphore, #tpu.memory_space<semaphore_mem>>) src(%dma_wait3A_28 : memref<80x160xbf16, #tpu.memory_space<vmem>>) dst(%dma_wait3A_34 : memref<10000x160xbf16, #tpu.memory_space<vmem_shared>>)
    %rem3A_35 = arith.constant 124 : i32
    %rem3A_36 = arith.constant 3 : i32
    %rem3A_37 = arith.remsi %rem3A_35, %rem3A_36 : i32
    %dma_wait3A_38 = arith.constant 124 : i32
    %dma_wait3A_39 = arith.constant 0 : i32
    %dma_wait3A_40 = arith.constant 0 : i32
    %dma_wait3A_41 = tpu.memref_slice %arg14[%rem3A_37, %dma_wait3A_39, %dma_wait3A_40] : memref<3x80x160xbf16, #tpu.memory_space<vmem>> -> memref<1x80x160xbf16, #tpu.memory_space<vmem>>
    %dma_wait3A_42 = tpu.memref_squeeze %dma_wait3A_41 : memref<1x80x160xbf16, #tpu.memory_space<vmem>> -> memref<80x160xbf16, #tpu.memory_space<vmem>>
    %dma_wait3A_43 = arith.constant 0 : i32
    %dma_wait3A_44 = tpu.memref_slice %arg10[%dma_wait3A_38, %dma_wait3A_43] : memref<125x80xi32, #tpu.memory_space<vmem>> -> memref<1x80xi32, #tpu.memory_space<vmem>>
    %dma_wait3A_45 = tpu.memref_squeeze %dma_wait3A_44 : memref<1x80xi32, #tpu.memory_space<vmem>> -> memref<80xi32, #tpu.memory_space<vmem>>
    %dma_wait3A_46 = arith.constant 0 : i32
    %dma_wait3A_47 = arith.constant 0 : i32
    %dma_wait3A_48 = tpu.memref_slice %arg15[%dma_wait3A_46, %dma_wait3A_47] : memref<10000x160xbf16, #tpu.memory_space<vmem_shared>> -> memref<10000x160xbf16, #tpu.memory_space<vmem_shared>>
    tpu.wait_indirect_dma semaphore(%arg17 : memref<!tpu.dma_semaphore, #tpu.memory_space<semaphore_mem>>) src(%dma_wait3A_42 : memref<80x160xbf16, #tpu.memory_space<vmem>>) dst(%dma_wait3A_48 : memref<10000x160xbf16, #tpu.memory_space<vmem_shared>>)
    %barrier3A_49 = arith.constant 0 : index
    tpu.barrier barrier_id(%barrier3A_49)
    %mul3A_50 = arith.constant 625 : i32
    %mul3A_51 = arith.muli %arg1, %mul3A_50 : i32
    %mul3A_52 = arith.constant 625 : i32
    %mul3A_53 = arith.muli %arg1, %mul3A_52 : i32
    "tpu.region"() ({
      %run_scoped3A = tpu.sem_alloc : memref<!tpu.dma_semaphore, #tpu.memory_space<semaphore_mem>>
      %dma_start3A_54 = arith.constant 0 : i32
      %dma_start3A_55 = tpu.memref_slice %arg8[%arg0, %mul3A_53, %dma_start3A_54] : memref<2x10000x160xbf16, #tpu.memory_space<hbm>> -> memref<1x625x160xbf16, #tpu.memory_space<hbm>>
      %dma_start3A_56 = tpu.memref_squeeze %dma_start3A_55 : memref<1x625x160xbf16, #tpu.memory_space<hbm>> -> memref<625x160xbf16, #tpu.memory_space<hbm>>
      %dma_start3A_57 = arith.constant 0 : i32
      %dma_start3A_58 = tpu.memref_slice %arg15[%mul3A_51, %dma_start3A_57] : memref<10000x160xbf16, #tpu.memory_space<vmem_shared>> -> memref<625x160xbf16, #tpu.memory_space<vmem_shared>>
      tpu.enqueue_dma source(%dma_start3A_58 : memref<625x160xbf16, #tpu.memory_space<vmem_shared>>) target(%dma_start3A_56 : memref<625x160xbf16, #tpu.memory_space<hbm>>) target_semaphore(%run_scoped3A : memref<!tpu.dma_semaphore, #tpu.memory_space<semaphore_mem>>)
      %dma_wait3A_59 = arith.constant 0 : i32
      %dma_wait3A_60 = tpu.memref_slice %arg8[%arg0, %mul3A_53, %dma_wait3A_59] : memref<2x10000x160xbf16, #tpu.memory_space<hbm>> -> memref<1x625x160xbf16, #tpu.memory_space<hbm>>
      %dma_wait3A_61 = tpu.memref_squeeze %dma_wait3A_60 : memref<1x625x160xbf16, #tpu.memory_space<hbm>> -> memref<625x160xbf16, #tpu.memory_space<hbm>>
      %dma_wait3A_62 = arith.constant 0 : i32
      %dma_wait3A_63 = tpu.memref_slice %arg15[%mul3A_51, %dma_wait3A_62] : memref<10000x160xbf16, #tpu.memory_space<vmem_shared>> -> memref<625x160xbf16, #tpu.memory_space<vmem_shared>>
      tpu.wait_dma2 semaphore(%run_scoped3A : memref<!tpu.dma_semaphore, #tpu.memory_space<semaphore_mem>>) src(%dma_wait3A_63 : memref<625x160xbf16, #tpu.memory_space<vmem_shared>>) dst(%dma_wait3A_61 : memref<625x160xbf16, #tpu.memory_space<hbm>>)
      tpu.yield
    }) : () -> ()
    return
  }
}

#map = affine_map<(d0, d1) -> (0, 0)>
#map1 = affine_map<(d0, d1) -> (0, 0, 0)>
module attributes {stable_mosaic.version = 14 : i64} {
  func.func @_pair_gather(%arg0: i32, %arg1: i32, %arg2: memref<10000x128xf32, #tpu.memory_space<hbm>>, %arg3: memref<32x8x128xi32, #tpu.memory_space<hbm>>, %arg4: memref<32768x128xf32, #tpu.memory_space<hbm>>, %arg5: memref<8x128xi32, #tpu.memory_space<vmem>>, %arg6: memref<128x128xf32, #tpu.memory_space<vmem>>) attributes {dimension_semantics = [#tpu.dimension_semantics<core_parallel>, #tpu.dimension_semantics<subcore_parallel>], iteration_bounds = array<i64: 2, 16>, scalar_prefetch = 0 : i64, scratch_operands = 2 : i64, tpu.core_type = #tpu.core_type<sc_vector_subcore>, window_params = [{transform_indices = #map}, {transform_indices = #map1}, {transform_indices = #map}]} {
    %mul3A = arith.constant 2 : i32
    %mul3A_0 = arith.muli %arg1, %mul3A : i32
    %add3A = arith.addi %mul3A_0, %arg0 : i32
    "tpu.region"() ({
      %run_scoped3A = tpu.sem_alloc : memref<!tpu.dma_semaphore, #tpu.memory_space<semaphore_mem>>
      %dma_start3A = arith.constant 0 : i32
      %dma_start3A_6 = arith.constant 0 : i32
      %dma_start3A_7 = tpu.memref_slice %arg3[%add3A, %dma_start3A, %dma_start3A_6] : memref<32x8x128xi32, #tpu.memory_space<hbm>> -> memref<1x8x128xi32, #tpu.memory_space<hbm>>
      %dma_start3A_8 = tpu.memref_squeeze %dma_start3A_7 : memref<1x8x128xi32, #tpu.memory_space<hbm>> -> memref<8x128xi32, #tpu.memory_space<hbm>>
      %dma_start3A_9 = arith.constant 0 : i32
      %dma_start3A_10 = arith.constant 0 : i32
      %dma_start3A_11 = tpu.memref_slice %arg3[%add3A, %dma_start3A_9, %dma_start3A_10] : memref<32x8x128xi32, #tpu.memory_space<hbm>> -> memref<1x8x128xi32, #tpu.memory_space<hbm>>
      %dma_start3A_12 = tpu.memref_squeeze %dma_start3A_11 : memref<1x8x128xi32, #tpu.memory_space<hbm>> -> memref<8x128xi32, #tpu.memory_space<hbm>>
      tpu.enqueue_dma source(%dma_start3A_12 : memref<8x128xi32, #tpu.memory_space<hbm>>) target(%arg5 : memref<8x128xi32, #tpu.memory_space<vmem>>) target_semaphore(%run_scoped3A : memref<!tpu.dma_semaphore, #tpu.memory_space<semaphore_mem>>)
      %dma_wait3A = arith.constant 0 : i32
      %dma_wait3A_13 = arith.constant 0 : i32
      %dma_wait3A_14 = tpu.memref_slice %arg3[%add3A, %dma_wait3A, %dma_wait3A_13] : memref<32x8x128xi32, #tpu.memory_space<hbm>> -> memref<1x8x128xi32, #tpu.memory_space<hbm>>
      %dma_wait3A_15 = tpu.memref_squeeze %dma_wait3A_14 : memref<1x8x128xi32, #tpu.memory_space<hbm>> -> memref<8x128xi32, #tpu.memory_space<hbm>>
      %dma_wait3A_16 = arith.constant 0 : i32
      %dma_wait3A_17 = arith.constant 0 : i32
      %dma_wait3A_18 = tpu.memref_slice %arg3[%add3A, %dma_wait3A_16, %dma_wait3A_17] : memref<32x8x128xi32, #tpu.memory_space<hbm>> -> memref<1x8x128xi32, #tpu.memory_space<hbm>>
      %dma_wait3A_19 = tpu.memref_squeeze %dma_wait3A_18 : memref<1x8x128xi32, #tpu.memory_space<hbm>> -> memref<8x128xi32, #tpu.memory_space<hbm>>
      tpu.wait_dma2 semaphore(%run_scoped3A : memref<!tpu.dma_semaphore, #tpu.memory_space<semaphore_mem>>) src(%dma_wait3A_19 : memref<8x128xi32, #tpu.memory_space<hbm>>) dst(%arg5 : memref<8x128xi32, #tpu.memory_space<vmem>>)
      tpu.yield
    }) : () -> ()
    %scan3A = arith.constant 0 : i32
    %scan3A_1 = arith.constant 0 : i32
    %scan3A_2 = arith.constant 8 : i32
    %scan3A_3 = arith.addi %scan3A_1, %scan3A_2 : i32
    %scan3A_4 = arith.constant 1 : i32
    scf.for %scan3A_6 = %scan3A_1 to %scan3A_3 step %scan3A_4  : i32 {
      "tpu.region"() ({
        %run_scoped3A = tpu.sem_alloc : memref<!tpu.dma_semaphore, #tpu.memory_space<semaphore_mem>>
        %dma_start3A = arith.constant 0 : i32
        %dma_start3A_12 = tpu.memref_slice %arg5[%scan3A_6, %dma_start3A] : memref<8x128xi32, #tpu.memory_space<vmem>> -> memref<1x128xi32, #tpu.memory_space<vmem>>
        %dma_start3A_13 = tpu.memref_squeeze %dma_start3A_12 : memref<1x128xi32, #tpu.memory_space<vmem>> -> memref<128xi32, #tpu.memory_space<vmem>>
        %dma_start3A_14 = arith.constant 0 : i32
        %dma_start3A_15 = arith.constant 0 : i32
        %dma_start3A_16 = tpu.memref_slice %arg2[%dma_start3A_14, %dma_start3A_15] : memref<10000x128xf32, #tpu.memory_space<hbm>> -> memref<10000x128xf32, #tpu.memory_space<hbm>>
        tpu.enqueue_indirect_dma source(%dma_start3A_16 : memref<10000x128xf32, #tpu.memory_space<hbm>>) target(%arg6 : memref<128x128xf32, #tpu.memory_space<vmem>>) offsets(%dma_start3A_13 : memref<128xi32, #tpu.memory_space<vmem>>) semaphore(%run_scoped3A : memref<!tpu.dma_semaphore, #tpu.memory_space<semaphore_mem>>)
        %dma_wait3A = arith.constant 0 : i32
        %dma_wait3A_17 = tpu.memref_slice %arg5[%scan3A_6, %dma_wait3A] : memref<8x128xi32, #tpu.memory_space<vmem>> -> memref<1x128xi32, #tpu.memory_space<vmem>>
        %dma_wait3A_18 = tpu.memref_squeeze %dma_wait3A_17 : memref<1x128xi32, #tpu.memory_space<vmem>> -> memref<128xi32, #tpu.memory_space<vmem>>
        %dma_wait3A_19 = arith.constant 0 : i32
        %dma_wait3A_20 = arith.constant 0 : i32
        %dma_wait3A_21 = tpu.memref_slice %arg2[%dma_wait3A_19, %dma_wait3A_20] : memref<10000x128xf32, #tpu.memory_space<hbm>> -> memref<10000x128xf32, #tpu.memory_space<hbm>>
        tpu.wait_indirect_dma semaphore(%run_scoped3A : memref<!tpu.dma_semaphore, #tpu.memory_space<semaphore_mem>>) src(%dma_wait3A_21 : memref<10000x128xf32, #tpu.memory_space<hbm>>) dst(%arg6 : memref<128x128xf32, #tpu.memory_space<vmem>>)
        tpu.yield
      }) : () -> ()
      %mul3A_7 = arith.constant 1024 : i32
      %mul3A_8 = arith.muli %add3A, %mul3A_7 : i32
      %mul3A_9 = arith.constant 128 : i32
      %mul3A_10 = arith.muli %scan3A_6, %mul3A_9 : i32
      %add3A_11 = arith.addi %mul3A_8, %mul3A_10 : i32
      "tpu.region"() ({
        %run_scoped3A = tpu.sem_alloc : memref<!tpu.dma_semaphore, #tpu.memory_space<semaphore_mem>>
        %dma_start3A = arith.constant 0 : i32
        %dma_start3A_12 = tpu.memref_slice %arg4[%add3A_11, %dma_start3A] : memref<32768x128xf32, #tpu.memory_space<hbm>> -> memref<128x128xf32, #tpu.memory_space<hbm>>
        %dma_start3A_13 = arith.constant 0 : i32
        %dma_start3A_14 = tpu.memref_slice %arg4[%add3A_11, %dma_start3A_13] : memref<32768x128xf32, #tpu.memory_space<hbm>> -> memref<128x128xf32, #tpu.memory_space<hbm>>
        tpu.enqueue_dma source(%arg6 : memref<128x128xf32, #tpu.memory_space<vmem>>) target(%dma_start3A_14 : memref<128x128xf32, #tpu.memory_space<hbm>>) target_semaphore(%run_scoped3A : memref<!tpu.dma_semaphore, #tpu.memory_space<semaphore_mem>>)
        %dma_wait3A = arith.constant 0 : i32
        %dma_wait3A_15 = tpu.memref_slice %arg4[%add3A_11, %dma_wait3A] : memref<32768x128xf32, #tpu.memory_space<hbm>> -> memref<128x128xf32, #tpu.memory_space<hbm>>
        %dma_wait3A_16 = arith.constant 0 : i32
        %dma_wait3A_17 = tpu.memref_slice %arg4[%add3A_11, %dma_wait3A_16] : memref<32768x128xf32, #tpu.memory_space<hbm>> -> memref<128x128xf32, #tpu.memory_space<hbm>>
        tpu.wait_dma2 semaphore(%run_scoped3A : memref<!tpu.dma_semaphore, #tpu.memory_space<semaphore_mem>>) src(%arg6 : memref<128x128xf32, #tpu.memory_space<vmem>>) dst(%dma_wait3A_17 : memref<128x128xf32, #tpu.memory_space<hbm>>)
        tpu.yield
      }) : () -> ()
    }
    %scan3A_5 = arith.constant 8 : i32
    return
  }
}

module attributes {stable_mosaic.version = 14 : i64} {
  func.func @_pre_body(%arg0: memref<6000x640xf32, #tpu.memory_space<vmem>>, %arg1: memref<640x512xf32, #tpu.memory_space<vmem>>, %arg2: memref<1x512xf32, #tpu.memory_space<vmem>>, %arg3: memref<512x4xf32, #tpu.memory_space<vmem>>, %arg4: memref<1x1xf32, #tpu.memory_space<vmem>>, %arg5: memref<6000x128xf32, #tpu.memory_space<vmem>>) attributes {dimension_semantics = [], scalar_prefetch = 0 : i64, scratch_operands = 0 : i64, tpu.core_type = #tpu.core_type<tc>} {
    %get3A = arith.constant 0 : index
    %get3A_0 = arith.constant 0 : index
    %get3A_1 = vector.load %arg0[%get3A, %get3A_0] : memref<6000x640xf32, #tpu.memory_space<vmem>>, vector<6000x640xf32>
    %get3A_2 = arith.constant 0 : index
    %get3A_3 = arith.constant 0 : index
    %get3A_4 = vector.load %arg1[%get3A_2, %get3A_3] : memref<640x512xf32, #tpu.memory_space<vmem>>, vector<640x512xf32>
    %dot_general3A = arith.constant dense<0.000000e+00> : vector<6000x512xf32>
    %dot_general3A_5 = tpu.matmul %get3A_1, %get3A_4, %dot_general3A {dimension_numbers = #tpu.dot_dimension_numbers<[1], [0], [0], [1], [0, 0, 1, 1], [], []>, transpose_lhs_hint = false} : vector<6000x640xf32>, vector<640x512xf32>, vector<6000x512xf32> -> vector<6000x512xf32>
    %get3A_6 = arith.constant 0 : index
    %get3A_7 = arith.constant 0 : index
    %get3A_8 = vector.load %arg2[%get3A_6, %get3A_7] : memref<1x512xf32, #tpu.memory_space<vmem>>, vector<1x512xf32>
    %add3A = vector.broadcast %get3A_8 : vector<1x512xf32> to vector<6000x512xf32>
    %add3A_9 = arith.addf %dot_general3A_5, %add3A : vector<6000x512xf32>
    %get3A_10 = arith.constant 0 : index
    %get3A_11 = arith.constant 0 : index
    %get3A_12 = vector.load %arg3[%get3A_10, %get3A_11] : memref<512x4xf32, #tpu.memory_space<vmem>>, vector<512x4xf32>
    %dot_general3A_13 = arith.constant dense<0.000000e+00> : vector<6000x4xf32>
    %dot_general3A_14 = tpu.matmul %add3A_9, %get3A_12, %dot_general3A_13 {dimension_numbers = #tpu.dot_dimension_numbers<[1], [0], [0], [1], [0, 0, 1, 1], [], []>, transpose_lhs_hint = false} : vector<6000x512xf32>, vector<512x4xf32>, vector<6000x4xf32> -> vector<6000x4xf32>
    %get3A_15 = arith.constant 0 : index
    %get3A_16 = arith.constant 0 : index
    %get3A_17 = vector.load %arg4[%get3A_15, %get3A_16] : memref<1x1xf32, #tpu.memory_space<vmem>>, vector<1x1xf32>
    %add3A_18 = vector.broadcast %get3A_17 : vector<1x1xf32> to vector<6000x4xf32>
    %add3A_19 = arith.addf %dot_general3A_14, %add3A_18 : vector<6000x4xf32>
    %logistic3A = arith.negf %add3A_19 : vector<6000x4xf32>
    %logistic3A_20 = math.exp %logistic3A : vector<6000x4xf32>
    %logistic3A_21 = arith.constant 1.000000e+00 : f32
    %logistic3A_22 = vector.broadcast %logistic3A_21 : f32 to vector<6000x4xf32>
    %logistic3A_23 = arith.addf %logistic3A_22, %logistic3A_20 : vector<6000x4xf32>
    %logistic3A_24 = arith.divf %logistic3A_22, %logistic3A_23 : vector<6000x4xf32>
    %slice3A = vector.extract_strided_slice %logistic3A_24 {offsets = [0, 0], sizes = [6000, 1], strides = [1, 1]} : vector<6000x4xf32> to vector<6000x1xf32>
    %slice3A_25 = vector.extract_strided_slice %add3A_9 {offsets = [0, 0], sizes = [6000, 128], strides = [1, 1]} : vector<6000x512xf32> to vector<6000x128xf32>
    %mul3A = vector.broadcast %slice3A : vector<6000x1xf32> to vector<6000x128xf32>
    %mul3A_26 = arith.mulf %mul3A, %slice3A_25 : vector<6000x128xf32>
    %slice3A_27 = vector.extract_strided_slice %logistic3A_24 {offsets = [0, 1], sizes = [6000, 1], strides = [1, 1]} : vector<6000x4xf32> to vector<6000x1xf32>
    %slice3A_28 = vector.extract_strided_slice %add3A_9 {offsets = [0, 128], sizes = [6000, 128], strides = [1, 1]} : vector<6000x512xf32> to vector<6000x128xf32>
    %mul3A_29 = vector.broadcast %slice3A_27 : vector<6000x1xf32> to vector<6000x128xf32>
    %mul3A_30 = arith.mulf %mul3A_29, %slice3A_28 : vector<6000x128xf32>
    %add3A_31 = arith.addf %mul3A_26, %mul3A_30 : vector<6000x128xf32>
    %slice3A_32 = vector.extract_strided_slice %logistic3A_24 {offsets = [0, 2], sizes = [6000, 1], strides = [1, 1]} : vector<6000x4xf32> to vector<6000x1xf32>
    %slice3A_33 = vector.extract_strided_slice %add3A_9 {offsets = [0, 256], sizes = [6000, 128], strides = [1, 1]} : vector<6000x512xf32> to vector<6000x128xf32>
    %mul3A_34 = vector.broadcast %slice3A_32 : vector<6000x1xf32> to vector<6000x128xf32>
    %mul3A_35 = arith.mulf %mul3A_34, %slice3A_33 : vector<6000x128xf32>
    %add3A_36 = arith.addf %add3A_31, %mul3A_35 : vector<6000x128xf32>
    %slice3A_37 = vector.extract_strided_slice %logistic3A_24 {offsets = [0, 3], sizes = [6000, 1], strides = [1, 1]} : vector<6000x4xf32> to vector<6000x1xf32>
    %slice3A_38 = vector.extract_strided_slice %add3A_9 {offsets = [0, 384], sizes = [6000, 128], strides = [1, 1]} : vector<6000x512xf32> to vector<6000x128xf32>
    %mul3A_39 = vector.broadcast %slice3A_37 : vector<6000x1xf32> to vector<6000x128xf32>
    %mul3A_40 = arith.mulf %mul3A_39, %slice3A_38 : vector<6000x128xf32>
    %add3A_41 = arith.addf %add3A_36, %mul3A_40 : vector<6000x128xf32>
    %swap3A = arith.constant 0 : index
    %swap3A_42 = arith.constant 0 : index
    %swap3A_43 = vector.load %arg5[%swap3A, %swap3A_42] : memref<6000x128xf32, #tpu.memory_space<vmem>>, vector<6000x128xf32>
    tpu.vector_store %arg5[%swap3A, %swap3A_42], %add3A_41 {strides = array<i32>} : memref<6000x128xf32, #tpu.memory_space<vmem>>, vector<6000x128xf32>,
    return
  }
}

module attributes {stable_mosaic.version = 14 : i64} {
  func.func @_pre_body(%arg0: memref<4000x640xf32, #tpu.memory_space<vmem>>, %arg1: memref<640x512xf32, #tpu.memory_space<vmem>>, %arg2: memref<1x512xf32, #tpu.memory_space<vmem>>, %arg3: memref<512x4xf32, #tpu.memory_space<vmem>>, %arg4: memref<1x1xf32, #tpu.memory_space<vmem>>, %arg5: memref<4000x128xf32, #tpu.memory_space<vmem>>) attributes {dimension_semantics = [], scalar_prefetch = 0 : i64, scratch_operands = 0 : i64, tpu.core_type = #tpu.core_type<tc>} {
    %get3A = arith.constant 0 : index
    %get3A_0 = arith.constant 0 : index
    %get3A_1 = vector.load %arg0[%get3A, %get3A_0] : memref<4000x640xf32, #tpu.memory_space<vmem>>, vector<4000x640xf32>
    %get3A_2 = arith.constant 0 : index
    %get3A_3 = arith.constant 0 : index
    %get3A_4 = vector.load %arg1[%get3A_2, %get3A_3] : memref<640x512xf32, #tpu.memory_space<vmem>>, vector<640x512xf32>
    %dot_general3A = arith.constant dense<0.000000e+00> : vector<4000x512xf32>
    %dot_general3A_5 = tpu.matmul %get3A_1, %get3A_4, %dot_general3A {dimension_numbers = #tpu.dot_dimension_numbers<[1], [0], [0], [1], [0, 0, 1, 1], [], []>, transpose_lhs_hint = false} : vector<4000x640xf32>, vector<640x512xf32>, vector<4000x512xf32> -> vector<4000x512xf32>
    %get3A_6 = arith.constant 0 : index
    %get3A_7 = arith.constant 0 : index
    %get3A_8 = vector.load %arg2[%get3A_6, %get3A_7] : memref<1x512xf32, #tpu.memory_space<vmem>>, vector<1x512xf32>
    %add3A = vector.broadcast %get3A_8 : vector<1x512xf32> to vector<4000x512xf32>
    %add3A_9 = arith.addf %dot_general3A_5, %add3A : vector<4000x512xf32>
    %get3A_10 = arith.constant 0 : index
    %get3A_11 = arith.constant 0 : index
    %get3A_12 = vector.load %arg3[%get3A_10, %get3A_11] : memref<512x4xf32, #tpu.memory_space<vmem>>, vector<512x4xf32>
    %dot_general3A_13 = arith.constant dense<0.000000e+00> : vector<4000x4xf32>
    %dot_general3A_14 = tpu.matmul %add3A_9, %get3A_12, %dot_general3A_13 {dimension_numbers = #tpu.dot_dimension_numbers<[1], [0], [0], [1], [0, 0, 1, 1], [], []>, transpose_lhs_hint = false} : vector<4000x512xf32>, vector<512x4xf32>, vector<4000x4xf32> -> vector<4000x4xf32>
    %get3A_15 = arith.constant 0 : index
    %get3A_16 = arith.constant 0 : index
    %get3A_17 = vector.load %arg4[%get3A_15, %get3A_16] : memref<1x1xf32, #tpu.memory_space<vmem>>, vector<1x1xf32>
    %add3A_18 = vector.broadcast %get3A_17 : vector<1x1xf32> to vector<4000x4xf32>
    %add3A_19 = arith.addf %dot_general3A_14, %add3A_18 : vector<4000x4xf32>
    %logistic3A = arith.negf %add3A_19 : vector<4000x4xf32>
    %logistic3A_20 = math.exp %logistic3A : vector<4000x4xf32>
    %logistic3A_21 = arith.constant 1.000000e+00 : f32
    %logistic3A_22 = vector.broadcast %logistic3A_21 : f32 to vector<4000x4xf32>
    %logistic3A_23 = arith.addf %logistic3A_22, %logistic3A_20 : vector<4000x4xf32>
    %logistic3A_24 = arith.divf %logistic3A_22, %logistic3A_23 : vector<4000x4xf32>
    %slice3A = vector.extract_strided_slice %logistic3A_24 {offsets = [0, 0], sizes = [4000, 1], strides = [1, 1]} : vector<4000x4xf32> to vector<4000x1xf32>
    %slice3A_25 = vector.extract_strided_slice %add3A_9 {offsets = [0, 0], sizes = [4000, 128], strides = [1, 1]} : vector<4000x512xf32> to vector<4000x128xf32>
    %mul3A = vector.broadcast %slice3A : vector<4000x1xf32> to vector<4000x128xf32>
    %mul3A_26 = arith.mulf %mul3A, %slice3A_25 : vector<4000x128xf32>
    %slice3A_27 = vector.extract_strided_slice %logistic3A_24 {offsets = [0, 1], sizes = [4000, 1], strides = [1, 1]} : vector<4000x4xf32> to vector<4000x1xf32>
    %slice3A_28 = vector.extract_strided_slice %add3A_9 {offsets = [0, 128], sizes = [4000, 128], strides = [1, 1]} : vector<4000x512xf32> to vector<4000x128xf32>
    %mul3A_29 = vector.broadcast %slice3A_27 : vector<4000x1xf32> to vector<4000x128xf32>
    %mul3A_30 = arith.mulf %mul3A_29, %slice3A_28 : vector<4000x128xf32>
    %add3A_31 = arith.addf %mul3A_26, %mul3A_30 : vector<4000x128xf32>
    %slice3A_32 = vector.extract_strided_slice %logistic3A_24 {offsets = [0, 2], sizes = [4000, 1], strides = [1, 1]} : vector<4000x4xf32> to vector<4000x1xf32>
    %slice3A_33 = vector.extract_strided_slice %add3A_9 {offsets = [0, 256], sizes = [4000, 128], strides = [1, 1]} : vector<4000x512xf32> to vector<4000x128xf32>
    %mul3A_34 = vector.broadcast %slice3A_32 : vector<4000x1xf32> to vector<4000x128xf32>
    %mul3A_35 = arith.mulf %mul3A_34, %slice3A_33 : vector<4000x128xf32>
    %add3A_36 = arith.addf %add3A_31, %mul3A_35 : vector<4000x128xf32>
    %slice3A_37 = vector.extract_strided_slice %logistic3A_24 {offsets = [0, 3], sizes = [4000, 1], strides = [1, 1]} : vector<4000x4xf32> to vector<4000x1xf32>
    %slice3A_38 = vector.extract_strided_slice %add3A_9 {offsets = [0, 384], sizes = [4000, 128], strides = [1, 1]} : vector<4000x512xf32> to vector<4000x128xf32>
    %mul3A_39 = vector.broadcast %slice3A_37 : vector<4000x1xf32> to vector<4000x128xf32>
    %mul3A_40 = arith.mulf %mul3A_39, %slice3A_38 : vector<4000x128xf32>
    %add3A_41 = arith.addf %add3A_36, %mul3A_40 : vector<4000x128xf32>
    %swap3A = arith.constant 0 : index
    %swap3A_42 = arith.constant 0 : index
    %swap3A_43 = vector.load %arg5[%swap3A, %swap3A_42] : memref<4000x128xf32, #tpu.memory_space<vmem>>, vector<4000x128xf32>
    tpu.vector_store %arg5[%swap3A, %swap3A_42], %add3A_41 {strides = array<i32>} : memref<4000x128xf32, #tpu.memory_space<vmem>>, vector<4000x128xf32>,
    return
  }
}

module attributes {stable_mosaic.version = 14 : i64} {
  func.func @_head_body(%arg0: memref<10000x128xf32, #tpu.memory_space<vmem>>, %arg1: memref<128x128xf32, #tpu.memory_space<vmem>>, %arg2: memref<128x1xf32, #tpu.memory_space<vmem>>, %arg3: memref<128x1xf32, #tpu.memory_space<vmem>>, %arg4: memref<10000x160xbf16, #tpu.memory_space<vmem>>, %arg5: memref<10000x1xf32, #tpu.memory_space<vmem>>, %arg6: memref<10000x1xf32, #tpu.memory_space<vmem>>) attributes {dimension_semantics = [], scalar_prefetch = 0 : i64, scratch_operands = 0 : i64, tpu.core_type = #tpu.core_type<tc>} {
    %get3A = arith.constant 0 : index
    %get3A_0 = arith.constant 0 : index
    %get3A_1 = vector.load %arg0[%get3A, %get3A_0] : memref<10000x128xf32, #tpu.memory_space<vmem>>, vector<10000x128xf32>
    %get3A_2 = arith.constant 0 : index
    %get3A_3 = arith.constant 0 : index
    %get3A_4 = vector.load %arg1[%get3A_2, %get3A_3] : memref<128x128xf32, #tpu.memory_space<vmem>>, vector<128x128xf32>
    %dot_general3A = arith.constant dense<0.000000e+00> : vector<10000x128xf32>
    %dot_general3A_5 = tpu.matmul %get3A_1, %get3A_4, %dot_general3A {dimension_numbers = #tpu.dot_dimension_numbers<[1], [0], [0], [1], [0, 0, 1, 1], [], []>, transpose_lhs_hint = false} : vector<10000x128xf32>, vector<128x128xf32>, vector<10000x128xf32> -> vector<10000x128xf32>
    %broadcast_in_dim3A = arith.constant 1.000000e+00 : f32
    %broadcast_in_dim3A_6 = vector.broadcast %broadcast_in_dim3A : f32 to vector<10000x1xf32>
    %broadcast_in_dim3A_7 = arith.constant 0.000000e+00 : f32
    %broadcast_in_dim3A_8 = vector.broadcast %broadcast_in_dim3A_7 : f32 to vector<10000x31xf32>
    %concatenate3A = tpu.concatenate %dot_general3A_5, %broadcast_in_dim3A_6, %broadcast_in_dim3A_8 in 1 : vector<10000x128xf32>, vector<10000x1xf32>, vector<10000x31xf32> -> vector<10000x160xf32>
    %convert_element_type3A = arith.truncf %concatenate3A : vector<10000x160xf32> to vector<10000x160xbf16>
    %swap3A = arith.constant 0 : index
    %swap3A_9 = arith.constant 0 : index
    %swap3A_10 = vector.load %arg4[%swap3A, %swap3A_9] : memref<10000x160xbf16, #tpu.memory_space<vmem>>, vector<10000x160xbf16>
    tpu.vector_store %arg4[%swap3A, %swap3A_9], %convert_element_type3A {strides = array<i32>} : memref<10000x160xbf16, #tpu.memory_space<vmem>>, vector<10000x160xbf16>,
    %get3A_11 = arith.constant 0 : index
    %get3A_12 = arith.constant 0 : index
    %get3A_13 = vector.load %arg2[%get3A_11, %get3A_12] : memref<128x1xf32, #tpu.memory_space<vmem>>, vector<128x1xf32>
    %dot_general3A_14 = arith.constant dense<0.000000e+00> : vector<10000x1xf32>
    %dot_general3A_15 = tpu.matmul %dot_general3A_5, %get3A_13, %dot_general3A_14 {dimension_numbers = #tpu.dot_dimension_numbers<[1], [0], [0], [1], [0, 0, 1, 1], [], []>, transpose_lhs_hint = false} : vector<10000x128xf32>, vector<128x1xf32>, vector<10000x1xf32> -> vector<10000x1xf32>
    %swap3A_16 = arith.constant 0 : index
    %swap3A_17 = arith.constant 0 : index
    %swap3A_18 = vector.load %arg5[%swap3A_16, %swap3A_17] : memref<10000x1xf32, #tpu.memory_space<vmem>>, vector<10000x1xf32>
    tpu.vector_store %arg5[%swap3A_16, %swap3A_17], %dot_general3A_15 {strides = array<i32>} : memref<10000x1xf32, #tpu.memory_space<vmem>>, vector<10000x1xf32>,
    %get3A_19 = arith.constant 0 : index
    %get3A_20 = arith.constant 0 : index
    %get3A_21 = vector.load %arg3[%get3A_19, %get3A_20] : memref<128x1xf32, #tpu.memory_space<vmem>>, vector<128x1xf32>
    %dot_general3A_22 = arith.constant dense<0.000000e+00> : vector<10000x1xf32>
    %dot_general3A_23 = tpu.matmul %dot_general3A_5, %get3A_21, %dot_general3A_22 {dimension_numbers = #tpu.dot_dimension_numbers<[1], [0], [0], [1], [0, 0, 1, 1], [], []>, transpose_lhs_hint = false} : vector<10000x128xf32>, vector<128x1xf32>, vector<10000x1xf32> -> vector<10000x1xf32>
    %swap3A_24 = arith.constant 0 : index
    %swap3A_25 = arith.constant 0 : index
    %swap3A_26 = vector.load %arg6[%swap3A_24, %swap3A_25] : memref<10000x1xf32, #tpu.memory_space<vmem>>, vector<10000x1xf32>
    tpu.vector_store %arg6[%swap3A_24, %swap3A_25], %dot_general3A_23 {strides = array<i32>} : memref<10000x1xf32, #tpu.memory_space<vmem>>, vector<10000x1xf32>,
    return
  }
}

module attributes {stable_mosaic.version = 14 : i64} {
  func.func @_comb_body(%arg0: memref<2x10000x160xbf16, #tpu.memory_space<vmem>>, %arg1: memref<1x128xf32, #tpu.memory_space<vmem>>, %arg2: memref<1x128xf32, #tpu.memory_space<vmem>>, %arg3: memref<1x128xf32, #tpu.memory_space<vmem>>, %arg4: memref<128x128xf32, #tpu.memory_space<vmem>>, %arg5: memref<128x1xf32, #tpu.memory_space<vmem>>, %arg6: memref<128x1xf32, #tpu.memory_space<vmem>>, %arg7: memref<10000x128xf32, #tpu.memory_space<vmem>>, %arg8: memref<10000x160xbf16, #tpu.memory_space<vmem>>, %arg9: memref<10000x1xf32, #tpu.memory_space<vmem>>, %arg10: memref<10000x1xf32, #tpu.memory_space<vmem>>) attributes {dimension_semantics = [], scalar_prefetch = 0 : i64, scratch_operands = 0 : i64, tpu.core_type = #tpu.core_type<tc>} {
    %get3A = arith.constant 0 : index
    %get3A_0 = arith.constant 0 : index
    %get3A_1 = arith.constant 0 : index
    %get3A_2 = vector.load %arg0[%get3A, %get3A_0, %get3A_1] : memref<2x10000x160xbf16, #tpu.memory_space<vmem>>, vector<1x10000x160xbf16>
    %get3A_3 = vector.shape_cast %get3A_2 : vector<1x10000x160xbf16> to vector<10000x160xbf16>
    %convert_element_type3A = arith.extf %get3A_3 : vector<10000x160xbf16> to vector<10000x160xf32>
    %get3A_4 = arith.constant 1 : index
    %get3A_5 = arith.constant 0 : index
    %get3A_6 = arith.constant 0 : index
    %get3A_7 = vector.load %arg0[%get3A_4, %get3A_5, %get3A_6] : memref<2x10000x160xbf16, #tpu.memory_space<vmem>>, vector<1x10000x160xbf16>
    %get3A_8 = vector.shape_cast %get3A_7 : vector<1x10000x160xbf16> to vector<10000x160xbf16>
    %convert_element_type3A_9 = arith.extf %get3A_8 : vector<10000x160xbf16> to vector<10000x160xf32>
    %add3A = arith.addf %convert_element_type3A, %convert_element_type3A_9 : vector<10000x160xf32>
    %slice3A = vector.extract_strided_slice %add3A {offsets = [0, 0], sizes = [10000, 128], strides = [1, 1]} : vector<10000x160xf32> to vector<10000x128xf32>
    %slice3A_10 = vector.extract_strided_slice %add3A {offsets = [0, 128], sizes = [10000, 1], strides = [1, 1]} : vector<10000x160xf32> to vector<10000x1xf32>
    %add3A_11 = arith.constant 1.000000e-16 : f32
    %add3A_12 = vector.broadcast %add3A_11 : f32 to vector<10000x1xf32>
    %add3A_13 = arith.addf %slice3A_10, %add3A_12 : vector<10000x1xf32>
    %div3A = vector.broadcast %add3A_13 : vector<10000x1xf32> to vector<10000x128xf32>
    %div3A_14 = arith.divf %slice3A, %div3A : vector<10000x128xf32>
    %get3A_15 = arith.constant 0 : index
    %get3A_16 = arith.constant 0 : index
    %get3A_17 = vector.load %arg1[%get3A_15, %get3A_16] : memref<1x128xf32, #tpu.memory_space<vmem>>, vector<1x128xf32>
    %add3A_18 = vector.broadcast %get3A_17 : vector<1x128xf32> to vector<10000x128xf32>
    %add3A_19 = arith.addf %div3A_14, %add3A_18 : vector<10000x128xf32>
    %swap3A = arith.constant 0 : index
    %swap3A_20 = arith.constant 0 : index
    %swap3A_21 = vector.load %arg7[%swap3A, %swap3A_20] : memref<10000x128xf32, #tpu.memory_space<vmem>>, vector<10000x128xf32>
    tpu.vector_store %arg7[%swap3A, %swap3A_20], %add3A_19 {strides = array<i32>} : memref<10000x128xf32, #tpu.memory_space<vmem>>, vector<10000x128xf32>,
    %get3A_22 = arith.constant 0 : index
    %get3A_23 = arith.constant 0 : index
    %get3A_24 = vector.load %arg2[%get3A_22, %get3A_23] : memref<1x128xf32, #tpu.memory_space<vmem>>, vector<1x128xf32>
    %get3A_25 = arith.constant 0 : index
    %get3A_26 = arith.constant 0 : index
    %get3A_27 = vector.load %arg3[%get3A_25, %get3A_26] : memref<1x128xf32, #tpu.memory_space<vmem>>, vector<1x128xf32>
    %reduce_sum3A = arith.constant dense<0.000000e+00> : vector<128xf32>
    %reduce_sum3A_28 = vector.multi_reduction <add>, %add3A_19, %reduce_sum3A [0] : vector<10000x128xf32> to vector<128xf32>
    %broadcast_in_dim3A = vector.shape_cast %reduce_sum3A_28 : vector<128xf32> to vector<1x128xf32>
    %div3A_29 = arith.constant 1.000000e+04 : f32
    %div3A_30 = vector.broadcast %div3A_29 : f32 to vector<1x128xf32>
    %div3A_31 = arith.divf %broadcast_in_dim3A, %div3A_30 : vector<1x128xf32>
    %sub3A = vector.broadcast %div3A_31 : vector<1x128xf32> to vector<10000x128xf32>
    %sub3A_32 = arith.subf %add3A_19, %sub3A : vector<10000x128xf32>
    %integer_pow3A = arith.mulf %sub3A_32, %sub3A_32 : vector<10000x128xf32>
    %reduce_sum3A_33 = arith.constant dense<0.000000e+00> : vector<128xf32>
    %reduce_sum3A_34 = vector.multi_reduction <add>, %integer_pow3A, %reduce_sum3A_33 [0] : vector<10000x128xf32> to vector<128xf32>
    %broadcast_in_dim3A_35 = vector.shape_cast %reduce_sum3A_34 : vector<128xf32> to vector<1x128xf32>
    %div3A_36 = arith.constant 1.000000e+04 : f32
    %div3A_37 = vector.broadcast %div3A_36 : f32 to vector<1x128xf32>
    %div3A_38 = arith.divf %broadcast_in_dim3A_35, %div3A_37 : vector<1x128xf32>
    %sub3A_39 = vector.broadcast %div3A_31 : vector<1x128xf32> to vector<10000x128xf32>
    %sub3A_40 = arith.subf %add3A_19, %sub3A_39 : vector<10000x128xf32>
    %add3A_41 = arith.constant 9.99999974E-6 : f32
    %add3A_42 = vector.broadcast %add3A_41 : f32 to vector<1x128xf32>
    %add3A_43 = arith.addf %div3A_38, %add3A_42 : vector<1x128xf32>
    %sqrt3A = math.sqrt %add3A_43 : vector<1x128xf32>
    %div3A_44 = vector.broadcast %sqrt3A : vector<1x128xf32> to vector<10000x128xf32>
    %div3A_45 = arith.divf %sub3A_40, %div3A_44 : vector<10000x128xf32>
    %mul3A = vector.broadcast %get3A_24 : vector<1x128xf32> to vector<10000x128xf32>
    %mul3A_46 = arith.mulf %div3A_45, %mul3A : vector<10000x128xf32>
    %add3A_47 = vector.broadcast %get3A_27 : vector<1x128xf32> to vector<10000x128xf32>
    %add3A_48 = arith.addf %mul3A_46, %add3A_47 : vector<10000x128xf32>
    %max3A = arith.constant 0.000000e+00 : f32
    %max3A_49 = vector.broadcast %max3A : f32 to vector<10000x128xf32>
    %max3A_50 = arith.maximumf %add3A_48, %max3A_49 : vector<10000x128xf32>
    %get3A_51 = arith.constant 0 : index
    %get3A_52 = arith.constant 0 : index
    %get3A_53 = vector.load %arg4[%get3A_51, %get3A_52] : memref<128x128xf32, #tpu.memory_space<vmem>>, vector<128x128xf32>
    %dot_general3A = arith.constant dense<0.000000e+00> : vector<10000x128xf32>
    %dot_general3A_54 = tpu.matmul %max3A_50, %get3A_53, %dot_general3A {dimension_numbers = #tpu.dot_dimension_numbers<[1], [0], [0], [1], [0, 0, 1, 1], [], []>, transpose_lhs_hint = false} : vector<10000x128xf32>, vector<128x128xf32>, vector<10000x128xf32> -> vector<10000x128xf32>
    %broadcast_in_dim3A_55 = arith.constant 1.000000e+00 : f32
    %broadcast_in_dim3A_56 = vector.broadcast %broadcast_in_dim3A_55 : f32 to vector<10000x1xf32>
    %broadcast_in_dim3A_57 = arith.constant 0.000000e+00 : f32
    %broadcast_in_dim3A_58 = vector.broadcast %broadcast_in_dim3A_57 : f32 to vector<10000x31xf32>
    %concatenate3A = tpu.concatenate %dot_general3A_54, %broadcast_in_dim3A_56, %broadcast_in_dim3A_58 in 1 : vector<10000x128xf32>, vector<10000x1xf32>, vector<10000x31xf32> -> vector<10000x160xf32>
    %convert_element_type3A_59 = arith.truncf %concatenate3A : vector<10000x160xf32> to vector<10000x160xbf16>
    %swap3A_60 = arith.constant 0 : index
    %swap3A_61 = arith.constant 0 : index
    %swap3A_62 = vector.load %arg8[%swap3A_60, %swap3A_61] : memref<10000x160xbf16, #tpu.memory_space<vmem>>, vector<10000x160xbf16>
    tpu.vector_store %arg8[%swap3A_60, %swap3A_61], %convert_element_type3A_59 {strides = array<i32>} : memref<10000x160xbf16, #tpu.memory_space<vmem>>, vector<10000x160xbf16>,
    %get3A_63 = arith.constant 0 : index
    %get3A_64 = arith.constant 0 : index
    %get3A_65 = vector.load %arg5[%get3A_63, %get3A_64] : memref<128x1xf32, #tpu.memory_space<vmem>>, vector<128x1xf32>
    %dot_general3A_66 = arith.constant dense<0.000000e+00> : vector<10000x1xf32>
    %dot_general3A_67 = tpu.matmul %dot_general3A_54, %get3A_65, %dot_general3A_66 {dimension_numbers = #tpu.dot_dimension_numbers<[1], [0], [0], [1], [0, 0, 1, 1], [], []>, transpose_lhs_hint = false} : vector<10000x128xf32>, vector<128x1xf32>, vector<10000x1xf32> -> vector<10000x1xf32>
    %swap3A_68 = arith.constant 0 : index
    %swap3A_69 = arith.constant 0 : index
    %swap3A_70 = vector.load %arg9[%swap3A_68, %swap3A_69] : memref<10000x1xf32, #tpu.memory_space<vmem>>, vector<10000x1xf32>
    tpu.vector_store %arg9[%swap3A_68, %swap3A_69], %dot_general3A_67 {strides = array<i32>} : memref<10000x1xf32, #tpu.memory_space<vmem>>, vector<10000x1xf32>,
    %get3A_71 = arith.constant 0 : index
    %get3A_72 = arith.constant 0 : index
    %get3A_73 = vector.load %arg6[%get3A_71, %get3A_72] : memref<128x1xf32, #tpu.memory_space<vmem>>, vector<128x1xf32>
    %dot_general3A_74 = arith.constant dense<0.000000e+00> : vector<10000x1xf32>
    %dot_general3A_75 = tpu.matmul %dot_general3A_54, %get3A_73, %dot_general3A_74 {dimension_numbers = #tpu.dot_dimension_numbers<[1], [0], [0], [1], [0, 0, 1, 1], [], []>, transpose_lhs_hint = false} : vector<10000x128xf32>, vector<128x1xf32>, vector<10000x1xf32> -> vector<10000x1xf32>
    %swap3A_76 = arith.constant 0 : index
    %swap3A_77 = arith.constant 0 : index
    %swap3A_78 = vector.load %arg10[%swap3A_76, %swap3A_77] : memref<10000x1xf32, #tpu.memory_space<vmem>>, vector<10000x1xf32>
    tpu.vector_store %arg10[%swap3A_76, %swap3A_77], %dot_general3A_75 {strides = array<i32>} : memref<10000x1xf32, #tpu.memory_space<vmem>>, vector<10000x1xf32>,
    return
  }
}

module attributes {stable_mosaic.version = 14 : i64} {
  func.func @_comb_last_body(%arg0: memref<2x10000x160xbf16, #tpu.memory_space<vmem>>, %arg1: memref<1x128xf32, #tpu.memory_space<vmem>>, %arg2: memref<10000x128xf32, #tpu.memory_space<vmem>>) attributes {dimension_semantics = [], scalar_prefetch = 0 : i64, scratch_operands = 0 : i64, tpu.core_type = #tpu.core_type<tc>} {
    %get3A = arith.constant 0 : index
    %get3A_0 = arith.constant 0 : index
    %get3A_1 = arith.constant 0 : index
    %get3A_2 = vector.load %arg0[%get3A, %get3A_0, %get3A_1] : memref<2x10000x160xbf16, #tpu.memory_space<vmem>>, vector<1x10000x160xbf16>
    %get3A_3 = vector.shape_cast %get3A_2 : vector<1x10000x160xbf16> to vector<10000x160xbf16>
    %convert_element_type3A = arith.extf %get3A_3 : vector<10000x160xbf16> to vector<10000x160xf32>
    %get3A_4 = arith.constant 1 : index
    %get3A_5 = arith.constant 0 : index
    %get3A_6 = arith.constant 0 : index
    %get3A_7 = vector.load %arg0[%get3A_4, %get3A_5, %get3A_6] : memref<2x10000x160xbf16, #tpu.memory_space<vmem>>, vector<1x10000x160xbf16>
    %get3A_8 = vector.shape_cast %get3A_7 : vector<1x10000x160xbf16> to vector<10000x160xbf16>
    %convert_element_type3A_9 = arith.extf %get3A_8 : vector<10000x160xbf16> to vector<10000x160xf32>
    %add3A = arith.addf %convert_element_type3A, %convert_element_type3A_9 : vector<10000x160xf32>
    %slice3A = vector.extract_strided_slice %add3A {offsets = [0, 0], sizes = [10000, 128], strides = [1, 1]} : vector<10000x160xf32> to vector<10000x128xf32>
    %slice3A_10 = vector.extract_strided_slice %add3A {offsets = [0, 128], sizes = [10000, 1], strides = [1, 1]} : vector<10000x160xf32> to vector<10000x1xf32>
    %add3A_11 = arith.constant 1.000000e-16 : f32
    %add3A_12 = vector.broadcast %add3A_11 : f32 to vector<10000x1xf32>
    %add3A_13 = arith.addf %slice3A_10, %add3A_12 : vector<10000x1xf32>
    %div3A = vector.broadcast %add3A_13 : vector<10000x1xf32> to vector<10000x128xf32>
    %div3A_14 = arith.divf %slice3A, %div3A : vector<10000x128xf32>
    %get3A_15 = arith.constant 0 : index
    %get3A_16 = arith.constant 0 : index
    %get3A_17 = vector.load %arg1[%get3A_15, %get3A_16] : memref<1x128xf32, #tpu.memory_space<vmem>>, vector<1x128xf32>
    %add3A_18 = vector.broadcast %get3A_17 : vector<1x128xf32> to vector<10000x128xf32>
    %add3A_19 = arith.addf %div3A_14, %add3A_18 : vector<10000x128xf32>
    %swap3A = arith.constant 0 : index
    %swap3A_20 = arith.constant 0 : index
    %swap3A_21 = vector.load %arg2[%swap3A, %swap3A_20] : memref<10000x128xf32, #tpu.memory_space<vmem>>, vector<10000x128xf32>
    tpu.vector_store %arg2[%swap3A, %swap3A_20], %add3A_19 {strides = array<i32>} : memref<10000x128xf32, #tpu.memory_space<vmem>>, vector<10000x128xf32>,
    return
  }
}

module attributes {stable_mosaic.version = 14 : i64} {
  func.func @_final_body(%arg0: memref<10000x128xf32, #tpu.memory_space<vmem>>, %arg1: memref<10000x128xf32, #tpu.memory_space<vmem>>, %arg2: memref<10000x128xf32, #tpu.memory_space<vmem>>, %arg3: memref<10000x128xf32, #tpu.memory_space<vmem>>, %arg4: memref<128x1xf32, #tpu.memory_space<vmem>>, %arg5: memref<1x1xf32, #tpu.memory_space<vmem>>, %arg6: memref<10000x128xf32, #tpu.memory_space<vmem>>) attributes {dimension_semantics = [], scalar_prefetch = 0 : i64, scratch_operands = 0 : i64, tpu.core_type = #tpu.core_type<tc>} {
    %broadcast_in_dim3A = arith.constant 0.000000e+00 : f32
    %broadcast_in_dim3A_0 = vector.broadcast %broadcast_in_dim3A : f32 to vector<10000x128xf32>
    %get3A = arith.constant 0 : index
    %get3A_1 = arith.constant 0 : index
    %get3A_2 = vector.load %arg0[%get3A, %get3A_1] : memref<10000x128xf32, #tpu.memory_space<vmem>>, vector<10000x128xf32>
    %get3A_3 = arith.constant 0 : index
    %get3A_4 = arith.constant 0 : index
    %get3A_5 = vector.load %arg4[%get3A_3, %get3A_4] : memref<128x1xf32, #tpu.memory_space<vmem>>, vector<128x1xf32>
    %dot_general3A = arith.constant dense<0.000000e+00> : vector<10000x1xf32>
    %dot_general3A_6 = tpu.matmul %get3A_2, %get3A_5, %dot_general3A {dimension_numbers = #tpu.dot_dimension_numbers<[1], [0], [0], [1], [0, 0, 1, 1], [], []>, transpose_lhs_hint = false} : vector<10000x128xf32>, vector<128x1xf32>, vector<10000x1xf32> -> vector<10000x1xf32>
    %get3A_7 = arith.constant 0 : index
    %get3A_8 = arith.constant 0 : index
    %get3A_9 = vector.load %arg5[%get3A_7, %get3A_8] : memref<1x1xf32, #tpu.memory_space<vmem>>, vector<1x1xf32>
    %add3A = vector.broadcast %get3A_9 : vector<1x1xf32> to vector<10000x1xf32>
    %add3A_10 = arith.addf %dot_general3A_6, %add3A : vector<10000x1xf32>
    %logistic3A = arith.negf %add3A_10 : vector<10000x1xf32>
    %logistic3A_11 = math.exp %logistic3A : vector<10000x1xf32>
    %logistic3A_12 = arith.constant 1.000000e+00 : f32
    %logistic3A_13 = vector.broadcast %logistic3A_12 : f32 to vector<10000x1xf32>
    %logistic3A_14 = arith.addf %logistic3A_13, %logistic3A_11 : vector<10000x1xf32>
    %logistic3A_15 = arith.divf %logistic3A_13, %logistic3A_14 : vector<10000x1xf32>
    %mul3A = vector.broadcast %logistic3A_15 : vector<10000x1xf32> to vector<10000x128xf32>
    %mul3A_16 = arith.mulf %mul3A, %get3A_2 : vector<10000x128xf32>
    %add3A_17 = arith.addf %broadcast_in_dim3A_0, %mul3A_16 : vector<10000x128xf32>
    %get3A_18 = arith.constant 0 : index
    %get3A_19 = arith.constant 0 : index
    %get3A_20 = vector.load %arg1[%get3A_18, %get3A_19] : memref<10000x128xf32, #tpu.memory_space<vmem>>, vector<10000x128xf32>
    %get3A_21 = arith.constant 0 : index
    %get3A_22 = arith.constant 0 : index
    %get3A_23 = vector.load %arg4[%get3A_21, %get3A_22] : memref<128x1xf32, #tpu.memory_space<vmem>>, vector<128x1xf32>
    %dot_general3A_24 = arith.constant dense<0.000000e+00> : vector<10000x1xf32>
    %dot_general3A_25 = tpu.matmul %get3A_20, %get3A_23, %dot_general3A_24 {dimension_numbers = #tpu.dot_dimension_numbers<[1], [0], [0], [1], [0, 0, 1, 1], [], []>, transpose_lhs_hint = false} : vector<10000x128xf32>, vector<128x1xf32>, vector<10000x1xf32> -> vector<10000x1xf32>
    %get3A_26 = arith.constant 0 : index
    %get3A_27 = arith.constant 0 : index
    %get3A_28 = vector.load %arg5[%get3A_26, %get3A_27] : memref<1x1xf32, #tpu.memory_space<vmem>>, vector<1x1xf32>
    %add3A_29 = vector.broadcast %get3A_28 : vector<1x1xf32> to vector<10000x1xf32>
    %add3A_30 = arith.addf %dot_general3A_25, %add3A_29 : vector<10000x1xf32>
    %logistic3A_31 = arith.negf %add3A_30 : vector<10000x1xf32>
    %logistic3A_32 = math.exp %logistic3A_31 : vector<10000x1xf32>
    %logistic3A_33 = arith.constant 1.000000e+00 : f32
    %logistic3A_34 = vector.broadcast %logistic3A_33 : f32 to vector<10000x1xf32>
    %logistic3A_35 = arith.addf %logistic3A_34, %logistic3A_32 : vector<10000x1xf32>
    %logistic3A_36 = arith.divf %logistic3A_34, %logistic3A_35 : vector<10000x1xf32>
    %mul3A_37 = vector.broadcast %logistic3A_36 : vector<10000x1xf32> to vector<10000x128xf32>
    %mul3A_38 = arith.mulf %mul3A_37, %get3A_20 : vector<10000x128xf32>
    %add3A_39 = arith.addf %add3A_17, %mul3A_38 : vector<10000x128xf32>
    %get3A_40 = arith.constant 0 : index
    %get3A_41 = arith.constant 0 : index
    %get3A_42 = vector.load %arg2[%get3A_40, %get3A_41] : memref<10000x128xf32, #tpu.memory_space<vmem>>, vector<10000x128xf32>
    %get3A_43 = arith.constant 0 : index
    %get3A_44 = arith.constant 0 : index
    %get3A_45 = vector.load %arg4[%get3A_43, %get3A_44] : memref<128x1xf32, #tpu.memory_space<vmem>>, vector<128x1xf32>
    %dot_general3A_46 = arith.constant dense<0.000000e+00> : vector<10000x1xf32>
    %dot_general3A_47 = tpu.matmul %get3A_42, %get3A_45, %dot_general3A_46 {dimension_numbers = #tpu.dot_dimension_numbers<[1], [0], [0], [1], [0, 0, 1, 1], [], []>, transpose_lhs_hint = false} : vector<10000x128xf32>, vector<128x1xf32>, vector<10000x1xf32> -> vector<10000x1xf32>
    %get3A_48 = arith.constant 0 : index
    %get3A_49 = arith.constant 0 : index
    %get3A_50 = vector.load %arg5[%get3A_48, %get3A_49] : memref<1x1xf32, #tpu.memory_space<vmem>>, vector<1x1xf32>
    %add3A_51 = vector.broadcast %get3A_50 : vector<1x1xf32> to vector<10000x1xf32>
    %add3A_52 = arith.addf %dot_general3A_47, %add3A_51 : vector<10000x1xf32>
    %logistic3A_53 = arith.negf %add3A_52 : vector<10000x1xf32>
    %logistic3A_54 = math.exp %logistic3A_53 : vector<10000x1xf32>
    %logistic3A_55 = arith.constant 1.000000e+00 : f32
    %logistic3A_56 = vector.broadcast %logistic3A_55 : f32 to vector<10000x1xf32>
    %logistic3A_57 = arith.addf %logistic3A_56, %logistic3A_54 : vector<10000x1xf32>
    %logistic3A_58 = arith.divf %logistic3A_56, %logistic3A_57 : vector<10000x1xf32>
    %mul3A_59 = vector.broadcast %logistic3A_58 : vector<10000x1xf32> to vector<10000x128xf32>
    %mul3A_60 = arith.mulf %mul3A_59, %get3A_42 : vector<10000x128xf32>
    %add3A_61 = arith.addf %add3A_39, %mul3A_60 : vector<10000x128xf32>
    %get3A_62 = arith.constant 0 : index
    %get3A_63 = arith.constant 0 : index
    %get3A_64 = vector.load %arg3[%get3A_62, %get3A_63] : memref<10000x128xf32, #tpu.memory_space<vmem>>, vector<10000x128xf32>
    %get3A_65 = arith.constant 0 : index
    %get3A_66 = arith.constant 0 : index
    %get3A_67 = vector.load %arg4[%get3A_65, %get3A_66] : memref<128x1xf32, #tpu.memory_space<vmem>>, vector<128x1xf32>
    %dot_general3A_68 = arith.constant dense<0.000000e+00> : vector<10000x1xf32>
    %dot_general3A_69 = tpu.matmul %get3A_64, %get3A_67, %dot_general3A_68 {dimension_numbers = #tpu.dot_dimension_numbers<[1], [0], [0], [1], [0, 0, 1, 1], [], []>, transpose_lhs_hint = false} : vector<10000x128xf32>, vector<128x1xf32>, vector<10000x1xf32> -> vector<10000x1xf32>
    %get3A_70 = arith.constant 0 : index
    %get3A_71 = arith.constant 0 : index
    %get3A_72 = vector.load %arg5[%get3A_70, %get3A_71] : memref<1x1xf32, #tpu.memory_space<vmem>>, vector<1x1xf32>
    %add3A_73 = vector.broadcast %get3A_72 : vector<1x1xf32> to vector<10000x1xf32>
    %add3A_74 = arith.addf %dot_general3A_69, %add3A_73 : vector<10000x1xf32>
    %logistic3A_75 = arith.negf %add3A_74 : vector<10000x1xf32>
    %logistic3A_76 = math.exp %logistic3A_75 : vector<10000x1xf32>
    %logistic3A_77 = arith.constant 1.000000e+00 : f32
    %logistic3A_78 = vector.broadcast %logistic3A_77 : f32 to vector<10000x1xf32>
    %logistic3A_79 = arith.addf %logistic3A_78, %logistic3A_76 : vector<10000x1xf32>
    %logistic3A_80 = arith.divf %logistic3A_78, %logistic3A_79 : vector<10000x1xf32>
    %mul3A_81 = vector.broadcast %logistic3A_80 : vector<10000x1xf32> to vector<10000x128xf32>
    %mul3A_82 = arith.mulf %mul3A_81, %get3A_64 : vector<10000x128xf32>
    %add3A_83 = arith.addf %add3A_61, %mul3A_82 : vector<10000x128xf32>
    %swap3A = arith.constant 0 : index
    %swap3A_84 = arith.constant 0 : index
    %swap3A_85 = vector.load %arg6[%swap3A, %swap3A_84] : memref<10000x128xf32, #tpu.memory_space<vmem>>, vector<10000x128xf32>
    tpu.vector_store %arg6[%swap3A, %swap3A_84], %add3A_83 {strides = array<i32>} : memref<10000x128xf32, #tpu.memory_space<vmem>>, vector<10000x128xf32>,
    return
  }
}

module attributes {stable_mosaic.version = 14 : i64} {
  func.func @_mlp_body(%arg0: memref<16384x128xf32, #tpu.memory_space<vmem>>, %arg1: memref<16384x128xf32, #tpu.memory_space<vmem>>, %arg2: memref<1x256xf32, #tpu.memory_space<vmem>>, %arg3: memref<1x256xf32, #tpu.memory_space<vmem>>, %arg4: memref<256x128xf32, #tpu.memory_space<vmem>>, %arg5: memref<1x128xf32, #tpu.memory_space<vmem>>, %arg6: memref<1x128xf32, #tpu.memory_space<vmem>>, %arg7: memref<1x128xf32, #tpu.memory_space<vmem>>, %arg8: memref<128x1xf32, #tpu.memory_space<vmem>>, %arg9: memref<1x1xf32, #tpu.memory_space<vmem>>, %arg10: memref<16384x1xf32, #tpu.memory_space<vmem>>) attributes {dimension_semantics = [], scalar_prefetch = 0 : i64, scratch_operands = 0 : i64, tpu.core_type = #tpu.core_type<tc>} {
    %get3A = arith.constant 0 : index
    %get3A_0 = arith.constant 0 : index
    %get3A_1 = vector.load %arg0[%get3A, %get3A_0] : memref<16384x128xf32, #tpu.memory_space<vmem>>, vector<16384x128xf32>
    %get3A_2 = arith.constant 0 : index
    %get3A_3 = arith.constant 0 : index
    %get3A_4 = vector.load %arg1[%get3A_2, %get3A_3] : memref<16384x128xf32, #tpu.memory_space<vmem>>, vector<16384x128xf32>
    %concatenate3A = tpu.concatenate %get3A_1, %get3A_4 in 1 : vector<16384x128xf32>, vector<16384x128xf32> -> vector<16384x256xf32>
    %reduce_sum3A = arith.constant dense<0.000000e+00> : vector<256xf32>
    %reduce_sum3A_5 = vector.multi_reduction <add>, %concatenate3A, %reduce_sum3A [0] : vector<16384x256xf32> to vector<256xf32>
    %broadcast_in_dim3A = vector.shape_cast %reduce_sum3A_5 : vector<256xf32> to vector<1x256xf32>
    %div3A = arith.constant 1.638400e+04 : f32
    %div3A_6 = vector.broadcast %div3A : f32 to vector<1x256xf32>
    %div3A_7 = arith.divf %broadcast_in_dim3A, %div3A_6 : vector<1x256xf32>
    %sub3A = vector.broadcast %div3A_7 : vector<1x256xf32> to vector<16384x256xf32>
    %sub3A_8 = arith.subf %concatenate3A, %sub3A : vector<16384x256xf32>
    %integer_pow3A = arith.mulf %sub3A_8, %sub3A_8 : vector<16384x256xf32>
    %reduce_sum3A_9 = arith.constant dense<0.000000e+00> : vector<256xf32>
    %reduce_sum3A_10 = vector.multi_reduction <add>, %integer_pow3A, %reduce_sum3A_9 [0] : vector<16384x256xf32> to vector<256xf32>
    %broadcast_in_dim3A_11 = vector.shape_cast %reduce_sum3A_10 : vector<256xf32> to vector<1x256xf32>
    %div3A_12 = arith.constant 1.638400e+04 : f32
    %div3A_13 = vector.broadcast %div3A_12 : f32 to vector<1x256xf32>
    %div3A_14 = arith.divf %broadcast_in_dim3A_11, %div3A_13 : vector<1x256xf32>
    %sub3A_15 = vector.broadcast %div3A_7 : vector<1x256xf32> to vector<16384x256xf32>
    %sub3A_16 = arith.subf %concatenate3A, %sub3A_15 : vector<16384x256xf32>
    %add3A = arith.constant 9.99999974E-6 : f32
    %add3A_17 = vector.broadcast %add3A : f32 to vector<1x256xf32>
    %add3A_18 = arith.addf %div3A_14, %add3A_17 : vector<1x256xf32>
    %sqrt3A = math.sqrt %add3A_18 : vector<1x256xf32>
    %div3A_19 = vector.broadcast %sqrt3A : vector<1x256xf32> to vector<16384x256xf32>
    %div3A_20 = arith.divf %sub3A_16, %div3A_19 : vector<16384x256xf32>
    %get3A_21 = arith.constant 0 : index
    %get3A_22 = arith.constant 0 : index
    %get3A_23 = vector.load %arg2[%get3A_21, %get3A_22] : memref<1x256xf32, #tpu.memory_space<vmem>>, vector<1x256xf32>
    %mul3A = vector.broadcast %get3A_23 : vector<1x256xf32> to vector<16384x256xf32>
    %mul3A_24 = arith.mulf %div3A_20, %mul3A : vector<16384x256xf32>
    %get3A_25 = arith.constant 0 : index
    %get3A_26 = arith.constant 0 : index
    %get3A_27 = vector.load %arg3[%get3A_25, %get3A_26] : memref<1x256xf32, #tpu.memory_space<vmem>>, vector<1x256xf32>
    %add3A_28 = vector.broadcast %get3A_27 : vector<1x256xf32> to vector<16384x256xf32>
    %add3A_29 = arith.addf %mul3A_24, %add3A_28 : vector<16384x256xf32>
    %get3A_30 = arith.constant 0 : index
    %get3A_31 = arith.constant 0 : index
    %get3A_32 = vector.load %arg4[%get3A_30, %get3A_31] : memref<256x128xf32, #tpu.memory_space<vmem>>, vector<256x128xf32>
    %dot_general3A = arith.constant dense<0.000000e+00> : vector<16384x128xf32>
    %dot_general3A_33 = tpu.matmul %add3A_29, %get3A_32, %dot_general3A {dimension_numbers = #tpu.dot_dimension_numbers<[1], [0], [0], [1], [0, 0, 1, 1], [], []>, transpose_lhs_hint = false} : vector<16384x256xf32>, vector<256x128xf32>, vector<16384x128xf32> -> vector<16384x128xf32>
    %get3A_34 = arith.constant 0 : index
    %get3A_35 = arith.constant 0 : index
    %get3A_36 = vector.load %arg5[%get3A_34, %get3A_35] : memref<1x128xf32, #tpu.memory_space<vmem>>, vector<1x128xf32>
    %add3A_37 = vector.broadcast %get3A_36 : vector<1x128xf32> to vector<16384x128xf32>
    %add3A_38 = arith.addf %dot_general3A_33, %add3A_37 : vector<16384x128xf32>
    %ge3A = arith.constant 0.000000e+00 : f32
    %ge3A_39 = vector.broadcast %ge3A : f32 to vector<16384x128xf32>
    %ge3A_40 = arith.cmpf oge, %add3A_38, %ge3A_39 : vector<16384x128xf32>
    %mul3A_41 = arith.constant 0.00999999977 : f32
    %mul3A_42 = vector.broadcast %mul3A_41 : f32 to vector<16384x128xf32>
    %mul3A_43 = arith.mulf %mul3A_42, %add3A_38 : vector<16384x128xf32>
    %select_n3A = arith.select %ge3A_40, %add3A_38, %mul3A_43 : vector<16384x128xi1>, vector<16384x128xf32>
    %reduce_sum3A_44 = arith.constant dense<0.000000e+00> : vector<128xf32>
    %reduce_sum3A_45 = vector.multi_reduction <add>, %select_n3A, %reduce_sum3A_44 [0] : vector<16384x128xf32> to vector<128xf32>
    %broadcast_in_dim3A_46 = vector.shape_cast %reduce_sum3A_45 : vector<128xf32> to vector<1x128xf32>
    %div3A_47 = arith.constant 1.638400e+04 : f32
    %div3A_48 = vector.broadcast %div3A_47 : f32 to vector<1x128xf32>
    %div3A_49 = arith.divf %broadcast_in_dim3A_46, %div3A_48 : vector<1x128xf32>
    %sub3A_50 = vector.broadcast %div3A_49 : vector<1x128xf32> to vector<16384x128xf32>
    %sub3A_51 = arith.subf %select_n3A, %sub3A_50 : vector<16384x128xf32>
    %integer_pow3A_52 = arith.mulf %sub3A_51, %sub3A_51 : vector<16384x128xf32>
    %reduce_sum3A_53 = arith.constant dense<0.000000e+00> : vector<128xf32>
    %reduce_sum3A_54 = vector.multi_reduction <add>, %integer_pow3A_52, %reduce_sum3A_53 [0] : vector<16384x128xf32> to vector<128xf32>
    %broadcast_in_dim3A_55 = vector.shape_cast %reduce_sum3A_54 : vector<128xf32> to vector<1x128xf32>
    %div3A_56 = arith.constant 1.638400e+04 : f32
    %div3A_57 = vector.broadcast %div3A_56 : f32 to vector<1x128xf32>
    %div3A_58 = arith.divf %broadcast_in_dim3A_55, %div3A_57 : vector<1x128xf32>
    %sub3A_59 = vector.broadcast %div3A_49 : vector<1x128xf32> to vector<16384x128xf32>
    %sub3A_60 = arith.subf %select_n3A, %sub3A_59 : vector<16384x128xf32>
    %add3A_61 = arith.constant 9.99999974E-6 : f32
    %add3A_62 = vector.broadcast %add3A_61 : f32 to vector<1x128xf32>
    %add3A_63 = arith.addf %div3A_58, %add3A_62 : vector<1x128xf32>
    %sqrt3A_64 = math.sqrt %add3A_63 : vector<1x128xf32>
    %div3A_65 = vector.broadcast %sqrt3A_64 : vector<1x128xf32> to vector<16384x128xf32>
    %div3A_66 = arith.divf %sub3A_60, %div3A_65 : vector<16384x128xf32>
    %get3A_67 = arith.constant 0 : index
    %get3A_68 = arith.constant 0 : index
    %get3A_69 = vector.load %arg6[%get3A_67, %get3A_68] : memref<1x128xf32, #tpu.memory_space<vmem>>, vector<1x128xf32>
    %mul3A_70 = vector.broadcast %get3A_69 : vector<1x128xf32> to vector<16384x128xf32>
    %mul3A_71 = arith.mulf %div3A_66, %mul3A_70 : vector<16384x128xf32>
    %get3A_72 = arith.constant 0 : index
    %get3A_73 = arith.constant 0 : index
    %get3A_74 = vector.load %arg7[%get3A_72, %get3A_73] : memref<1x128xf32, #tpu.memory_space<vmem>>, vector<1x128xf32>
    %add3A_75 = vector.broadcast %get3A_74 : vector<1x128xf32> to vector<16384x128xf32>
    %add3A_76 = arith.addf %mul3A_71, %add3A_75 : vector<16384x128xf32>
    %get3A_77 = arith.constant 0 : index
    %get3A_78 = arith.constant 0 : index
    %get3A_79 = vector.load %arg8[%get3A_77, %get3A_78] : memref<128x1xf32, #tpu.memory_space<vmem>>, vector<128x1xf32>
    %dot_general3A_80 = arith.constant dense<0.000000e+00> : vector<16384x1xf32>
    %dot_general3A_81 = tpu.matmul %add3A_76, %get3A_79, %dot_general3A_80 {dimension_numbers = #tpu.dot_dimension_numbers<[1], [0], [0], [1], [0, 0, 1, 1], [], []>, transpose_lhs_hint = false} : vector<16384x128xf32>, vector<128x1xf32>, vector<16384x1xf32> -> vector<16384x1xf32>
    %get3A_82 = arith.constant 0 : index
    %get3A_83 = arith.constant 0 : index
    %get3A_84 = vector.load %arg9[%get3A_82, %get3A_83] : memref<1x1xf32, #tpu.memory_space<vmem>>, vector<1x1xf32>
    %add3A_85 = vector.broadcast %get3A_84 : vector<1x1xf32> to vector<16384x1xf32>
    %add3A_86 = arith.addf %dot_general3A_81, %add3A_85 : vector<16384x1xf32>
    %logistic3A = arith.negf %add3A_86 : vector<16384x1xf32>
    %logistic3A_87 = math.exp %logistic3A : vector<16384x1xf32>
    %logistic3A_88 = arith.constant 1.000000e+00 : f32
    %logistic3A_89 = vector.broadcast %logistic3A_88 : f32 to vector<16384x1xf32>
    %logistic3A_90 = arith.addf %logistic3A_89, %logistic3A_87 : vector<16384x1xf32>
    %logistic3A_91 = arith.divf %logistic3A_89, %logistic3A_90 : vector<16384x1xf32>
    %swap3A = arith.constant 0 : index
    %swap3A_92 = arith.constant 0 : index
    %swap3A_93 = vector.load %arg10[%swap3A, %swap3A_92] : memref<16384x1xf32, #tpu.memory_space<vmem>>, vector<16384x1xf32>
    tpu.vector_store %arg10[%swap3A, %swap3A_92], %logistic3A_91 {strides = array<i32>} : memref<16384x1xf32, #tpu.memory_space<vmem>>, vector<16384x1xf32>,
    return
  }
}

</mosaic_0001>

<sc_bundles>
// kernel: kernel.14.cloned.1.call-start
scs
__scs_entry_jumppad:
0x0: {  	(pc) =	sbr.rel $0x88, $3  }
0x1: {  	(tag) =	ssettag $0x0;
	lr =	simm.s32 $0x1  }
0x2: {  	[smem:$0x3F69] =	sst lr;
	_ =	strace $0xD0000000  }
0x3: {  	_ = 	snop  }
0x4: {  	_ = 	snop  }
0x5: {  	_ = 	snop  }
0x6: {  	_ = 	snop  }
0x7: {  	_ = 	snop  }
__scs_overlays_trampoline_lowered:
0x8: {  	[smem:$0x3F78] =	sst s0  }
0x9: {  	[smem:$0x3F79] =	sst s1  }
0xa: {  	[smem:$0x3F7A] =	sst s2  }
0xb: {  	[smem:$0x3F7B] =	sst s3  }
0xc: {  	[smem:$0x3F7C] =	sst s4  }
0xd: {  	[smem:$0x3F7D] =	sst s5  }
0xe: {  	[smem:$0x3F7E] =	sst s6  }
0xf: {  	[smem:$0x3F7F] =	sst s7  }
0x10: {  	[smem:$0x3F80] =	sst s8  }
0x11: {  	[smem:$0x3F81] =	sst s9;
	s0 =	simm.s32 @!p0 $0x0  }
0x12: {  	s1 =	sld [smem:$0x3F67];
	s0 =	simm.s32 @p0 $0x1  }
0x13: {  	[smem:$0x3F82] =	sst s0;
	s0 =	simm.s32 @!p1 $0x0  }
0x14: {  	s2 =	sld [smem:$0x3F66];
	s0 =	simm.s32 @p1 $0x1  }
0x15: {  	[smem:$0x3F83] =	sst s0;
	s0 =	simm.s32 @!p2 $0x0  }
0x16: {  	s3 =	sld [smem:$0x3FDB];
	s0 =	simm.s32 @p2 $0x1  }
0x17: {  	s4 =	simm.s32 $0x1BF5;
	[smem:$0x3F85] =	sst s0  }
0x18: {  	s0 =	sld [smem:$0x3F68];
	_ =	swait.ge [sflag:s4], $0x0  }
0x19: {  	s7 =	sld [smem:$0x3F69]  }
0x1a: {  	s8 =	sadd.s32 $0xFFFFE003, lr  }
0x1b: {  	s9 =	sadd.s32 $0xFFFFFEF7, lr;
	s5 =	simm.s32 $0xFFFFFFFF;
	p2 =	slt.u32 s8, $0xFFFFF086  }
0x1c: {  	p1 =	slt.u32 s9, $0xF7A;
	s5 =	simm.s32 @!p2 $0x0  }
0x1d: {  	s5 =	simm.s32 @p1 $0x1;
	p0 =	seq.s32 s7, s2  }
0x1e: {  	s7 =	smul.u32 @!p0 $0xF7A, s2;
	p2 =	seq.s32 @!p0 s5, $0x0  }
0x1f: {  	s9 =	smul.u32 $0xF7A, s1;
	s8 =	simm.s32 @!p0 $0x1BF5;
	p2 =	por !p2, p0  }
0x20: {  	[sflag:s8] =	ssyncset.s32 @!p0 $0xFFFFF086;
	s6 =	sadd.s32 @!p0 s3, s7;
	s7 =	simm.s32 @!p0 $0x108  }
0x21: {  	s3 =	sadd.s32 s3, s9;
	s6 =	sadd.s32 @!p0 $0x88, s6;
	s7 =	simm.s32 @p2 $0x1082  }
0x22: {  	[simem:s7], [sflag:s8] =	dma.local @!p0 [hbm:s6], $0xF7A  }
0x23: {  	s9 =	sor.u32 $0xD0000000, s2;
	s6 =	simm.s32 $0x108;
	_ =	swait.ge @!p0 [sflag:s8], $0x0  }
0x24: {  	s3 =	sadd.s32 $0x88, s3;
	s6 =	simm.s32 @!p1 $0x1082;
	[sflag:s4] =	ssyncset.s32 $0xFFFFF086  }
0x25: {  	[simem:s6], [sflag:s4] =	dma.local [hbm:s3], $0xF7A  }
0x26: {  	[smem:$0x3F69] =	sst s1;
	(tag) =	ssettag s2;
	_ =	strace s9  }
0x27: {  	s1 =	sld [smem:$0x3F79]  }
0x28: {  	s2 =	sld [smem:$0x3F7A]  }
0x29: {  	s4 =	sld [smem:$0x3F7C]  }
0x2a: {  	p0 =	seq.s32 s5, $0x0;
	s5 =	sld [smem:$0x3F7D]  }
0x2b: {  	s6 =	sld [smem:$0x3F7E]  }
0x2c: {  	s7 =	sld [smem:$0x3F7F]  }
0x2d: {  	s3 =	simm.s32 $0x108;
	s8 =	sld [smem:$0x3F80]  }
0x2e: {  	s3 =	simm.s32 @!p0 $0x1082;
	s9 =	sld [smem:$0x3F81]  }
0x2f: {  	lr =	sadd.s32 s0, s3;
	s0 =	sld [smem:$0x3F78]  }
0x30: {  	s3 =	sld [smem:$0x3F7B]  }
0x31: {  	[smem:$0x3F84] =	sst s10  }
0x32: {  	s10 =	sld [smem:$0x3F82];
	_ =	sdelay $0x3  }
0x33: {  	p0 =	seq.s32 s10, $0x1;
	s10 =	sld [smem:$0x3F84];
	_ =	sdelay $0x3  }
0x34: {  	[smem:$0x3F84] =	sst s10  }
0x35: {  	s10 =	sld [smem:$0x3F83];
	_ =	sdelay $0x3  }
0x36: {  	p1 =	seq.s32 s10, $0x1;
	s10 =	sld [smem:$0x3F84];
	_ =	sdelay $0x3  }
0x37: {  	[smem:$0x3F84] =	sst s10  }
0x38: {  	s10 =	sld [smem:$0x3F85]  }
0x39: {  	_ = 	snop;
	(pc) =	sbr.ind lr, $3  }
0x3a: {  	_ = 	snop  }
0x3b: {  	_ = 	snop  }
0x3c: {  	p2 =	seq.s32 s10, $0x1;
	s10 =	sld [smem:$0x3F84]  }
0x3d: {  	_ =	shalt  }
0x3e: {  	_ =	shalt  }
0x3f: {  	_ =	shalt  }
0x40: {  	_ =	shalt  }
0x41: {  	_ =	shalt  }
0x42: {  	_ =	shalt  }
0x43: {  	_ =	shalt  }
0x44: {  	_ =	shalt  }
0x45: {  	_ =	shalt  }
0x46: {  	_ =	shalt  }
0x47: {  	_ =	shalt  }
0x48: {  	_ =	shalt  }
0x49: {  	_ =	shalt  }
0x4a: {  	_ =	shalt  }
0x4b: {  	_ =	shalt  }
0x4c: {  	_ =	shalt  }
0x4d: {  	_ =	shalt  }
0x4e: {  	_ =	shalt  }
0x4f: {  	_ =	shalt  }
0x50: {  	_ =	shalt  }
0x51: {  	_ =	shalt  }
0x52: {  	_ =	shalt  }
0x53: {  	_ =	shalt  }
0x54: {  	_ =	shalt  }
0x55: {  	_ =	shalt  }
0x56: {  	_ =	shalt  }
0x57: {  	_ =	shalt  }
0x58: {  	_ =	shalt  }
0x59: {  	_ =	shalt  }
0x5a: {  	_ =	shalt  }
0x5b: {  	_ =	shalt  }
0x5c: {  	_ =	shalt  }
0x5d: {  	_ =	shalt  }
0x5e: {  	_ =	shalt  }
0x5f: {  	_ =	shalt  }
0x60: {  	_ =	shalt  }
0x61: {  	_ =	shalt  }
0x62: {  	_ =	shalt  }
0x63: {  	_ =	shalt  }
0x64: {  	_ =	shalt  }
0x65: {  	_ =	shalt  }
0x66: {  	_ =	shalt  }
0x67: {  	_ =	shalt  }
0x68: {  	_ =	shalt  }
0x69: {  	_ =	shalt  }
0x6a: {  	_ =	shalt  }
0x6b: {  	_ =	shalt  }
0x6c: {  	_ =	shalt  }
0x6d: {  	_ =	shalt  }
0x6e: {  	_ =	shalt  }
0x6f: {  	_ =	shalt  }
0x70: {  	_ =	shalt  }
0x71: {  	_ =	shalt  }
0x72: {  	_ =	shalt  }
0x73: {  	_ =	shalt  }
0x74: {  	_ =	shalt  }
0x75: {  	_ =	shalt  }
0x76: {  	_ =	shalt  }
0x77: {  	_ =	shalt  }
0x78: {  	_ =	shalt  }
0x79: {  	_ =	shalt  }
0x7a: {  	_ =	shalt  }
0x7b: {  	_ =	shalt  }
0x7c: {  	_ =	shalt  }
0x7d: {  	_ =	shalt  }
0x7e: {  	_ =	shalt  }
0x7f: {  	_ =	shalt  }
0x80: {  	_ =	shalt  }
0x81: {  	_ =	shalt  }
0x82: {  	_ =	shalt  }
0x83: {  	_ =	shalt  }
0x84: {  	_ =	shalt  }
0x85: {  	_ =	shalt  }
0x86: {  	_ =	shalt  }
0x87: {  	_ =	shalt  }
.Lfunc_end0:
.L_simem_size_0:
called_computation_lowered:
.L_overlay_start_0:
0x88: {  	s2 =	sld [smem:$0x3FD9]  }
0x89: {  	s3 =	sld [smem:$0x3FFE];
	_ =	sdelay $0x1  }
0x8a: {  	s1 =	srdreg.scid  }
0x8b: {  	s0 =	sand.u32 $0x1, s1  }
0x8c: {  	s17 =	sshll.u32 s0, $0xA;
	s2 =	sadd.s32 s3, s2  }
0x8d: {  	s2 =	sadd.s32 s2, s17  }
0x8e: {  	[smem:$0x3F90] =	sst s2  }
0x8f: {  	_ = 	snop  }
0x90: {  	s2 =	sld [smem:$0x3FD0];
	(tm) =	ssettm $0x1  }
0x91: {  	s18 =	sld [smem:$0x3FFB];
	_ =	sdelay $0x3  }
0x92: {  	_ =	strace s18  }
0x93: {  	s3 =	sld [smem:$0x3FFC];
	_ =	sdelay $0x3  }
0x94: {  	_ =	strace s3  }
0x95: {  	s3 =	sld [smem:$0x3FFD];
	_ =	sdelay $0x3  }
0x96: {  	_ =	strace s3  }
0x97: {  	_ =	strace $0x8FFFFFFF  }
0x98: {  	s19 =	sld [smem:$0x3FDB];
	_ =	sdelay $0x1  }
0x99: {  	s4 =	simm.s32 $_scs_section_size  }
0x9a: {  	s5 =	simm.s32 $_size__tile_overlayer_lowered;
	s6 =	simm.s32 $_tile_overlayer_lowered  }
0x9b: {  	s22 =	simm.s32 $0x1BFF;
	s21 =	sshll.u32 s6, $0x1;
	s3 =	sadd.s32 s4, s19  }
0x9c: {  	s7 =	simm.s32 $0x0;
	s20 =	sshll.u32 s5, $0x1;
	s5 =	sadd.s32 s21, s3  }
0x9d: {  	[timem:s7], [sflag:s22] =	dma.local [hbm:s5], s20  }
0x9e: {  	_ =	swait.ge [sflag:s22], s20  }
0x9f: {  	s4 =	ssub.s32 $0x0, s20;
	[sflag:s22] =	ssyncset.done $0x0  }
0xa0: {  	[sflag:s22] =	ssyncadd.s32 s4;
	_ =	sdelay $0x1  }
0xa1: {  	s23 =	simm.s32 $0x1B8B  }
0xa2: {  	_ =	swait.ge [sflag:s23], $0x1  }
0xa3: {  	[sflag:s23] =	ssyncset.done $0x0  }
0xa4: {  	s25 =	simm.s32 $0x1B8E;
	s24 =	sld [smem:$0x3FFE];
	[sflag:s23] =	ssyncadd.s32 $0xFFFFFFFF  }
0xa5: {  	s26 =	simm.s32 $execute0_lowered;
	[smem:$0x3FD2] =	sst s25  }
0xa6: {  	s5 =	sshll.u32 s26, $0x1;
	_ =	strace $0x80000046;
	[dreg:$0x1] =	wrdreg $0xFFFFFFFF  }
0xa7: {  	s28 =	simm.s32 $_size_execute0_lowered;
	s3 =	sadd.s32 s3, s5;
	[dreg:$0x0] =	wrdreg $0x0  }
0xa8: {  	s5 =	sshll.u32 s28, $0x1;
	[dreg:$0x2] =	wrdreg s3  }
0xa9: {  	[dreg:$0x3] =	wrdreg s5  }
0xaa: {  	[dreg:$0x4] =	wrdreg $0xC0  }
0xab: {  	_ =	task [dreg:s7], $0x5FFFF  }
0xac: {  	[dreg:$0x1] =	wrdreg $0xFFFFFFFF  }
0xad: {  	[dreg:$0x0] =	wrdreg $0x60  }
0xae: {  	[dreg:$0x2] =	wrdreg s24  }
0xaf: {  	[dreg:$0x3] =	wrdreg s2  }
0xb0: {  	[dreg:$0x4] =	wrdreg $0xE7900  }
0xb1: {  	[dreg:$0x5] =	wrdreg $0x9  }
0xb2: {  	_ =	task.clear_ibuf [dreg:s7], $0x6FFFF;
	_ =	strace $0x90000046  }
0xb3: {  	s29 =	simm.s32 $0x9;
	_ =	strace $0x80000048  }
0xb4: {  	_ =	swait.ge [sflag:s29], $0x1  }
0xb5: {  	[sflag:s29] =	ssyncadd.s32 $0xFFFFFFFF  }
0xb6: {  	_ =	strace $0x90000048  }
0xb7: {  	_ =	sfence  }
0xb8: {  	s30 =	sld [smem:$0x0];
	_ =	sdelay $0x2  }
0xb9: {  	s31 =	sshll.u32 s1, $0xD;
	s1 =	sshrl.u32 s1, $0x2  }
0xba: {  	s3 =	sand.u32 $0x4000, s31;
	s1 =	sadd.s32 s1, s30  }
0xbb: {  	s0 =	sor.u32 s3, s0;
	s1 =	sshll.u32 s1, $0x11  }
0xbc: {  	s0 =	sor.u32 s1, s0  }
0xbd: {  	s0 =	sadd.s32 $0x8F2B, s0  }
0xbe: {  	[sflag:s0] =	ssyncadd.remote.s32 $0x1  }
0xbf: {  	_ =	sfence.sel $0xFFFF  }
0xc0: {  	[dreg:$0x0] =	wrdreg $0xFFFFFFFF;
	(pc) =	sbr.abs _section_cstart, $3  }
0xc1: {  	[dreg:$0x1] =	wrdreg $0xFFFFFFFF  }
0xc2: {  	_ =	task.clear_ibuf [dreg:s7], $0x2FFFF;
	_ =	strace $0x9FFFFFFF  }
0xc3: {  	(tm) =	ssettm $0x7FFFFFFF  }
tec
execute0_lowered:
.L_overlay_start_1:
0x0: {  	(tag) =	ssettag $0x1  }
0x1: {  	s7 =	rddreg [dreg:$0x0]  }
0x2: {  	s1 =	srdreg.scid;
	s2 =	rddreg [dreg:$0x1]  }
0x3: {  	s0 =	stileid.u32;
	s3 =	rddreg [dreg:$0x2];
	s4 =	simm.s32 $0x0  }
0x4: {  	s16 =	simm.s32 $0x4E20;
	s17 =	simm.s32 $0x7530;
	s18 =	simm.s32 $0x50  }
0x5: {  	s19 =	simm.s32 $0x9C90;
	s20 =	simm.s32 $0x1;
	s21 =	simm.s32 $0x9C40  }
0x6: {  	s22 =	simm.s32 $0x2;
	s23 =	simm.s32 $0x0;
	s8 =	sand.u32 $0x1, s1  }
0x7: {  	s25 =	sshll.u32 s0, $0x1;
	s10 =	smul.u32 $0x186A0, s0;
	[smem:$0x7FF] =	sst s4  }
0x8: {  	s5 =	sadd.s32 $0x5000, s7;
	s6 =	sadd.s32 $0x1D800, s7;
	s31 =	sshll.u32 s0, $0x6  }
0x9: {  	s1 =	sor.u32 s8, s25;
	s11 =	smul.u32 $0x186A00, s8;
	_ =	strace $0x80000047  }
0xa: {  	s8 =	ssub.s32 $0x2, s8;
	s9 =	smul.u32 $0x4E2, s1;
	s28 =	sshrl.u32 s10, $0x4  }
0xb: {  	s29 =	sshrl.u32 s8, $0x1;
	s30 =	sshrl.u32 s10, $0x1;
	s26 =	sadd.s32 s10, s11  }
0xc: {  	s11 =	sadd.s32 s28, s7;
	s14 =	ssub.s32 s8, s29;
	s15 =	sadd.s32 s30, s3  }
0xd: {  	s8 =	sor.u32 $0x1C03, s31;
	s12 =	sadd.s32 s9, s7;
	s9 =	sshrl.u32 s26, $0x4  }
0xe: {  	s13 =	sadd.s32 s9, s7;
	s7 =	sadd.s32 $0x31A00, s11;
	s9 =	sadd.s32 $0x27C00, s12  }
0xf: {  	s10 =	sadd.s32 $0x1DE00, s12;
	s12 =	smax.u32 s14, $0x1;
	s14 =	simm.s32 $0x3  }
0x10: {  	s11 =	sadd.s32 $0x4A200, s13;
	s13 =	sshrl.u32 s15, $0x3;
	s15 =	simm.s32 $0x2710  }
.LBB2_1:
0x11: {  	[spmem:s13], [sflag:s8] =	dma.local [hbm:s7], $0x186A  }
0x12: {  	_ =	swait.ge [sflag:s14], $0x186A  }
0x13: {  	[sflag:s14] =	ssyncset.done $0x0  }
0x14: {  	[sflag:s14] =	ssyncadd.s32 $0xFFFFE796  }
0x15: {  	[tilespmem:s4], [sflag:$0x3] =	stream.linear.gather [hbm4b:s9+s4], $0x2710, $0x38;
	[tilespmem:$0x1AAE0] =	vst v63  }
0x16: {  	_ =	swait.ge [sflag:s14], $0x2710  }
0x17: {  	[sflag:s14] =	ssyncset.done $0x0  }
0x18: {  	[sflag:s14] =	ssyncadd.s32 $0xFFFFD8F0  }
0x19: {  	[tilespmem:s15], [sflag:$0x3] =	stream.linear.gather [hbm4b:s10+s4], $0x2710, $0x38;
	[tilespmem:$0x1AAE0] =	vst v63  }
0x1a: {  	_ =	swait.ge [sflag:s14], $0x2710  }
0x1b: {  	[sflag:s14] =	ssyncset.done $0x0  }
0x1c: {  	[sflag:s14] =	ssyncadd.s32 $0xFFFFD8F0  }
0x1d: {  	[tilespmem:s16], [sflag:$0x3] =	stream.linear.gather [hbm4b:s2+s4], $0x2710, $0x38;
	[tilespmem:$0x1AAE0] =	vst v63  }
0x1e: {  	_ =	swait.ge [sflag:s14], $0x2710  }
0x1f: {  	[sflag:s14] =	ssyncset.done $0x0  }
0x20: {  	[sflag:s14] =	ssyncadd.s32 $0xFFFFD8F0  }
0x21: {  	[tilespmem:s17], [sflag:$0x3] =	stream.linear.gather [hbm4b:s6+s4], $0x2710, $0x38;
	[tilespmem:$0x1AAE0] =	vst v63  }
0x22: {  	_ =	swait.ge [sflag:s14], $0x2710  }
0x23: {  	[sflag:s14] =	ssyncset.done $0x0  }
0x24: {  	[sflag:s14] =	ssyncadd.s32 $0xFFFFD8F0  }
0x25: {  	[tilespmem:s19], [sflag:$0x1] =	stream.indirect.gather [hbm4b:s5+s18], $0x50, s4, s18, $0xb8;
	[tilespmem:$0x1AAE0] =	vst v63  }
0x26: {  	s25 =	simm.s32 $0x0;
	[bflag:$0x0] =	sbarrier.arrive $0xFFFF  }
.LBB2_2:
0x27: {  	p0 =	slt.u32 s25, $0x2  }
0x28: {  	s24 =	simm.s32 @!p0 $0x2  }
0x29: {  	_ =	swait.ge @!p0 [sflag:s24], $0x1900  }
0x2a: {  	p1 =	seq.s32 @!p0 s25, $0x7C;
	[sflag:s24] =	ssyncset.done @!p0 $0x0  }
0x2b: {  	p1 =	por p0, !p1;
	[sflag:s24] =	ssyncadd.s32 @!p0 $0xFFFFE700;
	s24 =	simm.s32 @!p0 $0x7D  }
0x2c: {  	s24 =	sadd.s32 @p1 $0x1, s25  }
0x2d: {  	s26 =	smul.u32 @p1 $0xAB, s24;
	_ =	sdelay $0x1  }
0x2e: {  	s26 =	sshrl.u32 @p1 s26, $0x9  }
0x2f: {  	s26 =	sand.u32 @p1 $0x7F, s26  }
0x30: {  	s26 =	smul.u32 @p1 $0x3, s26;
	_ =	sdelay $0x1  }
0x31: {  	s26 =	ssub.s32 @p1 s24, s26  }
0x32: {  	s26 =	sand.u32 @p1 $0xFF, s26  }
0x33: {  	s26 =	smul.u32 @p1 $0x6400, s26  }
0x34: {  	s28 =	smul.u32 @p1 $0x140, s24  }
0x35: {  	s26 =	sshrl.u32 @p1 s26, $0x2  }
0x36: {  	s28 =	sshra.s32 @p1 s28, $0x2;
	s26 =	sadd.s32 @p1 $0x9C90, s26  }
0x37: {  	[tilespmem:s26], [sflag:$0x1] =	stream.indirect.gather @p1 [hbm4b:s5+s18], $0x50, s28, s18, $0xb8;
	[tilespmem:$0x1AAE0] =	vst v63  }
0x38: {  	_ =	swait.ge [sflag:s20], $0x1900  }
0x39: {  	s1 =	smul.u32 $0x50, s25;
	[sflag:s20] =	ssyncset.done $0x0  }
0x3a: {  	[sflag:s20] =	ssyncadd.s32 $0xFFFFE700  }
0x3b: {  	v0 =	vld [tilespmem:s1+$0x0]  }
0x3c: {  	v1 =	vld [tilespmem:s1+$0x2710];
	_ =	sdelay $0x6  }
0x3d: {  	v0 =	vld.idx.msk [tilespmem:v0+s16+$0x0], $0xffff  }
0x3e: {  	v1 =	vld.idx.msk [tilespmem:v1+s17+$0x0], $0xffff;
	_ =	sdelay $0x4  }
0x3f: {  	v0 =	vadd.f32 v1, v0;
	_ =	sdelay $0x1  }
0x40: {  	v1 =	vmul.f32 $2.000000030e-01, v0  }
0x41: {  	vm0 =	vge.f32 v0, $0.0e+00  }
0x42: {  	v0 =	vsel vm0, v0, v1  }
0x43: {  	v0 =	vmul.f32 $1.442695020e+00, v0;
	_ =	sdelay $0x1  }
0x44: {  	(erf) = vpow2.f32 v0;
	_ =	sdelay $0x8  }
0x45: {  	v0 =	vpop (erf)  }
0x46: {  	[tilespmem:$0x9C40] =	vst v0  }
0x47: {  	v0 =	vld [tilespmem:s1+$0x10]  }
0x48: {  	v1 =	vld [tilespmem:s1+$0x2720];
	_ =	sdelay $0x6  }
0x49: {  	v0 =	vld.idx.msk [tilespmem:v0+s16+$0x0], $0xffff  }
0x4a: {  	v1 =	vld.idx.msk [tilespmem:v1+s17+$0x0], $0xffff;
	_ =	sdelay $0x4  }
0x4b: {  	v0 =	vadd.f32 v1, v0;
	_ =	sdelay $0x1  }
0x4c: {  	v1 =	vmul.f32 $2.000000030e-01, v0  }
0x4d: {  	vm12 =	vge.f32 v0, $0.0e+00  }
0x4e: {  	v0 =	vsel vm12, v0, v1  }
0x4f: {  	v0 =	vmul.f32 $1.442695020e+00, v0;
	_ =	sdelay $0x1  }
0x50: {  	(erf) = vpow2.f32 v0;
	_ =	sdelay $0x8  }
0x51: {  	v0 =	vpop (erf)  }
0x52: {  	[tilespmem:$0x9C50] =	vst v0  }
0x53: {  	v0 =	vld [tilespmem:s1+$0x20]  }
0x54: {  	v1 =	vld [tilespmem:s1+$0x2730];
	_ =	sdelay $0x6  }
0x55: {  	v0 =	vld.idx.msk [tilespmem:v0+s16+$0x0], $0xffff  }
0x56: {  	v1 =	vld.idx.msk [tilespmem:v1+s17+$0x0], $0xffff;
	_ =	sdelay $0x4  }
0x57: {  	v0 =	vadd.f32 v1, v0;
	_ =	sdelay $0x1  }
0x58: {  	v1 =	vmul.f32 $2.000000030e-01, v0  }
0x59: {  	vm13 =	vge.f32 v0, $0.0e+00  }
0x5a: {  	v0 =	vsel vm13, v0, v1  }
0x5b: {  	v0 =	vmul.f32 $1.442695020e+00, v0;
	_ =	sdelay $0x1  }
0x5c: {  	(erf) = vpow2.f32 v0;
	_ =	sdelay $0x8  }
0x5d: {  	v0 =	vpop (erf)  }
0x5e: {  	[tilespmem:$0x9C60] =	vst v0  }
0x5f: {  	v0 =	vld [tilespmem:s1+$0x30]  }
0x60: {  	v1 =	vld [tilespmem:s1+$0x2740];
	_ =	sdelay $0x6  }
0x61: {  	v0 =	vld.idx.msk [tilespmem:v0+s16+$0x0], $0xffff  }
0x62: {  	v1 =	vld.idx.msk [tilespmem:v1+s17+$0x0], $0xffff;
	_ =	sdelay $0x4  }
0x63: {  	v0 =	vadd.f32 v1, v0;
	_ =	sdelay $0x1  }
0x64: {  	v1 =	vmul.f32 $2.000000030e-01, v0  }
0x65: {  	vm14 =	vge.f32 v0, $0.0e+00  }
0x66: {  	v0 =	vsel vm14, v0, v1  }
0x67: {  	v0 =	vmul.f32 $1.442695020e+00, v0;
	_ =	sdelay $0x1  }
0x68: {  	(erf) = vpow2.f32 v0;
	_ =	sdelay $0x8  }
0x69: {  	v0 =	vpop (erf)  }
0x6a: {  	[tilespmem:$0x9C70] =	vst v0  }
0x6b: {  	v0 =	vld [tilespmem:s1+$0x40]  }
0x6c: {  	v1 =	vld [tilespmem:s1+$0x2750];
	_ =	sdelay $0x6  }
0x6d: {  	v0 =	vld.idx.msk [tilespmem:v0+s16+$0x0], $0xffff  }
0x6e: {  	v1 =	vld.idx.msk [tilespmem:v1+s17+$0x0], $0xffff;
	_ =	sdelay $0x4  }
0x6f: {  	v0 =	vadd.f32 v1, v0;
	_ =	sdelay $0x1  }
0x70: {  	v1 =	vmul.f32 $2.000000030e-01, v0  }
0x71: {  	vm15 =	vge.f32 v0, $0.0e+00  }
0x72: {  	v0 =	vsel vm15, v0, v1  }
0x73: {  	v0 =	vmul.f32 $1.442695020e+00, v0;
	_ =	sdelay $0x1  }
0x74: {  	s28 =	sand.u32 $0xFF, s25;
	(erf) = vpow2.f32 v0  }
0x75: {  	s28 =	smul.u32 $0xAB, s28  }
0x76: {  	s29 =	simm.s32 $0x0  }
0x77: {  	s28 =	sshrl.u32 s28, $0x9;
	v0 =	vmov s29  }
0x78: {  	s28 =	smul.u32 $0x3, s28;
	v0 =	vand.u32 $0xFFFFFFFC, v0  }
0x79: {  	v0 =	vbroadcast v0, $0x0  }
0x7a: {  	s31 =	ssub.s32 s25, s28  }
0x7b: {  	s25 =	sand.u32 $0xFF, s31  }
0x7c: {  	s25 =	smul.u32 $0x6400, s25  }
0x7d: {  	v1 =	vpop (erf)  }
0x7e: {  	s28 =	sshrl.u32 s25, $0x2;
	[tilespmem:$0x9C80] =	vst v1  }
0x7f: {  	s25 =	sadd.s32 $0x9D30, s28;
	v0 =	vld.idx.msk [tilespmem:v0+s21+$0x0], $0xffff  }
0x80: {  	v1 =	vld [tilespmem:s25+$0xFFFFFF60]  }
0x81: {  	v2 =	vld [tilespmem:s25+$0xFFFFFFA0]  }
0x82: {  	v3 =	vld [tilespmem:s25+$0xFFFFFF90]  }
0x83: {  	s29 =	simm.s32 $0x1;
	v4 =	vld [tilespmem:s25+$0xFFFFFF70]  }
0x84: {  	v6 =	vmov s29;
	v5 =	vld [tilespmem:s25+$0xFFFFFF80];
	v0 =	vpack.i.f32.bf16 v0, v0  }
0x85: {  	v6 =	vand.u32 $0xFFFFFFFD, v6;
	v1 =	vmul.bf16 v1, v0  }
0x86: {  	v6 =	vbroadcast v6, $0x0;
	v2 =	vmul.bf16 v2, v0  }
0x87: {  	[tilespmem:s25+$0xFFFFFF60] =	vst v1;
	v1 =	vmul.bf16 v3, v0  }
0x88: {  	v3 =	vmul.bf16 v4, v0;
	[tilespmem:s25+$0xFFFFFFA0] =	vst v2  }
0x89: {  	v0 =	vmul.bf16 v5, v0;
	[tilespmem:s25+$0xFFFFFF90] =	vst v1  }
0x8a: {  	[tilespmem:s25+$0xFFFFFF70] =	vst v3  }
0x8b: {  	[tilespmem:s25+$0xFFFFFF80] =	vst v0  }
0x8c: {  	v0 =	vld.idx.msk [tilespmem:v6+s21+$0x0], $0xffff  }
0x8d: {  	v1 =	vld [tilespmem:s25+$0xFFFFFFB0]  }
0x8e: {  	v2 =	vld [tilespmem:s25+$0xFFFFFFC0]  }
0x8f: {  	v3 =	vld [tilespmem:s25+$0xFFFFFFE0]  }
0x90: {  	s29 =	simm.s32 $0x2;
	v4 =	vld [tilespmem:s25+$0xFFFFFFF0]  }
0x91: {  	v63 =	vmov s29;
	v5 =	vld [tilespmem:s25+$0xFFFFFFD0];
	v0 =	vpack.i.f32.bf16 v0, v0  }
0x92: {  	v6 =	vand.u32 $0xFFFFFFFE, v63;
	v1 =	vmul.bf16 v1, v0  }
0x93: {  	v6 =	vbroadcast v6, $0x0;
	v2 =	vmul.bf16 v2, v0  }
0x94: {  	[tilespmem:s25+$0xFFFFFFB0] =	vst v1;
	v1 =	vmul.bf16 v3, v0  }
0x95: {  	v3 =	vmul.bf16 v4, v0;
	[tilespmem:s25+$0xFFFFFFC0] =	vst v2  }
0x96: {  	v0 =	vmul.bf16 v5, v0;
	[tilespmem:s25+$0xFFFFFFE0] =	vst v1  }
0x97: {  	[tilespmem:s25+$0xFFFFFFF0] =	vst v3  }
0x98: {  	v2 =	vld [tilespmem:s25+$0x10];
	[tilespmem:s25+$0xFFFFFFD0] =	vst v0  }
0x99: {  	v0 =	vld.idx.msk [tilespmem:v6+s21+$0x0], $0xffff  }
0x9a: {  	v4 =	vld [tilespmem:s25+$0x20]  }
0x9b: {  	v3 =	vld [tilespmem:s25+$0x0]  }
0x9c: {  	v5 =	vld [tilespmem:s25+$0x40]  }
0x9d: {  	v1 =	vld [tilespmem:s25+$0x30]  }
0x9e: {  	v6 =	vpack.i.f32.bf16 v0, v0  }
0x9f: {  	v2 =	vmul.bf16 v2, v6  }
0xa0: {  	v7 =	vmul.bf16 v3, v6  }
0xa1: {  	s30 =	simm.s32 $0x3;
	s26 =	sadd.s32 $0x2710, s1;
	v0 =	vmul.bf16 v4, v6;
	[tilespmem:s25+$0x10] =	vst v2  }
0xa2: {  	s28 =	sadd.s32 $0x9C90, s28;
	s29 =	simm.s32 $0x7;
	v3 =	vmul.bf16 v1, v6;
	v1 =	vmov s30;
	s30 =	smov.u32 s25;
	v2 =	vmul.bf16 v5, v6;
	[tilespmem:s25+$0x0] =	vst v7  }
.LBB2_3:
0xa3: {  	p0 =	sne.s32 s29, $0x4F  }
0xa4: {  	[tilespmem:s25+$0x30] =	vst v3;
	s30 =	sadd.s32 $0x140, s30;
	s31 =	smov.u32 s29;
	s29 =	sadd.s32 $0x4, s29  }
0xa5: {  	[tilespmem:s25+$0x20] =	vst v0  }
0xa6: {  	[tilespmem:s25+$0x40] =	vst v2;
	v0 =	vld [tilespmem:s25+$0x80]  }
0xa7: {  	v1 =	vld.idx.msk [tilespmem:v1+s21+$0x0], $0xffff  }
0xa8: {  	v2 =	vld [tilespmem:s25+$0x50]  }
0xa9: {  	v3 =	vld [tilespmem:s25+$0x60]  }
0xaa: {  	v4 =	vld [tilespmem:s25+$0x70]  }
0xab: {  	v5 =	vld [tilespmem:s25+$0x90]  }
0xac: {  	s1 =	sadd.s32 $0xFFFFFFFD, s31  }
0xad: {  	v6 =	vmov s1;
	v1 =	vpack.i.f32.bf16 v1, v1  }
0xae: {  	v6 =	vand.u32 $0xFFFFFFFC, v6;
	v2 =	vmul.bf16 v2, v1;
	v3 =	vmul.bf16 v3, v1  }
0xaf: {  	v6 =	vbroadcast v6, $0x0;
	v4 =	vmul.bf16 v4, v1  }
0xb0: {  	v0 =	vmul.bf16 v0, v1;
	[tilespmem:s25+$0x50] =	vst v2;
	v1 =	vmul.bf16 v5, v1  }
0xb1: {  	[tilespmem:s25+$0x60] =	vst v3  }
0xb2: {  	[tilespmem:s25+$0x80] =	vst v0  }
0xb3: {  	[tilespmem:s25+$0x70] =	vst v4  }
0xb4: {  	v0 =	vld [tilespmem:s30+$0xFFFFFF90];
	[tilespmem:s25+$0x90] =	vst v1;
	s25 =	smov.u32 s30  }
0xb5: {  	v1 =	vld.idx.msk [tilespmem:v6+s21+$0x0], $0xffff  }
0xb6: {  	v2 =	vld [tilespmem:s30+$0xFFFFFFA0]  }
0xb7: {  	v3 =	vld [tilespmem:s30+$0xFFFFFF60]  }
0xb8: {  	v4 =	vld [tilespmem:s30+$0xFFFFFF80]  }
0xb9: {  	v5 =	vld [tilespmem:s30+$0xFFFFFF70]  }
0xba: {  	s1 =	sadd.s32 $0xFFFFFFFE, s31  }
0xbb: {  	v6 =	vmov s1;
	v1 =	vpack.i.f32.bf16 v1, v1  }
0xbc: {  	v6 =	vand.u32 $0xFFFFFFFD, v6;
	v2 =	vmul.bf16 v2, v1;
	v3 =	vmul.bf16 v3, v1  }
0xbd: {  	v6 =	vbroadcast v6, $0x0;
	v4 =	vmul.bf16 v4, v1  }
0xbe: {  	v0 =	vmul.bf16 v0, v1;
	[tilespmem:s30+$0xFFFFFF60] =	vst v3;
	v3 =	vmul.bf16 v5, v1  }
0xbf: {  	[tilespmem:s30+$0xFFFFFFA0] =	vst v2  }
0xc0: {  	[tilespmem:s30+$0xFFFFFF90] =	vst v0  }
0xc1: {  	[tilespmem:s30+$0xFFFFFF70] =	vst v3  }
0xc2: {  	[tilespmem:s30+$0xFFFFFF80] =	vst v4;
	v0 =	vld [tilespmem:s30+$0xFFFFFFE0]  }
0xc3: {  	v1 =	vld.idx.msk [tilespmem:v6+s21+$0x0], $0xffff  }
0xc4: {  	v2 =	vld [tilespmem:s30+$0xFFFFFFC0]  }
0xc5: {  	v3 =	vld [tilespmem:s30+$0xFFFFFFB0]  }
0xc6: {  	v4 =	vld [tilespmem:s30+$0xFFFFFFD0]  }
0xc7: {  	v5 =	vld [tilespmem:s30+$0xFFFFFFF0]  }
0xc8: {  	s1 =	sadd.s32 $0xFFFFFFFF, s31  }
0xc9: {  	v6 =	vmov s1;
	v1 =	vpack.i.f32.bf16 v1, v1  }
0xca: {  	v6 =	vand.u32 $0xFFFFFFFE, v6;
	v2 =	vmul.bf16 v2, v1;
	v3 =	vmul.bf16 v3, v1  }
0xcb: {  	v6 =	vbroadcast v6, $0x0;
	v4 =	vmul.bf16 v4, v1  }
0xcc: {  	v0 =	vmul.bf16 v0, v1;
	[tilespmem:s30+$0xFFFFFFB0] =	vst v3;
	v1 =	vmul.bf16 v5, v1  }
0xcd: {  	[tilespmem:s30+$0xFFFFFFC0] =	vst v2  }
0xce: {  	[tilespmem:s30+$0xFFFFFFE0] =	vst v0  }
0xcf: {  	[tilespmem:s30+$0xFFFFFFF0] =	vst v1  }
0xd0: {  	[tilespmem:s30+$0xFFFFFFD0] =	vst v4;
	v1 =	vld [tilespmem:s30+$0x30]  }
0xd1: {  	v0 =	vld.idx.msk [tilespmem:v6+s21+$0x0], $0xffff  }
0xd2: {  	v2 =	vld [tilespmem:s30+$0x10]  }
0xd3: {  	v3 =	vld [tilespmem:s30+$0x0]  }
0xd4: {  	v4 =	vld [tilespmem:s30+$0x20]  }
0xd5: {  	v5 =	vld [tilespmem:s30+$0x40];
	_ =	sdelay $0x1  }
.Ltmp0:
0xd6: {  	v6 =	vpack.i.f32.bf16 v0, v0;
	(pc) =	sbr.rel @p0 .LBB2_3-.Ltmp0, $4  }
0xd7: {  	v2 =	vmul.bf16 v2, v6;
	v7 =	vmul.bf16 v3, v6  }
0xd8: {  	v3 =	vmul.bf16 v1, v6;
	v0 =	vmul.bf16 v4, v6  }
0xd9: {  	v1 =	vmov s31;
	[tilespmem:s30+$0x10] =	vst v2;
	v2 =	vmul.bf16 v5, v6  }
0xda: {  	[tilespmem:s30+$0x0] =	vst v7  }
0xdb: {  	_ = 	snop  }
0xdc: {  	[tilespmem:s25+$0x30] =	vst v3  }
0xdd: {  	[tilespmem:s25+$0x20] =	vst v0  }
0xde: {  	[tilespmem:s25+$0x40] =	vst v2  }
0xdf: {  	v0 =	vld.idx.msk [tilespmem:v1+s21+$0x0], $0xffff  }
0xe0: {  	v59 =	vld [tilespmem:s25+$0x50]  }
0xe1: {  	v60 =	vld [tilespmem:s25+$0x60]  }
0xe2: {  	v61 =	vld [tilespmem:s25+$0x80]  }
0xe3: {  	v4 =	vld [tilespmem:s25+$0x70]  }
0xe4: {  	v5 =	vld [tilespmem:s25+$0x90];
	v0 =	vpack.i.f32.bf16 v0, v0  }
0xe5: {  	v1 =	vmul.bf16 v59, v0  }
0xe6: {  	v2 =	vmul.bf16 v60, v0  }
0xe7: {  	p0 =	slt.u32 s24, $0x7D;
	v62 =	vmul.bf16 v61, v0;
	[tilespmem:s25+$0x50] =	vst v1  }
.Ltmp1:
0xe8: {  	v63 =	vmul.bf16 v4, v0;
	[tilespmem:s25+$0x60] =	vst v2;
	(pc) =	sbr.rel @p0 .LBB2_2-.Ltmp1, $4  }
0xe9: {  	v0 =	vmul.bf16 v5, v0;
	[tilespmem:s25+$0x80] =	vst v62  }
0xea: {  	[tilespmem:s25+$0x70] =	vst v63  }
0xeb: {  	[tilespmem:s25+$0x90] =	vst v0;
	s25 =	smov.u32 s24  }
0xec: {  	[spmem:s3] =	stream.indirect.scatter.add.bf16 [tilespmem:s28], [sflag:$0x2], $0x50, s26, s18, $0xb8;
	[tilespmem:$0x1AAE0] =	vst v63  }
0xed: {  	_ =	swait.ge [sflag:s22], $0x1900  }
0xee: {  	[sflag:s22] =	ssyncset.done $0x0  }
0xef: {  	[sflag:s22] =	ssyncadd.s32 $0xFFFFE700  }
0xf0: {  	_ =	swait.ge [sflag:s22], $0x1900  }
0xf1: {  	s23 =	sadd.s32 $0x1, s23;
	[sflag:s22] =	ssyncset.done $0x0  }
0xf2: {  	p0 =	sne.s32 s23, s12;
	[sflag:s22] =	ssyncadd.s32 $0xFFFFE700  }
.Ltmp2:
0xf3: {  	[bflag:$0x0] =	sbarrier.arrive $0xFFFF;
	(pc) =	sbr.rel @p0 .LBB2_1-.Ltmp2, $4  }
0xf4: {  	[hbm:s11], [sflag:s8] =	dma.local [spmem:s13], $0x186A  }
0xf5: {  	_ =	swait.ge [sflag:s14], $0x186A  }
0xf6: {  	[sflag:s14] =	ssyncset.done $0x0  }
0xf7: {  	[sflag:s14] =	ssyncadd.s32 $0xFFFFE796  }
0xf8: {  	_ =	sfence.sel $0x180000  }
0xf9: {  	[bflag:$0x0] =	sbarrier.arrive $0xFFFF  }
0xfa: {  	_ =	strace $0x90000047  }
0xfb: {  	[bflag:$0x2] =	sbarrier.arrive $0xFFFF  }
0xfc: {  	p0 =	sne.s32 s0, $0x0;
	s0 =	rddreg [dreg:$0x3]  }
0xfd: {  	s0 =	sadd.s32 @!p0 $0x100000, s0  }
0xfe: {  	[sflag:s0] =	ssyncadd.tile.s32 @!p0 $0x1;
	_ =	shalt  }
.Lfunc_end2:
_tile_overlayer_lowered:
.L_overlay_start_2:
0xff: {  	(tag) =	ssettag $0x2  }
0x100: {  	s0 =	rddreg [dreg:$0x0];
	s2 =	stileid.u32  }
0x101: {  	s1 =	rddreg [dreg:$0x1];
	p0 =	sne.s32 s2, $0x0  }
0x102: {  	s3 =	rddreg [dreg:$0x2];
	[bflag:$0x3] =	sbarrier.arrive $0xFFFF;
	s2 =	simm.s32 @!p0 $0x1C03  }
0x103: {  	[timem:s3], [sflag:s2] =	dma.local @!p0 [hbm:s0], s1  }
0x104: {  	s0 =	simm.s32 @!p0 $0x3  }
0x105: {  	_ =	swait.ge @!p0 [sflag:s0], s1  }
0x106: {  	s1 =	ssub.s32 @!p0 $0x0, s1;
	[sflag:s0] =	ssyncset.done @!p0 $0x0  }
0x107: {  	[sflag:s0] =	ssyncadd.s32 @!p0 s1  }
0x108: {  	[bflag:$0x3] =	sbarrier.arrive $0xFFFF  }
0x109: {  	_ =	shalt  }

// kernel: kernel.17.cloned.1.call-start
scs
__scs_entry_jumppad:
0x0: {  	(pc) =	sbr.rel $0x88, $3  }
0x1: {  	(tag) =	ssettag $0x0;
	lr =	simm.s32 $0x1  }
0x2: {  	[smem:$0x3F69] =	sst lr;
	_ =	strace $0xD0000000  }
0x3: {  	_ = 	snop  }
0x4: {  	_ = 	snop  }
0x5: {  	_ = 	snop  }
0x6: {  	_ = 	snop  }
0x7: {  	_ = 	snop  }
__scs_overlays_trampoline_lowered:
0x8: {  	[smem:$0x3F78] =	sst s0  }
0x9: {  	[smem:$0x3F79] =	sst s1  }
0xa: {  	[smem:$0x3F7A] =	sst s2  }
0xb: {  	[smem:$0x3F7B] =	sst s3  }
0xc: {  	[smem:$0x3F7C] =	sst s4  }
0xd: {  	[smem:$0x3F7D] =	sst s5  }
0xe: {  	[smem:$0x3F7E] =	sst s6  }
0xf: {  	[smem:$0x3F7F] =	sst s7  }
0x10: {  	[smem:$0x3F80] =	sst s8  }
0x11: {  	[smem:$0x3F81] =	sst s9;
	s0 =	simm.s32 @!p0 $0x0  }
0x12: {  	s1 =	sld [smem:$0x3F67];
	s0 =	simm.s32 @p0 $0x1  }
0x13: {  	[smem:$0x3F82] =	sst s0;
	s0 =	simm.s32 @!p1 $0x0  }
0x14: {  	s2 =	sld [smem:$0x3F66];
	s0 =	simm.s32 @p1 $0x1  }
0x15: {  	[smem:$0x3F83] =	sst s0;
	s0 =	simm.s32 @!p2 $0x0  }
0x16: {  	s3 =	sld [smem:$0x3FDB];
	s0 =	simm.s32 @p2 $0x1  }
0x17: {  	s4 =	simm.s32 $0x1BF5;
	[smem:$0x3F85] =	sst s0  }
0x18: {  	s0 =	sld [smem:$0x3F68];
	_ =	swait.ge [sflag:s4], $0x0  }
0x19: {  	s7 =	sld [smem:$0x3F69]  }
0x1a: {  	s8 =	sadd.s32 $0xFFFFE003, lr  }
0x1b: {  	s9 =	sadd.s32 $0xFFFFFEF7, lr;
	s5 =	simm.s32 $0xFFFFFFFF;
	p2 =	slt.u32 s8, $0xFFFFF086  }
0x1c: {  	p1 =	slt.u32 s9, $0xF7A;
	s5 =	simm.s32 @!p2 $0x0  }
0x1d: {  	s5 =	simm.s32 @p1 $0x1;
	p0 =	seq.s32 s7, s2  }
0x1e: {  	s7 =	smul.u32 @!p0 $0xF7A, s2;
	p2 =	seq.s32 @!p0 s5, $0x0  }
0x1f: {  	s9 =	smul.u32 $0xF7A, s1;
	s8 =	simm.s32 @!p0 $0x1BF5;
	p2 =	por !p2, p0  }
0x20: {  	[sflag:s8] =	ssyncset.s32 @!p0 $0xFFFFF086;
	s6 =	sadd.s32 @!p0 s3, s7;
	s7 =	simm.s32 @!p0 $0x108  }
0x21: {  	s3 =	sadd.s32 s3, s9;
	s6 =	sadd.s32 @!p0 $0x88, s6;
	s7 =	simm.s32 @p2 $0x1082  }
0x22: {  	[simem:s7], [sflag:s8] =	dma.local @!p0 [hbm:s6], $0xF7A  }
0x23: {  	s9 =	sor.u32 $0xD0000000, s2;
	s6 =	simm.s32 $0x108;
	_ =	swait.ge @!p0 [sflag:s8], $0x0  }
0x24: {  	s3 =	sadd.s32 $0x88, s3;
	s6 =	simm.s32 @!p1 $0x1082;
	[sflag:s4] =	ssyncset.s32 $0xFFFFF086  }
0x25: {  	[simem:s6], [sflag:s4] =	dma.local [hbm:s3], $0xF7A  }
0x26: {  	[smem:$0x3F69] =	sst s1;
	(tag) =	ssettag s2;
	_ =	strace s9  }
0x27: {  	s1 =	sld [smem:$0x3F79]  }
0x28: {  	s2 =	sld [smem:$0x3F7A]  }
0x29: {  	s4 =	sld [smem:$0x3F7C]  }
0x2a: {  	p0 =	seq.s32 s5, $0x0;
	s5 =	sld [smem:$0x3F7D]  }
0x2b: {  	s6 =	sld [smem:$0x3F7E]  }
0x2c: {  	s7 =	sld [smem:$0x3F7F]  }
0x2d: {  	s3 =	simm.s32 $0x108;
	s8 =	sld [smem:$0x3F80]  }
0x2e: {  	s3 =	simm.s32 @!p0 $0x1082;
	s9 =	sld [smem:$0x3F81]  }
0x2f: {  	lr =	sadd.s32 s0, s3;
	s0 =	sld [smem:$0x3F78]  }
0x30: {  	s3 =	sld [smem:$0x3F7B]  }
0x31: {  	[smem:$0x3F84] =	sst s10  }
0x32: {  	s10 =	sld [smem:$0x3F82];
	_ =	sdelay $0x3  }
0x33: {  	p0 =	seq.s32 s10, $0x1;
	s10 =	sld [smem:$0x3F84];
	_ =	sdelay $0x3  }
0x34: {  	[smem:$0x3F84] =	sst s10  }
0x35: {  	s10 =	sld [smem:$0x3F83];
	_ =	sdelay $0x3  }
0x36: {  	p1 =	seq.s32 s10, $0x1;
	s10 =	sld [smem:$0x3F84];
	_ =	sdelay $0x3  }
0x37: {  	[smem:$0x3F84] =	sst s10  }
0x38: {  	s10 =	sld [smem:$0x3F85]  }
0x39: {  	_ = 	snop;
	(pc) =	sbr.ind lr, $3  }
0x3a: {  	_ = 	snop  }
0x3b: {  	_ = 	snop  }
0x3c: {  	p2 =	seq.s32 s10, $0x1;
	s10 =	sld [smem:$0x3F84]  }
0x3d: {  	_ =	shalt  }
0x3e: {  	_ =	shalt  }
0x3f: {  	_ =	shalt  }
0x40: {  	_ =	shalt  }
0x41: {  	_ =	shalt  }
0x42: {  	_ =	shalt  }
0x43: {  	_ =	shalt  }
0x44: {  	_ =	shalt  }
0x45: {  	_ =	shalt  }
0x46: {  	_ =	shalt  }
0x47: {  	_ =	shalt  }
0x48: {  	_ =	shalt  }
0x49: {  	_ =	shalt  }
0x4a: {  	_ =	shalt  }
0x4b: {  	_ =	shalt  }
0x4c: {  	_ =	shalt  }
0x4d: {  	_ =	shalt  }
0x4e: {  	_ =	shalt  }
0x4f: {  	_ =	shalt  }
0x50: {  	_ =	shalt  }
0x51: {  	_ =	shalt  }
0x52: {  	_ =	shalt  }
0x53: {  	_ =	shalt  }
0x54: {  	_ =	shalt  }
0x55: {  	_ =	shalt  }
0x56: {  	_ =	shalt  }
0x57: {  	_ =	shalt  }
0x58: {  	_ =	shalt  }
0x59: {  	_ =	shalt  }
0x5a: {  	_ =	shalt  }
0x5b: {  	_ =	shalt  }
0x5c: {  	_ =	shalt  }
0x5d: {  	_ =	shalt  }
0x5e: {  	_ =	shalt  }
0x5f: {  	_ =	shalt  }
0x60: {  	_ =	shalt  }
0x61: {  	_ =	shalt  }
0x62: {  	_ =	shalt  }
0x63: {  	_ =	shalt  }
0x64: {  	_ =	shalt  }
0x65: {  	_ =	shalt  }
0x66: {  	_ =	shalt  }
0x67: {  	_ =	shalt  }
0x68: {  	_ =	shalt  }
0x69: {  	_ =	shalt  }
0x6a: {  	_ =	shalt  }
0x6b: {  	_ =	shalt  }
0x6c: {  	_ =	shalt  }
0x6d: {  	_ =	shalt  }
0x6e: {  	_ =	shalt  }
0x6f: {  	_ =	shalt  }
0x70: {  	_ =	shalt  }
0x71: {  	_ =	shalt  }
0x72: {  	_ =	shalt  }
0x73: {  	_ =	shalt  }
0x74: {  	_ =	shalt  }
0x75: {  	_ =	shalt  }
0x76: {  	_ =	shalt  }
0x77: {  	_ =	shalt  }
0x78: {  	_ =	shalt  }
0x79: {  	_ =	shalt  }
0x7a: {  	_ =	shalt  }
0x7b: {  	_ =	shalt  }
0x7c: {  	_ =	shalt  }
0x7d: {  	_ =	shalt  }
0x7e: {  	_ =	shalt  }
0x7f: {  	_ =	shalt  }
0x80: {  	_ =	shalt  }
0x81: {  	_ =	shalt  }
0x82: {  	_ =	shalt  }
0x83: {  	_ =	shalt  }
0x84: {  	_ =	shalt  }
0x85: {  	_ =	shalt  }
0x86: {  	_ =	shalt  }
0x87: {  	_ =	shalt  }
.Lfunc_end0:
.L_simem_size_0:
called_computation.1_lowered:
.L_overlay_start_0:
0x88: {  	s2 =	sld [smem:$0x3FD9]  }
0x89: {  	s3 =	sld [smem:$0x3FFE];
	_ =	sdelay $0x1  }
0x8a: {  	s1 =	srdreg.scid  }
0x8b: {  	s0 =	sand.u32 $0x1, s1  }
0x8c: {  	s17 =	sshll.u32 s0, $0xA;
	s2 =	sadd.s32 s3, s2  }
0x8d: {  	s2 =	sadd.s32 s2, s17  }
0x8e: {  	[smem:$0x3F90] =	sst s2  }
0x8f: {  	_ = 	snop  }
0x90: {  	s2 =	sld [smem:$0x3FD0];
	(tm) =	ssettm $0x1  }
0x91: {  	s18 =	sld [smem:$0x3FFB];
	_ =	sdelay $0x3  }
0x92: {  	_ =	strace s18  }
0x93: {  	s3 =	sld [smem:$0x3FFC];
	_ =	sdelay $0x3  }
0x94: {  	_ =	strace s3  }
0x95: {  	s3 =	sld [smem:$0x3FFD];
	_ =	sdelay $0x3  }
0x96: {  	_ =	strace s3  }
0x97: {  	_ =	strace $0x8FFFFFFF  }
0x98: {  	s19 =	sld [smem:$0x3FDB];
	_ =	sdelay $0x1  }
0x99: {  	s4 =	simm.s32 $_scs_section_size  }
0x9a: {  	s5 =	simm.s32 $_size__tile_overlayer_lowered;
	s6 =	simm.s32 $_tile_overlayer_lowered  }
0x9b: {  	s22 =	simm.s32 $0x1BFF;
	s21 =	sshll.u32 s6, $0x1;
	s3 =	sadd.s32 s4, s19  }
0x9c: {  	s7 =	simm.s32 $0x0;
	s20 =	sshll.u32 s5, $0x1;
	s5 =	sadd.s32 s21, s3  }
0x9d: {  	[timem:s7], [sflag:s22] =	dma.local [hbm:s5], s20  }
0x9e: {  	_ =	swait.ge [sflag:s22], s20  }
0x9f: {  	s4 =	ssub.s32 $0x0, s20;
	[sflag:s22] =	ssyncset.done $0x0  }
0xa0: {  	[sflag:s22] =	ssyncadd.s32 s4;
	_ =	sdelay $0x1  }
0xa1: {  	s23 =	simm.s32 $0x1B8B  }
0xa2: {  	_ =	swait.ge [sflag:s23], $0x1  }
0xa3: {  	[sflag:s23] =	ssyncset.done $0x0  }
0xa4: {  	s25 =	simm.s32 $0x1B8E;
	s24 =	sld [smem:$0x3FFE];
	[sflag:s23] =	ssyncadd.s32 $0xFFFFFFFF  }
0xa5: {  	s26 =	simm.s32 $execute0_lowered;
	[smem:$0x3FD2] =	sst s25  }
0xa6: {  	s5 =	sshll.u32 s26, $0x1;
	_ =	strace $0x80000049;
	[dreg:$0x1] =	wrdreg $0xFFFFFFFF  }
0xa7: {  	s28 =	simm.s32 $_size_execute0_lowered;
	s3 =	sadd.s32 s3, s5;
	[dreg:$0x0] =	wrdreg $0x0  }
0xa8: {  	s5 =	sshll.u32 s28, $0x1;
	[dreg:$0x2] =	wrdreg s3  }
0xa9: {  	[dreg:$0x3] =	wrdreg s5  }
0xaa: {  	[dreg:$0x4] =	wrdreg $0xC0  }
0xab: {  	_ =	task [dreg:s7], $0x5FFFF  }
0xac: {  	[dreg:$0x1] =	wrdreg $0xFFFFFFFF  }
0xad: {  	[dreg:$0x0] =	wrdreg $0x60  }
0xae: {  	[dreg:$0x2] =	wrdreg s24  }
0xaf: {  	[dreg:$0x3] =	wrdreg s2  }
0xb0: {  	[dreg:$0x4] =	wrdreg $0xE7900  }
0xb1: {  	[dreg:$0x5] =	wrdreg $0x9  }
0xb2: {  	_ =	task.clear_ibuf [dreg:s7], $0x6FFFF;
	_ =	strace $0x90000049  }
0xb3: {  	s29 =	simm.s32 $0x9;
	_ =	strace $0x8000004B  }
0xb4: {  	_ =	swait.ge [sflag:s29], $0x1  }
0xb5: {  	[sflag:s29] =	ssyncadd.s32 $0xFFFFFFFF  }
0xb6: {  	_ =	strace $0x9000004B  }
0xb7: {  	_ =	sfence  }
0xb8: {  	s30 =	sld [smem:$0x0];
	_ =	sdelay $0x2  }
0xb9: {  	s31 =	sshll.u32 s1, $0xD;
	s1 =	sshrl.u32 s1, $0x2  }
0xba: {  	s3 =	sand.u32 $0x4000, s31;
	s1 =	sadd.s32 s1, s30  }
0xbb: {  	s0 =	sor.u32 s3, s0;
	s1 =	sshll.u32 s1, $0x11  }
0xbc: {  	s0 =	sor.u32 s1, s0  }
0xbd: {  	s0 =	sadd.s32 $0x8F2B, s0  }
0xbe: {  	[sflag:s0] =	ssyncadd.remote.s32 $0x1  }
0xbf: {  	_ =	sfence.sel $0xFFFF  }
0xc0: {  	[dreg:$0x0] =	wrdreg $0xFFFFFFFF;
	(pc) =	sbr.abs _section_cstart, $3  }
0xc1: {  	[dreg:$0x1] =	wrdreg $0xFFFFFFFF  }
0xc2: {  	_ =	task.clear_ibuf [dreg:s7], $0x2FFFF;
	_ =	strace $0x9FFFFFFF  }
0xc3: {  	(tm) =	ssettm $0x7FFFFFFF  }
tec
execute0_lowered:
.L_overlay_start_1:
0x0: {  	(tag) =	ssettag $0x1  }
0x1: {  	s7 =	rddreg [dreg:$0x0]  }
0x2: {  	s1 =	srdreg.scid;
	s2 =	rddreg [dreg:$0x1]  }
0x3: {  	s0 =	stileid.u32;
	s3 =	rddreg [dreg:$0x2];
	s4 =	simm.s32 $0x0  }
0x4: {  	s16 =	simm.s32 $0x4E20;
	s17 =	simm.s32 $0x7530;
	s18 =	simm.s32 $0x50  }
0x5: {  	s19 =	simm.s32 $0x9C90;
	s20 =	simm.s32 $0x1;
	s21 =	simm.s32 $0x9C40  }
0x6: {  	s22 =	simm.s32 $0x2;
	s23 =	simm.s32 $0x0;
	s8 =	sand.u32 $0x1, s1  }
0x7: {  	s25 =	sshll.u32 s0, $0x1;
	s10 =	smul.u32 $0x186A0, s0;
	[smem:$0x7FF] =	sst s4  }
0x8: {  	s5 =	sadd.s32 $0x5000, s7;
	s6 =	sadd.s32 $0x1D800, s7;
	s31 =	sshll.u32 s0, $0x6  }
0x9: {  	s1 =	sor.u32 s8, s25;
	s11 =	smul.u32 $0x186A00, s8;
	_ =	strace $0x8000004A  }
0xa: {  	s8 =	ssub.s32 $0x2, s8;
	s9 =	smul.u32 $0x4E2, s1;
	s28 =	sshrl.u32 s10, $0x4  }
0xb: {  	s29 =	sshrl.u32 s8, $0x1;
	s30 =	sshrl.u32 s10, $0x1;
	s26 =	sadd.s32 s10, s11  }
0xc: {  	s11 =	sadd.s32 s28, s7;
	s14 =	ssub.s32 s8, s29;
	s15 =	sadd.s32 s30, s3  }
0xd: {  	s8 =	sor.u32 $0x1C03, s31;
	s12 =	sadd.s32 s9, s7;
	s9 =	sshrl.u32 s26, $0x4  }
0xe: {  	s13 =	sadd.s32 s9, s7;
	s7 =	sadd.s32 $0x31A00, s11;
	s9 =	sadd.s32 $0x27C00, s12  }
0xf: {  	s10 =	sadd.s32 $0x1DE00, s12;
	s12 =	smax.u32 s14, $0x1;
	s14 =	simm.s32 $0x3  }
0x10: {  	s11 =	sadd.s32 $0x4A200, s13;
	s13 =	sshrl.u32 s15, $0x3;
	s15 =	simm.s32 $0x2710  }
.LBB2_1:
0x11: {  	[spmem:s13], [sflag:s8] =	dma.local [hbm:s7], $0x186A  }
0x12: {  	_ =	swait.ge [sflag:s14], $0x186A  }
0x13: {  	[sflag:s14] =	ssyncset.done $0x0  }
0x14: {  	[sflag:s14] =	ssyncadd.s32 $0xFFFFE796  }
0x15: {  	[tilespmem:s4], [sflag:$0x3] =	stream.linear.gather [hbm4b:s9+s4], $0x2710, $0x38;
	[tilespmem:$0x1AAE0] =	vst v63  }
0x16: {  	_ =	swait.ge [sflag:s14], $0x2710  }
0x17: {  	[sflag:s14] =	ssyncset.done $0x0  }
0x18: {  	[sflag:s14] =	ssyncadd.s32 $0xFFFFD8F0  }
0x19: {  	[tilespmem:s15], [sflag:$0x3] =	stream.linear.gather [hbm4b:s10+s4], $0x2710, $0x38;
	[tilespmem:$0x1AAE0] =	vst v63  }
0x1a: {  	_ =	swait.ge [sflag:s14], $0x2710  }
0x1b: {  	[sflag:s14] =	ssyncset.done $0x0  }
0x1c: {  	[sflag:s14] =	ssyncadd.s32 $0xFFFFD8F0  }
0x1d: {  	[tilespmem:s16], [sflag:$0x3] =	stream.linear.gather [hbm4b:s2+s4], $0x2710, $0x38;
	[tilespmem:$0x1AAE0] =	vst v63  }
0x1e: {  	_ =	swait.ge [sflag:s14], $0x2710  }
0x1f: {  	[sflag:s14] =	ssyncset.done $0x0  }
0x20: {  	[sflag:s14] =	ssyncadd.s32 $0xFFFFD8F0  }
0x21: {  	[tilespmem:s17], [sflag:$0x3] =	stream.linear.gather [hbm4b:s6+s4], $0x2710, $0x38;
	[tilespmem:$0x1AAE0] =	vst v63  }
0x22: {  	_ =	swait.ge [sflag:s14], $0x2710  }
0x23: {  	[sflag:s14] =	ssyncset.done $0x0  }
0x24: {  	[sflag:s14] =	ssyncadd.s32 $0xFFFFD8F0  }
0x25: {  	[tilespmem:s19], [sflag:$0x1] =	stream.indirect.gather [hbm4b:s5+s18], $0x50, s4, s18, $0xb8;
	[tilespmem:$0x1AAE0] =	vst v63  }
0x26: {  	s25 =	simm.s32 $0x0;
	[bflag:$0x0] =	sbarrier.arrive $0xFFFF  }
.LBB2_2:
0x27: {  	p0 =	slt.u32 s25, $0x2  }
0x28: {  	s24 =	simm.s32 @!p0 $0x2  }
0x29: {  	_ =	swait.ge @!p0 [sflag:s24], $0x1900  }
0x2a: {  	p1 =	seq.s32 @!p0 s25, $0x7C;
	[sflag:s24] =	ssyncset.done @!p0 $0x0  }
0x2b: {  	p1 =	por p0, !p1;
	[sflag:s24] =	ssyncadd.s32 @!p0 $0xFFFFE700;
	s24 =	simm.s32 @!p0 $0x7D  }
0x2c: {  	s24 =	sadd.s32 @p1 $0x1, s25  }
0x2d: {  	s26 =	smul.u32 @p1 $0xAB, s24;
	_ =	sdelay $0x1  }
0x2e: {  	s26 =	sshrl.u32 @p1 s26, $0x9  }
0x2f: {  	s26 =	sand.u32 @p1 $0x7F, s26  }
0x30: {  	s26 =	smul.u32 @p1 $0x3, s26;
	_ =	sdelay $0x1  }
0x31: {  	s26 =	ssub.s32 @p1 s24, s26  }
0x32: {  	s26 =	sand.u32 @p1 $0xFF, s26  }
0x33: {  	s26 =	smul.u32 @p1 $0x6400, s26  }
0x34: {  	s28 =	smul.u32 @p1 $0x140, s24  }
0x35: {  	s26 =	sshrl.u32 @p1 s26, $0x2  }
0x36: {  	s28 =	sshra.s32 @p1 s28, $0x2;
	s26 =	sadd.s32 @p1 $0x9C90, s26  }
0x37: {  	[tilespmem:s26], [sflag:$0x1] =	stream.indirect.gather @p1 [hbm4b:s5+s18], $0x50, s28, s18, $0xb8;
	[tilespmem:$0x1AAE0] =	vst v63  }
0x38: {  	_ =	swait.ge [sflag:s20], $0x1900  }
0x39: {  	s1 =	smul.u32 $0x50, s25;
	[sflag:s20] =	ssyncset.done $0x0  }
0x3a: {  	[sflag:s20] =	ssyncadd.s32 $0xFFFFE700  }
0x3b: {  	v0 =	vld [tilespmem:s1+$0x0]  }
0x3c: {  	v1 =	vld [tilespmem:s1+$0x2710];
	_ =	sdelay $0x6  }
0x3d: {  	v0 =	vld.idx.msk [tilespmem:v0+s16+$0x0], $0xffff  }
0x3e: {  	v1 =	vld.idx.msk [tilespmem:v1+s17+$0x0], $0xffff;
	_ =	sdelay $0x4  }
0x3f: {  	v0 =	vadd.f32 v1, v0;
	_ =	sdelay $0x1  }
0x40: {  	v1 =	vmul.f32 $2.000000030e-01, v0  }
0x41: {  	vm0 =	vge.f32 v0, $0.0e+00  }
0x42: {  	v0 =	vsel vm0, v0, v1  }
0x43: {  	v0 =	vmul.f32 $1.442695020e+00, v0;
	_ =	sdelay $0x1  }
0x44: {  	(erf) = vpow2.f32 v0;
	_ =	sdelay $0x8  }
0x45: {  	v0 =	vpop (erf)  }
0x46: {  	[tilespmem:$0x9C40] =	vst v0  }
0x47: {  	v0 =	vld [tilespmem:s1+$0x10]  }
0x48: {  	v1 =	vld [tilespmem:s1+$0x2720];
	_ =	sdelay $0x6  }
0x49: {  	v0 =	vld.idx.msk [tilespmem:v0+s16+$0x0], $0xffff  }
0x4a: {  	v1 =	vld.idx.msk [tilespmem:v1+s17+$0x0], $0xffff;
	_ =	sdelay $0x4  }
0x4b: {  	v0 =	vadd.f32 v1, v0;
	_ =	sdelay $0x1  }
0x4c: {  	v1 =	vmul.f32 $2.000000030e-01, v0  }
0x4d: {  	vm12 =	vge.f32 v0, $0.0e+00  }
0x4e: {  	v0 =	vsel vm12, v0, v1  }
0x4f: {  	v0 =	vmul.f32 $1.442695020e+00, v0;
	_ =	sdelay $0x1  }
0x50: {  	(erf) = vpow2.f32 v0;
	_ =	sdelay $0x8  }
0x51: {  	v0 =	vpop (erf)  }
0x52: {  	[tilespmem:$0x9C50] =	vst v0  }
0x53: {  	v0 =	vld [tilespmem:s1+$0x20]  }
0x54: {  	v1 =	vld [tilespmem:s1+$0x2730];
	_ =	sdelay $0x6  }
0x55: {  	v0 =	vld.idx.msk [tilespmem:v0+s16+$0x0], $0xffff  }
0x56: {  	v1 =	vld.idx.msk [tilespmem:v1+s17+$0x0], $0xffff;
	_ =	sdelay $0x4  }
0x57: {  	v0 =	vadd.f32 v1, v0;
	_ =	sdelay $0x1  }
0x58: {  	v1 =	vmul.f32 $2.000000030e-01, v0  }
0x59: {  	vm13 =	vge.f32 v0, $0.0e+00  }
0x5a: {  	v0 =	vsel vm13, v0, v1  }
0x5b: {  	v0 =	vmul.f32 $1.442695020e+00, v0;
	_ =	sdelay $0x1  }
0x5c: {  	(erf) = vpow2.f32 v0;
	_ =	sdelay $0x8  }
0x5d: {  	v0 =	vpop (erf)  }
0x5e: {  	[tilespmem:$0x9C60] =	vst v0  }
0x5f: {  	v0 =	vld [tilespmem:s1+$0x30]  }
0x60: {  	v1 =	vld [tilespmem:s1+$0x2740];
	_ =	sdelay $0x6  }
0x61: {  	v0 =	vld.idx.msk [tilespmem:v0+s16+$0x0], $0xffff  }
0x62: {  	v1 =	vld.idx.msk [tilespmem:v1+s17+$0x0], $0xffff;
	_ =	sdelay $0x4  }
0x63: {  	v0 =	vadd.f32 v1, v0;
	_ =	sdelay $0x1  }
0x64: {  	v1 =	vmul.f32 $2.000000030e-01, v0  }
0x65: {  	vm14 =	vge.f32 v0, $0.0e+00  }
0x66: {  	v0 =	vsel vm14, v0, v1  }
0x67: {  	v0 =	vmul.f32 $1.442695020e+00, v0;
	_ =	sdelay $0x1  }
0x68: {  	(erf) = vpow2.f32 v0;
	_ =	sdelay $0x8  }
0x69: {  	v0 =	vpop (erf)  }
0x6a: {  	[tilespmem:$0x9C70] =	vst v0  }
0x6b: {  	v0 =	vld [tilespmem:s1+$0x40]  }
0x6c: {  	v1 =	vld [tilespmem:s1+$0x2750];
	_ =	sdelay $0x6  }
0x6d: {  	v0 =	vld.idx.msk [tilespmem:v0+s16+$0x0], $0xffff  }
0x6e: {  	v1 =	vld.idx.msk [tilespmem:v1+s17+$0x0], $0xffff;
	_ =	sdelay $0x4  }
0x6f: {  	v0 =	vadd.f32 v1, v0;
	_ =	sdelay $0x1  }
0x70: {  	v1 =	vmul.f32 $2.000000030e-01, v0  }
0x71: {  	vm15 =	vge.f32 v0, $0.0e+00  }
0x72: {  	v0 =	vsel vm15, v0, v1  }
0x73: {  	v0 =	vmul.f32 $1.442695020e+00, v0;
	_ =	sdelay $0x1  }
0x74: {  	s28 =	sand.u32 $0xFF, s25;
	(erf) = vpow2.f32 v0  }
0x75: {  	s28 =	smul.u32 $0xAB, s28  }
0x76: {  	s29 =	simm.s32 $0x0  }
0x77: {  	s28 =	sshrl.u32 s28, $0x9;
	v0 =	vmov s29  }
0x78: {  	s28 =	smul.u32 $0x3, s28;
	v0 =	vand.u32 $0xFFFFFFFC, v0  }
0x79: {  	v0 =	vbroadcast v0, $0x0  }
0x7a: {  	s31 =	ssub.s32 s25, s28  }
0x7b: {  	s25 =	sand.u32 $0xFF, s31  }
0x7c: {  	s25 =	smul.u32 $0x6400, s25  }
0x7d: {  	v1 =	vpop (erf)  }
0x7e: {  	s28 =	sshrl.u32 s25, $0x2;
	[tilespmem:$0x9C80] =	vst v1  }
0x7f: {  	s25 =	sadd.s32 $0x9D30, s28;
	v0 =	vld.idx.msk [tilespmem:v0+s21+$0x0], $0xffff  }
0x80: {  	v1 =	vld [tilespmem:s25+$0xFFFFFF60]  }
0x81: {  	v2 =	vld [tilespmem:s25+$0xFFFFFFA0]  }
0x82: {  	v3 =	vld [tilespmem:s25+$0xFFFFFF90]  }
0x83: {  	s29 =	simm.s32 $0x1;
	v4 =	vld [tilespmem:s25+$0xFFFFFF70]  }
0x84: {  	v6 =	vmov s29;
	v5 =	vld [tilespmem:s25+$0xFFFFFF80];
	v0 =	vpack.i.f32.bf16 v0, v0  }
0x85: {  	v6 =	vand.u32 $0xFFFFFFFD, v6;
	v1 =	vmul.bf16 v1, v0  }
0x86: {  	v6 =	vbroadcast v6, $0x0;
	v2 =	vmul.bf16 v2, v0  }
0x87: {  	[tilespmem:s25+$0xFFFFFF60] =	vst v1;
	v1 =	vmul.bf16 v3, v0  }
0x88: {  	v3 =	vmul.bf16 v4, v0;
	[tilespmem:s25+$0xFFFFFFA0] =	vst v2  }
0x89: {  	v0 =	vmul.bf16 v5, v0;
	[tilespmem:s25+$0xFFFFFF90] =	vst v1  }
0x8a: {  	[tilespmem:s25+$0xFFFFFF70] =	vst v3  }
0x8b: {  	[tilespmem:s25+$0xFFFFFF80] =	vst v0  }
0x8c: {  	v0 =	vld.idx.msk [tilespmem:v6+s21+$0x0], $0xffff  }
0x8d: {  	v1 =	vld [tilespmem:s25+$0xFFFFFFB0]  }
0x8e: {  	v2 =	vld [tilespmem:s25+$0xFFFFFFC0]  }
0x8f: {  	v3 =	vld [tilespmem:s25+$0xFFFFFFE0]  }
0x90: {  	s29 =	simm.s32 $0x2;
	v4 =	vld [tilespmem:s25+$0xFFFFFFF0]  }
0x91: {  	v63 =	vmov s29;
	v5 =	vld [tilespmem:s25+$0xFFFFFFD0];
	v0 =	vpack.i.f32.bf16 v0, v0  }
0x92: {  	v6 =	vand.u32 $0xFFFFFFFE, v63;
	v1 =	vmul.bf16 v1, v0  }
0x93: {  	v6 =	vbroadcast v6, $0x0;
	v2 =	vmul.bf16 v2, v0  }
0x94: {  	[tilespmem:s25+$0xFFFFFFB0] =	vst v1;
	v1 =	vmul.bf16 v3, v0  }
0x95: {  	v3 =	vmul.bf16 v4, v0;
	[tilespmem:s25+$0xFFFFFFC0] =	vst v2  }
0x96: {  	v0 =	vmul.bf16 v5, v0;
	[tilespmem:s25+$0xFFFFFFE0] =	vst v1  }
0x97: {  	[tilespmem:s25+$0xFFFFFFF0] =	vst v3  }
0x98: {  	v2 =	vld [tilespmem:s25+$0x10];
	[tilespmem:s25+$0xFFFFFFD0] =	vst v0  }
0x99: {  	v0 =	vld.idx.msk [tilespmem:v6+s21+$0x0], $0xffff  }
0x9a: {  	v4 =	vld [tilespmem:s25+$0x20]  }
0x9b: {  	v3 =	vld [tilespmem:s25+$0x0]  }
0x9c: {  	v5 =	vld [tilespmem:s25+$0x40]  }
0x9d: {  	v1 =	vld [tilespmem:s25+$0x30]  }
0x9e: {  	v6 =	vpack.i.f32.bf16 v0, v0  }
0x9f: {  	v2 =	vmul.bf16 v2, v6  }
0xa0: {  	v7 =	vmul.bf16 v3, v6  }
0xa1: {  	s30 =	simm.s32 $0x3;
	s26 =	sadd.s32 $0x2710, s1;
	v0 =	vmul.bf16 v4, v6;
	[tilespmem:s25+$0x10] =	vst v2  }
0xa2: {  	s28 =	sadd.s32 $0x9C90, s28;
	s29 =	simm.s32 $0x7;
	v3 =	vmul.bf16 v1, v6;
	v1 =	vmov s30;
	s30 =	smov.u32 s25;
	v2 =	vmul.bf16 v5, v6;
	[tilespmem:s25+$0x0] =	vst v7  }
.LBB2_3:
0xa3: {  	p0 =	sne.s32 s29, $0x4F  }
0xa4: {  	[tilespmem:s25+$0x30] =	vst v3;
	s30 =	sadd.s32 $0x140, s30;
	s31 =	smov.u32 s29;
	s29 =	sadd.s32 $0x4, s29  }
0xa5: {  	[tilespmem:s25+$0x20] =	vst v0  }
0xa6: {  	[tilespmem:s25+$0x40] =	vst v2;
	v0 =	vld [tilespmem:s25+$0x80]  }
0xa7: {  	v1 =	vld.idx.msk [tilespmem:v1+s21+$0x0], $0xffff  }
0xa8: {  	v2 =	vld [tilespmem:s25+$0x50]  }
0xa9: {  	v3 =	vld [tilespmem:s25+$0x60]  }
0xaa: {  	v4 =	vld [tilespmem:s25+$0x70]  }
0xab: {  	v5 =	vld [tilespmem:s25+$0x90]  }
0xac: {  	s1 =	sadd.s32 $0xFFFFFFFD, s31  }
0xad: {  	v6 =	vmov s1;
	v1 =	vpack.i.f32.bf16 v1, v1  }
0xae: {  	v6 =	vand.u32 $0xFFFFFFFC, v6;
	v2 =	vmul.bf16 v2, v1;
	v3 =	vmul.bf16 v3, v1  }
0xaf: {  	v6 =	vbroadcast v6, $0x0;
	v4 =	vmul.bf16 v4, v1  }
0xb0: {  	v0 =	vmul.bf16 v0, v1;
	[tilespmem:s25+$0x50] =	vst v2;
	v1 =	vmul.bf16 v5, v1  }
0xb1: {  	[tilespmem:s25+$0x60] =	vst v3  }
0xb2: {  	[tilespmem:s25+$0x80] =	vst v0  }
0xb3: {  	[tilespmem:s25+$0x70] =	vst v4  }
0xb4: {  	v0 =	vld [tilespmem:s30+$0xFFFFFF90];
	[tilespmem:s25+$0x90] =	vst v1;
	s25 =	smov.u32 s30  }
0xb5: {  	v1 =	vld.idx.msk [tilespmem:v6+s21+$0x0], $0xffff  }
0xb6: {  	v2 =	vld [tilespmem:s30+$0xFFFFFFA0]  }
0xb7: {  	v3 =	vld [tilespmem:s30+$0xFFFFFF60]  }
0xb8: {  	v4 =	vld [tilespmem:s30+$0xFFFFFF80]  }
0xb9: {  	v5 =	vld [tilespmem:s30+$0xFFFFFF70]  }
0xba: {  	s1 =	sadd.s32 $0xFFFFFFFE, s31  }
0xbb: {  	v6 =	vmov s1;
	v1 =	vpack.i.f32.bf16 v1, v1  }
0xbc: {  	v6 =	vand.u32 $0xFFFFFFFD, v6;
	v2 =	vmul.bf16 v2, v1;
	v3 =	vmul.bf16 v3, v1  }
0xbd: {  	v6 =	vbroadcast v6, $0x0;
	v4 =	vmul.bf16 v4, v1  }
0xbe: {  	v0 =	vmul.bf16 v0, v1;
	[tilespmem:s30+$0xFFFFFF60] =	vst v3;
	v3 =	vmul.bf16 v5, v1  }
0xbf: {  	[tilespmem:s30+$0xFFFFFFA0] =	vst v2  }
0xc0: {  	[tilespmem:s30+$0xFFFFFF90] =	vst v0  }
0xc1: {  	[tilespmem:s30+$0xFFFFFF70] =	vst v3  }
0xc2: {  	[tilespmem:s30+$0xFFFFFF80] =	vst v4;
	v0 =	vld [tilespmem:s30+$0xFFFFFFE0]  }
0xc3: {  	v1 =	vld.idx.msk [tilespmem:v6+s21+$0x0], $0xffff  }
0xc4: {  	v2 =	vld [tilespmem:s30+$0xFFFFFFC0]  }
0xc5: {  	v3 =	vld [tilespmem:s30+$0xFFFFFFB0]  }
0xc6: {  	v4 =	vld [tilespmem:s30+$0xFFFFFFD0]  }
0xc7: {  	v5 =	vld [tilespmem:s30+$0xFFFFFFF0]  }
0xc8: {  	s1 =	sadd.s32 $0xFFFFFFFF, s31  }
0xc9: {  	v6 =	vmov s1;
	v1 =	vpack.i.f32.bf16 v1, v1  }
0xca: {  	v6 =	vand.u32 $0xFFFFFFFE, v6;
	v2 =	vmul.bf16 v2, v1;
	v3 =	vmul.bf16 v3, v1  }
0xcb: {  	v6 =	vbroadcast v6, $0x0;
	v4 =	vmul.bf16 v4, v1  }
0xcc: {  	v0 =	vmul.bf16 v0, v1;
	[tilespmem:s30+$0xFFFFFFB0] =	vst v3;
	v1 =	vmul.bf16 v5, v1  }
0xcd: {  	[tilespmem:s30+$0xFFFFFFC0] =	vst v2  }
0xce: {  	[tilespmem:s30+$0xFFFFFFE0] =	vst v0  }
0xcf: {  	[tilespmem:s30+$0xFFFFFFF0] =	vst v1  }
0xd0: {  	[tilespmem:s30+$0xFFFFFFD0] =	vst v4;
	v1 =	vld [tilespmem:s30+$0x30]  }
0xd1: {  	v0 =	vld.idx.msk [tilespmem:v6+s21+$0x0], $0xffff  }
0xd2: {  	v2 =	vld [tilespmem:s30+$0x10]  }
0xd3: {  	v3 =	vld [tilespmem:s30+$0x0]  }
0xd4: {  	v4 =	vld [tilespmem:s30+$0x20]  }
0xd5: {  	v5 =	vld [tilespmem:s30+$0x40];
	_ =	sdelay $0x1  }
.Ltmp0:
0xd6: {  	v6 =	vpack.i.f32.bf16 v0, v0;
	(pc) =	sbr.rel @p0 .LBB2_3-.Ltmp0, $4  }
0xd7: {  	v2 =	vmul.bf16 v2, v6;
	v7 =	vmul.bf16 v3, v6  }
0xd8: {  	v3 =	vmul.bf16 v1, v6;
	v0 =	vmul.bf16 v4, v6  }
0xd9: {  	v1 =	vmov s31;
	[tilespmem:s30+$0x10] =	vst v2;
	v2 =	vmul.bf16 v5, v6  }
0xda: {  	[tilespmem:s30+$0x0] =	vst v7  }
0xdb: {  	_ = 	snop  }
0xdc: {  	[tilespmem:s25+$0x30] =	vst v3  }
0xdd: {  	[tilespmem:s25+$0x20] =	vst v0  }
0xde: {  	[tilespmem:s25+$0x40] =	vst v2  }
0xdf: {  	v0 =	vld.idx.msk [tilespmem:v1+s21+$0x0], $0xffff  }
0xe0: {  	v59 =	vld [tilespmem:s25+$0x50]  }
0xe1: {  	v60 =	vld [tilespmem:s25+$0x60]  }
0xe2: {  	v61 =	vld [tilespmem:s25+$0x80]  }
0xe3: {  	v4 =	vld [tilespmem:s25+$0x70]  }
0xe4: {  	v5 =	vld [tilespmem:s25+$0x90];
	v0 =	vpack.i.f32.bf16 v0, v0  }
0xe5: {  	v1 =	vmul.bf16 v59, v0  }
0xe6: {  	v2 =	vmul.bf16 v60, v0  }
0xe7: {  	p0 =	slt.u32 s24, $0x7D;
	v62 =	vmul.bf16 v61, v0;
	[tilespmem:s25+$0x50] =	vst v1  }
.Ltmp1:
0xe8: {  	v63 =	vmul.bf16 v4, v0;
	[tilespmem:s25+$0x60] =	vst v2;
	(pc) =	sbr.rel @p0 .LBB2_2-.Ltmp1, $4  }
0xe9: {  	v0 =	vmul.bf16 v5, v0;
	[tilespmem:s25+$0x80] =	vst v62  }
0xea: {  	[tilespmem:s25+$0x70] =	vst v63  }
0xeb: {  	[tilespmem:s25+$0x90] =	vst v0;
	s25 =	smov.u32 s24  }
0xec: {  	[spmem:s3] =	stream.indirect.scatter.add.bf16 [tilespmem:s28], [sflag:$0x2], $0x50, s26, s18, $0xb8;
	[tilespmem:$0x1AAE0] =	vst v63  }
0xed: {  	_ =	swait.ge [sflag:s22], $0x1900  }
0xee: {  	[sflag:s22] =	ssyncset.done $0x0  }
0xef: {  	[sflag:s22] =	ssyncadd.s32 $0xFFFFE700  }
0xf0: {  	_ =	swait.ge [sflag:s22], $0x1900  }
0xf1: {  	s23 =	sadd.s32 $0x1, s23;
	[sflag:s22] =	ssyncset.done $0x0  }
0xf2: {  	p0 =	sne.s32 s23, s12;
	[sflag:s22] =	ssyncadd.s32 $0xFFFFE700  }
.Ltmp2:
0xf3: {  	[bflag:$0x0] =	sbarrier.arrive $0xFFFF;
	(pc) =	sbr.rel @p0 .LBB2_1-.Ltmp2, $4  }
0xf4: {  	[hbm:s11], [sflag:s8] =	dma.local [spmem:s13], $0x186A  }
0xf5: {  	_ =	swait.ge [sflag:s14], $0x186A  }
0xf6: {  	[sflag:s14] =	ssyncset.done $0x0  }
0xf7: {  	[sflag:s14] =	ssyncadd.s32 $0xFFFFE796  }
0xf8: {  	_ =	sfence.sel $0x180000  }
0xf9: {  	[bflag:$0x0] =	sbarrier.arrive $0xFFFF  }
0xfa: {  	_ =	strace $0x9000004A  }
0xfb: {  	[bflag:$0x2] =	sbarrier.arrive $0xFFFF  }
0xfc: {  	p0 =	sne.s32 s0, $0x0;
	s0 =	rddreg [dreg:$0x3]  }
0xfd: {  	s0 =	sadd.s32 @!p0 $0x100000, s0  }
0xfe: {  	[sflag:s0] =	ssyncadd.tile.s32 @!p0 $0x1;
	_ =	shalt  }
.Lfunc_end2:
_tile_overlayer_lowered:
.L_overlay_start_2:
0xff: {  	(tag) =	ssettag $0x2  }
0x100: {  	s0 =	rddreg [dreg:$0x0];
	s2 =	stileid.u32  }
0x101: {  	s1 =	rddreg [dreg:$0x1];
	p0 =	sne.s32 s2, $0x0  }
0x102: {  	s3 =	rddreg [dreg:$0x2];
	[bflag:$0x3] =	sbarrier.arrive $0xFFFF;
	s2 =	simm.s32 @!p0 $0x1C03  }
0x103: {  	[timem:s3], [sflag:s2] =	dma.local @!p0 [hbm:s0], s1  }
0x104: {  	s0 =	simm.s32 @!p0 $0x3  }
0x105: {  	_ =	swait.ge @!p0 [sflag:s0], s1  }
0x106: {  	s1 =	ssub.s32 @!p0 $0x0, s1;
	[sflag:s0] =	ssyncset.done @!p0 $0x0  }
0x107: {  	[sflag:s0] =	ssyncadd.s32 @!p0 s1  }
0x108: {  	[bflag:$0x3] =	sbarrier.arrive $0xFFFF  }
0x109: {  	_ =	shalt  }

// kernel: kernel.20.cloned.1.call-start
scs
__scs_entry_jumppad:
0x0: {  	(pc) =	sbr.rel $0x88, $3  }
0x1: {  	(tag) =	ssettag $0x0;
	lr =	simm.s32 $0x1  }
0x2: {  	[smem:$0x3F69] =	sst lr;
	_ =	strace $0xD0000000  }
0x3: {  	_ = 	snop  }
0x4: {  	_ = 	snop  }
0x5: {  	_ = 	snop  }
0x6: {  	_ = 	snop  }
0x7: {  	_ = 	snop  }
__scs_overlays_trampoline_lowered:
0x8: {  	[smem:$0x3F78] =	sst s0  }
0x9: {  	[smem:$0x3F79] =	sst s1  }
0xa: {  	[smem:$0x3F7A] =	sst s2  }
0xb: {  	[smem:$0x3F7B] =	sst s3  }
0xc: {  	[smem:$0x3F7C] =	sst s4  }
0xd: {  	[smem:$0x3F7D] =	sst s5  }
0xe: {  	[smem:$0x3F7E] =	sst s6  }
0xf: {  	[smem:$0x3F7F] =	sst s7  }
0x10: {  	[smem:$0x3F80] =	sst s8  }
0x11: {  	[smem:$0x3F81] =	sst s9;
	s0 =	simm.s32 @!p0 $0x0  }
0x12: {  	s1 =	sld [smem:$0x3F67];
	s0 =	simm.s32 @p0 $0x1  }
0x13: {  	[smem:$0x3F82] =	sst s0;
	s0 =	simm.s32 @!p1 $0x0  }
0x14: {  	s2 =	sld [smem:$0x3F66];
	s0 =	simm.s32 @p1 $0x1  }
0x15: {  	[smem:$0x3F83] =	sst s0;
	s0 =	simm.s32 @!p2 $0x0  }
0x16: {  	s3 =	sld [smem:$0x3FDB];
	s0 =	simm.s32 @p2 $0x1  }
0x17: {  	s4 =	simm.s32 $0x1BF5;
	[smem:$0x3F85] =	sst s0  }
0x18: {  	s0 =	sld [smem:$0x3F68];
	_ =	swait.ge [sflag:s4], $0x0  }
0x19: {  	s7 =	sld [smem:$0x3F69]  }
0x1a: {  	s8 =	sadd.s32 $0xFFFFE003, lr  }
0x1b: {  	s9 =	sadd.s32 $0xFFFFFEF7, lr;
	s5 =	simm.s32 $0xFFFFFFFF;
	p2 =	slt.u32 s8, $0xFFFFF086  }
0x1c: {  	p1 =	slt.u32 s9, $0xF7A;
	s5 =	simm.s32 @!p2 $0x0  }
0x1d: {  	s5 =	simm.s32 @p1 $0x1;
	p0 =	seq.s32 s7, s2  }
0x1e: {  	s7 =	smul.u32 @!p0 $0xF7A, s2;
	p2 =	seq.s32 @!p0 s5, $0x0  }
0x1f: {  	s9 =	smul.u32 $0xF7A, s1;
	s8 =	simm.s32 @!p0 $0x1BF5;
	p2 =	por !p2, p0  }
0x20: {  	[sflag:s8] =	ssyncset.s32 @!p0 $0xFFFFF086;
	s6 =	sadd.s32 @!p0 s3, s7;
	s7 =	simm.s32 @!p0 $0x108  }
0x21: {  	s3 =	sadd.s32 s3, s9;
	s6 =	sadd.s32 @!p0 $0x88, s6;
	s7 =	simm.s32 @p2 $0x1082  }
0x22: {  	[simem:s7], [sflag:s8] =	dma.local @!p0 [hbm:s6], $0xF7A  }
0x23: {  	s9 =	sor.u32 $0xD0000000, s2;
	s6 =	simm.s32 $0x108;
	_ =	swait.ge @!p0 [sflag:s8], $0x0  }
0x24: {  	s3 =	sadd.s32 $0x88, s3;
	s6 =	simm.s32 @!p1 $0x1082;
	[sflag:s4] =	ssyncset.s32 $0xFFFFF086  }
0x25: {  	[simem:s6], [sflag:s4] =	dma.local [hbm:s3], $0xF7A  }
0x26: {  	[smem:$0x3F69] =	sst s1;
	(tag) =	ssettag s2;
	_ =	strace s9  }
0x27: {  	s1 =	sld [smem:$0x3F79]  }
0x28: {  	s2 =	sld [smem:$0x3F7A]  }
0x29: {  	s4 =	sld [smem:$0x3F7C]  }
0x2a: {  	p0 =	seq.s32 s5, $0x0;
	s5 =	sld [smem:$0x3F7D]  }
0x2b: {  	s6 =	sld [smem:$0x3F7E]  }
0x2c: {  	s7 =	sld [smem:$0x3F7F]  }
0x2d: {  	s3 =	simm.s32 $0x108;
	s8 =	sld [smem:$0x3F80]  }
0x2e: {  	s3 =	simm.s32 @!p0 $0x1082;
	s9 =	sld [smem:$0x3F81]  }
0x2f: {  	lr =	sadd.s32 s0, s3;
	s0 =	sld [smem:$0x3F78]  }
0x30: {  	s3 =	sld [smem:$0x3F7B]  }
0x31: {  	[smem:$0x3F84] =	sst s10  }
0x32: {  	s10 =	sld [smem:$0x3F82];
	_ =	sdelay $0x3  }
0x33: {  	p0 =	seq.s32 s10, $0x1;
	s10 =	sld [smem:$0x3F84];
	_ =	sdelay $0x3  }
0x34: {  	[smem:$0x3F84] =	sst s10  }
0x35: {  	s10 =	sld [smem:$0x3F83];
	_ =	sdelay $0x3  }
0x36: {  	p1 =	seq.s32 s10, $0x1;
	s10 =	sld [smem:$0x3F84];
	_ =	sdelay $0x3  }
0x37: {  	[smem:$0x3F84] =	sst s10  }
0x38: {  	s10 =	sld [smem:$0x3F85]  }
0x39: {  	_ = 	snop;
	(pc) =	sbr.ind lr, $3  }
0x3a: {  	_ = 	snop  }
0x3b: {  	_ = 	snop  }
0x3c: {  	p2 =	seq.s32 s10, $0x1;
	s10 =	sld [smem:$0x3F84]  }
0x3d: {  	_ =	shalt  }
0x3e: {  	_ =	shalt  }
0x3f: {  	_ =	shalt  }
0x40: {  	_ =	shalt  }
0x41: {  	_ =	shalt  }
0x42: {  	_ =	shalt  }
0x43: {  	_ =	shalt  }
0x44: {  	_ =	shalt  }
0x45: {  	_ =	shalt  }
0x46: {  	_ =	shalt  }
0x47: {  	_ =	shalt  }
0x48: {  	_ =	shalt  }
0x49: {  	_ =	shalt  }
0x4a: {  	_ =	shalt  }
0x4b: {  	_ =	shalt  }
0x4c: {  	_ =	shalt  }
0x4d: {  	_ =	shalt  }
0x4e: {  	_ =	shalt  }
0x4f: {  	_ =	shalt  }
0x50: {  	_ =	shalt  }
0x51: {  	_ =	shalt  }
0x52: {  	_ =	shalt  }
0x53: {  	_ =	shalt  }
0x54: {  	_ =	shalt  }
0x55: {  	_ =	shalt  }
0x56: {  	_ =	shalt  }
0x57: {  	_ =	shalt  }
0x58: {  	_ =	shalt  }
0x59: {  	_ =	shalt  }
0x5a: {  	_ =	shalt  }
0x5b: {  	_ =	shalt  }
0x5c: {  	_ =	shalt  }
0x5d: {  	_ =	shalt  }
0x5e: {  	_ =	shalt  }
0x5f: {  	_ =	shalt  }
0x60: {  	_ =	shalt  }
0x61: {  	_ =	shalt  }
0x62: {  	_ =	shalt  }
0x63: {  	_ =	shalt  }
0x64: {  	_ =	shalt  }
0x65: {  	_ =	shalt  }
0x66: {  	_ =	shalt  }
0x67: {  	_ =	shalt  }
0x68: {  	_ =	shalt  }
0x69: {  	_ =	shalt  }
0x6a: {  	_ =	shalt  }
0x6b: {  	_ =	shalt  }
0x6c: {  	_ =	shalt  }
0x6d: {  	_ =	shalt  }
0x6e: {  	_ =	shalt  }
0x6f: {  	_ =	shalt  }
0x70: {  	_ =	shalt  }
0x71: {  	_ =	shalt  }
0x72: {  	_ =	shalt  }
0x73: {  	_ =	shalt  }
0x74: {  	_ =	shalt  }
0x75: {  	_ =	shalt  }
0x76: {  	_ =	shalt  }
0x77: {  	_ =	shalt  }
0x78: {  	_ =	shalt  }
0x79: {  	_ =	shalt  }
0x7a: {  	_ =	shalt  }
0x7b: {  	_ =	shalt  }
0x7c: {  	_ =	shalt  }
0x7d: {  	_ =	shalt  }
0x7e: {  	_ =	shalt  }
0x7f: {  	_ =	shalt  }
0x80: {  	_ =	shalt  }
0x81: {  	_ =	shalt  }
0x82: {  	_ =	shalt  }
0x83: {  	_ =	shalt  }
0x84: {  	_ =	shalt  }
0x85: {  	_ =	shalt  }
0x86: {  	_ =	shalt  }
0x87: {  	_ =	shalt  }
.Lfunc_end0:
.L_simem_size_0:
called_computation.2_lowered:
.L_overlay_start_0:
0x88: {  	s2 =	sld [smem:$0x3FD9]  }
0x89: {  	s3 =	sld [smem:$0x3FFE];
	_ =	sdelay $0x1  }
0x8a: {  	s1 =	srdreg.scid  }
0x8b: {  	s0 =	sand.u32 $0x1, s1  }
0x8c: {  	s17 =	sshll.u32 s0, $0xA;
	s2 =	sadd.s32 s3, s2  }
0x8d: {  	s2 =	sadd.s32 s2, s17  }
0x8e: {  	[smem:$0x3F90] =	sst s2  }
0x8f: {  	_ = 	snop  }
0x90: {  	s2 =	sld [smem:$0x3FD0];
	(tm) =	ssettm $0x1  }
0x91: {  	s18 =	sld [smem:$0x3FFB];
	_ =	sdelay $0x3  }
0x92: {  	_ =	strace s18  }
0x93: {  	s3 =	sld [smem:$0x3FFC];
	_ =	sdelay $0x3  }
0x94: {  	_ =	strace s3  }
0x95: {  	s3 =	sld [smem:$0x3FFD];
	_ =	sdelay $0x3  }
0x96: {  	_ =	strace s3  }
0x97: {  	_ =	strace $0x8FFFFFFF  }
0x98: {  	s19 =	sld [smem:$0x3FDB];
	_ =	sdelay $0x1  }
0x99: {  	s4 =	simm.s32 $_scs_section_size  }
0x9a: {  	s5 =	simm.s32 $_size__tile_overlayer_lowered;
	s6 =	simm.s32 $_tile_overlayer_lowered  }
0x9b: {  	s22 =	simm.s32 $0x1BFF;
	s21 =	sshll.u32 s6, $0x1;
	s3 =	sadd.s32 s4, s19  }
0x9c: {  	s7 =	simm.s32 $0x0;
	s20 =	sshll.u32 s5, $0x1;
	s5 =	sadd.s32 s21, s3  }
0x9d: {  	[timem:s7], [sflag:s22] =	dma.local [hbm:s5], s20  }
0x9e: {  	_ =	swait.ge [sflag:s22], s20  }
0x9f: {  	s4 =	ssub.s32 $0x0, s20;
	[sflag:s22] =	ssyncset.done $0x0  }
0xa0: {  	[sflag:s22] =	ssyncadd.s32 s4;
	_ =	sdelay $0x1  }
0xa1: {  	s23 =	simm.s32 $0x1B8B  }
0xa2: {  	_ =	swait.ge [sflag:s23], $0x1  }
0xa3: {  	[sflag:s23] =	ssyncset.done $0x0  }
0xa4: {  	s25 =	simm.s32 $0x1B8E;
	s24 =	sld [smem:$0x3FFE];
	[sflag:s23] =	ssyncadd.s32 $0xFFFFFFFF  }
0xa5: {  	s26 =	simm.s32 $execute0_lowered;
	[smem:$0x3FD2] =	sst s25  }
0xa6: {  	s5 =	sshll.u32 s26, $0x1;
	_ =	strace $0x8000004C;
	[dreg:$0x1] =	wrdreg $0xFFFFFFFF  }
0xa7: {  	s28 =	simm.s32 $_size_execute0_lowered;
	s3 =	sadd.s32 s3, s5;
	[dreg:$0x0] =	wrdreg $0x0  }
0xa8: {  	s5 =	sshll.u32 s28, $0x1;
	[dreg:$0x2] =	wrdreg s3  }
0xa9: {  	[dreg:$0x3] =	wrdreg s5  }
0xaa: {  	[dreg:$0x4] =	wrdreg $0xC0  }
0xab: {  	_ =	task [dreg:s7], $0x5FFFF  }
0xac: {  	[dreg:$0x1] =	wrdreg $0xFFFFFFFF  }
0xad: {  	[dreg:$0x0] =	wrdreg $0x60  }
0xae: {  	[dreg:$0x2] =	wrdreg s24  }
0xaf: {  	[dreg:$0x3] =	wrdreg s2  }
0xb0: {  	[dreg:$0x4] =	wrdreg $0xE7900  }
0xb1: {  	[dreg:$0x5] =	wrdreg $0x9  }
0xb2: {  	_ =	task.clear_ibuf [dreg:s7], $0x6FFFF;
	_ =	strace $0x9000004C  }
0xb3: {  	s29 =	simm.s32 $0x9;
	_ =	strace $0x8000004E  }
0xb4: {  	_ =	swait.ge [sflag:s29], $0x1  }
0xb5: {  	[sflag:s29] =	ssyncadd.s32 $0xFFFFFFFF  }
0xb6: {  	_ =	strace $0x9000004E  }
0xb7: {  	_ =	sfence  }
0xb8: {  	s30 =	sld [smem:$0x0];
	_ =	sdelay $0x2  }
0xb9: {  	s31 =	sshll.u32 s1, $0xD;
	s1 =	sshrl.u32 s1, $0x2  }
0xba: {  	s3 =	sand.u32 $0x4000, s31;
	s1 =	sadd.s32 s1, s30  }
0xbb: {  	s0 =	sor.u32 s3, s0;
	s1 =	sshll.u32 s1, $0x11  }
0xbc: {  	s0 =	sor.u32 s1, s0  }
0xbd: {  	s0 =	sadd.s32 $0x8F2B, s0  }
0xbe: {  	[sflag:s0] =	ssyncadd.remote.s32 $0x1  }
0xbf: {  	_ =	sfence.sel $0xFFFF  }
0xc0: {  	[dreg:$0x0] =	wrdreg $0xFFFFFFFF;
	(pc) =	sbr.abs _section_cstart, $3  }
0xc1: {  	[dreg:$0x1] =	wrdreg $0xFFFFFFFF  }
0xc2: {  	_ =	task.clear_ibuf [dreg:s7], $0x2FFFF;
	_ =	strace $0x9FFFFFFF  }
0xc3: {  	(tm) =	ssettm $0x7FFFFFFF  }
tec
execute0_lowered:
.L_overlay_start_1:
0x0: {  	(tag) =	ssettag $0x1  }
0x1: {  	s7 =	rddreg [dreg:$0x0]  }
0x2: {  	s1 =	srdreg.scid;
	s2 =	rddreg [dreg:$0x1]  }
0x3: {  	s0 =	stileid.u32;
	s3 =	rddreg [dreg:$0x2];
	s4 =	simm.s32 $0x0  }
0x4: {  	s16 =	simm.s32 $0x4E20;
	s17 =	simm.s32 $0x7530;
	s18 =	simm.s32 $0x50  }
0x5: {  	s19 =	simm.s32 $0x9C90;
	s20 =	simm.s32 $0x1;
	s21 =	simm.s32 $0x9C40  }
0x6: {  	s22 =	simm.s32 $0x2;
	s23 =	simm.s32 $0x0;
	s8 =	sand.u32 $0x1, s1  }
0x7: {  	s25 =	sshll.u32 s0, $0x1;
	s10 =	smul.u32 $0x186A0, s0;
	[smem:$0x7FF] =	sst s4  }
0x8: {  	s5 =	sadd.s32 $0x5000, s7;
	s6 =	sadd.s32 $0x1D800, s7;
	s31 =	sshll.u32 s0, $0x6  }
0x9: {  	s1 =	sor.u32 s8, s25;
	s11 =	smul.u32 $0x186A00, s8;
	_ =	strace $0x8000004D  }
0xa: {  	s8 =	ssub.s32 $0x2, s8;
	s9 =	smul.u32 $0x4E2, s1;
	s28 =	sshrl.u32 s10, $0x4  }
0xb: {  	s29 =	sshrl.u32 s8, $0x1;
	s30 =	sshrl.u32 s10, $0x1;
	s26 =	sadd.s32 s10, s11  }
0xc: {  	s11 =	sadd.s32 s28, s7;
	s14 =	ssub.s32 s8, s29;
	s15 =	sadd.s32 s30, s3  }
0xd: {  	s8 =	sor.u32 $0x1C03, s31;
	s12 =	sadd.s32 s9, s7;
	s9 =	sshrl.u32 s26, $0x4  }
0xe: {  	s13 =	sadd.s32 s9, s7;
	s7 =	sadd.s32 $0x31A00, s11;
	s9 =	sadd.s32 $0x27C00, s12  }
0xf: {  	s10 =	sadd.s32 $0x1DE00, s12;
	s12 =	smax.u32 s14, $0x1;
	s14 =	simm.s32 $0x3  }
0x10: {  	s11 =	sadd.s32 $0x71400, s13;
	s13 =	sshrl.u32 s15, $0x3;
	s15 =	simm.s32 $0x2710  }
.LBB2_1:
0x11: {  	[spmem:s13], [sflag:s8] =	dma.local [hbm:s7], $0x186A  }
0x12: {  	_ =	swait.ge [sflag:s14], $0x186A  }
0x13: {  	[sflag:s14] =	ssyncset.done $0x0  }
0x14: {  	[sflag:s14] =	ssyncadd.s32 $0xFFFFE796  }
0x15: {  	[tilespmem:s4], [sflag:$0x3] =	stream.linear.gather [hbm4b:s9+s4], $0x2710, $0x38;
	[tilespmem:$0x1AAE0] =	vst v63  }
0x16: {  	_ =	swait.ge [sflag:s14], $0x2710  }
0x17: {  	[sflag:s14] =	ssyncset.done $0x0  }
0x18: {  	[sflag:s14] =	ssyncadd.s32 $0xFFFFD8F0  }
0x19: {  	[tilespmem:s15], [sflag:$0x3] =	stream.linear.gather [hbm4b:s10+s4], $0x2710, $0x38;
	[tilespmem:$0x1AAE0] =	vst v63  }
0x1a: {  	_ =	swait.ge [sflag:s14], $0x2710  }
0x1b: {  	[sflag:s14] =	ssyncset.done $0x0  }
0x1c: {  	[sflag:s14] =	ssyncadd.s32 $0xFFFFD8F0  }
0x1d: {  	[tilespmem:s16], [sflag:$0x3] =	stream.linear.gather [hbm4b:s2+s4], $0x2710, $0x38;
	[tilespmem:$0x1AAE0] =	vst v63  }
0x1e: {  	_ =	swait.ge [sflag:s14], $0x2710  }
0x1f: {  	[sflag:s14] =	ssyncset.done $0x0  }
0x20: {  	[sflag:s14] =	ssyncadd.s32 $0xFFFFD8F0  }
0x21: {  	[tilespmem:s17], [sflag:$0x3] =	stream.linear.gather [hbm4b:s6+s4], $0x2710, $0x38;
	[tilespmem:$0x1AAE0] =	vst v63  }
0x22: {  	_ =	swait.ge [sflag:s14], $0x2710  }
0x23: {  	[sflag:s14] =	ssyncset.done $0x0  }
0x24: {  	[sflag:s14] =	ssyncadd.s32 $0xFFFFD8F0  }
0x25: {  	[tilespmem:s19], [sflag:$0x1] =	stream.indirect.gather [hbm4b:s5+s18], $0x50, s4, s18, $0xb8;
	[tilespmem:$0x1AAE0] =	vst v63  }
0x26: {  	s25 =	simm.s32 $0x0;
	[bflag:$0x0] =	sbarrier.arrive $0xFFFF  }
.LBB2_2:
0x27: {  	p0 =	slt.u32 s25, $0x2  }
0x28: {  	s24 =	simm.s32 @!p0 $0x2  }
0x29: {  	_ =	swait.ge @!p0 [sflag:s24], $0x1900  }
0x2a: {  	p1 =	seq.s32 @!p0 s25, $0x7C;
	[sflag:s24] =	ssyncset.done @!p0 $0x0  }
0x2b: {  	p1 =	por p0, !p1;
	[sflag:s24] =	ssyncadd.s32 @!p0 $0xFFFFE700;
	s24 =	simm.s32 @!p0 $0x7D  }
0x2c: {  	s24 =	sadd.s32 @p1 $0x1, s25  }
0x2d: {  	s26 =	smul.u32 @p1 $0xAB, s24;
	_ =	sdelay $0x1  }
0x2e: {  	s26 =	sshrl.u32 @p1 s26, $0x9  }
0x2f: {  	s26 =	sand.u32 @p1 $0x7F, s26  }
0x30: {  	s26 =	smul.u32 @p1 $0x3, s26;
	_ =	sdelay $0x1  }
0x31: {  	s26 =	ssub.s32 @p1 s24, s26  }
0x32: {  	s26 =	sand.u32 @p1 $0xFF, s26  }
0x33: {  	s26 =	smul.u32 @p1 $0x6400, s26  }
0x34: {  	s28 =	smul.u32 @p1 $0x140, s24  }
0x35: {  	s26 =	sshrl.u32 @p1 s26, $0x2  }
0x36: {  	s28 =	sshra.s32 @p1 s28, $0x2;
	s26 =	sadd.s32 @p1 $0x9C90, s26  }
0x37: {  	[tilespmem:s26], [sflag:$0x1] =	stream.indirect.gather @p1 [hbm4b:s5+s18], $0x50, s28, s18, $0xb8;
	[tilespmem:$0x1AAE0] =	vst v63  }
0x38: {  	_ =	swait.ge [sflag:s20], $0x1900  }
0x39: {  	s1 =	smul.u32 $0x50, s25;
	[sflag:s20] =	ssyncset.done $0x0  }
0x3a: {  	[sflag:s20] =	ssyncadd.s32 $0xFFFFE700  }
0x3b: {  	v0 =	vld [tilespmem:s1+$0x0]  }
0x3c: {  	v1 =	vld [tilespmem:s1+$0x2710];
	_ =	sdelay $0x6  }
0x3d: {  	v0 =	vld.idx.msk [tilespmem:v0+s16+$0x0], $0xffff  }
0x3e: {  	v1 =	vld.idx.msk [tilespmem:v1+s17+$0x0], $0xffff;
	_ =	sdelay $0x4  }
0x3f: {  	v0 =	vadd.f32 v1, v0;
	_ =	sdelay $0x1  }
0x40: {  	v1 =	vmul.f32 $2.000000030e-01, v0  }
0x41: {  	vm0 =	vge.f32 v0, $0.0e+00  }
0x42: {  	v0 =	vsel vm0, v0, v1  }
0x43: {  	v0 =	vmul.f32 $1.442695020e+00, v0;
	_ =	sdelay $0x1  }
0x44: {  	(erf) = vpow2.f32 v0;
	_ =	sdelay $0x8  }
0x45: {  	v0 =	vpop (erf)  }
0x46: {  	[tilespmem:$0x9C40] =	vst v0  }
0x47: {  	v0 =	vld [tilespmem:s1+$0x10]  }
0x48: {  	v1 =	vld [tilespmem:s1+$0x2720];
	_ =	sdelay $0x6  }
0x49: {  	v0 =	vld.idx.msk [tilespmem:v0+s16+$0x0], $0xffff  }
0x4a: {  	v1 =	vld.idx.msk [tilespmem:v1+s17+$0x0], $0xffff;
	_ =	sdelay $0x4  }
0x4b: {  	v0 =	vadd.f32 v1, v0;
	_ =	sdelay $0x1  }
0x4c: {  	v1 =	vmul.f32 $2.000000030e-01, v0  }
0x4d: {  	vm12 =	vge.f32 v0, $0.0e+00  }
0x4e: {  	v0 =	vsel vm12, v0, v1  }
0x4f: {  	v0 =	vmul.f32 $1.442695020e+00, v0;
	_ =	sdelay $0x1  }
0x50: {  	(erf) = vpow2.f32 v0;
	_ =	sdelay $0x8  }
0x51: {  	v0 =	vpop (erf)  }
0x52: {  	[tilespmem:$0x9C50] =	vst v0  }
0x53: {  	v0 =	vld [tilespmem:s1+$0x20]  }
0x54: {  	v1 =	vld [tilespmem:s1+$0x2730];
	_ =	sdelay $0x6  }
0x55: {  	v0 =	vld.idx.msk [tilespmem:v0+s16+$0x0], $0xffff  }
0x56: {  	v1 =	vld.idx.msk [tilespmem:v1+s17+$0x0], $0xffff;
	_ =	sdelay $0x4  }
0x57: {  	v0 =	vadd.f32 v1, v0;
	_ =	sdelay $0x1  }
0x58: {  	v1 =	vmul.f32 $2.000000030e-01, v0  }
0x59: {  	vm13 =	vge.f32 v0, $0.0e+00  }
0x5a: {  	v0 =	vsel vm13, v0, v1  }
0x5b: {  	v0 =	vmul.f32 $1.442695020e+00, v0;
	_ =	sdelay $0x1  }
0x5c: {  	(erf) = vpow2.f32 v0;
	_ =	sdelay $0x8  }
0x5d: {  	v0 =	vpop (erf)  }
0x5e: {  	[tilespmem:$0x9C60] =	vst v0  }
0x5f: {  	v0 =	vld [tilespmem:s1+$0x30]  }
0x60: {  	v1 =	vld [tilespmem:s1+$0x2740];
	_ =	sdelay $0x6  }
0x61: {  	v0 =	vld.idx.msk [tilespmem:v0+s16+$0x0], $0xffff  }
0x62: {  	v1 =	vld.idx.msk [tilespmem:v1+s17+$0x0], $0xffff;
	_ =	sdelay $0x4  }
0x63: {  	v0 =	vadd.f32 v1, v0;
	_ =	sdelay $0x1  }
0x64: {  	v1 =	vmul.f32 $2.000000030e-01, v0  }
0x65: {  	vm14 =	vge.f32 v0, $0.0e+00  }
0x66: {  	v0 =	vsel vm14, v0, v1  }
0x67: {  	v0 =	vmul.f32 $1.442695020e+00, v0;
	_ =	sdelay $0x1  }
0x68: {  	(erf) = vpow2.f32 v0;
	_ =	sdelay $0x8  }
0x69: {  	v0 =	vpop (erf)  }
0x6a: {  	[tilespmem:$0x9C70] =	vst v0  }
0x6b: {  	v0 =	vld [tilespmem:s1+$0x40]  }
0x6c: {  	v1 =	vld [tilespmem:s1+$0x2750];
	_ =	sdelay $0x6  }
0x6d: {  	v0 =	vld.idx.msk [tilespmem:v0+s16+$0x0], $0xffff  }
0x6e: {  	v1 =	vld.idx.msk [tilespmem:v1+s17+$0x0], $0xffff;
	_ =	sdelay $0x4  }
0x6f: {  	v0 =	vadd.f32 v1, v0;
	_ =	sdelay $0x1  }
0x70: {  	v1 =	vmul.f32 $2.000000030e-01, v0  }
0x71: {  	vm15 =	vge.f32 v0, $0.0e+00  }
0x72: {  	v0 =	vsel vm15, v0, v1  }
0x73: {  	v0 =	vmul.f32 $1.442695020e+00, v0;
	_ =	sdelay $0x1  }
0x74: {  	s28 =	sand.u32 $0xFF, s25;
	(erf) = vpow2.f32 v0  }
0x75: {  	s28 =	smul.u32 $0xAB, s28  }
0x76: {  	s29 =	simm.s32 $0x0  }
0x77: {  	s28 =	sshrl.u32 s28, $0x9;
	v0 =	vmov s29  }
0x78: {  	s28 =	smul.u32 $0x3, s28;
	v0 =	vand.u32 $0xFFFFFFFC, v0  }
0x79: {  	v0 =	vbroadcast v0, $0x0  }
0x7a: {  	s31 =	ssub.s32 s25, s28  }
0x7b: {  	s25 =	sand.u32 $0xFF, s31  }
0x7c: {  	s25 =	smul.u32 $0x6400, s25  }
0x7d: {  	v1 =	vpop (erf)  }
0x7e: {  	s28 =	sshrl.u32 s25, $0x2;
	[tilespmem:$0x9C80] =	vst v1  }
0x7f: {  	s25 =	sadd.s32 $0x9D30, s28;
	v0 =	vld.idx.msk [tilespmem:v0+s21+$0x0], $0xffff  }
0x80: {  	v1 =	vld [tilespmem:s25+$0xFFFFFF60]  }
0x81: {  	v2 =	vld [tilespmem:s25+$0xFFFFFFA0]  }
0x82: {  	v3 =	vld [tilespmem:s25+$0xFFFFFF90]  }
0x83: {  	s29 =	simm.s32 $0x1;
	v4 =	vld [tilespmem:s25+$0xFFFFFF70]  }
0x84: {  	v6 =	vmov s29;
	v5 =	vld [tilespmem:s25+$0xFFFFFF80];
	v0 =	vpack.i.f32.bf16 v0, v0  }
0x85: {  	v6 =	vand.u32 $0xFFFFFFFD, v6;
	v1 =	vmul.bf16 v1, v0  }
0x86: {  	v6 =	vbroadcast v6, $0x0;
	v2 =	vmul.bf16 v2, v0  }
0x87: {  	[tilespmem:s25+$0xFFFFFF60] =	vst v1;
	v1 =	vmul.bf16 v3, v0  }
0x88: {  	v3 =	vmul.bf16 v4, v0;
	[tilespmem:s25+$0xFFFFFFA0] =	vst v2  }
0x89: {  	v0 =	vmul.bf16 v5, v0;
	[tilespmem:s25+$0xFFFFFF90] =	vst v1  }
0x8a: {  	[tilespmem:s25+$0xFFFFFF70] =	vst v3  }
0x8b: {  	[tilespmem:s25+$0xFFFFFF80] =	vst v0  }
0x8c: {  	v0 =	vld.idx.msk [tilespmem:v6+s21+$0x0], $0xffff  }
0x8d: {  	v1 =	vld [tilespmem:s25+$0xFFFFFFB0]  }
0x8e: {  	v2 =	vld [tilespmem:s25+$0xFFFFFFC0]  }
0x8f: {  	v3 =	vld [tilespmem:s25+$0xFFFFFFE0]  }
0x90: {  	s29 =	simm.s32 $0x2;
	v4 =	vld [tilespmem:s25+$0xFFFFFFF0]  }
0x91: {  	v63 =	vmov s29;
	v5 =	vld [tilespmem:s25+$0xFFFFFFD0];
	v0 =	vpack.i.f32.bf16 v0, v0  }
0x92: {  	v6 =	vand.u32 $0xFFFFFFFE, v63;
	v1 =	vmul.bf16 v1, v0  }
0x93: {  	v6 =	vbroadcast v6, $0x0;
	v2 =	vmul.bf16 v2, v0  }
0x94: {  	[tilespmem:s25+$0xFFFFFFB0] =	vst v1;
	v1 =	vmul.bf16 v3, v0  }
0x95: {  	v3 =	vmul.bf16 v4, v0;
	[tilespmem:s25+$0xFFFFFFC0] =	vst v2  }
0x96: {  	v0 =	vmul.bf16 v5, v0;
	[tilespmem:s25+$0xFFFFFFE0] =	vst v1  }
0x97: {  	[tilespmem:s25+$0xFFFFFFF0] =	vst v3  }
0x98: {  	v2 =	vld [tilespmem:s25+$0x10];
	[tilespmem:s25+$0xFFFFFFD0] =	vst v0  }
0x99: {  	v0 =	vld.idx.msk [tilespmem:v6+s21+$0x0], $0xffff  }
0x9a: {  	v4 =	vld [tilespmem:s25+$0x20]  }
0x9b: {  	v3 =	vld [tilespmem:s25+$0x0]  }
0x9c: {  	v5 =	vld [tilespmem:s25+$0x40]  }
0x9d: {  	v1 =	vld [tilespmem:s25+$0x30]  }
0x9e: {  	v6 =	vpack.i.f32.bf16 v0, v0  }
0x9f: {  	v2 =	vmul.bf16 v2, v6  }
0xa0: {  	v7 =	vmul.bf16 v3, v6  }
0xa1: {  	s30 =	simm.s32 $0x3;
	s26 =	sadd.s32 $0x2710, s1;
	v0 =	vmul.bf16 v4, v6;
	[tilespmem:s25+$0x10] =	vst v2  }
0xa2: {  	s28 =	sadd.s32 $0x9C90, s28;
	s29 =	simm.s32 $0x7;
	v3 =	vmul.bf16 v1, v6;
	v1 =	vmov s30;
	s30 =	smov.u32 s25;
	v2 =	vmul.bf16 v5, v6;
	[tilespmem:s25+$0x0] =	vst v7  }
.LBB2_3:
0xa3: {  	p0 =	sne.s32 s29, $0x4F  }
0xa4: {  	[tilespmem:s25+$0x30] =	vst v3;
	s30 =	sadd.s32 $0x140, s30;
	s31 =	smov.u32 s29;
	s29 =	sadd.s32 $0x4, s29  }
0xa5: {  	[tilespmem:s25+$0x20] =	vst v0  }
0xa6: {  	[tilespmem:s25+$0x40] =	vst v2;
	v0 =	vld [tilespmem:s25+$0x80]  }
0xa7: {  	v1 =	vld.idx.msk [tilespmem:v1+s21+$0x0], $0xffff  }
0xa8: {  	v2 =	vld [tilespmem:s25+$0x50]  }
0xa9: {  	v3 =	vld [tilespmem:s25+$0x60]  }
0xaa: {  	v4 =	vld [tilespmem:s25+$0x70]  }
0xab: {  	v5 =	vld [tilespmem:s25+$0x90]  }
0xac: {  	s1 =	sadd.s32 $0xFFFFFFFD, s31  }
0xad: {  	v6 =	vmov s1;
	v1 =	vpack.i.f32.bf16 v1, v1  }
0xae: {  	v6 =	vand.u32 $0xFFFFFFFC, v6;
	v2 =	vmul.bf16 v2, v1;
	v3 =	vmul.bf16 v3, v1  }
0xaf: {  	v6 =	vbroadcast v6, $0x0;
	v4 =	vmul.bf16 v4, v1  }
0xb0: {  	v0 =	vmul.bf16 v0, v1;
	[tilespmem:s25+$0x50] =	vst v2;
	v1 =	vmul.bf16 v5, v1  }
0xb1: {  	[tilespmem:s25+$0x60] =	vst v3  }
0xb2: {  	[tilespmem:s25+$0x80] =	vst v0  }
0xb3: {  	[tilespmem:s25+$0x70] =	vst v4  }
0xb4: {  	v0 =	vld [tilespmem:s30+$0xFFFFFF90];
	[tilespmem:s25+$0x90] =	vst v1;
	s25 =	smov.u32 s30  }
0xb5: {  	v1 =	vld.idx.msk [tilespmem:v6+s21+$0x0], $0xffff  }
0xb6: {  	v2 =	vld [tilespmem:s30+$0xFFFFFFA0]  }
0xb7: {  	v3 =	vld [tilespmem:s30+$0xFFFFFF60]  }
0xb8: {  	v4 =	vld [tilespmem:s30+$0xFFFFFF80]  }
0xb9: {  	v5 =	vld [tilespmem:s30+$0xFFFFFF70]  }
0xba: {  	s1 =	sadd.s32 $0xFFFFFFFE, s31  }
0xbb: {  	v6 =	vmov s1;
	v1 =	vpack.i.f32.bf16 v1, v1  }
0xbc: {  	v6 =	vand.u32 $0xFFFFFFFD, v6;
	v2 =	vmul.bf16 v2, v1;
	v3 =	vmul.bf16 v3, v1  }
0xbd: {  	v6 =	vbroadcast v6, $0x0;
	v4 =	vmul.bf16 v4, v1  }
0xbe: {  	v0 =	vmul.bf16 v0, v1;
	[tilespmem:s30+$0xFFFFFF60] =	vst v3;
	v3 =	vmul.bf16 v5, v1  }
0xbf: {  	[tilespmem:s30+$0xFFFFFFA0] =	vst v2  }
0xc0: {  	[tilespmem:s30+$0xFFFFFF90] =	vst v0  }
0xc1: {  	[tilespmem:s30+$0xFFFFFF70] =	vst v3  }
0xc2: {  	[tilespmem:s30+$0xFFFFFF80] =	vst v4;
	v0 =	vld [tilespmem:s30+$0xFFFFFFE0]  }
0xc3: {  	v1 =	vld.idx.msk [tilespmem:v6+s21+$0x0], $0xffff  }
0xc4: {  	v2 =	vld [tilespmem:s30+$0xFFFFFFC0]  }
0xc5: {  	v3 =	vld [tilespmem:s30+$0xFFFFFFB0]  }
0xc6: {  	v4 =	vld [tilespmem:s30+$0xFFFFFFD0]  }
0xc7: {  	v5 =	vld [tilespmem:s30+$0xFFFFFFF0]  }
0xc8: {  	s1 =	sadd.s32 $0xFFFFFFFF, s31  }
0xc9: {  	v6 =	vmov s1;
	v1 =	vpack.i.f32.bf16 v1, v1  }
0xca: {  	v6 =	vand.u32 $0xFFFFFFFE, v6;
	v2 =	vmul.bf16 v2, v1;
	v3 =	vmul.bf16 v3, v1  }
0xcb: {  	v6 =	vbroadcast v6, $0x0;
	v4 =	vmul.bf16 v4, v1  }
0xcc: {  	v0 =	vmul.bf16 v0, v1;
	[tilespmem:s30+$0xFFFFFFB0] =	vst v3;
	v1 =	vmul.bf16 v5, v1  }
0xcd: {  	[tilespmem:s30+$0xFFFFFFC0] =	vst v2  }
0xce: {  	[tilespmem:s30+$0xFFFFFFE0] =	vst v0  }
0xcf: {  	[tilespmem:s30+$0xFFFFFFF0] =	vst v1  }
0xd0: {  	[tilespmem:s30+$0xFFFFFFD0] =	vst v4;
	v1 =	vld [tilespmem:s30+$0x30]  }
0xd1: {  	v0 =	vld.idx.msk [tilespmem:v6+s21+$0x0], $0xffff  }
0xd2: {  	v2 =	vld [tilespmem:s30+$0x10]  }
0xd3: {  	v3 =	vld [tilespmem:s30+$0x0]  }
0xd4: {  	v4 =	vld [tilespmem:s30+$0x20]  }
0xd5: {  	v5 =	vld [tilespmem:s30+$0x40];
	_ =	sdelay $0x1  }
.Ltmp0:
0xd6: {  	v6 =	vpack.i.f32.bf16 v0, v0;
	(pc) =	sbr.rel @p0 .LBB2_3-.Ltmp0, $4  }
0xd7: {  	v2 =	vmul.bf16 v2, v6;
	v7 =	vmul.bf16 v3, v6  }
0xd8: {  	v3 =	vmul.bf16 v1, v6;
	v0 =	vmul.bf16 v4, v6  }
0xd9: {  	v1 =	vmov s31;
	[tilespmem:s30+$0x10] =	vst v2;
	v2 =	vmul.bf16 v5, v6  }
0xda: {  	[tilespmem:s30+$0x0] =	vst v7  }
0xdb: {  	_ = 	snop  }
0xdc: {  	[tilespmem:s25+$0x30] =	vst v3  }
0xdd: {  	[tilespmem:s25+$0x20] =	vst v0  }
0xde: {  	[tilespmem:s25+$0x40] =	vst v2  }
0xdf: {  	v0 =	vld.idx.msk [tilespmem:v1+s21+$0x0], $0xffff  }
0xe0: {  	v59 =	vld [tilespmem:s25+$0x50]  }
0xe1: {  	v60 =	vld [tilespmem:s25+$0x60]  }
0xe2: {  	v61 =	vld [tilespmem:s25+$0x80]  }
0xe3: {  	v4 =	vld [tilespmem:s25+$0x70]  }
0xe4: {  	v5 =	vld [tilespmem:s25+$0x90];
	v0 =	vpack.i.f32.bf16 v0, v0  }
0xe5: {  	v1 =	vmul.bf16 v59, v0  }
0xe6: {  	v2 =	vmul.bf16 v60, v0  }
0xe7: {  	p0 =	slt.u32 s24, $0x7D;
	v62 =	vmul.bf16 v61, v0;
	[tilespmem:s25+$0x50] =	vst v1  }
.Ltmp1:
0xe8: {  	v63 =	vmul.bf16 v4, v0;
	[tilespmem:s25+$0x60] =	vst v2;
	(pc) =	sbr.rel @p0 .LBB2_2-.Ltmp1, $4  }
0xe9: {  	v0 =	vmul.bf16 v5, v0;
	[tilespmem:s25+$0x80] =	vst v62  }
0xea: {  	[tilespmem:s25+$0x70] =	vst v63  }
0xeb: {  	[tilespmem:s25+$0x90] =	vst v0;
	s25 =	smov.u32 s24  }
0xec: {  	[spmem:s3] =	stream.indirect.scatter.add.bf16 [tilespmem:s28], [sflag:$0x2], $0x50, s26, s18, $0xb8;
	[tilespmem:$0x1AAE0] =	vst v63  }
0xed: {  	_ =	swait.ge [sflag:s22], $0x1900  }
0xee: {  	[sflag:s22] =	ssyncset.done $0x0  }
0xef: {  	[sflag:s22] =	ssyncadd.s32 $0xFFFFE700  }
0xf0: {  	_ =	swait.ge [sflag:s22], $0x1900  }
0xf1: {  	s23 =	sadd.s32 $0x1, s23;
	[sflag:s22] =	ssyncset.done $0x0  }
0xf2: {  	p0 =	sne.s32 s23, s12;
	[sflag:s22] =	ssyncadd.s32 $0xFFFFE700  }
.Ltmp2:
0xf3: {  	[bflag:$0x0] =	sbarrier.arrive $0xFFFF;
	(pc) =	sbr.rel @p0 .LBB2_1-.Ltmp2, $4  }
0xf4: {  	[hbm:s11], [sflag:s8] =	dma.local [spmem:s13], $0x186A  }
0xf5: {  	_ =	swait.ge [sflag:s14], $0x186A  }
0xf6: {  	[sflag:s14] =	ssyncset.done $0x0  }
0xf7: {  	[sflag:s14] =	ssyncadd.s32 $0xFFFFE796  }
0xf8: {  	_ =	sfence.sel $0x180000  }
0xf9: {  	[bflag:$0x0] =	sbarrier.arrive $0xFFFF  }
0xfa: {  	_ =	strace $0x9000004D  }
0xfb: {  	[bflag:$0x2] =	sbarrier.arrive $0xFFFF  }
0xfc: {  	p0 =	sne.s32 s0, $0x0;
	s0 =	rddreg [dreg:$0x3]  }
0xfd: {  	s0 =	sadd.s32 @!p0 $0x100000, s0  }
0xfe: {  	[sflag:s0] =	ssyncadd.tile.s32 @!p0 $0x1;
	_ =	shalt  }
.Lfunc_end2:
_tile_overlayer_lowered:
.L_overlay_start_2:
0xff: {  	(tag) =	ssettag $0x2  }
0x100: {  	s0 =	rddreg [dreg:$0x0];
	s2 =	stileid.u32  }
0x101: {  	s1 =	rddreg [dreg:$0x1];
	p0 =	sne.s32 s2, $0x0  }
0x102: {  	s3 =	rddreg [dreg:$0x2];
	[bflag:$0x3] =	sbarrier.arrive $0xFFFF;
	s2 =	simm.s32 @!p0 $0x1C03  }
0x103: {  	[timem:s3], [sflag:s2] =	dma.local @!p0 [hbm:s0], s1  }
0x104: {  	s0 =	simm.s32 @!p0 $0x3  }
0x105: {  	_ =	swait.ge @!p0 [sflag:s0], s1  }
0x106: {  	s1 =	ssub.s32 @!p0 $0x0, s1;
	[sflag:s0] =	ssyncset.done @!p0 $0x0  }
0x107: {  	[sflag:s0] =	ssyncadd.s32 @!p0 s1  }
0x108: {  	[bflag:$0x3] =	sbarrier.arrive $0xFFFF  }
0x109: {  	_ =	shalt  }

// kernel: kernel.23.cloned.1.call-start
scs
__scs_entry_jumppad:
0x0: {  	(pc) =	sbr.rel $0x88, $3  }
0x1: {  	(tag) =	ssettag $0x0;
	lr =	simm.s32 $0x1  }
0x2: {  	[smem:$0x3F69] =	sst lr;
	_ =	strace $0xD0000000  }
0x3: {  	_ = 	snop  }
0x4: {  	_ = 	snop  }
0x5: {  	_ = 	snop  }
0x6: {  	_ = 	snop  }
0x7: {  	_ = 	snop  }
__scs_overlays_trampoline_lowered:
0x8: {  	[smem:$0x3F78] =	sst s0  }
0x9: {  	[smem:$0x3F79] =	sst s1  }
0xa: {  	[smem:$0x3F7A] =	sst s2  }
0xb: {  	[smem:$0x3F7B] =	sst s3  }
0xc: {  	[smem:$0x3F7C] =	sst s4  }
0xd: {  	[smem:$0x3F7D] =	sst s5  }
0xe: {  	[smem:$0x3F7E] =	sst s6  }
0xf: {  	[smem:$0x3F7F] =	sst s7  }
0x10: {  	[smem:$0x3F80] =	sst s8  }
0x11: {  	[smem:$0x3F81] =	sst s9;
	s0 =	simm.s32 @!p0 $0x0  }
0x12: {  	s1 =	sld [smem:$0x3F67];
	s0 =	simm.s32 @p0 $0x1  }
0x13: {  	[smem:$0x3F82] =	sst s0;
	s0 =	simm.s32 @!p1 $0x0  }
0x14: {  	s2 =	sld [smem:$0x3F66];
	s0 =	simm.s32 @p1 $0x1  }
0x15: {  	[smem:$0x3F83] =	sst s0;
	s0 =	simm.s32 @!p2 $0x0  }
0x16: {  	s3 =	sld [smem:$0x3FDB];
	s0 =	simm.s32 @p2 $0x1  }
0x17: {  	s4 =	simm.s32 $0x1BF5;
	[smem:$0x3F85] =	sst s0  }
0x18: {  	s0 =	sld [smem:$0x3F68];
	_ =	swait.ge [sflag:s4], $0x0  }
0x19: {  	s7 =	sld [smem:$0x3F69]  }
0x1a: {  	s8 =	sadd.s32 $0xFFFFE003, lr  }
0x1b: {  	s9 =	sadd.s32 $0xFFFFFEF7, lr;
	s5 =	simm.s32 $0xFFFFFFFF;
	p2 =	slt.u32 s8, $0xFFFFF086  }
0x1c: {  	p1 =	slt.u32 s9, $0xF7A;
	s5 =	simm.s32 @!p2 $0x0  }
0x1d: {  	s5 =	simm.s32 @p1 $0x1;
	p0 =	seq.s32 s7, s2  }
0x1e: {  	s7 =	smul.u32 @!p0 $0xF7A, s2;
	p2 =	seq.s32 @!p0 s5, $0x0  }
0x1f: {  	s9 =	smul.u32 $0xF7A, s1;
	s8 =	simm.s32 @!p0 $0x1BF5;
	p2 =	por !p2, p0  }
0x20: {  	[sflag:s8] =	ssyncset.s32 @!p0 $0xFFFFF086;
	s6 =	sadd.s32 @!p0 s3, s7;
	s7 =	simm.s32 @!p0 $0x108  }
0x21: {  	s3 =	sadd.s32 s3, s9;
	s6 =	sadd.s32 @!p0 $0x88, s6;
	s7 =	simm.s32 @p2 $0x1082  }
0x22: {  	[simem:s7], [sflag:s8] =	dma.local @!p0 [hbm:s6], $0xF7A  }
0x23: {  	s9 =	sor.u32 $0xD0000000, s2;
	s6 =	simm.s32 $0x108;
	_ =	swait.ge @!p0 [sflag:s8], $0x0  }
0x24: {  	s3 =	sadd.s32 $0x88, s3;
	s6 =	simm.s32 @!p1 $0x1082;
	[sflag:s4] =	ssyncset.s32 $0xFFFFF086  }
0x25: {  	[simem:s6], [sflag:s4] =	dma.local [hbm:s3], $0xF7A  }
0x26: {  	[smem:$0x3F69] =	sst s1;
	(tag) =	ssettag s2;
	_ =	strace s9  }
0x27: {  	s1 =	sld [smem:$0x3F79]  }
0x28: {  	s2 =	sld [smem:$0x3F7A]  }
0x29: {  	s4 =	sld [smem:$0x3F7C]  }
0x2a: {  	p0 =	seq.s32 s5, $0x0;
	s5 =	sld [smem:$0x3F7D]  }
0x2b: {  	s6 =	sld [smem:$0x3F7E]  }
0x2c: {  	s7 =	sld [smem:$0x3F7F]  }
0x2d: {  	s3 =	simm.s32 $0x108;
	s8 =	sld [smem:$0x3F80]  }
0x2e: {  	s3 =	simm.s32 @!p0 $0x1082;
	s9 =	sld [smem:$0x3F81]  }
0x2f: {  	lr =	sadd.s32 s0, s3;
	s0 =	sld [smem:$0x3F78]  }
0x30: {  	s3 =	sld [smem:$0x3F7B]  }
0x31: {  	[smem:$0x3F84] =	sst s10  }
0x32: {  	s10 =	sld [smem:$0x3F82];
	_ =	sdelay $0x3  }
0x33: {  	p0 =	seq.s32 s10, $0x1;
	s10 =	sld [smem:$0x3F84];
	_ =	sdelay $0x3  }
0x34: {  	[smem:$0x3F84] =	sst s10  }
0x35: {  	s10 =	sld [smem:$0x3F83];
	_ =	sdelay $0x3  }
0x36: {  	p1 =	seq.s32 s10, $0x1;
	s10 =	sld [smem:$0x3F84];
	_ =	sdelay $0x3  }
0x37: {  	[smem:$0x3F84] =	sst s10  }
0x38: {  	s10 =	sld [smem:$0x3F85]  }
0x39: {  	_ = 	snop;
	(pc) =	sbr.ind lr, $3  }
0x3a: {  	_ = 	snop  }
0x3b: {  	_ = 	snop  }
0x3c: {  	p2 =	seq.s32 s10, $0x1;
	s10 =	sld [smem:$0x3F84]  }
0x3d: {  	_ =	shalt  }
0x3e: {  	_ =	shalt  }
0x3f: {  	_ =	shalt  }
0x40: {  	_ =	shalt  }
0x41: {  	_ =	shalt  }
0x42: {  	_ =	shalt  }
0x43: {  	_ =	shalt  }
0x44: {  	_ =	shalt  }
0x45: {  	_ =	shalt  }
0x46: {  	_ =	shalt  }
0x47: {  	_ =	shalt  }
0x48: {  	_ =	shalt  }
0x49: {  	_ =	shalt  }
0x4a: {  	_ =	shalt  }
0x4b: {  	_ =	shalt  }
0x4c: {  	_ =	shalt  }
0x4d: {  	_ =	shalt  }
0x4e: {  	_ =	shalt  }
0x4f: {  	_ =	shalt  }
0x50: {  	_ =	shalt  }
0x51: {  	_ =	shalt  }
0x52: {  	_ =	shalt  }
0x53: {  	_ =	shalt  }
0x54: {  	_ =	shalt  }
0x55: {  	_ =	shalt  }
0x56: {  	_ =	shalt  }
0x57: {  	_ =	shalt  }
0x58: {  	_ =	shalt  }
0x59: {  	_ =	shalt  }
0x5a: {  	_ =	shalt  }
0x5b: {  	_ =	shalt  }
0x5c: {  	_ =	shalt  }
0x5d: {  	_ =	shalt  }
0x5e: {  	_ =	shalt  }
0x5f: {  	_ =	shalt  }
0x60: {  	_ =	shalt  }
0x61: {  	_ =	shalt  }
0x62: {  	_ =	shalt  }
0x63: {  	_ =	shalt  }
0x64: {  	_ =	shalt  }
0x65: {  	_ =	shalt  }
0x66: {  	_ =	shalt  }
0x67: {  	_ =	shalt  }
0x68: {  	_ =	shalt  }
0x69: {  	_ =	shalt  }
0x6a: {  	_ =	shalt  }
0x6b: {  	_ =	shalt  }
0x6c: {  	_ =	shalt  }
0x6d: {  	_ =	shalt  }
0x6e: {  	_ =	shalt  }
0x6f: {  	_ =	shalt  }
0x70: {  	_ =	shalt  }
0x71: {  	_ =	shalt  }
0x72: {  	_ =	shalt  }
0x73: {  	_ =	shalt  }
0x74: {  	_ =	shalt  }
0x75: {  	_ =	shalt  }
0x76: {  	_ =	shalt  }
0x77: {  	_ =	shalt  }
0x78: {  	_ =	shalt  }
0x79: {  	_ =	shalt  }
0x7a: {  	_ =	shalt  }
0x7b: {  	_ =	shalt  }
0x7c: {  	_ =	shalt  }
0x7d: {  	_ =	shalt  }
0x7e: {  	_ =	shalt  }
0x7f: {  	_ =	shalt  }
0x80: {  	_ =	shalt  }
0x81: {  	_ =	shalt  }
0x82: {  	_ =	shalt  }
0x83: {  	_ =	shalt  }
0x84: {  	_ =	shalt  }
0x85: {  	_ =	shalt  }
0x86: {  	_ =	shalt  }
0x87: {  	_ =	shalt  }
.Lfunc_end0:
.L_simem_size_0:
called_computation.3_lowered:
.L_overlay_start_0:
0x88: {  	s2 =	sld [smem:$0x3FD9]  }
0x89: {  	s3 =	sld [smem:$0x3FFE];
	_ =	sdelay $0x1  }
0x8a: {  	s1 =	srdreg.scid  }
0x8b: {  	s0 =	sand.u32 $0x1, s1  }
0x8c: {  	s16 =	sshll.u32 s0, $0xA;
	s2 =	sadd.s32 s3, s2  }
0x8d: {  	s2 =	sadd.s32 s2, s16  }
0x8e: {  	[smem:$0x3F90] =	sst s2  }
0x8f: {  	_ = 	snop  }
0x90: {  	(tm) =	ssettm $0x1  }
0x91: {  	s17 =	sld [smem:$0x3FFB];
	_ =	sdelay $0x3  }
0x92: {  	_ =	strace s17  }
0x93: {  	s2 =	sld [smem:$0x3FFC];
	_ =	sdelay $0x3  }
0x94: {  	_ =	strace s2  }
0x95: {  	s2 =	sld [smem:$0x3FFD];
	_ =	sdelay $0x3  }
0x96: {  	_ =	strace s2  }
0x97: {  	_ =	strace $0x8FFFFFFF  }
0x98: {  	s18 =	sld [smem:$0x3FDB];
	_ =	sdelay $0x1  }
0x99: {  	s19 =	simm.s32 $_scs_section_size  }
0x9a: {  	s4 =	simm.s32 $_size__tile_overlayer_lowered;
	s5 =	simm.s32 $_tile_overlayer_lowered  }
0x9b: {  	s22 =	simm.s32 $0x1BFF;
	s21 =	sshll.u32 s5, $0x1;
	s2 =	sadd.s32 s19, s18  }
0x9c: {  	s6 =	simm.s32 $0x0;
	s20 =	sshll.u32 s4, $0x1;
	s4 =	sadd.s32 s21, s2  }
0x9d: {  	[timem:s6], [sflag:s22] =	dma.local [hbm:s4], s20  }
0x9e: {  	_ =	swait.ge [sflag:s22], s20  }
0x9f: {  	s3 =	ssub.s32 $0x0, s20;
	[sflag:s22] =	ssyncset.done $0x0  }
0xa0: {  	[sflag:s22] =	ssyncadd.s32 s3;
	_ =	sdelay $0x1  }
0xa1: {  	s23 =	simm.s32 $0x1B8B  }
0xa2: {  	_ =	swait.ge [sflag:s23], $0x1  }
0xa3: {  	[sflag:s23] =	ssyncset.done $0x0  }
0xa4: {  	s25 =	simm.s32 $0x1B8E;
	s24 =	sld [smem:$0x3FFE];
	[sflag:s23] =	ssyncadd.s32 $0xFFFFFFFF  }
0xa5: {  	s26 =	simm.s32 $execute0_lowered;
	[smem:$0x3FD2] =	sst s25  }
0xa6: {  	s4 =	sshll.u32 s26, $0x1;
	_ =	strace $0x8000004F;
	[dreg:$0x1] =	wrdreg $0xFFFFFFFF  }
0xa7: {  	s28 =	simm.s32 $_size_execute0_lowered;
	s2 =	sadd.s32 s2, s4;
	[dreg:$0x0] =	wrdreg $0x0  }
0xa8: {  	s4 =	sshll.u32 s28, $0x1;
	[dreg:$0x2] =	wrdreg s2  }
0xa9: {  	[dreg:$0x3] =	wrdreg s4  }
0xaa: {  	[dreg:$0x4] =	wrdreg $0xC0  }
0xab: {  	_ =	task [dreg:s6], $0x5FFFF  }
0xac: {  	[dreg:$0x1] =	wrdreg $0xFFFFFFFF  }
0xad: {  	[dreg:$0x0] =	wrdreg $0x60  }
0xae: {  	[dreg:$0x2] =	wrdreg s24  }
0xaf: {  	[dreg:$0x3] =	wrdreg $0x9  }
0xb0: {  	_ =	task.clear_ibuf [dreg:s6], $0x4FFFF;
	_ =	strace $0x9000004F  }
0xb1: {  	s29 =	simm.s32 $0x9;
	_ =	strace $0x80000051  }
0xb2: {  	_ =	swait.ge [sflag:s29], $0x1  }
0xb3: {  	[sflag:s29] =	ssyncadd.s32 $0xFFFFFFFF  }
0xb4: {  	_ =	strace $0x90000051  }
0xb5: {  	_ =	sfence  }
0xb6: {  	s30 =	sld [smem:$0x0];
	_ =	sdelay $0x2  }
0xb7: {  	s31 =	sshll.u32 s1, $0xD;
	s1 =	sshrl.u32 s1, $0x2  }
0xb8: {  	s3 =	sand.u32 $0x4000, s31;
	s1 =	sadd.s32 s1, s30  }
0xb9: {  	s0 =	sor.u32 s3, s0;
	s1 =	sshll.u32 s1, $0x11  }
0xba: {  	s0 =	sor.u32 s1, s0  }
0xbb: {  	s0 =	sadd.s32 $0x8F2B, s0  }
0xbc: {  	[sflag:s0] =	ssyncadd.remote.s32 $0x1  }
0xbd: {  	_ =	sfence.sel $0xFFFF  }
0xbe: {  	[dreg:$0x0] =	wrdreg $0xFFFFFFFF;
	(pc) =	sbr.abs _section_cstart, $3  }
0xbf: {  	[dreg:$0x1] =	wrdreg $0xFFFFFFFF  }
0xc0: {  	_ =	task.clear_ibuf [dreg:s6], $0x2FFFF;
	_ =	strace $0x9FFFFFFF  }
0xc1: {  	(tm) =	ssettm $0x7FFFFFFF  }
tec
execute0_lowered:
.L_overlay_start_1:
0x0: {  	(tag) =	ssettag $0x1  }
0x1: {  	s1 =	srdreg.scid  }
0x2: {  	s0 =	stileid.u32;
	s20 =	sand.u32 $0x1, s1  }
0x3: {  	s31 =	sshll.u32 s0, $0xB;
	s2 =	sshll.u32 s20, $0xA  }
0x4: {  	s8 =	rddreg [dreg:$0x0];
	s9 =	sor.u32 s2, s31  }
0x5: {  	s1 =	rddreg [dreg:$0x1];
	s2 =	simm.s32 $0x0;
	s3 =	sshrl.u32 s9, $0x3  }
0x6: {  	[smem:$0x7FF] =	sst s2;
	s3 =	sadd.s32 s3, s8  }
0x7: {  	_ =	strace $0x80000050;
	s4 =	sadd.s32 $0xA2400, s3;
	s3 =	simm.s32 $0x1  }
0x8: {  	[tilespmem:s2], [sflag:$0x1] =	stream.linear.gather [hbm4b:s4+s2], $0x400, $0x38;
	[tilespmem:$0x4400] =	vst v63  }
0x9: {  	_ =	swait.ge [sflag:s3], $0x400  }
0xa: {  	s6 =	simm.s32 $0x80;
	[sflag:s3] =	ssyncset.done $0x0  }
0xb: {  	s7 =	simm.s32 $0x400;
	s5 =	sadd.s32 $0x5000, s8;
	[sflag:s3] =	ssyncadd.s32 $0xFFFFFC00  }
0xc: {  	[tilespmem:s7], [sflag:$0x1] =	stream.indirect.gather [hbm4b:s5+s6], $0x80, s2, s6, $0xb8;
	[tilespmem:$0x4400] =	vst v63  }
0xd: {  	s9 =	sshll.u32 s9, $0x4;
	_ =	swait.ge [sflag:s3], $0x4000  }
0xe: {  	s21 =	sadd.s32 s9, s8;
	[sflag:s3] =	ssyncset.done $0x0  }
0xf: {  	s8 =	sadd.s32 $0xA3400, s21;
	[sflag:s3] =	ssyncadd.s32 $0xFFFFC000  }
0x10: {  	[hbm4b:s8+s2] =	stream.linear.scatter [tilespmem:s7], [sflag:$0x1], $0x4000, $0x38;
	[tilespmem:$0x4400] =	vst v63  }
0x11: {  	_ =	swait.ge [sflag:s3], $0x4000  }
0x12: {  	[sflag:s3] =	ssyncset.done $0x0  }
0x13: {  	[sflag:s3] =	ssyncadd.s32 $0xFFFFC000  }
0x14: {  	[tilespmem:s7], [sflag:$0x1] =	stream.indirect.gather [hbm4b:s5+s6], $0x80, s6, s6, $0xb8;
	[tilespmem:$0x4400] =	vst v63  }
0x15: {  	_ =	swait.ge [sflag:s3], $0x4000  }
0x16: {  	[sflag:s3] =	ssyncset.done $0x0  }
0x17: {  	s9 =	sadd.s32 $0xA3C00, s21;
	[sflag:s3] =	ssyncadd.s32 $0xFFFFC000  }
0x18: {  	[hbm4b:s9+s2] =	stream.linear.scatter [tilespmem:s7], [sflag:$0x1], $0x4000, $0x38;
	[tilespmem:$0x4400] =	vst v63  }
0x19: {  	_ =	swait.ge [sflag:s3], $0x4000  }
0x1a: {  	[sflag:s3] =	ssyncset.done $0x0  }
0x1b: {  	s10 =	simm.s32 $0x100;
	[sflag:s3] =	ssyncadd.s32 $0xFFFFC000  }
0x1c: {  	[tilespmem:s7], [sflag:$0x1] =	stream.indirect.gather [hbm4b:s5+s6], $0x80, s10, s6, $0xb8;
	[tilespmem:$0x4400] =	vst v63  }
0x1d: {  	_ =	swait.ge [sflag:s3], $0x4000  }
0x1e: {  	[sflag:s3] =	ssyncset.done $0x0  }
0x1f: {  	s11 =	sadd.s32 $0xA4400, s21;
	[sflag:s3] =	ssyncadd.s32 $0xFFFFC000  }
0x20: {  	[hbm4b:s11+s2] =	stream.linear.scatter [tilespmem:s7], [sflag:$0x1], $0x4000, $0x38;
	[tilespmem:$0x4400] =	vst v63  }
0x21: {  	_ =	swait.ge [sflag:s3], $0x4000  }
0x22: {  	[sflag:s3] =	ssyncset.done $0x0  }
0x23: {  	s12 =	simm.s32 $0x180;
	[sflag:s3] =	ssyncadd.s32 $0xFFFFC000  }
0x24: {  	[tilespmem:s7], [sflag:$0x1] =	stream.indirect.gather [hbm4b:s5+s6], $0x80, s12, s6, $0xb8;
	[tilespmem:$0x4400] =	vst v63  }
0x25: {  	_ =	swait.ge [sflag:s3], $0x4000  }
0x26: {  	[sflag:s3] =	ssyncset.done $0x0  }
0x27: {  	s13 =	sadd.s32 $0xA4C00, s21;
	[sflag:s3] =	ssyncadd.s32 $0xFFFFC000  }
0x28: {  	[hbm4b:s13+s2] =	stream.linear.scatter [tilespmem:s7], [sflag:$0x1], $0x4000, $0x38;
	[tilespmem:$0x4400] =	vst v63  }
0x29: {  	_ =	swait.ge [sflag:s3], $0x4000  }
0x2a: {  	[sflag:s3] =	ssyncset.done $0x0  }
0x2b: {  	s14 =	simm.s32 $0x200;
	[sflag:s3] =	ssyncadd.s32 $0xFFFFC000  }
0x2c: {  	[tilespmem:s7], [sflag:$0x1] =	stream.indirect.gather [hbm4b:s5+s6], $0x80, s14, s6, $0xb8;
	[tilespmem:$0x4400] =	vst v63  }
0x2d: {  	_ =	swait.ge [sflag:s3], $0x4000  }
0x2e: {  	[sflag:s3] =	ssyncset.done $0x0  }
0x2f: {  	s15 =	sadd.s32 $0xA5400, s21;
	[sflag:s3] =	ssyncadd.s32 $0xFFFFC000  }
0x30: {  	[hbm4b:s15+s2] =	stream.linear.scatter [tilespmem:s7], [sflag:$0x1], $0x4000, $0x38;
	[tilespmem:$0x4400] =	vst v63  }
0x31: {  	_ =	swait.ge [sflag:s3], $0x4000  }
0x32: {  	[sflag:s3] =	ssyncset.done $0x0  }
0x33: {  	s16 =	simm.s32 $0x280;
	[sflag:s3] =	ssyncadd.s32 $0xFFFFC000  }
0x34: {  	[tilespmem:s7], [sflag:$0x1] =	stream.indirect.gather [hbm4b:s5+s6], $0x80, s16, s6, $0xb8;
	[tilespmem:$0x4400] =	vst v63  }
0x35: {  	_ =	swait.ge [sflag:s3], $0x4000  }
0x36: {  	[sflag:s3] =	ssyncset.done $0x0  }
0x37: {  	s17 =	sadd.s32 $0xA5C00, s21;
	[sflag:s3] =	ssyncadd.s32 $0xFFFFC000  }
0x38: {  	[hbm4b:s17+s2] =	stream.linear.scatter [tilespmem:s7], [sflag:$0x1], $0x4000, $0x38;
	[tilespmem:$0x4400] =	vst v63  }
0x39: {  	_ =	swait.ge [sflag:s3], $0x4000  }
0x3a: {  	[sflag:s3] =	ssyncset.done $0x0  }
0x3b: {  	s18 =	simm.s32 $0x300;
	[sflag:s3] =	ssyncadd.s32 $0xFFFFC000  }
0x3c: {  	[tilespmem:s7], [sflag:$0x1] =	stream.indirect.gather [hbm4b:s5+s6], $0x80, s18, s6, $0xb8;
	[tilespmem:$0x4400] =	vst v63  }
0x3d: {  	_ =	swait.ge [sflag:s3], $0x4000  }
0x3e: {  	[sflag:s3] =	ssyncset.done $0x0  }
0x3f: {  	s22 =	ssub.s32 $0x2, s20;
	s19 =	sadd.s32 $0xA6400, s21;
	[sflag:s3] =	ssyncadd.s32 $0xFFFFC000  }
0x40: {  	[hbm4b:s19+s2] =	stream.linear.scatter [tilespmem:s7], [sflag:$0x1], $0x4000, $0x38;
	[tilespmem:$0x4400] =	vst v63  }
0x41: {  	s23 =	sshrl.u32 s22, $0x1;
	_ =	swait.ge [sflag:s3], $0x4000  }
0x42: {  	s22 =	ssub.s32 s22, s23;
	[sflag:s3] =	ssyncset.done $0x0  }
0x43: {  	s20 =	simm.s32 $0x380;
	s22 =	smax.u32 s22, $0x1;
	[sflag:s3] =	ssyncadd.s32 $0xFFFFC000  }
0x44: {  	[tilespmem:s7], [sflag:$0x1] =	stream.indirect.gather [hbm4b:s5+s6], $0x80, s20, s6, $0xb8;
	[tilespmem:$0x4400] =	vst v63  }
0x45: {  	p0 =	sne.s32 s22, $0x1;
	_ =	swait.ge [sflag:s3], $0x4000  }
.Ltmp0:
0x46: {  	[sflag:s3] =	ssyncset.done $0x0;
	(pc) =	sbr.rel @!p0 .LBB2_2-.Ltmp0, $4  }
0x47: {  	s21 =	sadd.s32 $0xA6C00, s21;
	[sflag:s3] =	ssyncadd.s32 $0xFFFFC000  }
0x48: {  	[hbm4b:s21+s2] =	stream.linear.scatter [tilespmem:s7], [sflag:$0x1], $0x4000, $0x38;
	[tilespmem:$0x4400] =	vst v63  }
0x49: {  	_ =	swait.ge [sflag:s3], $0x4000  }
0x4a: {  	s22 =	sadd.s32 $0xFFFFFFFF, s22;
	[sflag:s3] =	ssyncset.done $0x0  }
.LBB2_1:
0x4b: {  	p0 =	sne.s32 s22, $0x1;
	s22 =	sadd.s32 $0xFFFFFFFF, s22;
	[sflag:s3] =	ssyncadd.s32 $0xFFFFC000  }
0x4c: {  	[tilespmem:s2], [sflag:$0x1] =	stream.linear.gather [hbm4b:s4+s2], $0x400, $0x38;
	[tilespmem:$0x4400] =	vst v63  }
0x4d: {  	_ =	swait.ge [sflag:s3], $0x400  }
0x4e: {  	[sflag:s3] =	ssyncset.done $0x0  }
0x4f: {  	[sflag:s3] =	ssyncadd.s32 $0xFFFFFC00  }
0x50: {  	[tilespmem:s7], [sflag:$0x1] =	stream.indirect.gather [hbm4b:s5+s6], $0x80, s2, s6, $0xb8;
	[tilespmem:$0x4400] =	vst v63  }
0x51: {  	_ =	swait.ge [sflag:s3], $0x4000  }
0x52: {  	[sflag:s3] =	ssyncset.done $0x0  }
0x53: {  	[sflag:s3] =	ssyncadd.s32 $0xFFFFC000  }
0x54: {  	[hbm4b:s8+s2] =	stream.linear.scatter [tilespmem:s7], [sflag:$0x1], $0x4000, $0x38;
	[tilespmem:$0x4400] =	vst v63  }
0x55: {  	_ =	swait.ge [sflag:s3], $0x4000  }
0x56: {  	[sflag:s3] =	ssyncset.done $0x0  }
0x57: {  	[sflag:s3] =	ssyncadd.s32 $0xFFFFC000  }
0x58: {  	[tilespmem:s7], [sflag:$0x1] =	stream.indirect.gather [hbm4b:s5+s6], $0x80, s6, s6, $0xb8;
	[tilespmem:$0x4400] =	vst v63  }
0x59: {  	_ =	swait.ge [sflag:s3], $0x4000  }
0x5a: {  	[sflag:s3] =	ssyncset.done $0x0  }
0x5b: {  	[sflag:s3] =	ssyncadd.s32 $0xFFFFC000  }
0x5c: {  	[hbm4b:s9+s2] =	stream.linear.scatter [tilespmem:s7], [sflag:$0x1], $0x4000, $0x38;
	[tilespmem:$0x4400] =	vst v63  }
0x5d: {  	_ =	swait.ge [sflag:s3], $0x4000  }
0x5e: {  	[sflag:s3] =	ssyncset.done $0x0  }
0x5f: {  	[sflag:s3] =	ssyncadd.s32 $0xFFFFC000  }
0x60: {  	[tilespmem:s7], [sflag:$0x1] =	stream.indirect.gather [hbm4b:s5+s6], $0x80, s10, s6, $0xb8;
	[tilespmem:$0x4400] =	vst v63  }
0x61: {  	_ =	swait.ge [sflag:s3], $0x4000  }
0x62: {  	[sflag:s3] =	ssyncset.done $0x0  }
0x63: {  	[sflag:s3] =	ssyncadd.s32 $0xFFFFC000  }
0x64: {  	[hbm4b:s11+s2] =	stream.linear.scatter [tilespmem:s7], [sflag:$0x1], $0x4000, $0x38;
	[tilespmem:$0x4400] =	vst v63  }
0x65: {  	_ =	swait.ge [sflag:s3], $0x4000  }
0x66: {  	[sflag:s3] =	ssyncset.done $0x0  }
0x67: {  	[sflag:s3] =	ssyncadd.s32 $0xFFFFC000  }
0x68: {  	[tilespmem:s7], [sflag:$0x1] =	stream.indirect.gather [hbm4b:s5+s6], $0x80, s12, s6, $0xb8;
	[tilespmem:$0x4400] =	vst v63  }
0x69: {  	_ =	swait.ge [sflag:s3], $0x4000  }
0x6a: {  	[sflag:s3] =	ssyncset.done $0x0  }
0x6b: {  	[sflag:s3] =	ssyncadd.s32 $0xFFFFC000  }
0x6c: {  	[hbm4b:s13+s2] =	stream.linear.scatter [tilespmem:s7], [sflag:$0x1], $0x4000, $0x38;
	[tilespmem:$0x4400] =	vst v63  }
0x6d: {  	_ =	swait.ge [sflag:s3], $0x4000  }
0x6e: {  	[sflag:s3] =	ssyncset.done $0x0  }
0x6f: {  	[sflag:s3] =	ssyncadd.s32 $0xFFFFC000  }
0x70: {  	[tilespmem:s7], [sflag:$0x1] =	stream.indirect.gather [hbm4b:s5+s6], $0x80, s14, s6, $0xb8;
	[tilespmem:$0x4400] =	vst v63  }
0x71: {  	_ =	swait.ge [sflag:s3], $0x4000  }
0x72: {  	[sflag:s3] =	ssyncset.done $0x0  }
0x73: {  	[sflag:s3] =	ssyncadd.s32 $0xFFFFC000  }
0x74: {  	[hbm4b:s15+s2] =	stream.linear.scatter [tilespmem:s7], [sflag:$0x1], $0x4000, $0x38;
	[tilespmem:$0x4400] =	vst v63  }
0x75: {  	_ =	swait.ge [sflag:s3], $0x4000  }
0x76: {  	[sflag:s3] =	ssyncset.done $0x0  }
0x77: {  	[sflag:s3] =	ssyncadd.s32 $0xFFFFC000  }
0x78: {  	[tilespmem:s7], [sflag:$0x1] =	stream.indirect.gather [hbm4b:s5+s6], $0x80, s16, s6, $0xb8;
	[tilespmem:$0x4400] =	vst v63  }
0x79: {  	_ =	swait.ge [sflag:s3], $0x4000  }
0x7a: {  	[sflag:s3] =	ssyncset.done $0x0  }
0x7b: {  	[sflag:s3] =	ssyncadd.s32 $0xFFFFC000  }
0x7c: {  	[hbm4b:s17+s2] =	stream.linear.scatter [tilespmem:s7], [sflag:$0x1], $0x4000, $0x38;
	[tilespmem:$0x4400] =	vst v63  }
0x7d: {  	_ =	swait.ge [sflag:s3], $0x4000  }
0x7e: {  	[sflag:s3] =	ssyncset.done $0x0  }
0x7f: {  	[sflag:s3] =	ssyncadd.s32 $0xFFFFC000  }
0x80: {  	[tilespmem:s7], [sflag:$0x1] =	stream.indirect.gather [hbm4b:s5+s6], $0x80, s18, s6, $0xb8;
	[tilespmem:$0x4400] =	vst v63  }
0x81: {  	_ =	swait.ge [sflag:s3], $0x4000  }
0x82: {  	[sflag:s3] =	ssyncset.done $0x0  }
0x83: {  	[sflag:s3] =	ssyncadd.s32 $0xFFFFC000  }
0x84: {  	[hbm4b:s19+s2] =	stream.linear.scatter [tilespmem:s7], [sflag:$0x1], $0x4000, $0x38;
	[tilespmem:$0x4400] =	vst v63  }
0x85: {  	_ =	swait.ge [sflag:s3], $0x4000  }
0x86: {  	[sflag:s3] =	ssyncset.done $0x0  }
0x87: {  	[sflag:s3] =	ssyncadd.s32 $0xFFFFC000  }
0x88: {  	[tilespmem:s7], [sflag:$0x1] =	stream.indirect.gather [hbm4b:s5+s6], $0x80, s20, s6, $0xb8;
	[tilespmem:$0x4400] =	vst v63  }
0x89: {  	_ =	swait.ge [sflag:s3], $0x4000  }
.Ltmp1:
0x8a: {  	[sflag:s3] =	ssyncset.done $0x0;
	(pc) =	sbr.rel @p0 .LBB2_1-.Ltmp1, $4  }
0x8b: {  	[sflag:s3] =	ssyncadd.s32 $0xFFFFC000  }
0x8c: {  	[hbm4b:s21+s2] =	stream.linear.scatter [tilespmem:s7], [sflag:$0x1], $0x4000, $0x38;
	[tilespmem:$0x4400] =	vst v63  }
0x8d: {  	_ =	swait.ge [sflag:s3], $0x4000  }
0x8e: {  	[sflag:s3] =	ssyncset.done $0x0  }
.LBB2_2:
0x8f: {  	[sflag:s3] =	ssyncadd.s32 $0xFFFFC000  }
0x90: {  	_ =	sfence.sel $0x180000  }
0x91: {  	[bflag:$0x0] =	sbarrier.arrive $0xFFFF  }
0x92: {  	p0 =	sne.s32 s0, $0x0;
	_ =	strace $0x90000050  }
0x93: {  	s0 =	sadd.s32 @!p0 $0x100000, s1;
	[bflag:$0x2] =	sbarrier.arrive $0xFFFF  }
0x94: {  	[sflag:s0] =	ssyncadd.tile.s32 @!p0 $0x1;
	_ =	shalt  }
.Lfunc_end2:
_tile_overlayer_lowered:
.L_overlay_start_2:
0x95: {  	(tag) =	ssettag $0x2  }
0x96: {  	s0 =	rddreg [dreg:$0x0];
	s2 =	stileid.u32  }
0x97: {  	s1 =	rddreg [dreg:$0x1];
	p0 =	sne.s32 s2, $0x0  }
0x98: {  	s3 =	rddreg [dreg:$0x2];
	[bflag:$0x3] =	sbarrier.arrive $0xFFFF;
	s2 =	simm.s32 @!p0 $0x1C01  }
0x99: {  	[timem:s3], [sflag:s2] =	dma.local @!p0 [hbm:s0], s1  }
0x9a: {  	s0 =	simm.s32 @!p0 $0x1  }
0x9b: {  	_ =	swait.ge @!p0 [sflag:s0], s1  }
0x9c: {  	s1 =	ssub.s32 @!p0 $0x0, s1;
	[sflag:s0] =	ssyncset.done @!p0 $0x0  }
0x9d: {  	[sflag:s0] =	ssyncadd.s32 @!p0 s1  }
0x9e: {  	[bflag:$0x3] =	sbarrier.arrive $0xFFFF  }
0x9f: {  	_ =	shalt  }

</sc_bundles>
